<compile_context>
chip_gen: v7x
topology: tpu7x:2x2x1
jax: 0.10.2.dev20260603
libtpu: 0.0.44.dev20260713+nightly
codegen_flags: <defaults>
</compile_context>

<pallas_src>
import jax
import jax.numpy as jnp
from jax import lax
from jax.experimental import pallas as pl
from jax.experimental.pallas import tpu as pltpu
from jax.experimental.pallas import tpu_sc as plsc

N_NODES = 10000
C_FEAT = 128
N_EDGES = 320000

NC = 2
NS = 16
NW = NC * NS
EDGES_PER_TILE = N_EDGES // NW
CHUNK = 125
NCHUNK = EDGES_PER_TILE // CHUNK
GROUP = 5
NGROUP = NCHUNK // GROUP
AGROUP = 8
ANGROUP = NCHUNK // AGROUP
PAD_N = 10240
STRIPE = PAD_N // NS
WB = 32

_sc_mesh = plsc.VectorSubcoreMesh(core_axis_name="c", subcore_axis_name="s",
                                  num_cores=NC, num_subcores=NS)


def _deg_body(row4, ones_in, zer_in, degp, row_b, ones_v, tmp_v, deg_sp, ssem):
    c = lax.axis_index("c")
    s = lax.axis_index("s")
    wid = c * NS + s
    pltpu.sync_copy(ones_in, ones_v)
    pltpu.sync_copy(zer_in, tmp_v)
    for k in range(STRIPE // WB):
        pltpu.sync_copy(tmp_v, deg_sp.at[pl.ds(s * STRIPE + k * WB, WB)])
    plsc.subcore_barrier()

    def body(g, carry):
        pltpu.sync_copy(row4.at[wid, g], row_b)
        for k in range(GROUP):
            pltpu.async_copy(ones_v, deg_sp.at[row_b.at[k]], ssem, add=True)
        for k in range(GROUP):
            pltpu.make_async_copy(ones_v, deg_sp.at[row_b.at[k]], ssem).wait()
        return carry

    lax.fori_loop(0, NGROUP, body, 0)
    plsc.subcore_barrier()
    for k in range(STRIPE // WB):
        pltpu.sync_copy(deg_sp.at[pl.ds(s * STRIPE + k * WB, WB)], tmp_v)
        pltpu.sync_copy(tmp_v, degp.at[c, pl.ds(s * STRIPE + k * WB, WB)])


_deg_call = pl.kernel(
    _deg_body,
    out_type=jax.ShapeDtypeStruct((NC, PAD_N, C_FEAT), jnp.float32),
    mesh=_sc_mesh,
    scratch_types=[
        pltpu.VMEM((GROUP, CHUNK), jnp.int32),
        pltpu.VMEM((CHUNK, C_FEAT), jnp.float32),
        pltpu.VMEM((WB, C_FEAT), jnp.float32),
        pltpu.VMEM_SHARED((PAD_N, C_FEAT), jnp.float32),
        pltpu.SemaphoreType.DMA,
    ],
)


def _agg_body(z1, row4, col4, zer_in, part,
              row_b, col_b, gbuf0, gbuf1, tmp_v, acc_sp, gsem0, gsem1):
    c = lax.axis_index("c")
    s = lax.axis_index("s")
    wid = c * NS + s
    pltpu.sync_copy(zer_in, tmp_v)
    for k in range(STRIPE // WB):
        pltpu.sync_copy(tmp_v, acc_sp.at[pl.ds(s * STRIPE + k * WB, WB)])
    plsc.subcore_barrier()
    gb = (gbuf0, gbuf1)
    gs = (gsem0, gsem1)

    def body(g, carry):
        pltpu.sync_copy(row4.at[wid, g], row_b)
        pltpu.sync_copy(col4.at[wid, g], col_b)
        pltpu.async_copy(z1.at[col_b.at[0]], gbuf0, gsem0)
        for k in range(AGROUP):
            cur = k % 2
            nxt = (k + 1) % 2
            pltpu.make_async_copy(z1.at[col_b.at[k]], gb[cur], gs[cur]).wait()
            if k + 1 < AGROUP:
                pltpu.async_copy(z1.at[col_b.at[k + 1]], gb[nxt], gs[nxt])
            pltpu.sync_copy(gb[cur], acc_sp.at[row_b.at[k]], add=True)
        return carry

    lax.fori_loop(0, ANGROUP, body, 0)
    plsc.subcore_barrier()
    for k in range(STRIPE // WB):
        pltpu.sync_copy(acc_sp.at[pl.ds(s * STRIPE + k * WB, WB)], tmp_v)
        pltpu.sync_copy(tmp_v, part.at[c, pl.ds(s * STRIPE + k * WB, WB)])


_agg_call = pl.kernel(
    _agg_body,
    out_type=jax.ShapeDtypeStruct((NC, PAD_N, C_FEAT), jnp.float32),
    mesh=_sc_mesh,
    scratch_types=[
        pltpu.VMEM((AGROUP, CHUNK), jnp.int32),
        pltpu.VMEM((AGROUP, CHUNK), jnp.int32),
        pltpu.VMEM((CHUNK, C_FEAT), jnp.float32),
        pltpu.VMEM((CHUNK, C_FEAT), jnp.float32),
        pltpu.VMEM((WB, C_FEAT), jnp.float32),
        pltpu.VMEM_SHARED((PAD_N, C_FEAT), jnp.float32),
        pltpu.SemaphoreType.DMA,
        pltpu.SemaphoreType.DMA,
    ],
)

_TC_BLK = 1000


def _tc1_body(x_ref, w_ref, degp_ref, z1_ref):
    deg = degp_ref[0, :, 0:1] + degp_ref[1, :, 0:1]
    d = lax.rsqrt(deg + 1.0)
    z = lax.dot_general(x_ref[...], w_ref[...], (((1,), (1,)), ((), ())),
                        preferred_element_type=jnp.float32)
    z1_ref[...] = z * d


def _tc2_body(z1_ref, part_ref, degp_ref, out_ref):
    deg = degp_ref[0, :, 0:1] + degp_ref[1, :, 0:1]
    d = lax.rsqrt(deg + 1.0)
    out_ref[...] = (z1_ref[...] + part_ref[0] + part_ref[1]) * d


def kernel(x, edge_index, W):
    row4 = edge_index[0].reshape(NW, NGROUP, GROUP, CHUNK)
    rowa = edge_index[0].reshape(NW, ANGROUP, AGROUP, CHUNK)
    cola = edge_index[1].reshape(NW, ANGROUP, AGROUP, CHUNK)
    ones128 = jnp.ones((CHUNK, C_FEAT), jnp.float32)
    zer128 = jnp.zeros((WB, C_FEAT), jnp.float32)

    degp = _deg_call(row4, ones128, zer128)

    z1 = pl.pallas_call(
        _tc1_body,
        grid=(N_NODES // _TC_BLK,),
        in_specs=[
            pl.BlockSpec((_TC_BLK, C_FEAT), lambda i: (i, 0)),
            pl.BlockSpec((C_FEAT, C_FEAT), lambda i: (0, 0)),
            pl.BlockSpec((NC, _TC_BLK, C_FEAT), lambda i: (0, i, 0)),
        ],
        out_specs=pl.BlockSpec((_TC_BLK, C_FEAT), lambda i: (i, 0)),
        out_shape=jax.ShapeDtypeStruct((N_NODES, C_FEAT), jnp.float32),
    )(x, W, degp)

    part = _agg_call(z1, rowa, cola, zer128)

    out = pl.pallas_call(
        _tc2_body,
        grid=(N_NODES // _TC_BLK,),
        in_specs=[
            pl.BlockSpec((_TC_BLK, C_FEAT), lambda i: (i, 0)),
            pl.BlockSpec((NC, _TC_BLK, C_FEAT), lambda i: (0, i, 0)),
            pl.BlockSpec((NC, _TC_BLK, C_FEAT), lambda i: (0, i, 0)),
        ],
        out_specs=pl.BlockSpec((_TC_BLK, C_FEAT), lambda i: (i, 0)),
        out_shape=jax.ShapeDtypeStruct((N_NODES, C_FEAT), jnp.float32),
    )(z1, part, degp)
    return out

# --- scband reference (transcript-rebuilt; emitter-appended) ---
"""Pipeline reference for scband-gcnconv-15436112462151 (READ-ONLY COPY).

The authoritative reference and input builder live on the scoring server;
editing this copy changes nothing except your own understanding.
"""

import jax, jax.numpy as jnp
import numpy as np

N = 10000
C_IN = 128
C_OUT = 128
E = 320000


def setup_inputs(seed: int = 0) -> dict:
    key = jax.random.key(seed)
    k1, k2, k3 = jax.random.split(key, 3)
    x = jax.random.normal(k1, (N, C_IN), dtype=jnp.float32)
    edge_index = jax.random.randint(k2, (2, E), 0, N, dtype=jnp.int32)
    # Linear(in_channels, out_channels, bias=False): weight shape [out, in]
    W = jax.random.normal(k3, (C_OUT, C_IN), dtype=jnp.float32) * (1.0 / np.sqrt(C_IN))
    return {"x": x, "edge_index": edge_index, "W": W}


def reference(x, edge_index, W):
    n = x.shape[0]
    row = edge_index[0]
    col = edge_index[1]
    # degree over source/row indices (edge_index[0]) via scatter-add of ones
    deg = jnp.zeros((n,), dtype=x.dtype).at[row].add(jnp.ones((row.shape[0],), dtype=x.dtype))
    # D_tilde = D + I (diagonal), then elementwise ** -0.5 on diagonal values
    d_inv_sqrt = (deg + 1.0) ** (-0.5)
    # x = D_tilde^{-1/2} x
    x1 = x * d_inv_sqrt[:, None]
    # x = A_tilde x = (A + I) x ; A @ x: out[row] += x[col]
    agg = jnp.zeros_like(x1).at[row].add(jnp.take(x1, col, axis=0))
    x2 = x1 + agg
    # x = D_tilde^{-1/2} x
    x3 = x2 * d_inv_sqrt[:, None]
    # x = x @ W.T
    return x3 @ W.T

if __name__ == "__main__":
    import jax
    _d = setup_inputs()
    print(jax.jit(kernel)(*tuple(_d.values())))

</pallas_src>

<mosaic_0001>
#map = affine_map<(d0, d1) -> (0, 0)>
#map1 = affine_map<(d0, d1) -> (0, 0, 0, 0)>
#map2 = affine_map<(d0, d1) -> (0, 0, 0)>
module attributes {stable_mosaic.version = 14 : i64} {
  func.func @_agg_body(%arg0: i32, %arg1: i32, %arg2: memref<10000x128xf32, #tpu.memory_space<hbm>>, %arg3: memref<32x10x8x125xi32, #tpu.memory_space<hbm>>, %arg4: memref<32x10x8x125xi32, #tpu.memory_space<hbm>>, %arg5: memref<32x128xf32, #tpu.memory_space<hbm>>, %arg6: memref<2x10240x128xf32, #tpu.memory_space<hbm>>, %arg7: memref<8x125xi32, #tpu.memory_space<vmem>>, %arg8: memref<8x125xi32, #tpu.memory_space<vmem>>, %arg9: memref<125x128xf32, #tpu.memory_space<vmem>>, %arg10: memref<125x128xf32, #tpu.memory_space<vmem>>, %arg11: memref<32x128xf32, #tpu.memory_space<vmem>>, %arg12: memref<10240x128xf32, #tpu.memory_space<vmem_shared>>, %arg13: memref<!tpu.dma_semaphore, #tpu.memory_space<semaphore_mem>>, %arg14: memref<!tpu.dma_semaphore, #tpu.memory_space<semaphore_mem>>) attributes {dimension_semantics = [#tpu.dimension_semantics<core_parallel>, #tpu.dimension_semantics<subcore_parallel>], iteration_bounds = array<i64: 2, 16>, scalar_prefetch = 0 : i64, scratch_operands = 8 : i64, tpu.core_type = #tpu.core_type<sc_vector_subcore>, window_params = [{transform_indices = #map}, {transform_indices = #map1}, {transform_indices = #map1}, {transform_indices = #map}, {transform_indices = #map2}]} {
    %mul3A = arith.constant 16 : i32
    %mul3A_0 = arith.muli %arg0, %mul3A : i32
    %add3A = arith.addi %mul3A_0, %arg1 : i32
    "tpu.region"() ({
      %run_scoped3A = tpu.sem_alloc : memref<!tpu.dma_semaphore, #tpu.memory_space<semaphore_mem>>
      tpu.enqueue_dma source(%arg5 : memref<32x128xf32, #tpu.memory_space<hbm>>) target(%arg11 : memref<32x128xf32, #tpu.memory_space<vmem>>) target_semaphore(%run_scoped3A : memref<!tpu.dma_semaphore, #tpu.memory_space<semaphore_mem>>)
      tpu.wait_dma2 semaphore(%run_scoped3A : memref<!tpu.dma_semaphore, #tpu.memory_space<semaphore_mem>>) src(%arg5 : memref<32x128xf32, #tpu.memory_space<hbm>>) dst(%arg11 : memref<32x128xf32, #tpu.memory_space<vmem>>)
      tpu.yield
    }) : () -> ()
    %mul3A_1 = arith.constant 640 : i32
    %mul3A_2 = arith.muli %arg1, %mul3A_1 : i32
    %add3A_3 = arith.constant 0 : i32
    %add3A_4 = arith.addi %mul3A_2, %add3A_3 : i32
    "tpu.region"() ({
      %run_scoped3A = tpu.sem_alloc : memref<!tpu.dma_semaphore, #tpu.memory_space<semaphore_mem>>
      %dma_start3A = arith.constant 0 : i32
      %dma_start3A_247 = tpu.memref_slice %arg12[%add3A_4, %dma_start3A] : memref<10240x128xf32, #tpu.memory_space<vmem_shared>> -> memref<32x128xf32, #tpu.memory_space<vmem_shared>>
      %dma_start3A_248 = arith.constant 0 : i32
      %dma_start3A_249 = tpu.memref_slice %arg12[%add3A_4, %dma_start3A_248] : memref<10240x128xf32, #tpu.memory_space<vmem_shared>> -> memref<32x128xf32, #tpu.memory_space<vmem_shared>>
      tpu.enqueue_dma source(%arg11 : memref<32x128xf32, #tpu.memory_space<vmem>>) target(%dma_start3A_249 : memref<32x128xf32, #tpu.memory_space<vmem_shared>>) target_semaphore(%run_scoped3A : memref<!tpu.dma_semaphore, #tpu.memory_space<semaphore_mem>>)
      %dma_wait3A = arith.constant 0 : i32
      %dma_wait3A_250 = tpu.memref_slice %arg12[%add3A_4, %dma_wait3A] : memref<10240x128xf32, #tpu.memory_space<vmem_shared>> -> memref<32x128xf32, #tpu.memory_space<vmem_shared>>
      %dma_wait3A_251 = arith.constant 0 : i32
      %dma_wait3A_252 = tpu.memref_slice %arg12[%add3A_4, %dma_wait3A_251] : memref<10240x128xf32, #tpu.memory_space<vmem_shared>> -> memref<32x128xf32, #tpu.memory_space<vmem_shared>>
      tpu.wait_dma2 semaphore(%run_scoped3A : memref<!tpu.dma_semaphore, #tpu.memory_space<semaphore_mem>>) src(%arg11 : memref<32x128xf32, #tpu.memory_space<vmem>>) dst(%dma_wait3A_252 : memref<32x128xf32, #tpu.memory_space<vmem_shared>>)
      tpu.yield
    }) : () -> ()
    %mul3A_5 = arith.constant 640 : i32
    %mul3A_6 = arith.muli %arg1, %mul3A_5 : i32
    %add3A_7 = arith.constant 32 : i32
    %add3A_8 = arith.addi %mul3A_6, %add3A_7 : i32
    "tpu.region"() ({
      %run_scoped3A = tpu.sem_alloc : memref<!tpu.dma_semaphore, #tpu.memory_space<semaphore_mem>>
      %dma_start3A = arith.constant 0 : i32
      %dma_start3A_247 = tpu.memref_slice %arg12[%add3A_8, %dma_start3A] : memref<10240x128xf32, #tpu.memory_space<vmem_shared>> -> memref<32x128xf32, #tpu.memory_space<vmem_shared>>
      %dma_start3A_248 = arith.constant 0 : i32
      %dma_start3A_249 = tpu.memref_slice %arg12[%add3A_8, %dma_start3A_248] : memref<10240x128xf32, #tpu.memory_space<vmem_shared>> -> memref<32x128xf32, #tpu.memory_space<vmem_shared>>
      tpu.enqueue_dma source(%arg11 : memref<32x128xf32, #tpu.memory_space<vmem>>) target(%dma_start3A_249 : memref<32x128xf32, #tpu.memory_space<vmem_shared>>) target_semaphore(%run_scoped3A : memref<!tpu.dma_semaphore, #tpu.memory_space<semaphore_mem>>)
      %dma_wait3A = arith.constant 0 : i32
      %dma_wait3A_250 = tpu.memref_slice %arg12[%add3A_8, %dma_wait3A] : memref<10240x128xf32, #tpu.memory_space<vmem_shared>> -> memref<32x128xf32, #tpu.memory_space<vmem_shared>>
      %dma_wait3A_251 = arith.constant 0 : i32
      %dma_wait3A_252 = tpu.memref_slice %arg12[%add3A_8, %dma_wait3A_251] : memref<10240x128xf32, #tpu.memory_space<vmem_shared>> -> memref<32x128xf32, #tpu.memory_space<vmem_shared>>
      tpu.wait_dma2 semaphore(%run_scoped3A : memref<!tpu.dma_semaphore, #tpu.memory_space<semaphore_mem>>) src(%arg11 : memref<32x128xf32, #tpu.memory_space<vmem>>) dst(%dma_wait3A_252 : memref<32x128xf32, #tpu.memory_space<vmem_shared>>)
      tpu.yield
    }) : () -> ()
    %mul3A_9 = arith.constant 640 : i32
    %mul3A_10 = arith.muli %arg1, %mul3A_9 : i32
    %add3A_11 = arith.constant 64 : i32
    %add3A_12 = arith.addi %mul3A_10, %add3A_11 : i32
    "tpu.region"() ({
      %run_scoped3A = tpu.sem_alloc : memref<!tpu.dma_semaphore, #tpu.memory_space<semaphore_mem>>
      %dma_start3A = arith.constant 0 : i32
      %dma_start3A_247 = tpu.memref_slice %arg12[%add3A_12, %dma_start3A] : memref<10240x128xf32, #tpu.memory_space<vmem_shared>> -> memref<32x128xf32, #tpu.memory_space<vmem_shared>>
      %dma_start3A_248 = arith.constant 0 : i32
      %dma_start3A_249 = tpu.memref_slice %arg12[%add3A_12, %dma_start3A_248] : memref<10240x128xf32, #tpu.memory_space<vmem_shared>> -> memref<32x128xf32, #tpu.memory_space<vmem_shared>>
      tpu.enqueue_dma source(%arg11 : memref<32x128xf32, #tpu.memory_space<vmem>>) target(%dma_start3A_249 : memref<32x128xf32, #tpu.memory_space<vmem_shared>>) target_semaphore(%run_scoped3A : memref<!tpu.dma_semaphore, #tpu.memory_space<semaphore_mem>>)
      %dma_wait3A = arith.constant 0 : i32
      %dma_wait3A_250 = tpu.memref_slice %arg12[%add3A_12, %dma_wait3A] : memref<10240x128xf32, #tpu.memory_space<vmem_shared>> -> memref<32x128xf32, #tpu.memory_space<vmem_shared>>
      %dma_wait3A_251 = arith.constant 0 : i32
      %dma_wait3A_252 = tpu.memref_slice %arg12[%add3A_12, %dma_wait3A_251] : memref<10240x128xf32, #tpu.memory_space<vmem_shared>> -> memref<32x128xf32, #tpu.memory_space<vmem_shared>>
      tpu.wait_dma2 semaphore(%run_scoped3A : memref<!tpu.dma_semaphore, #tpu.memory_space<semaphore_mem>>) src(%arg11 : memref<32x128xf32, #tpu.memory_space<vmem>>) dst(%dma_wait3A_252 : memref<32x128xf32, #tpu.memory_space<vmem_shared>>)
      tpu.yield
    }) : () -> ()
    %mul3A_13 = arith.constant 640 : i32
    %mul3A_14 = arith.muli %arg1, %mul3A_13 : i32
    %add3A_15 = arith.constant 96 : i32
    %add3A_16 = arith.addi %mul3A_14, %add3A_15 : i32
    "tpu.region"() ({
      %run_scoped3A = tpu.sem_alloc : memref<!tpu.dma_semaphore, #tpu.memory_space<semaphore_mem>>
      %dma_start3A = arith.constant 0 : i32
      %dma_start3A_247 = tpu.memref_slice %arg12[%add3A_16, %dma_start3A] : memref<10240x128xf32, #tpu.memory_space<vmem_shared>> -> memref<32x128xf32, #tpu.memory_space<vmem_shared>>
      %dma_start3A_248 = arith.constant 0 : i32
      %dma_start3A_249 = tpu.memref_slice %arg12[%add3A_16, %dma_start3A_248] : memref<10240x128xf32, #tpu.memory_space<vmem_shared>> -> memref<32x128xf32, #tpu.memory_space<vmem_shared>>
      tpu.enqueue_dma source(%arg11 : memref<32x128xf32, #tpu.memory_space<vmem>>) target(%dma_start3A_249 : memref<32x128xf32, #tpu.memory_space<vmem_shared>>) target_semaphore(%run_scoped3A : memref<!tpu.dma_semaphore, #tpu.memory_space<semaphore_mem>>)
      %dma_wait3A = arith.constant 0 : i32
      %dma_wait3A_250 = tpu.memref_slice %arg12[%add3A_16, %dma_wait3A] : memref<10240x128xf32, #tpu.memory_space<vmem_shared>> -> memref<32x128xf32, #tpu.memory_space<vmem_shared>>
      %dma_wait3A_251 = arith.constant 0 : i32
      %dma_wait3A_252 = tpu.memref_slice %arg12[%add3A_16, %dma_wait3A_251] : memref<10240x128xf32, #tpu.memory_space<vmem_shared>> -> memref<32x128xf32, #tpu.memory_space<vmem_shared>>
      tpu.wait_dma2 semaphore(%run_scoped3A : memref<!tpu.dma_semaphore, #tpu.memory_space<semaphore_mem>>) src(%arg11 : memref<32x128xf32, #tpu.memory_space<vmem>>) dst(%dma_wait3A_252 : memref<32x128xf32, #tpu.memory_space<vmem_shared>>)
      tpu.yield
    }) : () -> ()
    %mul3A_17 = arith.constant 640 : i32
    %mul3A_18 = arith.muli %arg1, %mul3A_17 : i32
    %add3A_19 = arith.constant 128 : i32
    %add3A_20 = arith.addi %mul3A_18, %add3A_19 : i32
    "tpu.region"() ({
      %run_scoped3A = tpu.sem_alloc : memref<!tpu.dma_semaphore, #tpu.memory_space<semaphore_mem>>
      %dma_start3A = arith.constant 0 : i32
      %dma_start3A_247 = tpu.memref_slice %arg12[%add3A_20, %dma_start3A] : memref<10240x128xf32, #tpu.memory_space<vmem_shared>> -> memref<32x128xf32, #tpu.memory_space<vmem_shared>>
      %dma_start3A_248 = arith.constant 0 : i32
      %dma_start3A_249 = tpu.memref_slice %arg12[%add3A_20, %dma_start3A_248] : memref<10240x128xf32, #tpu.memory_space<vmem_shared>> -> memref<32x128xf32, #tpu.memory_space<vmem_shared>>
      tpu.enqueue_dma source(%arg11 : memref<32x128xf32, #tpu.memory_space<vmem>>) target(%dma_start3A_249 : memref<32x128xf32, #tpu.memory_space<vmem_shared>>) target_semaphore(%run_scoped3A : memref<!tpu.dma_semaphore, #tpu.memory_space<semaphore_mem>>)
      %dma_wait3A = arith.constant 0 : i32
      %dma_wait3A_250 = tpu.memref_slice %arg12[%add3A_20, %dma_wait3A] : memref<10240x128xf32, #tpu.memory_space<vmem_shared>> -> memref<32x128xf32, #tpu.memory_space<vmem_shared>>
      %dma_wait3A_251 = arith.constant 0 : i32
      %dma_wait3A_252 = tpu.memref_slice %arg12[%add3A_20, %dma_wait3A_251] : memref<10240x128xf32, #tpu.memory_space<vmem_shared>> -> memref<32x128xf32, #tpu.memory_space<vmem_shared>>
      tpu.wait_dma2 semaphore(%run_scoped3A : memref<!tpu.dma_semaphore, #tpu.memory_space<semaphore_mem>>) src(%arg11 : memref<32x128xf32, #tpu.memory_space<vmem>>) dst(%dma_wait3A_252 : memref<32x128xf32, #tpu.memory_space<vmem_shared>>)
      tpu.yield
    }) : () -> ()
    %mul3A_21 = arith.constant 640 : i32
    %mul3A_22 = arith.muli %arg1, %mul3A_21 : i32
    %add3A_23 = arith.constant 160 : i32
    %add3A_24 = arith.addi %mul3A_22, %add3A_23 : i32
    "tpu.region"() ({
      %run_scoped3A = tpu.sem_alloc : memref<!tpu.dma_semaphore, #tpu.memory_space<semaphore_mem>>
      %dma_start3A = arith.constant 0 : i32
      %dma_start3A_247 = tpu.memref_slice %arg12[%add3A_24, %dma_start3A] : memref<10240x128xf32, #tpu.memory_space<vmem_shared>> -> memref<32x128xf32, #tpu.memory_space<vmem_shared>>
      %dma_start3A_248 = arith.constant 0 : i32
      %dma_start3A_249 = tpu.memref_slice %arg12[%add3A_24, %dma_start3A_248] : memref<10240x128xf32, #tpu.memory_space<vmem_shared>> -> memref<32x128xf32, #tpu.memory_space<vmem_shared>>
      tpu.enqueue_dma source(%arg11 : memref<32x128xf32, #tpu.memory_space<vmem>>) target(%dma_start3A_249 : memref<32x128xf32, #tpu.memory_space<vmem_shared>>) target_semaphore(%run_scoped3A : memref<!tpu.dma_semaphore, #tpu.memory_space<semaphore_mem>>)
      %dma_wait3A = arith.constant 0 : i32
      %dma_wait3A_250 = tpu.memref_slice %arg12[%add3A_24, %dma_wait3A] : memref<10240x128xf32, #tpu.memory_space<vmem_shared>> -> memref<32x128xf32, #tpu.memory_space<vmem_shared>>
      %dma_wait3A_251 = arith.constant 0 : i32
      %dma_wait3A_252 = tpu.memref_slice %arg12[%add3A_24, %dma_wait3A_251] : memref<10240x128xf32, #tpu.memory_space<vmem_shared>> -> memref<32x128xf32, #tpu.memory_space<vmem_shared>>
      tpu.wait_dma2 semaphore(%run_scoped3A : memref<!tpu.dma_semaphore, #tpu.memory_space<semaphore_mem>>) src(%arg11 : memref<32x128xf32, #tpu.memory_space<vmem>>) dst(%dma_wait3A_252 : memref<32x128xf32, #tpu.memory_space<vmem_shared>>)
      tpu.yield
    }) : () -> ()
    %mul3A_25 = arith.constant 640 : i32
    %mul3A_26 = arith.muli %arg1, %mul3A_25 : i32
    %add3A_27 = arith.constant 192 : i32
    %add3A_28 = arith.addi %mul3A_26, %add3A_27 : i32
    "tpu.region"() ({
      %run_scoped3A = tpu.sem_alloc : memref<!tpu.dma_semaphore, #tpu.memory_space<semaphore_mem>>
      %dma_start3A = arith.constant 0 : i32
      %dma_start3A_247 = tpu.memref_slice %arg12[%add3A_28, %dma_start3A] : memref<10240x128xf32, #tpu.memory_space<vmem_shared>> -> memref<32x128xf32, #tpu.memory_space<vmem_shared>>
      %dma_start3A_248 = arith.constant 0 : i32
      %dma_start3A_249 = tpu.memref_slice %arg12[%add3A_28, %dma_start3A_248] : memref<10240x128xf32, #tpu.memory_space<vmem_shared>> -> memref<32x128xf32, #tpu.memory_space<vmem_shared>>
      tpu.enqueue_dma source(%arg11 : memref<32x128xf32, #tpu.memory_space<vmem>>) target(%dma_start3A_249 : memref<32x128xf32, #tpu.memory_space<vmem_shared>>) target_semaphore(%run_scoped3A : memref<!tpu.dma_semaphore, #tpu.memory_space<semaphore_mem>>)
      %dma_wait3A = arith.constant 0 : i32
      %dma_wait3A_250 = tpu.memref_slice %arg12[%add3A_28, %dma_wait3A] : memref<10240x128xf32, #tpu.memory_space<vmem_shared>> -> memref<32x128xf32, #tpu.memory_space<vmem_shared>>
      %dma_wait3A_251 = arith.constant 0 : i32
      %dma_wait3A_252 = tpu.memref_slice %arg12[%add3A_28, %dma_wait3A_251] : memref<10240x128xf32, #tpu.memory_space<vmem_shared>> -> memref<32x128xf32, #tpu.memory_space<vmem_shared>>
      tpu.wait_dma2 semaphore(%run_scoped3A : memref<!tpu.dma_semaphore, #tpu.memory_space<semaphore_mem>>) src(%arg11 : memref<32x128xf32, #tpu.memory_space<vmem>>) dst(%dma_wait3A_252 : memref<32x128xf32, #tpu.memory_space<vmem_shared>>)
      tpu.yield
    }) : () -> ()
    %mul3A_29 = arith.constant 640 : i32
    %mul3A_30 = arith.muli %arg1, %mul3A_29 : i32
    %add3A_31 = arith.constant 224 : i32
    %add3A_32 = arith.addi %mul3A_30, %add3A_31 : i32
    "tpu.region"() ({
      %run_scoped3A = tpu.sem_alloc : memref<!tpu.dma_semaphore, #tpu.memory_space<semaphore_mem>>
      %dma_start3A = arith.constant 0 : i32
      %dma_start3A_247 = tpu.memref_slice %arg12[%add3A_32, %dma_start3A] : memref<10240x128xf32, #tpu.memory_space<vmem_shared>> -> memref<32x128xf32, #tpu.memory_space<vmem_shared>>
      %dma_start3A_248 = arith.constant 0 : i32
      %dma_start3A_249 = tpu.memref_slice %arg12[%add3A_32, %dma_start3A_248] : memref<10240x128xf32, #tpu.memory_space<vmem_shared>> -> memref<32x128xf32, #tpu.memory_space<vmem_shared>>
      tpu.enqueue_dma source(%arg11 : memref<32x128xf32, #tpu.memory_space<vmem>>) target(%dma_start3A_249 : memref<32x128xf32, #tpu.memory_space<vmem_shared>>) target_semaphore(%run_scoped3A : memref<!tpu.dma_semaphore, #tpu.memory_space<semaphore_mem>>)
      %dma_wait3A = arith.constant 0 : i32
      %dma_wait3A_250 = tpu.memref_slice %arg12[%add3A_32, %dma_wait3A] : memref<10240x128xf32, #tpu.memory_space<vmem_shared>> -> memref<32x128xf32, #tpu.memory_space<vmem_shared>>
      %dma_wait3A_251 = arith.constant 0 : i32
      %dma_wait3A_252 = tpu.memref_slice %arg12[%add3A_32, %dma_wait3A_251] : memref<10240x128xf32, #tpu.memory_space<vmem_shared>> -> memref<32x128xf32, #tpu.memory_space<vmem_shared>>
      tpu.wait_dma2 semaphore(%run_scoped3A : memref<!tpu.dma_semaphore, #tpu.memory_space<semaphore_mem>>) src(%arg11 : memref<32x128xf32, #tpu.memory_space<vmem>>) dst(%dma_wait3A_252 : memref<32x128xf32, #tpu.memory_space<vmem_shared>>)
      tpu.yield
    }) : () -> ()
    %mul3A_33 = arith.constant 640 : i32
    %mul3A_34 = arith.muli %arg1, %mul3A_33 : i32
    %add3A_35 = arith.constant 256 : i32
    %add3A_36 = arith.addi %mul3A_34, %add3A_35 : i32
    "tpu.region"() ({
      %run_scoped3A = tpu.sem_alloc : memref<!tpu.dma_semaphore, #tpu.memory_space<semaphore_mem>>
      %dma_start3A = arith.constant 0 : i32
      %dma_start3A_247 = tpu.memref_slice %arg12[%add3A_36, %dma_start3A] : memref<10240x128xf32, #tpu.memory_space<vmem_shared>> -> memref<32x128xf32, #tpu.memory_space<vmem_shared>>
      %dma_start3A_248 = arith.constant 0 : i32
      %dma_start3A_249 = tpu.memref_slice %arg12[%add3A_36, %dma_start3A_248] : memref<10240x128xf32, #tpu.memory_space<vmem_shared>> -> memref<32x128xf32, #tpu.memory_space<vmem_shared>>
      tpu.enqueue_dma source(%arg11 : memref<32x128xf32, #tpu.memory_space<vmem>>) target(%dma_start3A_249 : memref<32x128xf32, #tpu.memory_space<vmem_shared>>) target_semaphore(%run_scoped3A : memref<!tpu.dma_semaphore, #tpu.memory_space<semaphore_mem>>)
      %dma_wait3A = arith.constant 0 : i32
      %dma_wait3A_250 = tpu.memref_slice %arg12[%add3A_36, %dma_wait3A] : memref<10240x128xf32, #tpu.memory_space<vmem_shared>> -> memref<32x128xf32, #tpu.memory_space<vmem_shared>>
      %dma_wait3A_251 = arith.constant 0 : i32
      %dma_wait3A_252 = tpu.memref_slice %arg12[%add3A_36, %dma_wait3A_251] : memref<10240x128xf32, #tpu.memory_space<vmem_shared>> -> memref<32x128xf32, #tpu.memory_space<vmem_shared>>
      tpu.wait_dma2 semaphore(%run_scoped3A : memref<!tpu.dma_semaphore, #tpu.memory_space<semaphore_mem>>) src(%arg11 : memref<32x128xf32, #tpu.memory_space<vmem>>) dst(%dma_wait3A_252 : memref<32x128xf32, #tpu.memory_space<vmem_shared>>)
      tpu.yield
    }) : () -> ()
    %mul3A_37 = arith.constant 640 : i32
    %mul3A_38 = arith.muli %arg1, %mul3A_37 : i32
    %add3A_39 = arith.constant 288 : i32
    %add3A_40 = arith.addi %mul3A_38, %add3A_39 : i32
    "tpu.region"() ({
      %run_scoped3A = tpu.sem_alloc : memref<!tpu.dma_semaphore, #tpu.memory_space<semaphore_mem>>
      %dma_start3A = arith.constant 0 : i32
      %dma_start3A_247 = tpu.memref_slice %arg12[%add3A_40, %dma_start3A] : memref<10240x128xf32, #tpu.memory_space<vmem_shared>> -> memref<32x128xf32, #tpu.memory_space<vmem_shared>>
      %dma_start3A_248 = arith.constant 0 : i32
      %dma_start3A_249 = tpu.memref_slice %arg12[%add3A_40, %dma_start3A_248] : memref<10240x128xf32, #tpu.memory_space<vmem_shared>> -> memref<32x128xf32, #tpu.memory_space<vmem_shared>>
      tpu.enqueue_dma source(%arg11 : memref<32x128xf32, #tpu.memory_space<vmem>>) target(%dma_start3A_249 : memref<32x128xf32, #tpu.memory_space<vmem_shared>>) target_semaphore(%run_scoped3A : memref<!tpu.dma_semaphore, #tpu.memory_space<semaphore_mem>>)
      %dma_wait3A = arith.constant 0 : i32
      %dma_wait3A_250 = tpu.memref_slice %arg12[%add3A_40, %dma_wait3A] : memref<10240x128xf32, #tpu.memory_space<vmem_shared>> -> memref<32x128xf32, #tpu.memory_space<vmem_shared>>
      %dma_wait3A_251 = arith.constant 0 : i32
      %dma_wait3A_252 = tpu.memref_slice %arg12[%add3A_40, %dma_wait3A_251] : memref<10240x128xf32, #tpu.memory_space<vmem_shared>> -> memref<32x128xf32, #tpu.memory_space<vmem_shared>>
      tpu.wait_dma2 semaphore(%run_scoped3A : memref<!tpu.dma_semaphore, #tpu.memory_space<semaphore_mem>>) src(%arg11 : memref<32x128xf32, #tpu.memory_space<vmem>>) dst(%dma_wait3A_252 : memref<32x128xf32, #tpu.memory_space<vmem_shared>>)
      tpu.yield
    }) : () -> ()
    %mul3A_41 = arith.constant 640 : i32
    %mul3A_42 = arith.muli %arg1, %mul3A_41 : i32
    %add3A_43 = arith.constant 320 : i32
    %add3A_44 = arith.addi %mul3A_42, %add3A_43 : i32
    "tpu.region"() ({
      %run_scoped3A = tpu.sem_alloc : memref<!tpu.dma_semaphore, #tpu.memory_space<semaphore_mem>>
      %dma_start3A = arith.constant 0 : i32
      %dma_start3A_247 = tpu.memref_slice %arg12[%add3A_44, %dma_start3A] : memref<10240x128xf32, #tpu.memory_space<vmem_shared>> -> memref<32x128xf32, #tpu.memory_space<vmem_shared>>
      %dma_start3A_248 = arith.constant 0 : i32
      %dma_start3A_249 = tpu.memref_slice %arg12[%add3A_44, %dma_start3A_248] : memref<10240x128xf32, #tpu.memory_space<vmem_shared>> -> memref<32x128xf32, #tpu.memory_space<vmem_shared>>
      tpu.enqueue_dma source(%arg11 : memref<32x128xf32, #tpu.memory_space<vmem>>) target(%dma_start3A_249 : memref<32x128xf32, #tpu.memory_space<vmem_shared>>) target_semaphore(%run_scoped3A : memref<!tpu.dma_semaphore, #tpu.memory_space<semaphore_mem>>)
      %dma_wait3A = arith.constant 0 : i32
      %dma_wait3A_250 = tpu.memref_slice %arg12[%add3A_44, %dma_wait3A] : memref<10240x128xf32, #tpu.memory_space<vmem_shared>> -> memref<32x128xf32, #tpu.memory_space<vmem_shared>>
      %dma_wait3A_251 = arith.constant 0 : i32
      %dma_wait3A_252 = tpu.memref_slice %arg12[%add3A_44, %dma_wait3A_251] : memref<10240x128xf32, #tpu.memory_space<vmem_shared>> -> memref<32x128xf32, #tpu.memory_space<vmem_shared>>
      tpu.wait_dma2 semaphore(%run_scoped3A : memref<!tpu.dma_semaphore, #tpu.memory_space<semaphore_mem>>) src(%arg11 : memref<32x128xf32, #tpu.memory_space<vmem>>) dst(%dma_wait3A_252 : memref<32x128xf32, #tpu.memory_space<vmem_shared>>)
      tpu.yield
    }) : () -> ()
    %mul3A_45 = arith.constant 640 : i32
    %mul3A_46 = arith.muli %arg1, %mul3A_45 : i32
    %add3A_47 = arith.constant 352 : i32
    %add3A_48 = arith.addi %mul3A_46, %add3A_47 : i32
    "tpu.region"() ({
      %run_scoped3A = tpu.sem_alloc : memref<!tpu.dma_semaphore, #tpu.memory_space<semaphore_mem>>
      %dma_start3A = arith.constant 0 : i32
      %dma_start3A_247 = tpu.memref_slice %arg12[%add3A_48, %dma_start3A] : memref<10240x128xf32, #tpu.memory_space<vmem_shared>> -> memref<32x128xf32, #tpu.memory_space<vmem_shared>>
      %dma_start3A_248 = arith.constant 0 : i32
      %dma_start3A_249 = tpu.memref_slice %arg12[%add3A_48, %dma_start3A_248] : memref<10240x128xf32, #tpu.memory_space<vmem_shared>> -> memref<32x128xf32, #tpu.memory_space<vmem_shared>>
      tpu.enqueue_dma source(%arg11 : memref<32x128xf32, #tpu.memory_space<vmem>>) target(%dma_start3A_249 : memref<32x128xf32, #tpu.memory_space<vmem_shared>>) target_semaphore(%run_scoped3A : memref<!tpu.dma_semaphore, #tpu.memory_space<semaphore_mem>>)
      %dma_wait3A = arith.constant 0 : i32
      %dma_wait3A_250 = tpu.memref_slice %arg12[%add3A_48, %dma_wait3A] : memref<10240x128xf32, #tpu.memory_space<vmem_shared>> -> memref<32x128xf32, #tpu.memory_space<vmem_shared>>
      %dma_wait3A_251 = arith.constant 0 : i32
      %dma_wait3A_252 = tpu.memref_slice %arg12[%add3A_48, %dma_wait3A_251] : memref<10240x128xf32, #tpu.memory_space<vmem_shared>> -> memref<32x128xf32, #tpu.memory_space<vmem_shared>>
      tpu.wait_dma2 semaphore(%run_scoped3A : memref<!tpu.dma_semaphore, #tpu.memory_space<semaphore_mem>>) src(%arg11 : memref<32x128xf32, #tpu.memory_space<vmem>>) dst(%dma_wait3A_252 : memref<32x128xf32, #tpu.memory_space<vmem_shared>>)
      tpu.yield
    }) : () -> ()
    %mul3A_49 = arith.constant 640 : i32
    %mul3A_50 = arith.muli %arg1, %mul3A_49 : i32
    %add3A_51 = arith.constant 384 : i32
    %add3A_52 = arith.addi %mul3A_50, %add3A_51 : i32
    "tpu.region"() ({
      %run_scoped3A = tpu.sem_alloc : memref<!tpu.dma_semaphore, #tpu.memory_space<semaphore_mem>>
      %dma_start3A = arith.constant 0 : i32
      %dma_start3A_247 = tpu.memref_slice %arg12[%add3A_52, %dma_start3A] : memref<10240x128xf32, #tpu.memory_space<vmem_shared>> -> memref<32x128xf32, #tpu.memory_space<vmem_shared>>
      %dma_start3A_248 = arith.constant 0 : i32
      %dma_start3A_249 = tpu.memref_slice %arg12[%add3A_52, %dma_start3A_248] : memref<10240x128xf32, #tpu.memory_space<vmem_shared>> -> memref<32x128xf32, #tpu.memory_space<vmem_shared>>
      tpu.enqueue_dma source(%arg11 : memref<32x128xf32, #tpu.memory_space<vmem>>) target(%dma_start3A_249 : memref<32x128xf32, #tpu.memory_space<vmem_shared>>) target_semaphore(%run_scoped3A : memref<!tpu.dma_semaphore, #tpu.memory_space<semaphore_mem>>)
      %dma_wait3A = arith.constant 0 : i32
      %dma_wait3A_250 = tpu.memref_slice %arg12[%add3A_52, %dma_wait3A] : memref<10240x128xf32, #tpu.memory_space<vmem_shared>> -> memref<32x128xf32, #tpu.memory_space<vmem_shared>>
      %dma_wait3A_251 = arith.constant 0 : i32
      %dma_wait3A_252 = tpu.memref_slice %arg12[%add3A_52, %dma_wait3A_251] : memref<10240x128xf32, #tpu.memory_space<vmem_shared>> -> memref<32x128xf32, #tpu.memory_space<vmem_shared>>
      tpu.wait_dma2 semaphore(%run_scoped3A : memref<!tpu.dma_semaphore, #tpu.memory_space<semaphore_mem>>) src(%arg11 : memref<32x128xf32, #tpu.memory_space<vmem>>) dst(%dma_wait3A_252 : memref<32x128xf32, #tpu.memory_space<vmem_shared>>)
      tpu.yield
    }) : () -> ()
    %mul3A_53 = arith.constant 640 : i32
    %mul3A_54 = arith.muli %arg1, %mul3A_53 : i32
    %add3A_55 = arith.constant 416 : i32
    %add3A_56 = arith.addi %mul3A_54, %add3A_55 : i32
    "tpu.region"() ({
      %run_scoped3A = tpu.sem_alloc : memref<!tpu.dma_semaphore, #tpu.memory_space<semaphore_mem>>
      %dma_start3A = arith.constant 0 : i32
      %dma_start3A_247 = tpu.memref_slice %arg12[%add3A_56, %dma_start3A] : memref<10240x128xf32, #tpu.memory_space<vmem_shared>> -> memref<32x128xf32, #tpu.memory_space<vmem_shared>>
      %dma_start3A_248 = arith.constant 0 : i32
      %dma_start3A_249 = tpu.memref_slice %arg12[%add3A_56, %dma_start3A_248] : memref<10240x128xf32, #tpu.memory_space<vmem_shared>> -> memref<32x128xf32, #tpu.memory_space<vmem_shared>>
      tpu.enqueue_dma source(%arg11 : memref<32x128xf32, #tpu.memory_space<vmem>>) target(%dma_start3A_249 : memref<32x128xf32, #tpu.memory_space<vmem_shared>>) target_semaphore(%run_scoped3A : memref<!tpu.dma_semaphore, #tpu.memory_space<semaphore_mem>>)
      %dma_wait3A = arith.constant 0 : i32
      %dma_wait3A_250 = tpu.memref_slice %arg12[%add3A_56, %dma_wait3A] : memref<10240x128xf32, #tpu.memory_space<vmem_shared>> -> memref<32x128xf32, #tpu.memory_space<vmem_shared>>
      %dma_wait3A_251 = arith.constant 0 : i32
      %dma_wait3A_252 = tpu.memref_slice %arg12[%add3A_56, %dma_wait3A_251] : memref<10240x128xf32, #tpu.memory_space<vmem_shared>> -> memref<32x128xf32, #tpu.memory_space<vmem_shared>>
      tpu.wait_dma2 semaphore(%run_scoped3A : memref<!tpu.dma_semaphore, #tpu.memory_space<semaphore_mem>>) src(%arg11 : memref<32x128xf32, #tpu.memory_space<vmem>>) dst(%dma_wait3A_252 : memref<32x128xf32, #tpu.memory_space<vmem_shared>>)
      tpu.yield
    }) : () -> ()
    %mul3A_57 = arith.constant 640 : i32
    %mul3A_58 = arith.muli %arg1, %mul3A_57 : i32
    %add3A_59 = arith.constant 448 : i32
    %add3A_60 = arith.addi %mul3A_58, %add3A_59 : i32
    "tpu.region"() ({
      %run_scoped3A = tpu.sem_alloc : memref<!tpu.dma_semaphore, #tpu.memory_space<semaphore_mem>>
      %dma_start3A = arith.constant 0 : i32
      %dma_start3A_247 = tpu.memref_slice %arg12[%add3A_60, %dma_start3A] : memref<10240x128xf32, #tpu.memory_space<vmem_shared>> -> memref<32x128xf32, #tpu.memory_space<vmem_shared>>
      %dma_start3A_248 = arith.constant 0 : i32
      %dma_start3A_249 = tpu.memref_slice %arg12[%add3A_60, %dma_start3A_248] : memref<10240x128xf32, #tpu.memory_space<vmem_shared>> -> memref<32x128xf32, #tpu.memory_space<vmem_shared>>
      tpu.enqueue_dma source(%arg11 : memref<32x128xf32, #tpu.memory_space<vmem>>) target(%dma_start3A_249 : memref<32x128xf32, #tpu.memory_space<vmem_shared>>) target_semaphore(%run_scoped3A : memref<!tpu.dma_semaphore, #tpu.memory_space<semaphore_mem>>)
      %dma_wait3A = arith.constant 0 : i32
      %dma_wait3A_250 = tpu.memref_slice %arg12[%add3A_60, %dma_wait3A] : memref<10240x128xf32, #tpu.memory_space<vmem_shared>> -> memref<32x128xf32, #tpu.memory_space<vmem_shared>>
      %dma_wait3A_251 = arith.constant 0 : i32
      %dma_wait3A_252 = tpu.memref_slice %arg12[%add3A_60, %dma_wait3A_251] : memref<10240x128xf32, #tpu.memory_space<vmem_shared>> -> memref<32x128xf32, #tpu.memory_space<vmem_shared>>
      tpu.wait_dma2 semaphore(%run_scoped3A : memref<!tpu.dma_semaphore, #tpu.memory_space<semaphore_mem>>) src(%arg11 : memref<32x128xf32, #tpu.memory_space<vmem>>) dst(%dma_wait3A_252 : memref<32x128xf32, #tpu.memory_space<vmem_shared>>)
      tpu.yield
    }) : () -> ()
    %mul3A_61 = arith.constant 640 : i32
    %mul3A_62 = arith.muli %arg1, %mul3A_61 : i32
    %add3A_63 = arith.constant 480 : i32
    %add3A_64 = arith.addi %mul3A_62, %add3A_63 : i32
    "tpu.region"() ({
      %run_scoped3A = tpu.sem_alloc : memref<!tpu.dma_semaphore, #tpu.memory_space<semaphore_mem>>
      %dma_start3A = arith.constant 0 : i32
      %dma_start3A_247 = tpu.memref_slice %arg12[%add3A_64, %dma_start3A] : memref<10240x128xf32, #tpu.memory_space<vmem_shared>> -> memref<32x128xf32, #tpu.memory_space<vmem_shared>>
      %dma_start3A_248 = arith.constant 0 : i32
      %dma_start3A_249 = tpu.memref_slice %arg12[%add3A_64, %dma_start3A_248] : memref<10240x128xf32, #tpu.memory_space<vmem_shared>> -> memref<32x128xf32, #tpu.memory_space<vmem_shared>>
      tpu.enqueue_dma source(%arg11 : memref<32x128xf32, #tpu.memory_space<vmem>>) target(%dma_start3A_249 : memref<32x128xf32, #tpu.memory_space<vmem_shared>>) target_semaphore(%run_scoped3A : memref<!tpu.dma_semaphore, #tpu.memory_space<semaphore_mem>>)
      %dma_wait3A = arith.constant 0 : i32
      %dma_wait3A_250 = tpu.memref_slice %arg12[%add3A_64, %dma_wait3A] : memref<10240x128xf32, #tpu.memory_space<vmem_shared>> -> memref<32x128xf32, #tpu.memory_space<vmem_shared>>
      %dma_wait3A_251 = arith.constant 0 : i32
      %dma_wait3A_252 = tpu.memref_slice %arg12[%add3A_64, %dma_wait3A_251] : memref<10240x128xf32, #tpu.memory_space<vmem_shared>> -> memref<32x128xf32, #tpu.memory_space<vmem_shared>>
      tpu.wait_dma2 semaphore(%run_scoped3A : memref<!tpu.dma_semaphore, #tpu.memory_space<semaphore_mem>>) src(%arg11 : memref<32x128xf32, #tpu.memory_space<vmem>>) dst(%dma_wait3A_252 : memref<32x128xf32, #tpu.memory_space<vmem_shared>>)
      tpu.yield
    }) : () -> ()
    %mul3A_65 = arith.constant 640 : i32
    %mul3A_66 = arith.muli %arg1, %mul3A_65 : i32
    %add3A_67 = arith.constant 512 : i32
    %add3A_68 = arith.addi %mul3A_66, %add3A_67 : i32
    "tpu.region"() ({
      %run_scoped3A = tpu.sem_alloc : memref<!tpu.dma_semaphore, #tpu.memory_space<semaphore_mem>>
      %dma_start3A = arith.constant 0 : i32
      %dma_start3A_247 = tpu.memref_slice %arg12[%add3A_68, %dma_start3A] : memref<10240x128xf32, #tpu.memory_space<vmem_shared>> -> memref<32x128xf32, #tpu.memory_space<vmem_shared>>
      %dma_start3A_248 = arith.constant 0 : i32
      %dma_start3A_249 = tpu.memref_slice %arg12[%add3A_68, %dma_start3A_248] : memref<10240x128xf32, #tpu.memory_space<vmem_shared>> -> memref<32x128xf32, #tpu.memory_space<vmem_shared>>
      tpu.enqueue_dma source(%arg11 : memref<32x128xf32, #tpu.memory_space<vmem>>) target(%dma_start3A_249 : memref<32x128xf32, #tpu.memory_space<vmem_shared>>) target_semaphore(%run_scoped3A : memref<!tpu.dma_semaphore, #tpu.memory_space<semaphore_mem>>)
      %dma_wait3A = arith.constant 0 : i32
      %dma_wait3A_250 = tpu.memref_slice %arg12[%add3A_68, %dma_wait3A] : memref<10240x128xf32, #tpu.memory_space<vmem_shared>> -> memref<32x128xf32, #tpu.memory_space<vmem_shared>>
      %dma_wait3A_251 = arith.constant 0 : i32
      %dma_wait3A_252 = tpu.memref_slice %arg12[%add3A_68, %dma_wait3A_251] : memref<10240x128xf32, #tpu.memory_space<vmem_shared>> -> memref<32x128xf32, #tpu.memory_space<vmem_shared>>
      tpu.wait_dma2 semaphore(%run_scoped3A : memref<!tpu.dma_semaphore, #tpu.memory_space<semaphore_mem>>) src(%arg11 : memref<32x128xf32, #tpu.memory_space<vmem>>) dst(%dma_wait3A_252 : memref<32x128xf32, #tpu.memory_space<vmem_shared>>)
      tpu.yield
    }) : () -> ()
    %mul3A_69 = arith.constant 640 : i32
    %mul3A_70 = arith.muli %arg1, %mul3A_69 : i32
    %add3A_71 = arith.constant 544 : i32
    %add3A_72 = arith.addi %mul3A_70, %add3A_71 : i32
    "tpu.region"() ({
      %run_scoped3A = tpu.sem_alloc : memref<!tpu.dma_semaphore, #tpu.memory_space<semaphore_mem>>
      %dma_start3A = arith.constant 0 : i32
      %dma_start3A_247 = tpu.memref_slice %arg12[%add3A_72, %dma_start3A] : memref<10240x128xf32, #tpu.memory_space<vmem_shared>> -> memref<32x128xf32, #tpu.memory_space<vmem_shared>>
      %dma_start3A_248 = arith.constant 0 : i32
      %dma_start3A_249 = tpu.memref_slice %arg12[%add3A_72, %dma_start3A_248] : memref<10240x128xf32, #tpu.memory_space<vmem_shared>> -> memref<32x128xf32, #tpu.memory_space<vmem_shared>>
      tpu.enqueue_dma source(%arg11 : memref<32x128xf32, #tpu.memory_space<vmem>>) target(%dma_start3A_249 : memref<32x128xf32, #tpu.memory_space<vmem_shared>>) target_semaphore(%run_scoped3A : memref<!tpu.dma_semaphore, #tpu.memory_space<semaphore_mem>>)
      %dma_wait3A = arith.constant 0 : i32
      %dma_wait3A_250 = tpu.memref_slice %arg12[%add3A_72, %dma_wait3A] : memref<10240x128xf32, #tpu.memory_space<vmem_shared>> -> memref<32x128xf32, #tpu.memory_space<vmem_shared>>
      %dma_wait3A_251 = arith.constant 0 : i32
      %dma_wait3A_252 = tpu.memref_slice %arg12[%add3A_72, %dma_wait3A_251] : memref<10240x128xf32, #tpu.memory_space<vmem_shared>> -> memref<32x128xf32, #tpu.memory_space<vmem_shared>>
      tpu.wait_dma2 semaphore(%run_scoped3A : memref<!tpu.dma_semaphore, #tpu.memory_space<semaphore_mem>>) src(%arg11 : memref<32x128xf32, #tpu.memory_space<vmem>>) dst(%dma_wait3A_252 : memref<32x128xf32, #tpu.memory_space<vmem_shared>>)
      tpu.yield
    }) : () -> ()
    %mul3A_73 = arith.constant 640 : i32
    %mul3A_74 = arith.muli %arg1, %mul3A_73 : i32
    %add3A_75 = arith.constant 576 : i32
    %add3A_76 = arith.addi %mul3A_74, %add3A_75 : i32
    "tpu.region"() ({
      %run_scoped3A = tpu.sem_alloc : memref<!tpu.dma_semaphore, #tpu.memory_space<semaphore_mem>>
      %dma_start3A = arith.constant 0 : i32
      %dma_start3A_247 = tpu.memref_slice %arg12[%add3A_76, %dma_start3A] : memref<10240x128xf32, #tpu.memory_space<vmem_shared>> -> memref<32x128xf32, #tpu.memory_space<vmem_shared>>
      %dma_start3A_248 = arith.constant 0 : i32
      %dma_start3A_249 = tpu.memref_slice %arg12[%add3A_76, %dma_start3A_248] : memref<10240x128xf32, #tpu.memory_space<vmem_shared>> -> memref<32x128xf32, #tpu.memory_space<vmem_shared>>
      tpu.enqueue_dma source(%arg11 : memref<32x128xf32, #tpu.memory_space<vmem>>) target(%dma_start3A_249 : memref<32x128xf32, #tpu.memory_space<vmem_shared>>) target_semaphore(%run_scoped3A : memref<!tpu.dma_semaphore, #tpu.memory_space<semaphore_mem>>)
      %dma_wait3A = arith.constant 0 : i32
      %dma_wait3A_250 = tpu.memref_slice %arg12[%add3A_76, %dma_wait3A] : memref<10240x128xf32, #tpu.memory_space<vmem_shared>> -> memref<32x128xf32, #tpu.memory_space<vmem_shared>>
      %dma_wait3A_251 = arith.constant 0 : i32
      %dma_wait3A_252 = tpu.memref_slice %arg12[%add3A_76, %dma_wait3A_251] : memref<10240x128xf32, #tpu.memory_space<vmem_shared>> -> memref<32x128xf32, #tpu.memory_space<vmem_shared>>
      tpu.wait_dma2 semaphore(%run_scoped3A : memref<!tpu.dma_semaphore, #tpu.memory_space<semaphore_mem>>) src(%arg11 : memref<32x128xf32, #tpu.memory_space<vmem>>) dst(%dma_wait3A_252 : memref<32x128xf32, #tpu.memory_space<vmem_shared>>)
      tpu.yield
    }) : () -> ()
    %mul3A_77 = arith.constant 640 : i32
    %mul3A_78 = arith.muli %arg1, %mul3A_77 : i32
    %add3A_79 = arith.constant 608 : i32
    %add3A_80 = arith.addi %mul3A_78, %add3A_79 : i32
    "tpu.region"() ({
      %run_scoped3A = tpu.sem_alloc : memref<!tpu.dma_semaphore, #tpu.memory_space<semaphore_mem>>
      %dma_start3A = arith.constant 0 : i32
      %dma_start3A_247 = tpu.memref_slice %arg12[%add3A_80, %dma_start3A] : memref<10240x128xf32, #tpu.memory_space<vmem_shared>> -> memref<32x128xf32, #tpu.memory_space<vmem_shared>>
      %dma_start3A_248 = arith.constant 0 : i32
      %dma_start3A_249 = tpu.memref_slice %arg12[%add3A_80, %dma_start3A_248] : memref<10240x128xf32, #tpu.memory_space<vmem_shared>> -> memref<32x128xf32, #tpu.memory_space<vmem_shared>>
      tpu.enqueue_dma source(%arg11 : memref<32x128xf32, #tpu.memory_space<vmem>>) target(%dma_start3A_249 : memref<32x128xf32, #tpu.memory_space<vmem_shared>>) target_semaphore(%run_scoped3A : memref<!tpu.dma_semaphore, #tpu.memory_space<semaphore_mem>>)
      %dma_wait3A = arith.constant 0 : i32
      %dma_wait3A_250 = tpu.memref_slice %arg12[%add3A_80, %dma_wait3A] : memref<10240x128xf32, #tpu.memory_space<vmem_shared>> -> memref<32x128xf32, #tpu.memory_space<vmem_shared>>
      %dma_wait3A_251 = arith.constant 0 : i32
      %dma_wait3A_252 = tpu.memref_slice %arg12[%add3A_80, %dma_wait3A_251] : memref<10240x128xf32, #tpu.memory_space<vmem_shared>> -> memref<32x128xf32, #tpu.memory_space<vmem_shared>>
      tpu.wait_dma2 semaphore(%run_scoped3A : memref<!tpu.dma_semaphore, #tpu.memory_space<semaphore_mem>>) src(%arg11 : memref<32x128xf32, #tpu.memory_space<vmem>>) dst(%dma_wait3A_252 : memref<32x128xf32, #tpu.memory_space<vmem_shared>>)
      tpu.yield
    }) : () -> ()
    %barrier3A = arith.constant 0 : index
    tpu.barrier barrier_id(%barrier3A)
    %scan3A = arith.constant 0 : i32
    %scan3A_81 = arith.constant 0 : i32
    %scan3A_82 = arith.constant 10 : i32
    %scan3A_83 = arith.addi %scan3A_81, %scan3A_82 : i32
    %scan3A_84 = arith.constant 1 : i32
    scf.for %scan3A_247 = %scan3A_81 to %scan3A_83 step %scan3A_84  : i32 {
      "tpu.region"() ({
        %run_scoped3A_365 = tpu.sem_alloc : memref<!tpu.dma_semaphore, #tpu.memory_space<semaphore_mem>>
        %dma_start3A_366 = arith.constant 0 : i32
        %dma_start3A_367 = arith.constant 0 : i32
        %dma_start3A_368 = tpu.memref_slice %arg3[%add3A, %scan3A_247, %dma_start3A_366, %dma_start3A_367] : memref<32x10x8x125xi32, #tpu.memory_space<hbm>> -> memref<1x1x8x125xi32, #tpu.memory_space<hbm>>
        %dma_start3A_369 = tpu.memref_squeeze %dma_start3A_368 : memref<1x1x8x125xi32, #tpu.memory_space<hbm>> -> memref<8x125xi32, #tpu.memory_space<hbm>>
        %dma_start3A_370 = arith.constant 0 : i32
        %dma_start3A_371 = arith.constant 0 : i32
        %dma_start3A_372 = tpu.memref_slice %arg3[%add3A, %scan3A_247, %dma_start3A_370, %dma_start3A_371] : memref<32x10x8x125xi32, #tpu.memory_space<hbm>> -> memref<1x1x8x125xi32, #tpu.memory_space<hbm>>
        %dma_start3A_373 = tpu.memref_squeeze %dma_start3A_372 : memref<1x1x8x125xi32, #tpu.memory_space<hbm>> -> memref<8x125xi32, #tpu.memory_space<hbm>>
        tpu.enqueue_dma source(%dma_start3A_373 : memref<8x125xi32, #tpu.memory_space<hbm>>) target(%arg7 : memref<8x125xi32, #tpu.memory_space<vmem>>) target_semaphore(%run_scoped3A_365 : memref<!tpu.dma_semaphore, #tpu.memory_space<semaphore_mem>>)
        %dma_wait3A_374 = arith.constant 0 : i32
        %dma_wait3A_375 = arith.constant 0 : i32
        %dma_wait3A_376 = tpu.memref_slice %arg3[%add3A, %scan3A_247, %dma_wait3A_374, %dma_wait3A_375] : memref<32x10x8x125xi32, #tpu.memory_space<hbm>> -> memref<1x1x8x125xi32, #tpu.memory_space<hbm>>
        %dma_wait3A_377 = tpu.memref_squeeze %dma_wait3A_376 : memref<1x1x8x125xi32, #tpu.memory_space<hbm>> -> memref<8x125xi32, #tpu.memory_space<hbm>>
        %dma_wait3A_378 = arith.constant 0 : i32
        %dma_wait3A_379 = arith.constant 0 : i32
        %dma_wait3A_380 = tpu.memref_slice %arg3[%add3A, %scan3A_247, %dma_wait3A_378, %dma_wait3A_379] : memref<32x10x8x125xi32, #tpu.memory_space<hbm>> -> memref<1x1x8x125xi32, #tpu.memory_space<hbm>>
        %dma_wait3A_381 = tpu.memref_squeeze %dma_wait3A_380 : memref<1x1x8x125xi32, #tpu.memory_space<hbm>> -> memref<8x125xi32, #tpu.memory_space<hbm>>
        tpu.wait_dma2 semaphore(%run_scoped3A_365 : memref<!tpu.dma_semaphore, #tpu.memory_space<semaphore_mem>>) src(%dma_wait3A_381 : memref<8x125xi32, #tpu.memory_space<hbm>>) dst(%arg7 : memref<8x125xi32, #tpu.memory_space<vmem>>)
        tpu.yield
      }) : () -> ()
      "tpu.region"() ({
        %run_scoped3A_365 = tpu.sem_alloc : memref<!tpu.dma_semaphore, #tpu.memory_space<semaphore_mem>>
        %dma_start3A_366 = arith.constant 0 : i32
        %dma_start3A_367 = arith.constant 0 : i32
        %dma_start3A_368 = tpu.memref_slice %arg4[%add3A, %scan3A_247, %dma_start3A_366, %dma_start3A_367] : memref<32x10x8x125xi32, #tpu.memory_space<hbm>> -> memref<1x1x8x125xi32, #tpu.memory_space<hbm>>
        %dma_start3A_369 = tpu.memref_squeeze %dma_start3A_368 : memref<1x1x8x125xi32, #tpu.memory_space<hbm>> -> memref<8x125xi32, #tpu.memory_space<hbm>>
        %dma_start3A_370 = arith.constant 0 : i32
        %dma_start3A_371 = arith.constant 0 : i32
        %dma_start3A_372 = tpu.memref_slice %arg4[%add3A, %scan3A_247, %dma_start3A_370, %dma_start3A_371] : memref<32x10x8x125xi32, #tpu.memory_space<hbm>> -> memref<1x1x8x125xi32, #tpu.memory_space<hbm>>
        %dma_start3A_373 = tpu.memref_squeeze %dma_start3A_372 : memref<1x1x8x125xi32, #tpu.memory_space<hbm>> -> memref<8x125xi32, #tpu.memory_space<hbm>>
        tpu.enqueue_dma source(%dma_start3A_373 : memref<8x125xi32, #tpu.memory_space<hbm>>) target(%arg8 : memref<8x125xi32, #tpu.memory_space<vmem>>) target_semaphore(%run_scoped3A_365 : memref<!tpu.dma_semaphore, #tpu.memory_space<semaphore_mem>>)
        %dma_wait3A_374 = arith.constant 0 : i32
        %dma_wait3A_375 = arith.constant 0 : i32
        %dma_wait3A_376 = tpu.memref_slice %arg4[%add3A, %scan3A_247, %dma_wait3A_374, %dma_wait3A_375] : memref<32x10x8x125xi32, #tpu.memory_space<hbm>> -> memref<1x1x8x125xi32, #tpu.memory_space<hbm>>
        %dma_wait3A_377 = tpu.memref_squeeze %dma_wait3A_376 : memref<1x1x8x125xi32, #tpu.memory_space<hbm>> -> memref<8x125xi32, #tpu.memory_space<hbm>>
        %dma_wait3A_378 = arith.constant 0 : i32
        %dma_wait3A_379 = arith.constant 0 : i32
        %dma_wait3A_380 = tpu.memref_slice %arg4[%add3A, %scan3A_247, %dma_wait3A_378, %dma_wait3A_379] : memref<32x10x8x125xi32, #tpu.memory_space<hbm>> -> memref<1x1x8x125xi32, #tpu.memory_space<hbm>>
        %dma_wait3A_381 = tpu.memref_squeeze %dma_wait3A_380 : memref<1x1x8x125xi32, #tpu.memory_space<hbm>> -> memref<8x125xi32, #tpu.memory_space<hbm>>
        tpu.wait_dma2 semaphore(%run_scoped3A_365 : memref<!tpu.dma_semaphore, #tpu.memory_space<semaphore_mem>>) src(%dma_wait3A_381 : memref<8x125xi32, #tpu.memory_space<hbm>>) dst(%arg8 : memref<8x125xi32, #tpu.memory_space<vmem>>)
        tpu.yield
      }) : () -> ()
      %dma_start3A = arith.constant 0 : i32
      %dma_start3A_248 = arith.constant 0 : i32
      %dma_start3A_249 = tpu.memref_slice %arg8[%dma_start3A, %dma_start3A_248] : memref<8x125xi32, #tpu.memory_space<vmem>> -> memref<1x125xi32, #tpu.memory_space<vmem>>
      %dma_start3A_250 = tpu.memref_squeeze %dma_start3A_249 : memref<1x125xi32, #tpu.memory_space<vmem>> -> memref<125xi32, #tpu.memory_space<vmem>>
      %dma_start3A_251 = arith.constant 0 : i32
      %dma_start3A_252 = arith.constant 0 : i32
      %dma_start3A_253 = tpu.memref_slice %arg2[%dma_start3A_251, %dma_start3A_252] : memref<10000x128xf32, #tpu.memory_space<hbm>> -> memref<10000x128xf32, #tpu.memory_space<hbm>>
      tpu.enqueue_indirect_dma source(%dma_start3A_253 : memref<10000x128xf32, #tpu.memory_space<hbm>>) target(%arg9 : memref<125x128xf32, #tpu.memory_space<vmem>>) offsets(%dma_start3A_250 : memref<125xi32, #tpu.memory_space<vmem>>) semaphore(%arg13 : memref<!tpu.dma_semaphore, #tpu.memory_space<semaphore_mem>>)
      %dma_wait3A = arith.constant 0 : i32
      %dma_wait3A_254 = arith.constant 0 : i32
      %dma_wait3A_255 = tpu.memref_slice %arg8[%dma_wait3A, %dma_wait3A_254] : memref<8x125xi32, #tpu.memory_space<vmem>> -> memref<1x125xi32, #tpu.memory_space<vmem>>
      %dma_wait3A_256 = tpu.memref_squeeze %dma_wait3A_255 : memref<1x125xi32, #tpu.memory_space<vmem>> -> memref<125xi32, #tpu.memory_space<vmem>>
      %dma_wait3A_257 = arith.constant 0 : i32
      %dma_wait3A_258 = arith.constant 0 : i32
      %dma_wait3A_259 = tpu.memref_slice %arg2[%dma_wait3A_257, %dma_wait3A_258] : memref<10000x128xf32, #tpu.memory_space<hbm>> -> memref<10000x128xf32, #tpu.memory_space<hbm>>
      tpu.wait_indirect_dma semaphore(%arg13 : memref<!tpu.dma_semaphore, #tpu.memory_space<semaphore_mem>>) src(%dma_wait3A_259 : memref<10000x128xf32, #tpu.memory_space<hbm>>) dst(%arg9 : memref<125x128xf32, #tpu.memory_space<vmem>>)
      %dma_start3A_260 = arith.constant 1 : i32
      %dma_start3A_261 = arith.constant 0 : i32
      %dma_start3A_262 = tpu.memref_slice %arg8[%dma_start3A_260, %dma_start3A_261] : memref<8x125xi32, #tpu.memory_space<vmem>> -> memref<1x125xi32, #tpu.memory_space<vmem>>
      %dma_start3A_263 = tpu.memref_squeeze %dma_start3A_262 : memref<1x125xi32, #tpu.memory_space<vmem>> -> memref<125xi32, #tpu.memory_space<vmem>>
      %dma_start3A_264 = arith.constant 0 : i32
      %dma_start3A_265 = arith.constant 0 : i32
      %dma_start3A_266 = tpu.memref_slice %arg2[%dma_start3A_264, %dma_start3A_265] : memref<10000x128xf32, #tpu.memory_space<hbm>> -> memref<10000x128xf32, #tpu.memory_space<hbm>>
      tpu.enqueue_indirect_dma source(%dma_start3A_266 : memref<10000x128xf32, #tpu.memory_space<hbm>>) target(%arg10 : memref<125x128xf32, #tpu.memory_space<vmem>>) offsets(%dma_start3A_263 : memref<125xi32, #tpu.memory_space<vmem>>) semaphore(%arg14 : memref<!tpu.dma_semaphore, #tpu.memory_space<semaphore_mem>>)
      %run_scoped3A = arith.constant 0 : i32
      "tpu.region"() ({
        %run_scoped3A_365 = tpu.sem_alloc : memref<!tpu.dma_semaphore, #tpu.memory_space<semaphore_mem>>
        %dma_start3A_366 = arith.constant 0 : i32
        %dma_start3A_367 = tpu.memref_slice %arg7[%run_scoped3A, %dma_start3A_366] : memref<8x125xi32, #tpu.memory_space<vmem>> -> memref<1x125xi32, #tpu.memory_space<vmem>>
        %dma_start3A_368 = tpu.memref_squeeze %dma_start3A_367 : memref<1x125xi32, #tpu.memory_space<vmem>> -> memref<125xi32, #tpu.memory_space<vmem>>
        %dma_start3A_369 = arith.constant 0 : i32
        %dma_start3A_370 = arith.constant 0 : i32
        %dma_start3A_371 = tpu.memref_slice %arg12[%dma_start3A_369, %dma_start3A_370] : memref<10240x128xf32, #tpu.memory_space<vmem_shared>> -> memref<10240x128xf32, #tpu.memory_space<vmem_shared>>
        tpu.enqueue_indirect_dma source(%arg9 : memref<125x128xf32, #tpu.memory_space<vmem>>) target(%dma_start3A_371 : memref<10240x128xf32, #tpu.memory_space<vmem_shared>>) offsets(%dma_start3A_368 : memref<125xi32, #tpu.memory_space<vmem>>) semaphore(%run_scoped3A_365 : memref<!tpu.dma_semaphore, #tpu.memory_space<semaphore_mem>>) {add = true}
        %dma_wait3A_372 = arith.constant 0 : i32
        %dma_wait3A_373 = tpu.memref_slice %arg7[%run_scoped3A, %dma_wait3A_372] : memref<8x125xi32, #tpu.memory_space<vmem>> -> memref<1x125xi32, #tpu.memory_space<vmem>>
        %dma_wait3A_374 = tpu.memref_squeeze %dma_wait3A_373 : memref<1x125xi32, #tpu.memory_space<vmem>> -> memref<125xi32, #tpu.memory_space<vmem>>
        %dma_wait3A_375 = arith.constant 0 : i32
        %dma_wait3A_376 = arith.constant 0 : i32
        %dma_wait3A_377 = tpu.memref_slice %arg12[%dma_wait3A_375, %dma_wait3A_376] : memref<10240x128xf32, #tpu.memory_space<vmem_shared>> -> memref<10240x128xf32, #tpu.memory_space<vmem_shared>>
        tpu.wait_indirect_dma semaphore(%run_scoped3A_365 : memref<!tpu.dma_semaphore, #tpu.memory_space<semaphore_mem>>) src(%arg9 : memref<125x128xf32, #tpu.memory_space<vmem>>) dst(%dma_wait3A_377 : memref<10240x128xf32, #tpu.memory_space<vmem_shared>>)
        tpu.yield
      }) : () -> ()
      %dma_wait3A_267 = arith.constant 1 : i32
      %dma_wait3A_268 = arith.constant 0 : i32
      %dma_wait3A_269 = tpu.memref_slice %arg8[%dma_wait3A_267, %dma_wait3A_268] : memref<8x125xi32, #tpu.memory_space<vmem>> -> memref<1x125xi32, #tpu.memory_space<vmem>>
      %dma_wait3A_270 = tpu.memref_squeeze %dma_wait3A_269 : memref<1x125xi32, #tpu.memory_space<vmem>> -> memref<125xi32, #tpu.memory_space<vmem>>
      %dma_wait3A_271 = arith.constant 0 : i32
      %dma_wait3A_272 = arith.constant 0 : i32
      %dma_wait3A_273 = tpu.memref_slice %arg2[%dma_wait3A_271, %dma_wait3A_272] : memref<10000x128xf32, #tpu.memory_space<hbm>> -> memref<10000x128xf32, #tpu.memory_space<hbm>>
      tpu.wait_indirect_dma semaphore(%arg14 : memref<!tpu.dma_semaphore, #tpu.memory_space<semaphore_mem>>) src(%dma_wait3A_273 : memref<10000x128xf32, #tpu.memory_space<hbm>>) dst(%arg10 : memref<125x128xf32, #tpu.memory_space<vmem>>)
      %dma_start3A_274 = arith.constant 2 : i32
      %dma_start3A_275 = arith.constant 0 : i32
      %dma_start3A_276 = tpu.memref_slice %arg8[%dma_start3A_274, %dma_start3A_275] : memref<8x125xi32, #tpu.memory_space<vmem>> -> memref<1x125xi32, #tpu.memory_space<vmem>>
      %dma_start3A_277 = tpu.memref_squeeze %dma_start3A_276 : memref<1x125xi32, #tpu.memory_space<vmem>> -> memref<125xi32, #tpu.memory_space<vmem>>
      %dma_start3A_278 = arith.constant 0 : i32
      %dma_start3A_279 = arith.constant 0 : i32
      %dma_start3A_280 = tpu.memref_slice %arg2[%dma_start3A_278, %dma_start3A_279] : memref<10000x128xf32, #tpu.memory_space<hbm>> -> memref<10000x128xf32, #tpu.memory_space<hbm>>
      tpu.enqueue_indirect_dma source(%dma_start3A_280 : memref<10000x128xf32, #tpu.memory_space<hbm>>) target(%arg9 : memref<125x128xf32, #tpu.memory_space<vmem>>) offsets(%dma_start3A_277 : memref<125xi32, #tpu.memory_space<vmem>>) semaphore(%arg13 : memref<!tpu.dma_semaphore, #tpu.memory_space<semaphore_mem>>)
      %run_scoped3A_281 = arith.constant 1 : i32
      "tpu.region"() ({
        %run_scoped3A_365 = tpu.sem_alloc : memref<!tpu.dma_semaphore, #tpu.memory_space<semaphore_mem>>
        %dma_start3A_366 = arith.constant 0 : i32
        %dma_start3A_367 = tpu.memref_slice %arg7[%run_scoped3A_281, %dma_start3A_366] : memref<8x125xi32, #tpu.memory_space<vmem>> -> memref<1x125xi32, #tpu.memory_space<vmem>>
        %dma_start3A_368 = tpu.memref_squeeze %dma_start3A_367 : memref<1x125xi32, #tpu.memory_space<vmem>> -> memref<125xi32, #tpu.memory_space<vmem>>
        %dma_start3A_369 = arith.constant 0 : i32
        %dma_start3A_370 = arith.constant 0 : i32
        %dma_start3A_371 = tpu.memref_slice %arg12[%dma_start3A_369, %dma_start3A_370] : memref<10240x128xf32, #tpu.memory_space<vmem_shared>> -> memref<10240x128xf32, #tpu.memory_space<vmem_shared>>
        tpu.enqueue_indirect_dma source(%arg10 : memref<125x128xf32, #tpu.memory_space<vmem>>) target(%dma_start3A_371 : memref<10240x128xf32, #tpu.memory_space<vmem_shared>>) offsets(%dma_start3A_368 : memref<125xi32, #tpu.memory_space<vmem>>) semaphore(%run_scoped3A_365 : memref<!tpu.dma_semaphore, #tpu.memory_space<semaphore_mem>>) {add = true}
        %dma_wait3A_372 = arith.constant 0 : i32
        %dma_wait3A_373 = tpu.memref_slice %arg7[%run_scoped3A_281, %dma_wait3A_372] : memref<8x125xi32, #tpu.memory_space<vmem>> -> memref<1x125xi32, #tpu.memory_space<vmem>>
        %dma_wait3A_374 = tpu.memref_squeeze %dma_wait3A_373 : memref<1x125xi32, #tpu.memory_space<vmem>> -> memref<125xi32, #tpu.memory_space<vmem>>
        %dma_wait3A_375 = arith.constant 0 : i32
        %dma_wait3A_376 = arith.constant 0 : i32
        %dma_wait3A_377 = tpu.memref_slice %arg12[%dma_wait3A_375, %dma_wait3A_376] : memref<10240x128xf32, #tpu.memory_space<vmem_shared>> -> memref<10240x128xf32, #tpu.memory_space<vmem_shared>>
        tpu.wait_indirect_dma semaphore(%run_scoped3A_365 : memref<!tpu.dma_semaphore, #tpu.memory_space<semaphore_mem>>) src(%arg10 : memref<125x128xf32, #tpu.memory_space<vmem>>) dst(%dma_wait3A_377 : memref<10240x128xf32, #tpu.memory_space<vmem_shared>>)
        tpu.yield
      }) : () -> ()
      %dma_wait3A_282 = arith.constant 2 : i32
      %dma_wait3A_283 = arith.constant 0 : i32
      %dma_wait3A_284 = tpu.memref_slice %arg8[%dma_wait3A_282, %dma_wait3A_283] : memref<8x125xi32, #tpu.memory_space<vmem>> -> memref<1x125xi32, #tpu.memory_space<vmem>>
      %dma_wait3A_285 = tpu.memref_squeeze %dma_wait3A_284 : memref<1x125xi32, #tpu.memory_space<vmem>> -> memref<125xi32, #tpu.memory_space<vmem>>
      %dma_wait3A_286 = arith.constant 0 : i32
      %dma_wait3A_287 = arith.constant 0 : i32
      %dma_wait3A_288 = tpu.memref_slice %arg2[%dma_wait3A_286, %dma_wait3A_287] : memref<10000x128xf32, #tpu.memory_space<hbm>> -> memref<10000x128xf32, #tpu.memory_space<hbm>>
      tpu.wait_indirect_dma semaphore(%arg13 : memref<!tpu.dma_semaphore, #tpu.memory_space<semaphore_mem>>) src(%dma_wait3A_288 : memref<10000x128xf32, #tpu.memory_space<hbm>>) dst(%arg9 : memref<125x128xf32, #tpu.memory_space<vmem>>)
      %dma_start3A_289 = arith.constant 3 : i32
      %dma_start3A_290 = arith.constant 0 : i32
      %dma_start3A_291 = tpu.memref_slice %arg8[%dma_start3A_289, %dma_start3A_290] : memref<8x125xi32, #tpu.memory_space<vmem>> -> memref<1x125xi32, #tpu.memory_space<vmem>>
      %dma_start3A_292 = tpu.memref_squeeze %dma_start3A_291 : memref<1x125xi32, #tpu.memory_space<vmem>> -> memref<125xi32, #tpu.memory_space<vmem>>
      %dma_start3A_293 = arith.constant 0 : i32
      %dma_start3A_294 = arith.constant 0 : i32
      %dma_start3A_295 = tpu.memref_slice %arg2[%dma_start3A_293, %dma_start3A_294] : memref<10000x128xf32, #tpu.memory_space<hbm>> -> memref<10000x128xf32, #tpu.memory_space<hbm>>
      tpu.enqueue_indirect_dma source(%dma_start3A_295 : memref<10000x128xf32, #tpu.memory_space<hbm>>) target(%arg10 : memref<125x128xf32, #tpu.memory_space<vmem>>) offsets(%dma_start3A_292 : memref<125xi32, #tpu.memory_space<vmem>>) semaphore(%arg14 : memref<!tpu.dma_semaphore, #tpu.memory_space<semaphore_mem>>)
      %run_scoped3A_296 = arith.constant 2 : i32
      "tpu.region"() ({
        %run_scoped3A_365 = tpu.sem_alloc : memref<!tpu.dma_semaphore, #tpu.memory_space<semaphore_mem>>
        %dma_start3A_366 = arith.constant 0 : i32
        %dma_start3A_367 = tpu.memref_slice %arg7[%run_scoped3A_296, %dma_start3A_366] : memref<8x125xi32, #tpu.memory_space<vmem>> -> memref<1x125xi32, #tpu.memory_space<vmem>>
        %dma_start3A_368 = tpu.memref_squeeze %dma_start3A_367 : memref<1x125xi32, #tpu.memory_space<vmem>> -> memref<125xi32, #tpu.memory_space<vmem>>
        %dma_start3A_369 = arith.constant 0 : i32
        %dma_start3A_370 = arith.constant 0 : i32
        %dma_start3A_371 = tpu.memref_slice %arg12[%dma_start3A_369, %dma_start3A_370] : memref<10240x128xf32, #tpu.memory_space<vmem_shared>> -> memref<10240x128xf32, #tpu.memory_space<vmem_shared>>
        tpu.enqueue_indirect_dma source(%arg9 : memref<125x128xf32, #tpu.memory_space<vmem>>) target(%dma_start3A_371 : memref<10240x128xf32, #tpu.memory_space<vmem_shared>>) offsets(%dma_start3A_368 : memref<125xi32, #tpu.memory_space<vmem>>) semaphore(%run_scoped3A_365 : memref<!tpu.dma_semaphore, #tpu.memory_space<semaphore_mem>>) {add = true}
        %dma_wait3A_372 = arith.constant 0 : i32
        %dma_wait3A_373 = tpu.memref_slice %arg7[%run_scoped3A_296, %dma_wait3A_372] : memref<8x125xi32, #tpu.memory_space<vmem>> -> memref<1x125xi32, #tpu.memory_space<vmem>>
        %dma_wait3A_374 = tpu.memref_squeeze %dma_wait3A_373 : memref<1x125xi32, #tpu.memory_space<vmem>> -> memref<125xi32, #tpu.memory_space<vmem>>
        %dma_wait3A_375 = arith.constant 0 : i32
        %dma_wait3A_376 = arith.constant 0 : i32
        %dma_wait3A_377 = tpu.memref_slice %arg12[%dma_wait3A_375, %dma_wait3A_376] : memref<10240x128xf32, #tpu.memory_space<vmem_shared>> -> memref<10240x128xf32, #tpu.memory_space<vmem_shared>>
        tpu.wait_indirect_dma semaphore(%run_scoped3A_365 : memref<!tpu.dma_semaphore, #tpu.memory_space<semaphore_mem>>) src(%arg9 : memref<125x128xf32, #tpu.memory_space<vmem>>) dst(%dma_wait3A_377 : memref<10240x128xf32, #tpu.memory_space<vmem_shared>>)
        tpu.yield
      }) : () -> ()
      %dma_wait3A_297 = arith.constant 3 : i32
      %dma_wait3A_298 = arith.constant 0 : i32
      %dma_wait3A_299 = tpu.memref_slice %arg8[%dma_wait3A_297, %dma_wait3A_298] : memref<8x125xi32, #tpu.memory_space<vmem>> -> memref<1x125xi32, #tpu.memory_space<vmem>>
      %dma_wait3A_300 = tpu.memref_squeeze %dma_wait3A_299 : memref<1x125xi32, #tpu.memory_space<vmem>> -> memref<125xi32, #tpu.memory_space<vmem>>
      %dma_wait3A_301 = arith.constant 0 : i32
      %dma_wait3A_302 = arith.constant 0 : i32
      %dma_wait3A_303 = tpu.memref_slice %arg2[%dma_wait3A_301, %dma_wait3A_302] : memref<10000x128xf32, #tpu.memory_space<hbm>> -> memref<10000x128xf32, #tpu.memory_space<hbm>>
      tpu.wait_indirect_dma semaphore(%arg14 : memref<!tpu.dma_semaphore, #tpu.memory_space<semaphore_mem>>) src(%dma_wait3A_303 : memref<10000x128xf32, #tpu.memory_space<hbm>>) dst(%arg10 : memref<125x128xf32, #tpu.memory_space<vmem>>)
      %dma_start3A_304 = arith.constant 4 : i32
      %dma_start3A_305 = arith.constant 0 : i32
      %dma_start3A_306 = tpu.memref_slice %arg8[%dma_start3A_304, %dma_start3A_305] : memref<8x125xi32, #tpu.memory_space<vmem>> -> memref<1x125xi32, #tpu.memory_space<vmem>>
      %dma_start3A_307 = tpu.memref_squeeze %dma_start3A_306 : memref<1x125xi32, #tpu.memory_space<vmem>> -> memref<125xi32, #tpu.memory_space<vmem>>
      %dma_start3A_308 = arith.constant 0 : i32
      %dma_start3A_309 = arith.constant 0 : i32
      %dma_start3A_310 = tpu.memref_slice %arg2[%dma_start3A_308, %dma_start3A_309] : memref<10000x128xf32, #tpu.memory_space<hbm>> -> memref<10000x128xf32, #tpu.memory_space<hbm>>
      tpu.enqueue_indirect_dma source(%dma_start3A_310 : memref<10000x128xf32, #tpu.memory_space<hbm>>) target(%arg9 : memref<125x128xf32, #tpu.memory_space<vmem>>) offsets(%dma_start3A_307 : memref<125xi32, #tpu.memory_space<vmem>>) semaphore(%arg13 : memref<!tpu.dma_semaphore, #tpu.memory_space<semaphore_mem>>)
      %run_scoped3A_311 = arith.constant 3 : i32
      "tpu.region"() ({
        %run_scoped3A_365 = tpu.sem_alloc : memref<!tpu.dma_semaphore, #tpu.memory_space<semaphore_mem>>
        %dma_start3A_366 = arith.constant 0 : i32
        %dma_start3A_367 = tpu.memref_slice %arg7[%run_scoped3A_311, %dma_start3A_366] : memref<8x125xi32, #tpu.memory_space<vmem>> -> memref<1x125xi32, #tpu.memory_space<vmem>>
        %dma_start3A_368 = tpu.memref_squeeze %dma_start3A_367 : memref<1x125xi32, #tpu.memory_space<vmem>> -> memref<125xi32, #tpu.memory_space<vmem>>
        %dma_start3A_369 = arith.constant 0 : i32
        %dma_start3A_370 = arith.constant 0 : i32
        %dma_start3A_371 = tpu.memref_slice %arg12[%dma_start3A_369, %dma_start3A_370] : memref<10240x128xf32, #tpu.memory_space<vmem_shared>> -> memref<10240x128xf32, #tpu.memory_space<vmem_shared>>
        tpu.enqueue_indirect_dma source(%arg10 : memref<125x128xf32, #tpu.memory_space<vmem>>) target(%dma_start3A_371 : memref<10240x128xf32, #tpu.memory_space<vmem_shared>>) offsets(%dma_start3A_368 : memref<125xi32, #tpu.memory_space<vmem>>) semaphore(%run_scoped3A_365 : memref<!tpu.dma_semaphore, #tpu.memory_space<semaphore_mem>>) {add = true}
        %dma_wait3A_372 = arith.constant 0 : i32
        %dma_wait3A_373 = tpu.memref_slice %arg7[%run_scoped3A_311, %dma_wait3A_372] : memref<8x125xi32, #tpu.memory_space<vmem>> -> memref<1x125xi32, #tpu.memory_space<vmem>>
        %dma_wait3A_374 = tpu.memref_squeeze %dma_wait3A_373 : memref<1x125xi32, #tpu.memory_space<vmem>> -> memref<125xi32, #tpu.memory_space<vmem>>
        %dma_wait3A_375 = arith.constant 0 : i32
        %dma_wait3A_376 = arith.constant 0 : i32
        %dma_wait3A_377 = tpu.memref_slice %arg12[%dma_wait3A_375, %dma_wait3A_376] : memref<10240x128xf32, #tpu.memory_space<vmem_shared>> -> memref<10240x128xf32, #tpu.memory_space<vmem_shared>>
        tpu.wait_indirect_dma semaphore(%run_scoped3A_365 : memref<!tpu.dma_semaphore, #tpu.memory_space<semaphore_mem>>) src(%arg10 : memref<125x128xf32, #tpu.memory_space<vmem>>) dst(%dma_wait3A_377 : memref<10240x128xf32, #tpu.memory_space<vmem_shared>>)
        tpu.yield
      }) : () -> ()
      %dma_wait3A_312 = arith.constant 4 : i32
      %dma_wait3A_313 = arith.constant 0 : i32
      %dma_wait3A_314 = tpu.memref_slice %arg8[%dma_wait3A_312, %dma_wait3A_313] : memref<8x125xi32, #tpu.memory_space<vmem>> -> memref<1x125xi32, #tpu.memory_space<vmem>>
      %dma_wait3A_315 = tpu.memref_squeeze %dma_wait3A_314 : memref<1x125xi32, #tpu.memory_space<vmem>> -> memref<125xi32, #tpu.memory_space<vmem>>
      %dma_wait3A_316 = arith.constant 0 : i32
      %dma_wait3A_317 = arith.constant 0 : i32
      %dma_wait3A_318 = tpu.memref_slice %arg2[%dma_wait3A_316, %dma_wait3A_317] : memref<10000x128xf32, #tpu.memory_space<hbm>> -> memref<10000x128xf32, #tpu.memory_space<hbm>>
      tpu.wait_indirect_dma semaphore(%arg13 : memref<!tpu.dma_semaphore, #tpu.memory_space<semaphore_mem>>) src(%dma_wait3A_318 : memref<10000x128xf32, #tpu.memory_space<hbm>>) dst(%arg9 : memref<125x128xf32, #tpu.memory_space<vmem>>)
      %dma_start3A_319 = arith.constant 5 : i32
      %dma_start3A_320 = arith.constant 0 : i32
      %dma_start3A_321 = tpu.memref_slice %arg8[%dma_start3A_319, %dma_start3A_320] : memref<8x125xi32, #tpu.memory_space<vmem>> -> memref<1x125xi32, #tpu.memory_space<vmem>>
      %dma_start3A_322 = tpu.memref_squeeze %dma_start3A_321 : memref<1x125xi32, #tpu.memory_space<vmem>> -> memref<125xi32, #tpu.memory_space<vmem>>
      %dma_start3A_323 = arith.constant 0 : i32
      %dma_start3A_324 = arith.constant 0 : i32
      %dma_start3A_325 = tpu.memref_slice %arg2[%dma_start3A_323, %dma_start3A_324] : memref<10000x128xf32, #tpu.memory_space<hbm>> -> memref<10000x128xf32, #tpu.memory_space<hbm>>
      tpu.enqueue_indirect_dma source(%dma_start3A_325 : memref<10000x128xf32, #tpu.memory_space<hbm>>) target(%arg10 : memref<125x128xf32, #tpu.memory_space<vmem>>) offsets(%dma_start3A_322 : memref<125xi32, #tpu.memory_space<vmem>>) semaphore(%arg14 : memref<!tpu.dma_semaphore, #tpu.memory_space<semaphore_mem>>)
      %run_scoped3A_326 = arith.constant 4 : i32
      "tpu.region"() ({
        %run_scoped3A_365 = tpu.sem_alloc : memref<!tpu.dma_semaphore, #tpu.memory_space<semaphore_mem>>
        %dma_start3A_366 = arith.constant 0 : i32
        %dma_start3A_367 = tpu.memref_slice %arg7[%run_scoped3A_326, %dma_start3A_366] : memref<8x125xi32, #tpu.memory_space<vmem>> -> memref<1x125xi32, #tpu.memory_space<vmem>>
        %dma_start3A_368 = tpu.memref_squeeze %dma_start3A_367 : memref<1x125xi32, #tpu.memory_space<vmem>> -> memref<125xi32, #tpu.memory_space<vmem>>
        %dma_start3A_369 = arith.constant 0 : i32
        %dma_start3A_370 = arith.constant 0 : i32
        %dma_start3A_371 = tpu.memref_slice %arg12[%dma_start3A_369, %dma_start3A_370] : memref<10240x128xf32, #tpu.memory_space<vmem_shared>> -> memref<10240x128xf32, #tpu.memory_space<vmem_shared>>
        tpu.enqueue_indirect_dma source(%arg9 : memref<125x128xf32, #tpu.memory_space<vmem>>) target(%dma_start3A_371 : memref<10240x128xf32, #tpu.memory_space<vmem_shared>>) offsets(%dma_start3A_368 : memref<125xi32, #tpu.memory_space<vmem>>) semaphore(%run_scoped3A_365 : memref<!tpu.dma_semaphore, #tpu.memory_space<semaphore_mem>>) {add = true}
        %dma_wait3A_372 = arith.constant 0 : i32
        %dma_wait3A_373 = tpu.memref_slice %arg7[%run_scoped3A_326, %dma_wait3A_372] : memref<8x125xi32, #tpu.memory_space<vmem>> -> memref<1x125xi32, #tpu.memory_space<vmem>>
        %dma_wait3A_374 = tpu.memref_squeeze %dma_wait3A_373 : memref<1x125xi32, #tpu.memory_space<vmem>> -> memref<125xi32, #tpu.memory_space<vmem>>
        %dma_wait3A_375 = arith.constant 0 : i32
        %dma_wait3A_376 = arith.constant 0 : i32
        %dma_wait3A_377 = tpu.memref_slice %arg12[%dma_wait3A_375, %dma_wait3A_376] : memref<10240x128xf32, #tpu.memory_space<vmem_shared>> -> memref<10240x128xf32, #tpu.memory_space<vmem_shared>>
        tpu.wait_indirect_dma semaphore(%run_scoped3A_365 : memref<!tpu.dma_semaphore, #tpu.memory_space<semaphore_mem>>) src(%arg9 : memref<125x128xf32, #tpu.memory_space<vmem>>) dst(%dma_wait3A_377 : memref<10240x128xf32, #tpu.memory_space<vmem_shared>>)
        tpu.yield
      }) : () -> ()
      %dma_wait3A_327 = arith.constant 5 : i32
      %dma_wait3A_328 = arith.constant 0 : i32
      %dma_wait3A_329 = tpu.memref_slice %arg8[%dma_wait3A_327, %dma_wait3A_328] : memref<8x125xi32, #tpu.memory_space<vmem>> -> memref<1x125xi32, #tpu.memory_space<vmem>>
      %dma_wait3A_330 = tpu.memref_squeeze %dma_wait3A_329 : memref<1x125xi32, #tpu.memory_space<vmem>> -> memref<125xi32, #tpu.memory_space<vmem>>
      %dma_wait3A_331 = arith.constant 0 : i32
      %dma_wait3A_332 = arith.constant 0 : i32
      %dma_wait3A_333 = tpu.memref_slice %arg2[%dma_wait3A_331, %dma_wait3A_332] : memref<10000x128xf32, #tpu.memory_space<hbm>> -> memref<10000x128xf32, #tpu.memory_space<hbm>>
      tpu.wait_indirect_dma semaphore(%arg14 : memref<!tpu.dma_semaphore, #tpu.memory_space<semaphore_mem>>) src(%dma_wait3A_333 : memref<10000x128xf32, #tpu.memory_space<hbm>>) dst(%arg10 : memref<125x128xf32, #tpu.memory_space<vmem>>)
      %dma_start3A_334 = arith.constant 6 : i32
      %dma_start3A_335 = arith.constant 0 : i32
      %dma_start3A_336 = tpu.memref_slice %arg8[%dma_start3A_334, %dma_start3A_335] : memref<8x125xi32, #tpu.memory_space<vmem>> -> memref<1x125xi32, #tpu.memory_space<vmem>>
      %dma_start3A_337 = tpu.memref_squeeze %dma_start3A_336 : memref<1x125xi32, #tpu.memory_space<vmem>> -> memref<125xi32, #tpu.memory_space<vmem>>
      %dma_start3A_338 = arith.constant 0 : i32
      %dma_start3A_339 = arith.constant 0 : i32
      %dma_start3A_340 = tpu.memref_slice %arg2[%dma_start3A_338, %dma_start3A_339] : memref<10000x128xf32, #tpu.memory_space<hbm>> -> memref<10000x128xf32, #tpu.memory_space<hbm>>
      tpu.enqueue_indirect_dma source(%dma_start3A_340 : memref<10000x128xf32, #tpu.memory_space<hbm>>) target(%arg9 : memref<125x128xf32, #tpu.memory_space<vmem>>) offsets(%dma_start3A_337 : memref<125xi32, #tpu.memory_space<vmem>>) semaphore(%arg13 : memref<!tpu.dma_semaphore, #tpu.memory_space<semaphore_mem>>)
      %run_scoped3A_341 = arith.constant 5 : i32
      "tpu.region"() ({
        %run_scoped3A_365 = tpu.sem_alloc : memref<!tpu.dma_semaphore, #tpu.memory_space<semaphore_mem>>
        %dma_start3A_366 = arith.constant 0 : i32
        %dma_start3A_367 = tpu.memref_slice %arg7[%run_scoped3A_341, %dma_start3A_366] : memref<8x125xi32, #tpu.memory_space<vmem>> -> memref<1x125xi32, #tpu.memory_space<vmem>>
        %dma_start3A_368 = tpu.memref_squeeze %dma_start3A_367 : memref<1x125xi32, #tpu.memory_space<vmem>> -> memref<125xi32, #tpu.memory_space<vmem>>
        %dma_start3A_369 = arith.constant 0 : i32
        %dma_start3A_370 = arith.constant 0 : i32
        %dma_start3A_371 = tpu.memref_slice %arg12[%dma_start3A_369, %dma_start3A_370] : memref<10240x128xf32, #tpu.memory_space<vmem_shared>> -> memref<10240x128xf32, #tpu.memory_space<vmem_shared>>
        tpu.enqueue_indirect_dma source(%arg10 : memref<125x128xf32, #tpu.memory_space<vmem>>) target(%dma_start3A_371 : memref<10240x128xf32, #tpu.memory_space<vmem_shared>>) offsets(%dma_start3A_368 : memref<125xi32, #tpu.memory_space<vmem>>) semaphore(%run_scoped3A_365 : memref<!tpu.dma_semaphore, #tpu.memory_space<semaphore_mem>>) {add = true}
        %dma_wait3A_372 = arith.constant 0 : i32
        %dma_wait3A_373 = tpu.memref_slice %arg7[%run_scoped3A_341, %dma_wait3A_372] : memref<8x125xi32, #tpu.memory_space<vmem>> -> memref<1x125xi32, #tpu.memory_space<vmem>>
        %dma_wait3A_374 = tpu.memref_squeeze %dma_wait3A_373 : memref<1x125xi32, #tpu.memory_space<vmem>> -> memref<125xi32, #tpu.memory_space<vmem>>
        %dma_wait3A_375 = arith.constant 0 : i32
        %dma_wait3A_376 = arith.constant 0 : i32
        %dma_wait3A_377 = tpu.memref_slice %arg12[%dma_wait3A_375, %dma_wait3A_376] : memref<10240x128xf32, #tpu.memory_space<vmem_shared>> -> memref<10240x128xf32, #tpu.memory_space<vmem_shared>>
        tpu.wait_indirect_dma semaphore(%run_scoped3A_365 : memref<!tpu.dma_semaphore, #tpu.memory_space<semaphore_mem>>) src(%arg10 : memref<125x128xf32, #tpu.memory_space<vmem>>) dst(%dma_wait3A_377 : memref<10240x128xf32, #tpu.memory_space<vmem_shared>>)
        tpu.yield
      }) : () -> ()
      %dma_wait3A_342 = arith.constant 6 : i32
      %dma_wait3A_343 = arith.constant 0 : i32
      %dma_wait3A_344 = tpu.memref_slice %arg8[%dma_wait3A_342, %dma_wait3A_343] : memref<8x125xi32, #tpu.memory_space<vmem>> -> memref<1x125xi32, #tpu.memory_space<vmem>>
      %dma_wait3A_345 = tpu.memref_squeeze %dma_wait3A_344 : memref<1x125xi32, #tpu.memory_space<vmem>> -> memref<125xi32, #tpu.memory_space<vmem>>
      %dma_wait3A_346 = arith.constant 0 : i32
      %dma_wait3A_347 = arith.constant 0 : i32
      %dma_wait3A_348 = tpu.memref_slice %arg2[%dma_wait3A_346, %dma_wait3A_347] : memref<10000x128xf32, #tpu.memory_space<hbm>> -> memref<10000x128xf32, #tpu.memory_space<hbm>>
      tpu.wait_indirect_dma semaphore(%arg13 : memref<!tpu.dma_semaphore, #tpu.memory_space<semaphore_mem>>) src(%dma_wait3A_348 : memref<10000x128xf32, #tpu.memory_space<hbm>>) dst(%arg9 : memref<125x128xf32, #tpu.memory_space<vmem>>)
      %dma_start3A_349 = arith.constant 7 : i32
      %dma_start3A_350 = arith.constant 0 : i32
      %dma_start3A_351 = tpu.memref_slice %arg8[%dma_start3A_349, %dma_start3A_350] : memref<8x125xi32, #tpu.memory_space<vmem>> -> memref<1x125xi32, #tpu.memory_space<vmem>>
      %dma_start3A_352 = tpu.memref_squeeze %dma_start3A_351 : memref<1x125xi32, #tpu.memory_space<vmem>> -> memref<125xi32, #tpu.memory_space<vmem>>
      %dma_start3A_353 = arith.constant 0 : i32
      %dma_start3A_354 = arith.constant 0 : i32
      %dma_start3A_355 = tpu.memref_slice %arg2[%dma_start3A_353, %dma_start3A_354] : memref<10000x128xf32, #tpu.memory_space<hbm>> -> memref<10000x128xf32, #tpu.memory_space<hbm>>
      tpu.enqueue_indirect_dma source(%dma_start3A_355 : memref<10000x128xf32, #tpu.memory_space<hbm>>) target(%arg10 : memref<125x128xf32, #tpu.memory_space<vmem>>) offsets(%dma_start3A_352 : memref<125xi32, #tpu.memory_space<vmem>>) semaphore(%arg14 : memref<!tpu.dma_semaphore, #tpu.memory_space<semaphore_mem>>)
      %run_scoped3A_356 = arith.constant 6 : i32
      "tpu.region"() ({
        %run_scoped3A_365 = tpu.sem_alloc : memref<!tpu.dma_semaphore, #tpu.memory_space<semaphore_mem>>
        %dma_start3A_366 = arith.constant 0 : i32
        %dma_start3A_367 = tpu.memref_slice %arg7[%run_scoped3A_356, %dma_start3A_366] : memref<8x125xi32, #tpu.memory_space<vmem>> -> memref<1x125xi32, #tpu.memory_space<vmem>>
        %dma_start3A_368 = tpu.memref_squeeze %dma_start3A_367 : memref<1x125xi32, #tpu.memory_space<vmem>> -> memref<125xi32, #tpu.memory_space<vmem>>
        %dma_start3A_369 = arith.constant 0 : i32
        %dma_start3A_370 = arith.constant 0 : i32
        %dma_start3A_371 = tpu.memref_slice %arg12[%dma_start3A_369, %dma_start3A_370] : memref<10240x128xf32, #tpu.memory_space<vmem_shared>> -> memref<10240x128xf32, #tpu.memory_space<vmem_shared>>
        tpu.enqueue_indirect_dma source(%arg9 : memref<125x128xf32, #tpu.memory_space<vmem>>) target(%dma_start3A_371 : memref<10240x128xf32, #tpu.memory_space<vmem_shared>>) offsets(%dma_start3A_368 : memref<125xi32, #tpu.memory_space<vmem>>) semaphore(%run_scoped3A_365 : memref<!tpu.dma_semaphore, #tpu.memory_space<semaphore_mem>>) {add = true}
        %dma_wait3A_372 = arith.constant 0 : i32
        %dma_wait3A_373 = tpu.memref_slice %arg7[%run_scoped3A_356, %dma_wait3A_372] : memref<8x125xi32, #tpu.memory_space<vmem>> -> memref<1x125xi32, #tpu.memory_space<vmem>>
        %dma_wait3A_374 = tpu.memref_squeeze %dma_wait3A_373 : memref<1x125xi32, #tpu.memory_space<vmem>> -> memref<125xi32, #tpu.memory_space<vmem>>
        %dma_wait3A_375 = arith.constant 0 : i32
        %dma_wait3A_376 = arith.constant 0 : i32
        %dma_wait3A_377 = tpu.memref_slice %arg12[%dma_wait3A_375, %dma_wait3A_376] : memref<10240x128xf32, #tpu.memory_space<vmem_shared>> -> memref<10240x128xf32, #tpu.memory_space<vmem_shared>>
        tpu.wait_indirect_dma semaphore(%run_scoped3A_365 : memref<!tpu.dma_semaphore, #tpu.memory_space<semaphore_mem>>) src(%arg9 : memref<125x128xf32, #tpu.memory_space<vmem>>) dst(%dma_wait3A_377 : memref<10240x128xf32, #tpu.memory_space<vmem_shared>>)
        tpu.yield
      }) : () -> ()
      %dma_wait3A_357 = arith.constant 7 : i32
      %dma_wait3A_358 = arith.constant 0 : i32
      %dma_wait3A_359 = tpu.memref_slice %arg8[%dma_wait3A_357, %dma_wait3A_358] : memref<8x125xi32, #tpu.memory_space<vmem>> -> memref<1x125xi32, #tpu.memory_space<vmem>>
      %dma_wait3A_360 = tpu.memref_squeeze %dma_wait3A_359 : memref<1x125xi32, #tpu.memory_space<vmem>> -> memref<125xi32, #tpu.memory_space<vmem>>
      %dma_wait3A_361 = arith.constant 0 : i32
      %dma_wait3A_362 = arith.constant 0 : i32
      %dma_wait3A_363 = tpu.memref_slice %arg2[%dma_wait3A_361, %dma_wait3A_362] : memref<10000x128xf32, #tpu.memory_space<hbm>> -> memref<10000x128xf32, #tpu.memory_space<hbm>>
      tpu.wait_indirect_dma semaphore(%arg14 : memref<!tpu.dma_semaphore, #tpu.memory_space<semaphore_mem>>) src(%dma_wait3A_363 : memref<10000x128xf32, #tpu.memory_space<hbm>>) dst(%arg10 : memref<125x128xf32, #tpu.memory_space<vmem>>)
      %run_scoped3A_364 = arith.constant 7 : i32
      "tpu.region"() ({
        %run_scoped3A_365 = tpu.sem_alloc : memref<!tpu.dma_semaphore, #tpu.memory_space<semaphore_mem>>
        %dma_start3A_366 = arith.constant 0 : i32
        %dma_start3A_367 = tpu.memref_slice %arg7[%run_scoped3A_364, %dma_start3A_366] : memref<8x125xi32, #tpu.memory_space<vmem>> -> memref<1x125xi32, #tpu.memory_space<vmem>>
        %dma_start3A_368 = tpu.memref_squeeze %dma_start3A_367 : memref<1x125xi32, #tpu.memory_space<vmem>> -> memref<125xi32, #tpu.memory_space<vmem>>
        %dma_start3A_369 = arith.constant 0 : i32
        %dma_start3A_370 = arith.constant 0 : i32
        %dma_start3A_371 = tpu.memref_slice %arg12[%dma_start3A_369, %dma_start3A_370] : memref<10240x128xf32, #tpu.memory_space<vmem_shared>> -> memref<10240x128xf32, #tpu.memory_space<vmem_shared>>
        tpu.enqueue_indirect_dma source(%arg10 : memref<125x128xf32, #tpu.memory_space<vmem>>) target(%dma_start3A_371 : memref<10240x128xf32, #tpu.memory_space<vmem_shared>>) offsets(%dma_start3A_368 : memref<125xi32, #tpu.memory_space<vmem>>) semaphore(%run_scoped3A_365 : memref<!tpu.dma_semaphore, #tpu.memory_space<semaphore_mem>>) {add = true}
        %dma_wait3A_372 = arith.constant 0 : i32
        %dma_wait3A_373 = tpu.memref_slice %arg7[%run_scoped3A_364, %dma_wait3A_372] : memref<8x125xi32, #tpu.memory_space<vmem>> -> memref<1x125xi32, #tpu.memory_space<vmem>>
        %dma_wait3A_374 = tpu.memref_squeeze %dma_wait3A_373 : memref<1x125xi32, #tpu.memory_space<vmem>> -> memref<125xi32, #tpu.memory_space<vmem>>
        %dma_wait3A_375 = arith.constant 0 : i32
        %dma_wait3A_376 = arith.constant 0 : i32
        %dma_wait3A_377 = tpu.memref_slice %arg12[%dma_wait3A_375, %dma_wait3A_376] : memref<10240x128xf32, #tpu.memory_space<vmem_shared>> -> memref<10240x128xf32, #tpu.memory_space<vmem_shared>>
        tpu.wait_indirect_dma semaphore(%run_scoped3A_365 : memref<!tpu.dma_semaphore, #tpu.memory_space<semaphore_mem>>) src(%arg10 : memref<125x128xf32, #tpu.memory_space<vmem>>) dst(%dma_wait3A_377 : memref<10240x128xf32, #tpu.memory_space<vmem_shared>>)
        tpu.yield
      }) : () -> ()
    }
    %scan3A_85 = arith.constant 10 : i32
    %barrier3A_86 = arith.constant 0 : index
    tpu.barrier barrier_id(%barrier3A_86)
    %mul3A_87 = arith.constant 640 : i32
    %mul3A_88 = arith.muli %arg1, %mul3A_87 : i32
    %add3A_89 = arith.constant 0 : i32
    %add3A_90 = arith.addi %mul3A_88, %add3A_89 : i32
    "tpu.region"() ({
      %run_scoped3A = tpu.sem_alloc : memref<!tpu.dma_semaphore, #tpu.memory_space<semaphore_mem>>
      %dma_start3A = arith.constant 0 : i32
      %dma_start3A_247 = tpu.memref_slice %arg12[%add3A_90, %dma_start3A] : memref<10240x128xf32, #tpu.memory_space<vmem_shared>> -> memref<32x128xf32, #tpu.memory_space<vmem_shared>>
      %dma_start3A_248 = arith.constant 0 : i32
      %dma_start3A_249 = tpu.memref_slice %arg12[%add3A_90, %dma_start3A_248] : memref<10240x128xf32, #tpu.memory_space<vmem_shared>> -> memref<32x128xf32, #tpu.memory_space<vmem_shared>>
      tpu.enqueue_dma source(%dma_start3A_249 : memref<32x128xf32, #tpu.memory_space<vmem_shared>>) target(%arg11 : memref<32x128xf32, #tpu.memory_space<vmem>>) target_semaphore(%run_scoped3A : memref<!tpu.dma_semaphore, #tpu.memory_space<semaphore_mem>>)
      %dma_wait3A = arith.constant 0 : i32
      %dma_wait3A_250 = tpu.memref_slice %arg12[%add3A_90, %dma_wait3A] : memref<10240x128xf32, #tpu.memory_space<vmem_shared>> -> memref<32x128xf32, #tpu.memory_space<vmem_shared>>
      %dma_wait3A_251 = arith.constant 0 : i32
      %dma_wait3A_252 = tpu.memref_slice %arg12[%add3A_90, %dma_wait3A_251] : memref<10240x128xf32, #tpu.memory_space<vmem_shared>> -> memref<32x128xf32, #tpu.memory_space<vmem_shared>>
      tpu.wait_dma2 semaphore(%run_scoped3A : memref<!tpu.dma_semaphore, #tpu.memory_space<semaphore_mem>>) src(%dma_wait3A_252 : memref<32x128xf32, #tpu.memory_space<vmem_shared>>) dst(%arg11 : memref<32x128xf32, #tpu.memory_space<vmem>>)
      tpu.yield
    }) : () -> ()
    %mul3A_91 = arith.constant 640 : i32
    %mul3A_92 = arith.muli %arg1, %mul3A_91 : i32
    %add3A_93 = arith.constant 0 : i32
    %add3A_94 = arith.addi %mul3A_92, %add3A_93 : i32
    "tpu.region"() ({
      %run_scoped3A = tpu.sem_alloc : memref<!tpu.dma_semaphore, #tpu.memory_space<semaphore_mem>>
      %dma_start3A = arith.constant 0 : i32
      %dma_start3A_247 = tpu.memref_slice %arg6[%arg0, %add3A_94, %dma_start3A] : memref<2x10240x128xf32, #tpu.memory_space<hbm>> -> memref<1x32x128xf32, #tpu.memory_space<hbm>>
      %dma_start3A_248 = tpu.memref_squeeze %dma_start3A_247 : memref<1x32x128xf32, #tpu.memory_space<hbm>> -> memref<32x128xf32, #tpu.memory_space<hbm>>
      %dma_start3A_249 = arith.constant 0 : i32
      %dma_start3A_250 = tpu.memref_slice %arg6[%arg0, %add3A_94, %dma_start3A_249] : memref<2x10240x128xf32, #tpu.memory_space<hbm>> -> memref<1x32x128xf32, #tpu.memory_space<hbm>>
      %dma_start3A_251 = tpu.memref_squeeze %dma_start3A_250 : memref<1x32x128xf32, #tpu.memory_space<hbm>> -> memref<32x128xf32, #tpu.memory_space<hbm>>
      tpu.enqueue_dma source(%arg11 : memref<32x128xf32, #tpu.memory_space<vmem>>) target(%dma_start3A_251 : memref<32x128xf32, #tpu.memory_space<hbm>>) target_semaphore(%run_scoped3A : memref<!tpu.dma_semaphore, #tpu.memory_space<semaphore_mem>>)
      %dma_wait3A = arith.constant 0 : i32
      %dma_wait3A_252 = tpu.memref_slice %arg6[%arg0, %add3A_94, %dma_wait3A] : memref<2x10240x128xf32, #tpu.memory_space<hbm>> -> memref<1x32x128xf32, #tpu.memory_space<hbm>>
      %dma_wait3A_253 = tpu.memref_squeeze %dma_wait3A_252 : memref<1x32x128xf32, #tpu.memory_space<hbm>> -> memref<32x128xf32, #tpu.memory_space<hbm>>
      %dma_wait3A_254 = arith.constant 0 : i32
      %dma_wait3A_255 = tpu.memref_slice %arg6[%arg0, %add3A_94, %dma_wait3A_254] : memref<2x10240x128xf32, #tpu.memory_space<hbm>> -> memref<1x32x128xf32, #tpu.memory_space<hbm>>
      %dma_wait3A_256 = tpu.memref_squeeze %dma_wait3A_255 : memref<1x32x128xf32, #tpu.memory_space<hbm>> -> memref<32x128xf32, #tpu.memory_space<hbm>>
      tpu.wait_dma2 semaphore(%run_scoped3A : memref<!tpu.dma_semaphore, #tpu.memory_space<semaphore_mem>>) src(%arg11 : memref<32x128xf32, #tpu.memory_space<vmem>>) dst(%dma_wait3A_256 : memref<32x128xf32, #tpu.memory_space<hbm>>)
      tpu.yield
    }) : () -> ()
    %mul3A_95 = arith.constant 640 : i32
    %mul3A_96 = arith.muli %arg1, %mul3A_95 : i32
    %add3A_97 = arith.constant 32 : i32
    %add3A_98 = arith.addi %mul3A_96, %add3A_97 : i32
    "tpu.region"() ({
      %run_scoped3A = tpu.sem_alloc : memref<!tpu.dma_semaphore, #tpu.memory_space<semaphore_mem>>
      %dma_start3A = arith.constant 0 : i32
      %dma_start3A_247 = tpu.memref_slice %arg12[%add3A_98, %dma_start3A] : memref<10240x128xf32, #tpu.memory_space<vmem_shared>> -> memref<32x128xf32, #tpu.memory_space<vmem_shared>>
      %dma_start3A_248 = arith.constant 0 : i32
      %dma_start3A_249 = tpu.memref_slice %arg12[%add3A_98, %dma_start3A_248] : memref<10240x128xf32, #tpu.memory_space<vmem_shared>> -> memref<32x128xf32, #tpu.memory_space<vmem_shared>>
      tpu.enqueue_dma source(%dma_start3A_249 : memref<32x128xf32, #tpu.memory_space<vmem_shared>>) target(%arg11 : memref<32x128xf32, #tpu.memory_space<vmem>>) target_semaphore(%run_scoped3A : memref<!tpu.dma_semaphore, #tpu.memory_space<semaphore_mem>>)
      %dma_wait3A = arith.constant 0 : i32
      %dma_wait3A_250 = tpu.memref_slice %arg12[%add3A_98, %dma_wait3A] : memref<10240x128xf32, #tpu.memory_space<vmem_shared>> -> memref<32x128xf32, #tpu.memory_space<vmem_shared>>
      %dma_wait3A_251 = arith.constant 0 : i32
      %dma_wait3A_252 = tpu.memref_slice %arg12[%add3A_98, %dma_wait3A_251] : memref<10240x128xf32, #tpu.memory_space<vmem_shared>> -> memref<32x128xf32, #tpu.memory_space<vmem_shared>>
      tpu.wait_dma2 semaphore(%run_scoped3A : memref<!tpu.dma_semaphore, #tpu.memory_space<semaphore_mem>>) src(%dma_wait3A_252 : memref<32x128xf32, #tpu.memory_space<vmem_shared>>) dst(%arg11 : memref<32x128xf32, #tpu.memory_space<vmem>>)
      tpu.yield
    }) : () -> ()
    %mul3A_99 = arith.constant 640 : i32
    %mul3A_100 = arith.muli %arg1, %mul3A_99 : i32
    %add3A_101 = arith.constant 32 : i32
    %add3A_102 = arith.addi %mul3A_100, %add3A_101 : i32
    "tpu.region"() ({
      %run_scoped3A = tpu.sem_alloc : memref<!tpu.dma_semaphore, #tpu.memory_space<semaphore_mem>>
      %dma_start3A = arith.constant 0 : i32
      %dma_start3A_247 = tpu.memref_slice %arg6[%arg0, %add3A_102, %dma_start3A] : memref<2x10240x128xf32, #tpu.memory_space<hbm>> -> memref<1x32x128xf32, #tpu.memory_space<hbm>>
      %dma_start3A_248 = tpu.memref_squeeze %dma_start3A_247 : memref<1x32x128xf32, #tpu.memory_space<hbm>> -> memref<32x128xf32, #tpu.memory_space<hbm>>
      %dma_start3A_249 = arith.constant 0 : i32
      %dma_start3A_250 = tpu.memref_slice %arg6[%arg0, %add3A_102, %dma_start3A_249] : memref<2x10240x128xf32, #tpu.memory_space<hbm>> -> memref<1x32x128xf32, #tpu.memory_space<hbm>>
      %dma_start3A_251 = tpu.memref_squeeze %dma_start3A_250 : memref<1x32x128xf32, #tpu.memory_space<hbm>> -> memref<32x128xf32, #tpu.memory_space<hbm>>
      tpu.enqueue_dma source(%arg11 : memref<32x128xf32, #tpu.memory_space<vmem>>) target(%dma_start3A_251 : memref<32x128xf32, #tpu.memory_space<hbm>>) target_semaphore(%run_scoped3A : memref<!tpu.dma_semaphore, #tpu.memory_space<semaphore_mem>>)
      %dma_wait3A = arith.constant 0 : i32
      %dma_wait3A_252 = tpu.memref_slice %arg6[%arg0, %add3A_102, %dma_wait3A] : memref<2x10240x128xf32, #tpu.memory_space<hbm>> -> memref<1x32x128xf32, #tpu.memory_space<hbm>>
      %dma_wait3A_253 = tpu.memref_squeeze %dma_wait3A_252 : memref<1x32x128xf32, #tpu.memory_space<hbm>> -> memref<32x128xf32, #tpu.memory_space<hbm>>
      %dma_wait3A_254 = arith.constant 0 : i32
      %dma_wait3A_255 = tpu.memref_slice %arg6[%arg0, %add3A_102, %dma_wait3A_254] : memref<2x10240x128xf32, #tpu.memory_space<hbm>> -> memref<1x32x128xf32, #tpu.memory_space<hbm>>
      %dma_wait3A_256 = tpu.memref_squeeze %dma_wait3A_255 : memref<1x32x128xf32, #tpu.memory_space<hbm>> -> memref<32x128xf32, #tpu.memory_space<hbm>>
      tpu.wait_dma2 semaphore(%run_scoped3A : memref<!tpu.dma_semaphore, #tpu.memory_space<semaphore_mem>>) src(%arg11 : memref<32x128xf32, #tpu.memory_space<vmem>>) dst(%dma_wait3A_256 : memref<32x128xf32, #tpu.memory_space<hbm>>)
      tpu.yield
    }) : () -> ()
    %mul3A_103 = arith.constant 640 : i32
    %mul3A_104 = arith.muli %arg1, %mul3A_103 : i32
    %add3A_105 = arith.constant 64 : i32
    %add3A_106 = arith.addi %mul3A_104, %add3A_105 : i32
    "tpu.region"() ({
      %run_scoped3A = tpu.sem_alloc : memref<!tpu.dma_semaphore, #tpu.memory_space<semaphore_mem>>
      %dma_start3A = arith.constant 0 : i32
      %dma_start3A_247 = tpu.memref_slice %arg12[%add3A_106, %dma_start3A] : memref<10240x128xf32, #tpu.memory_space<vmem_shared>> -> memref<32x128xf32, #tpu.memory_space<vmem_shared>>
      %dma_start3A_248 = arith.constant 0 : i32
      %dma_start3A_249 = tpu.memref_slice %arg12[%add3A_106, %dma_start3A_248] : memref<10240x128xf32, #tpu.memory_space<vmem_shared>> -> memref<32x128xf32, #tpu.memory_space<vmem_shared>>
      tpu.enqueue_dma source(%dma_start3A_249 : memref<32x128xf32, #tpu.memory_space<vmem_shared>>) target(%arg11 : memref<32x128xf32, #tpu.memory_space<vmem>>) target_semaphore(%run_scoped3A : memref<!tpu.dma_semaphore, #tpu.memory_space<semaphore_mem>>)
      %dma_wait3A = arith.constant 0 : i32
      %dma_wait3A_250 = tpu.memref_slice %arg12[%add3A_106, %dma_wait3A] : memref<10240x128xf32, #tpu.memory_space<vmem_shared>> -> memref<32x128xf32, #tpu.memory_space<vmem_shared>>
      %dma_wait3A_251 = arith.constant 0 : i32
      %dma_wait3A_252 = tpu.memref_slice %arg12[%add3A_106, %dma_wait3A_251] : memref<10240x128xf32, #tpu.memory_space<vmem_shared>> -> memref<32x128xf32, #tpu.memory_space<vmem_shared>>
      tpu.wait_dma2 semaphore(%run_scoped3A : memref<!tpu.dma_semaphore, #tpu.memory_space<semaphore_mem>>) src(%dma_wait3A_252 : memref<32x128xf32, #tpu.memory_space<vmem_shared>>) dst(%arg11 : memref<32x128xf32, #tpu.memory_space<vmem>>)
      tpu.yield
    }) : () -> ()
    %mul3A_107 = arith.constant 640 : i32
    %mul3A_108 = arith.muli %arg1, %mul3A_107 : i32
    %add3A_109 = arith.constant 64 : i32
    %add3A_110 = arith.addi %mul3A_108, %add3A_109 : i32
    "tpu.region"() ({
      %run_scoped3A = tpu.sem_alloc : memref<!tpu.dma_semaphore, #tpu.memory_space<semaphore_mem>>
      %dma_start3A = arith.constant 0 : i32
      %dma_start3A_247 = tpu.memref_slice %arg6[%arg0, %add3A_110, %dma_start3A] : memref<2x10240x128xf32, #tpu.memory_space<hbm>> -> memref<1x32x128xf32, #tpu.memory_space<hbm>>
      %dma_start3A_248 = tpu.memref_squeeze %dma_start3A_247 : memref<1x32x128xf32, #tpu.memory_space<hbm>> -> memref<32x128xf32, #tpu.memory_space<hbm>>
      %dma_start3A_249 = arith.constant 0 : i32
      %dma_start3A_250 = tpu.memref_slice %arg6[%arg0, %add3A_110, %dma_start3A_249] : memref<2x10240x128xf32, #tpu.memory_space<hbm>> -> memref<1x32x128xf32, #tpu.memory_space<hbm>>
      %dma_start3A_251 = tpu.memref_squeeze %dma_start3A_250 : memref<1x32x128xf32, #tpu.memory_space<hbm>> -> memref<32x128xf32, #tpu.memory_space<hbm>>
      tpu.enqueue_dma source(%arg11 : memref<32x128xf32, #tpu.memory_space<vmem>>) target(%dma_start3A_251 : memref<32x128xf32, #tpu.memory_space<hbm>>) target_semaphore(%run_scoped3A : memref<!tpu.dma_semaphore, #tpu.memory_space<semaphore_mem>>)
      %dma_wait3A = arith.constant 0 : i32
      %dma_wait3A_252 = tpu.memref_slice %arg6[%arg0, %add3A_110, %dma_wait3A] : memref<2x10240x128xf32, #tpu.memory_space<hbm>> -> memref<1x32x128xf32, #tpu.memory_space<hbm>>
      %dma_wait3A_253 = tpu.memref_squeeze %dma_wait3A_252 : memref<1x32x128xf32, #tpu.memory_space<hbm>> -> memref<32x128xf32, #tpu.memory_space<hbm>>
      %dma_wait3A_254 = arith.constant 0 : i32
      %dma_wait3A_255 = tpu.memref_slice %arg6[%arg0, %add3A_110, %dma_wait3A_254] : memref<2x10240x128xf32, #tpu.memory_space<hbm>> -> memref<1x32x128xf32, #tpu.memory_space<hbm>>
      %dma_wait3A_256 = tpu.memref_squeeze %dma_wait3A_255 : memref<1x32x128xf32, #tpu.memory_space<hbm>> -> memref<32x128xf32, #tpu.memory_space<hbm>>
      tpu.wait_dma2 semaphore(%run_scoped3A : memref<!tpu.dma_semaphore, #tpu.memory_space<semaphore_mem>>) src(%arg11 : memref<32x128xf32, #tpu.memory_space<vmem>>) dst(%dma_wait3A_256 : memref<32x128xf32, #tpu.memory_space<hbm>>)
      tpu.yield
    }) : () -> ()
    %mul3A_111 = arith.constant 640 : i32
    %mul3A_112 = arith.muli %arg1, %mul3A_111 : i32
    %add3A_113 = arith.constant 96 : i32
    %add3A_114 = arith.addi %mul3A_112, %add3A_113 : i32
    "tpu.region"() ({
      %run_scoped3A = tpu.sem_alloc : memref<!tpu.dma_semaphore, #tpu.memory_space<semaphore_mem>>
      %dma_start3A = arith.constant 0 : i32
      %dma_start3A_247 = tpu.memref_slice %arg12[%add3A_114, %dma_start3A] : memref<10240x128xf32, #tpu.memory_space<vmem_shared>> -> memref<32x128xf32, #tpu.memory_space<vmem_shared>>
      %dma_start3A_248 = arith.constant 0 : i32
      %dma_start3A_249 = tpu.memref_slice %arg12[%add3A_114, %dma_start3A_248] : memref<10240x128xf32, #tpu.memory_space<vmem_shared>> -> memref<32x128xf32, #tpu.memory_space<vmem_shared>>
      tpu.enqueue_dma source(%dma_start3A_249 : memref<32x128xf32, #tpu.memory_space<vmem_shared>>) target(%arg11 : memref<32x128xf32, #tpu.memory_space<vmem>>) target_semaphore(%run_scoped3A : memref<!tpu.dma_semaphore, #tpu.memory_space<semaphore_mem>>)
      %dma_wait3A = arith.constant 0 : i32
      %dma_wait3A_250 = tpu.memref_slice %arg12[%add3A_114, %dma_wait3A] : memref<10240x128xf32, #tpu.memory_space<vmem_shared>> -> memref<32x128xf32, #tpu.memory_space<vmem_shared>>
      %dma_wait3A_251 = arith.constant 0 : i32
      %dma_wait3A_252 = tpu.memref_slice %arg12[%add3A_114, %dma_wait3A_251] : memref<10240x128xf32, #tpu.memory_space<vmem_shared>> -> memref<32x128xf32, #tpu.memory_space<vmem_shared>>
      tpu.wait_dma2 semaphore(%run_scoped3A : memref<!tpu.dma_semaphore, #tpu.memory_space<semaphore_mem>>) src(%dma_wait3A_252 : memref<32x128xf32, #tpu.memory_space<vmem_shared>>) dst(%arg11 : memref<32x128xf32, #tpu.memory_space<vmem>>)
      tpu.yield
    }) : () -> ()
    %mul3A_115 = arith.constant 640 : i32
    %mul3A_116 = arith.muli %arg1, %mul3A_115 : i32
    %add3A_117 = arith.constant 96 : i32
    %add3A_118 = arith.addi %mul3A_116, %add3A_117 : i32
    "tpu.region"() ({
      %run_scoped3A = tpu.sem_alloc : memref<!tpu.dma_semaphore, #tpu.memory_space<semaphore_mem>>
      %dma_start3A = arith.constant 0 : i32
      %dma_start3A_247 = tpu.memref_slice %arg6[%arg0, %add3A_118, %dma_start3A] : memref<2x10240x128xf32, #tpu.memory_space<hbm>> -> memref<1x32x128xf32, #tpu.memory_space<hbm>>
      %dma_start3A_248 = tpu.memref_squeeze %dma_start3A_247 : memref<1x32x128xf32, #tpu.memory_space<hbm>> -> memref<32x128xf32, #tpu.memory_space<hbm>>
      %dma_start3A_249 = arith.constant 0 : i32
      %dma_start3A_250 = tpu.memref_slice %arg6[%arg0, %add3A_118, %dma_start3A_249] : memref<2x10240x128xf32, #tpu.memory_space<hbm>> -> memref<1x32x128xf32, #tpu.memory_space<hbm>>
      %dma_start3A_251 = tpu.memref_squeeze %dma_start3A_250 : memref<1x32x128xf32, #tpu.memory_space<hbm>> -> memref<32x128xf32, #tpu.memory_space<hbm>>
      tpu.enqueue_dma source(%arg11 : memref<32x128xf32, #tpu.memory_space<vmem>>) target(%dma_start3A_251 : memref<32x128xf32, #tpu.memory_space<hbm>>) target_semaphore(%run_scoped3A : memref<!tpu.dma_semaphore, #tpu.memory_space<semaphore_mem>>)
      %dma_wait3A = arith.constant 0 : i32
      %dma_wait3A_252 = tpu.memref_slice %arg6[%arg0, %add3A_118, %dma_wait3A] : memref<2x10240x128xf32, #tpu.memory_space<hbm>> -> memref<1x32x128xf32, #tpu.memory_space<hbm>>
      %dma_wait3A_253 = tpu.memref_squeeze %dma_wait3A_252 : memref<1x32x128xf32, #tpu.memory_space<hbm>> -> memref<32x128xf32, #tpu.memory_space<hbm>>
      %dma_wait3A_254 = arith.constant 0 : i32
      %dma_wait3A_255 = tpu.memref_slice %arg6[%arg0, %add3A_118, %dma_wait3A_254] : memref<2x10240x128xf32, #tpu.memory_space<hbm>> -> memref<1x32x128xf32, #tpu.memory_space<hbm>>
      %dma_wait3A_256 = tpu.memref_squeeze %dma_wait3A_255 : memref<1x32x128xf32, #tpu.memory_space<hbm>> -> memref<32x128xf32, #tpu.memory_space<hbm>>
      tpu.wait_dma2 semaphore(%run_scoped3A : memref<!tpu.dma_semaphore, #tpu.memory_space<semaphore_mem>>) src(%arg11 : memref<32x128xf32, #tpu.memory_space<vmem>>) dst(%dma_wait3A_256 : memref<32x128xf32, #tpu.memory_space<hbm>>)
      tpu.yield
    }) : () -> ()
    %mul3A_119 = arith.constant 640 : i32
    %mul3A_120 = arith.muli %arg1, %mul3A_119 : i32
    %add3A_121 = arith.constant 128 : i32
    %add3A_122 = arith.addi %mul3A_120, %add3A_121 : i32
    "tpu.region"() ({
      %run_scoped3A = tpu.sem_alloc : memref<!tpu.dma_semaphore, #tpu.memory_space<semaphore_mem>>
      %dma_start3A = arith.constant 0 : i32
      %dma_start3A_247 = tpu.memref_slice %arg12[%add3A_122, %dma_start3A] : memref<10240x128xf32, #tpu.memory_space<vmem_shared>> -> memref<32x128xf32, #tpu.memory_space<vmem_shared>>
      %dma_start3A_248 = arith.constant 0 : i32
      %dma_start3A_249 = tpu.memref_slice %arg12[%add3A_122, %dma_start3A_248] : memref<10240x128xf32, #tpu.memory_space<vmem_shared>> -> memref<32x128xf32, #tpu.memory_space<vmem_shared>>
      tpu.enqueue_dma source(%dma_start3A_249 : memref<32x128xf32, #tpu.memory_space<vmem_shared>>) target(%arg11 : memref<32x128xf32, #tpu.memory_space<vmem>>) target_semaphore(%run_scoped3A : memref<!tpu.dma_semaphore, #tpu.memory_space<semaphore_mem>>)
      %dma_wait3A = arith.constant 0 : i32
      %dma_wait3A_250 = tpu.memref_slice %arg12[%add3A_122, %dma_wait3A] : memref<10240x128xf32, #tpu.memory_space<vmem_shared>> -> memref<32x128xf32, #tpu.memory_space<vmem_shared>>
      %dma_wait3A_251 = arith.constant 0 : i32
      %dma_wait3A_252 = tpu.memref_slice %arg12[%add3A_122, %dma_wait3A_251] : memref<10240x128xf32, #tpu.memory_space<vmem_shared>> -> memref<32x128xf32, #tpu.memory_space<vmem_shared>>
      tpu.wait_dma2 semaphore(%run_scoped3A : memref<!tpu.dma_semaphore, #tpu.memory_space<semaphore_mem>>) src(%dma_wait3A_252 : memref<32x128xf32, #tpu.memory_space<vmem_shared>>) dst(%arg11 : memref<32x128xf32, #tpu.memory_space<vmem>>)
      tpu.yield
    }) : () -> ()
    %mul3A_123 = arith.constant 640 : i32
    %mul3A_124 = arith.muli %arg1, %mul3A_123 : i32
    %add3A_125 = arith.constant 128 : i32
    %add3A_126 = arith.addi %mul3A_124, %add3A_125 : i32
    "tpu.region"() ({
      %run_scoped3A = tpu.sem_alloc : memref<!tpu.dma_semaphore, #tpu.memory_space<semaphore_mem>>
      %dma_start3A = arith.constant 0 : i32
      %dma_start3A_247 = tpu.memref_slice %arg6[%arg0, %add3A_126, %dma_start3A] : memref<2x10240x128xf32, #tpu.memory_space<hbm>> -> memref<1x32x128xf32, #tpu.memory_space<hbm>>
      %dma_start3A_248 = tpu.memref_squeeze %dma_start3A_247 : memref<1x32x128xf32, #tpu.memory_space<hbm>> -> memref<32x128xf32, #tpu.memory_space<hbm>>
      %dma_start3A_249 = arith.constant 0 : i32
      %dma_start3A_250 = tpu.memref_slice %arg6[%arg0, %add3A_126, %dma_start3A_249] : memref<2x10240x128xf32, #tpu.memory_space<hbm>> -> memref<1x32x128xf32, #tpu.memory_space<hbm>>
      %dma_start3A_251 = tpu.memref_squeeze %dma_start3A_250 : memref<1x32x128xf32, #tpu.memory_space<hbm>> -> memref<32x128xf32, #tpu.memory_space<hbm>>
      tpu.enqueue_dma source(%arg11 : memref<32x128xf32, #tpu.memory_space<vmem>>) target(%dma_start3A_251 : memref<32x128xf32, #tpu.memory_space<hbm>>) target_semaphore(%run_scoped3A : memref<!tpu.dma_semaphore, #tpu.memory_space<semaphore_mem>>)
      %dma_wait3A = arith.constant 0 : i32
      %dma_wait3A_252 = tpu.memref_slice %arg6[%arg0, %add3A_126, %dma_wait3A] : memref<2x10240x128xf32, #tpu.memory_space<hbm>> -> memref<1x32x128xf32, #tpu.memory_space<hbm>>
      %dma_wait3A_253 = tpu.memref_squeeze %dma_wait3A_252 : memref<1x32x128xf32, #tpu.memory_space<hbm>> -> memref<32x128xf32, #tpu.memory_space<hbm>>
      %dma_wait3A_254 = arith.constant 0 : i32
      %dma_wait3A_255 = tpu.memref_slice %arg6[%arg0, %add3A_126, %dma_wait3A_254] : memref<2x10240x128xf32, #tpu.memory_space<hbm>> -> memref<1x32x128xf32, #tpu.memory_space<hbm>>
      %dma_wait3A_256 = tpu.memref_squeeze %dma_wait3A_255 : memref<1x32x128xf32, #tpu.memory_space<hbm>> -> memref<32x128xf32, #tpu.memory_space<hbm>>
      tpu.wait_dma2 semaphore(%run_scoped3A : memref<!tpu.dma_semaphore, #tpu.memory_space<semaphore_mem>>) src(%arg11 : memref<32x128xf32, #tpu.memory_space<vmem>>) dst(%dma_wait3A_256 : memref<32x128xf32, #tpu.memory_space<hbm>>)
      tpu.yield
    }) : () -> ()
    %mul3A_127 = arith.constant 640 : i32
    %mul3A_128 = arith.muli %arg1, %mul3A_127 : i32
    %add3A_129 = arith.constant 160 : i32
    %add3A_130 = arith.addi %mul3A_128, %add3A_129 : i32
    "tpu.region"() ({
      %run_scoped3A = tpu.sem_alloc : memref<!tpu.dma_semaphore, #tpu.memory_space<semaphore_mem>>
      %dma_start3A = arith.constant 0 : i32
      %dma_start3A_247 = tpu.memref_slice %arg12[%add3A_130, %dma_start3A] : memref<10240x128xf32, #tpu.memory_space<vmem_shared>> -> memref<32x128xf32, #tpu.memory_space<vmem_shared>>
      %dma_start3A_248 = arith.constant 0 : i32
      %dma_start3A_249 = tpu.memref_slice %arg12[%add3A_130, %dma_start3A_248] : memref<10240x128xf32, #tpu.memory_space<vmem_shared>> -> memref<32x128xf32, #tpu.memory_space<vmem_shared>>
      tpu.enqueue_dma source(%dma_start3A_249 : memref<32x128xf32, #tpu.memory_space<vmem_shared>>) target(%arg11 : memref<32x128xf32, #tpu.memory_space<vmem>>) target_semaphore(%run_scoped3A : memref<!tpu.dma_semaphore, #tpu.memory_space<semaphore_mem>>)
      %dma_wait3A = arith.constant 0 : i32
      %dma_wait3A_250 = tpu.memref_slice %arg12[%add3A_130, %dma_wait3A] : memref<10240x128xf32, #tpu.memory_space<vmem_shared>> -> memref<32x128xf32, #tpu.memory_space<vmem_shared>>
      %dma_wait3A_251 = arith.constant 0 : i32
      %dma_wait3A_252 = tpu.memref_slice %arg12[%add3A_130, %dma_wait3A_251] : memref<10240x128xf32, #tpu.memory_space<vmem_shared>> -> memref<32x128xf32, #tpu.memory_space<vmem_shared>>
      tpu.wait_dma2 semaphore(%run_scoped3A : memref<!tpu.dma_semaphore, #tpu.memory_space<semaphore_mem>>) src(%dma_wait3A_252 : memref<32x128xf32, #tpu.memory_space<vmem_shared>>) dst(%arg11 : memref<32x128xf32, #tpu.memory_space<vmem>>)
      tpu.yield
    }) : () -> ()
    %mul3A_131 = arith.constant 640 : i32
    %mul3A_132 = arith.muli %arg1, %mul3A_131 : i32
    %add3A_133 = arith.constant 160 : i32
    %add3A_134 = arith.addi %mul3A_132, %add3A_133 : i32
    "tpu.region"() ({
      %run_scoped3A = tpu.sem_alloc : memref<!tpu.dma_semaphore, #tpu.memory_space<semaphore_mem>>
      %dma_start3A = arith.constant 0 : i32
      %dma_start3A_247 = tpu.memref_slice %arg6[%arg0, %add3A_134, %dma_start3A] : memref<2x10240x128xf32, #tpu.memory_space<hbm>> -> memref<1x32x128xf32, #tpu.memory_space<hbm>>
      %dma_start3A_248 = tpu.memref_squeeze %dma_start3A_247 : memref<1x32x128xf32, #tpu.memory_space<hbm>> -> memref<32x128xf32, #tpu.memory_space<hbm>>
      %dma_start3A_249 = arith.constant 0 : i32
      %dma_start3A_250 = tpu.memref_slice %arg6[%arg0, %add3A_134, %dma_start3A_249] : memref<2x10240x128xf32, #tpu.memory_space<hbm>> -> memref<1x32x128xf32, #tpu.memory_space<hbm>>
      %dma_start3A_251 = tpu.memref_squeeze %dma_start3A_250 : memref<1x32x128xf32, #tpu.memory_space<hbm>> -> memref<32x128xf32, #tpu.memory_space<hbm>>
      tpu.enqueue_dma source(%arg11 : memref<32x128xf32, #tpu.memory_space<vmem>>) target(%dma_start3A_251 : memref<32x128xf32, #tpu.memory_space<hbm>>) target_semaphore(%run_scoped3A : memref<!tpu.dma_semaphore, #tpu.memory_space<semaphore_mem>>)
      %dma_wait3A = arith.constant 0 : i32
      %dma_wait3A_252 = tpu.memref_slice %arg6[%arg0, %add3A_134, %dma_wait3A] : memref<2x10240x128xf32, #tpu.memory_space<hbm>> -> memref<1x32x128xf32, #tpu.memory_space<hbm>>
      %dma_wait3A_253 = tpu.memref_squeeze %dma_wait3A_252 : memref<1x32x128xf32, #tpu.memory_space<hbm>> -> memref<32x128xf32, #tpu.memory_space<hbm>>
      %dma_wait3A_254 = arith.constant 0 : i32
      %dma_wait3A_255 = tpu.memref_slice %arg6[%arg0, %add3A_134, %dma_wait3A_254] : memref<2x10240x128xf32, #tpu.memory_space<hbm>> -> memref<1x32x128xf32, #tpu.memory_space<hbm>>
      %dma_wait3A_256 = tpu.memref_squeeze %dma_wait3A_255 : memref<1x32x128xf32, #tpu.memory_space<hbm>> -> memref<32x128xf32, #tpu.memory_space<hbm>>
      tpu.wait_dma2 semaphore(%run_scoped3A : memref<!tpu.dma_semaphore, #tpu.memory_space<semaphore_mem>>) src(%arg11 : memref<32x128xf32, #tpu.memory_space<vmem>>) dst(%dma_wait3A_256 : memref<32x128xf32, #tpu.memory_space<hbm>>)
      tpu.yield
    }) : () -> ()
    %mul3A_135 = arith.constant 640 : i32
    %mul3A_136 = arith.muli %arg1, %mul3A_135 : i32
    %add3A_137 = arith.constant 192 : i32
    %add3A_138 = arith.addi %mul3A_136, %add3A_137 : i32
    "tpu.region"() ({
      %run_scoped3A = tpu.sem_alloc : memref<!tpu.dma_semaphore, #tpu.memory_space<semaphore_mem>>
      %dma_start3A = arith.constant 0 : i32
      %dma_start3A_247 = tpu.memref_slice %arg12[%add3A_138, %dma_start3A] : memref<10240x128xf32, #tpu.memory_space<vmem_shared>> -> memref<32x128xf32, #tpu.memory_space<vmem_shared>>
      %dma_start3A_248 = arith.constant 0 : i32
      %dma_start3A_249 = tpu.memref_slice %arg12[%add3A_138, %dma_start3A_248] : memref<10240x128xf32, #tpu.memory_space<vmem_shared>> -> memref<32x128xf32, #tpu.memory_space<vmem_shared>>
      tpu.enqueue_dma source(%dma_start3A_249 : memref<32x128xf32, #tpu.memory_space<vmem_shared>>) target(%arg11 : memref<32x128xf32, #tpu.memory_space<vmem>>) target_semaphore(%run_scoped3A : memref<!tpu.dma_semaphore, #tpu.memory_space<semaphore_mem>>)
      %dma_wait3A = arith.constant 0 : i32
      %dma_wait3A_250 = tpu.memref_slice %arg12[%add3A_138, %dma_wait3A] : memref<10240x128xf32, #tpu.memory_space<vmem_shared>> -> memref<32x128xf32, #tpu.memory_space<vmem_shared>>
      %dma_wait3A_251 = arith.constant 0 : i32
      %dma_wait3A_252 = tpu.memref_slice %arg12[%add3A_138, %dma_wait3A_251] : memref<10240x128xf32, #tpu.memory_space<vmem_shared>> -> memref<32x128xf32, #tpu.memory_space<vmem_shared>>
      tpu.wait_dma2 semaphore(%run_scoped3A : memref<!tpu.dma_semaphore, #tpu.memory_space<semaphore_mem>>) src(%dma_wait3A_252 : memref<32x128xf32, #tpu.memory_space<vmem_shared>>) dst(%arg11 : memref<32x128xf32, #tpu.memory_space<vmem>>)
      tpu.yield
    }) : () -> ()
    %mul3A_139 = arith.constant 640 : i32
    %mul3A_140 = arith.muli %arg1, %mul3A_139 : i32
    %add3A_141 = arith.constant 192 : i32
    %add3A_142 = arith.addi %mul3A_140, %add3A_141 : i32
    "tpu.region"() ({
      %run_scoped3A = tpu.sem_alloc : memref<!tpu.dma_semaphore, #tpu.memory_space<semaphore_mem>>
      %dma_start3A = arith.constant 0 : i32
      %dma_start3A_247 = tpu.memref_slice %arg6[%arg0, %add3A_142, %dma_start3A] : memref<2x10240x128xf32, #tpu.memory_space<hbm>> -> memref<1x32x128xf32, #tpu.memory_space<hbm>>
      %dma_start3A_248 = tpu.memref_squeeze %dma_start3A_247 : memref<1x32x128xf32, #tpu.memory_space<hbm>> -> memref<32x128xf32, #tpu.memory_space<hbm>>
      %dma_start3A_249 = arith.constant 0 : i32
      %dma_start3A_250 = tpu.memref_slice %arg6[%arg0, %add3A_142, %dma_start3A_249] : memref<2x10240x128xf32, #tpu.memory_space<hbm>> -> memref<1x32x128xf32, #tpu.memory_space<hbm>>
      %dma_start3A_251 = tpu.memref_squeeze %dma_start3A_250 : memref<1x32x128xf32, #tpu.memory_space<hbm>> -> memref<32x128xf32, #tpu.memory_space<hbm>>
      tpu.enqueue_dma source(%arg11 : memref<32x128xf32, #tpu.memory_space<vmem>>) target(%dma_start3A_251 : memref<32x128xf32, #tpu.memory_space<hbm>>) target_semaphore(%run_scoped3A : memref<!tpu.dma_semaphore, #tpu.memory_space<semaphore_mem>>)
      %dma_wait3A = arith.constant 0 : i32
      %dma_wait3A_252 = tpu.memref_slice %arg6[%arg0, %add3A_142, %dma_wait3A] : memref<2x10240x128xf32, #tpu.memory_space<hbm>> -> memref<1x32x128xf32, #tpu.memory_space<hbm>>
      %dma_wait3A_253 = tpu.memref_squeeze %dma_wait3A_252 : memref<1x32x128xf32, #tpu.memory_space<hbm>> -> memref<32x128xf32, #tpu.memory_space<hbm>>
      %dma_wait3A_254 = arith.constant 0 : i32
      %dma_wait3A_255 = tpu.memref_slice %arg6[%arg0, %add3A_142, %dma_wait3A_254] : memref<2x10240x128xf32, #tpu.memory_space<hbm>> -> memref<1x32x128xf32, #tpu.memory_space<hbm>>
      %dma_wait3A_256 = tpu.memref_squeeze %dma_wait3A_255 : memref<1x32x128xf32, #tpu.memory_space<hbm>> -> memref<32x128xf32, #tpu.memory_space<hbm>>
      tpu.wait_dma2 semaphore(%run_scoped3A : memref<!tpu.dma_semaphore, #tpu.memory_space<semaphore_mem>>) src(%arg11 : memref<32x128xf32, #tpu.memory_space<vmem>>) dst(%dma_wait3A_256 : memref<32x128xf32, #tpu.memory_space<hbm>>)
      tpu.yield
    }) : () -> ()
    %mul3A_143 = arith.constant 640 : i32
    %mul3A_144 = arith.muli %arg1, %mul3A_143 : i32
    %add3A_145 = arith.constant 224 : i32
    %add3A_146 = arith.addi %mul3A_144, %add3A_145 : i32
    "tpu.region"() ({
      %run_scoped3A = tpu.sem_alloc : memref<!tpu.dma_semaphore, #tpu.memory_space<semaphore_mem>>
      %dma_start3A = arith.constant 0 : i32
      %dma_start3A_247 = tpu.memref_slice %arg12[%add3A_146, %dma_start3A] : memref<10240x128xf32, #tpu.memory_space<vmem_shared>> -> memref<32x128xf32, #tpu.memory_space<vmem_shared>>
      %dma_start3A_248 = arith.constant 0 : i32
      %dma_start3A_249 = tpu.memref_slice %arg12[%add3A_146, %dma_start3A_248] : memref<10240x128xf32, #tpu.memory_space<vmem_shared>> -> memref<32x128xf32, #tpu.memory_space<vmem_shared>>
      tpu.enqueue_dma source(%dma_start3A_249 : memref<32x128xf32, #tpu.memory_space<vmem_shared>>) target(%arg11 : memref<32x128xf32, #tpu.memory_space<vmem>>) target_semaphore(%run_scoped3A : memref<!tpu.dma_semaphore, #tpu.memory_space<semaphore_mem>>)
      %dma_wait3A = arith.constant 0 : i32
      %dma_wait3A_250 = tpu.memref_slice %arg12[%add3A_146, %dma_wait3A] : memref<10240x128xf32, #tpu.memory_space<vmem_shared>> -> memref<32x128xf32, #tpu.memory_space<vmem_shared>>
      %dma_wait3A_251 = arith.constant 0 : i32
      %dma_wait3A_252 = tpu.memref_slice %arg12[%add3A_146, %dma_wait3A_251] : memref<10240x128xf32, #tpu.memory_space<vmem_shared>> -> memref<32x128xf32, #tpu.memory_space<vmem_shared>>
      tpu.wait_dma2 semaphore(%run_scoped3A : memref<!tpu.dma_semaphore, #tpu.memory_space<semaphore_mem>>) src(%dma_wait3A_252 : memref<32x128xf32, #tpu.memory_space<vmem_shared>>) dst(%arg11 : memref<32x128xf32, #tpu.memory_space<vmem>>)
      tpu.yield
    }) : () -> ()
    %mul3A_147 = arith.constant 640 : i32
    %mul3A_148 = arith.muli %arg1, %mul3A_147 : i32
    %add3A_149 = arith.constant 224 : i32
    %add3A_150 = arith.addi %mul3A_148, %add3A_149 : i32
    "tpu.region"() ({
      %run_scoped3A = tpu.sem_alloc : memref<!tpu.dma_semaphore, #tpu.memory_space<semaphore_mem>>
      %dma_start3A = arith.constant 0 : i32
      %dma_start3A_247 = tpu.memref_slice %arg6[%arg0, %add3A_150, %dma_start3A] : memref<2x10240x128xf32, #tpu.memory_space<hbm>> -> memref<1x32x128xf32, #tpu.memory_space<hbm>>
      %dma_start3A_248 = tpu.memref_squeeze %dma_start3A_247 : memref<1x32x128xf32, #tpu.memory_space<hbm>> -> memref<32x128xf32, #tpu.memory_space<hbm>>
      %dma_start3A_249 = arith.constant 0 : i32
      %dma_start3A_250 = tpu.memref_slice %arg6[%arg0, %add3A_150, %dma_start3A_249] : memref<2x10240x128xf32, #tpu.memory_space<hbm>> -> memref<1x32x128xf32, #tpu.memory_space<hbm>>
      %dma_start3A_251 = tpu.memref_squeeze %dma_start3A_250 : memref<1x32x128xf32, #tpu.memory_space<hbm>> -> memref<32x128xf32, #tpu.memory_space<hbm>>
      tpu.enqueue_dma source(%arg11 : memref<32x128xf32, #tpu.memory_space<vmem>>) target(%dma_start3A_251 : memref<32x128xf32, #tpu.memory_space<hbm>>) target_semaphore(%run_scoped3A : memref<!tpu.dma_semaphore, #tpu.memory_space<semaphore_mem>>)
      %dma_wait3A = arith.constant 0 : i32
      %dma_wait3A_252 = tpu.memref_slice %arg6[%arg0, %add3A_150, %dma_wait3A] : memref<2x10240x128xf32, #tpu.memory_space<hbm>> -> memref<1x32x128xf32, #tpu.memory_space<hbm>>
      %dma_wait3A_253 = tpu.memref_squeeze %dma_wait3A_252 : memref<1x32x128xf32, #tpu.memory_space<hbm>> -> memref<32x128xf32, #tpu.memory_space<hbm>>
      %dma_wait3A_254 = arith.constant 0 : i32
      %dma_wait3A_255 = tpu.memref_slice %arg6[%arg0, %add3A_150, %dma_wait3A_254] : memref<2x10240x128xf32, #tpu.memory_space<hbm>> -> memref<1x32x128xf32, #tpu.memory_space<hbm>>
      %dma_wait3A_256 = tpu.memref_squeeze %dma_wait3A_255 : memref<1x32x128xf32, #tpu.memory_space<hbm>> -> memref<32x128xf32, #tpu.memory_space<hbm>>
      tpu.wait_dma2 semaphore(%run_scoped3A : memref<!tpu.dma_semaphore, #tpu.memory_space<semaphore_mem>>) src(%arg11 : memref<32x128xf32, #tpu.memory_space<vmem>>) dst(%dma_wait3A_256 : memref<32x128xf32, #tpu.memory_space<hbm>>)
      tpu.yield
    }) : () -> ()
    %mul3A_151 = arith.constant 640 : i32
    %mul3A_152 = arith.muli %arg1, %mul3A_151 : i32
    %add3A_153 = arith.constant 256 : i32
    %add3A_154 = arith.addi %mul3A_152, %add3A_153 : i32
    "tpu.region"() ({
      %run_scoped3A = tpu.sem_alloc : memref<!tpu.dma_semaphore, #tpu.memory_space<semaphore_mem>>
      %dma_start3A = arith.constant 0 : i32
      %dma_start3A_247 = tpu.memref_slice %arg12[%add3A_154, %dma_start3A] : memref<10240x128xf32, #tpu.memory_space<vmem_shared>> -> memref<32x128xf32, #tpu.memory_space<vmem_shared>>
      %dma_start3A_248 = arith.constant 0 : i32
      %dma_start3A_249 = tpu.memref_slice %arg12[%add3A_154, %dma_start3A_248] : memref<10240x128xf32, #tpu.memory_space<vmem_shared>> -> memref<32x128xf32, #tpu.memory_space<vmem_shared>>
      tpu.enqueue_dma source(%dma_start3A_249 : memref<32x128xf32, #tpu.memory_space<vmem_shared>>) target(%arg11 : memref<32x128xf32, #tpu.memory_space<vmem>>) target_semaphore(%run_scoped3A : memref<!tpu.dma_semaphore, #tpu.memory_space<semaphore_mem>>)
      %dma_wait3A = arith.constant 0 : i32
      %dma_wait3A_250 = tpu.memref_slice %arg12[%add3A_154, %dma_wait3A] : memref<10240x128xf32, #tpu.memory_space<vmem_shared>> -> memref<32x128xf32, #tpu.memory_space<vmem_shared>>
      %dma_wait3A_251 = arith.constant 0 : i32
      %dma_wait3A_252 = tpu.memref_slice %arg12[%add3A_154, %dma_wait3A_251] : memref<10240x128xf32, #tpu.memory_space<vmem_shared>> -> memref<32x128xf32, #tpu.memory_space<vmem_shared>>
      tpu.wait_dma2 semaphore(%run_scoped3A : memref<!tpu.dma_semaphore, #tpu.memory_space<semaphore_mem>>) src(%dma_wait3A_252 : memref<32x128xf32, #tpu.memory_space<vmem_shared>>) dst(%arg11 : memref<32x128xf32, #tpu.memory_space<vmem>>)
      tpu.yield
    }) : () -> ()
    %mul3A_155 = arith.constant 640 : i32
    %mul3A_156 = arith.muli %arg1, %mul3A_155 : i32
    %add3A_157 = arith.constant 256 : i32
    %add3A_158 = arith.addi %mul3A_156, %add3A_157 : i32
    "tpu.region"() ({
      %run_scoped3A = tpu.sem_alloc : memref<!tpu.dma_semaphore, #tpu.memory_space<semaphore_mem>>
      %dma_start3A = arith.constant 0 : i32
      %dma_start3A_247 = tpu.memref_slice %arg6[%arg0, %add3A_158, %dma_start3A] : memref<2x10240x128xf32, #tpu.memory_space<hbm>> -> memref<1x32x128xf32, #tpu.memory_space<hbm>>
      %dma_start3A_248 = tpu.memref_squeeze %dma_start3A_247 : memref<1x32x128xf32, #tpu.memory_space<hbm>> -> memref<32x128xf32, #tpu.memory_space<hbm>>
      %dma_start3A_249 = arith.constant 0 : i32
      %dma_start3A_250 = tpu.memref_slice %arg6[%arg0, %add3A_158, %dma_start3A_249] : memref<2x10240x128xf32, #tpu.memory_space<hbm>> -> memref<1x32x128xf32, #tpu.memory_space<hbm>>
      %dma_start3A_251 = tpu.memref_squeeze %dma_start3A_250 : memref<1x32x128xf32, #tpu.memory_space<hbm>> -> memref<32x128xf32, #tpu.memory_space<hbm>>
      tpu.enqueue_dma source(%arg11 : memref<32x128xf32, #tpu.memory_space<vmem>>) target(%dma_start3A_251 : memref<32x128xf32, #tpu.memory_space<hbm>>) target_semaphore(%run_scoped3A : memref<!tpu.dma_semaphore, #tpu.memory_space<semaphore_mem>>)
      %dma_wait3A = arith.constant 0 : i32
      %dma_wait3A_252 = tpu.memref_slice %arg6[%arg0, %add3A_158, %dma_wait3A] : memref<2x10240x128xf32, #tpu.memory_space<hbm>> -> memref<1x32x128xf32, #tpu.memory_space<hbm>>
      %dma_wait3A_253 = tpu.memref_squeeze %dma_wait3A_252 : memref<1x32x128xf32, #tpu.memory_space<hbm>> -> memref<32x128xf32, #tpu.memory_space<hbm>>
      %dma_wait3A_254 = arith.constant 0 : i32
      %dma_wait3A_255 = tpu.memref_slice %arg6[%arg0, %add3A_158, %dma_wait3A_254] : memref<2x10240x128xf32, #tpu.memory_space<hbm>> -> memref<1x32x128xf32, #tpu.memory_space<hbm>>
      %dma_wait3A_256 = tpu.memref_squeeze %dma_wait3A_255 : memref<1x32x128xf32, #tpu.memory_space<hbm>> -> memref<32x128xf32, #tpu.memory_space<hbm>>
      tpu.wait_dma2 semaphore(%run_scoped3A : memref<!tpu.dma_semaphore, #tpu.memory_space<semaphore_mem>>) src(%arg11 : memref<32x128xf32, #tpu.memory_space<vmem>>) dst(%dma_wait3A_256 : memref<32x128xf32, #tpu.memory_space<hbm>>)
      tpu.yield
    }) : () -> ()
    %mul3A_159 = arith.constant 640 : i32
    %mul3A_160 = arith.muli %arg1, %mul3A_159 : i32
    %add3A_161 = arith.constant 288 : i32
    %add3A_162 = arith.addi %mul3A_160, %add3A_161 : i32
    "tpu.region"() ({
      %run_scoped3A = tpu.sem_alloc : memref<!tpu.dma_semaphore, #tpu.memory_space<semaphore_mem>>
      %dma_start3A = arith.constant 0 : i32
      %dma_start3A_247 = tpu.memref_slice %arg12[%add3A_162, %dma_start3A] : memref<10240x128xf32, #tpu.memory_space<vmem_shared>> -> memref<32x128xf32, #tpu.memory_space<vmem_shared>>
      %dma_start3A_248 = arith.constant 0 : i32
      %dma_start3A_249 = tpu.memref_slice %arg12[%add3A_162, %dma_start3A_248] : memref<10240x128xf32, #tpu.memory_space<vmem_shared>> -> memref<32x128xf32, #tpu.memory_space<vmem_shared>>
      tpu.enqueue_dma source(%dma_start3A_249 : memref<32x128xf32, #tpu.memory_space<vmem_shared>>) target(%arg11 : memref<32x128xf32, #tpu.memory_space<vmem>>) target_semaphore(%run_scoped3A : memref<!tpu.dma_semaphore, #tpu.memory_space<semaphore_mem>>)
      %dma_wait3A = arith.constant 0 : i32
      %dma_wait3A_250 = tpu.memref_slice %arg12[%add3A_162, %dma_wait3A] : memref<10240x128xf32, #tpu.memory_space<vmem_shared>> -> memref<32x128xf32, #tpu.memory_space<vmem_shared>>
      %dma_wait3A_251 = arith.constant 0 : i32
      %dma_wait3A_252 = tpu.memref_slice %arg12[%add3A_162, %dma_wait3A_251] : memref<10240x128xf32, #tpu.memory_space<vmem_shared>> -> memref<32x128xf32, #tpu.memory_space<vmem_shared>>
      tpu.wait_dma2 semaphore(%run_scoped3A : memref<!tpu.dma_semaphore, #tpu.memory_space<semaphore_mem>>) src(%dma_wait3A_252 : memref<32x128xf32, #tpu.memory_space<vmem_shared>>) dst(%arg11 : memref<32x128xf32, #tpu.memory_space<vmem>>)
      tpu.yield
    }) : () -> ()
    %mul3A_163 = arith.constant 640 : i32
    %mul3A_164 = arith.muli %arg1, %mul3A_163 : i32
    %add3A_165 = arith.constant 288 : i32
    %add3A_166 = arith.addi %mul3A_164, %add3A_165 : i32
    "tpu.region"() ({
      %run_scoped3A = tpu.sem_alloc : memref<!tpu.dma_semaphore, #tpu.memory_space<semaphore_mem>>
      %dma_start3A = arith.constant 0 : i32
      %dma_start3A_247 = tpu.memref_slice %arg6[%arg0, %add3A_166, %dma_start3A] : memref<2x10240x128xf32, #tpu.memory_space<hbm>> -> memref<1x32x128xf32, #tpu.memory_space<hbm>>
      %dma_start3A_248 = tpu.memref_squeeze %dma_start3A_247 : memref<1x32x128xf32, #tpu.memory_space<hbm>> -> memref<32x128xf32, #tpu.memory_space<hbm>>
      %dma_start3A_249 = arith.constant 0 : i32
      %dma_start3A_250 = tpu.memref_slice %arg6[%arg0, %add3A_166, %dma_start3A_249] : memref<2x10240x128xf32, #tpu.memory_space<hbm>> -> memref<1x32x128xf32, #tpu.memory_space<hbm>>
      %dma_start3A_251 = tpu.memref_squeeze %dma_start3A_250 : memref<1x32x128xf32, #tpu.memory_space<hbm>> -> memref<32x128xf32, #tpu.memory_space<hbm>>
      tpu.enqueue_dma source(%arg11 : memref<32x128xf32, #tpu.memory_space<vmem>>) target(%dma_start3A_251 : memref<32x128xf32, #tpu.memory_space<hbm>>) target_semaphore(%run_scoped3A : memref<!tpu.dma_semaphore, #tpu.memory_space<semaphore_mem>>)
      %dma_wait3A = arith.constant 0 : i32
      %dma_wait3A_252 = tpu.memref_slice %arg6[%arg0, %add3A_166, %dma_wait3A] : memref<2x10240x128xf32, #tpu.memory_space<hbm>> -> memref<1x32x128xf32, #tpu.memory_space<hbm>>
      %dma_wait3A_253 = tpu.memref_squeeze %dma_wait3A_252 : memref<1x32x128xf32, #tpu.memory_space<hbm>> -> memref<32x128xf32, #tpu.memory_space<hbm>>
      %dma_wait3A_254 = arith.constant 0 : i32
      %dma_wait3A_255 = tpu.memref_slice %arg6[%arg0, %add3A_166, %dma_wait3A_254] : memref<2x10240x128xf32, #tpu.memory_space<hbm>> -> memref<1x32x128xf32, #tpu.memory_space<hbm>>
      %dma_wait3A_256 = tpu.memref_squeeze %dma_wait3A_255 : memref<1x32x128xf32, #tpu.memory_space<hbm>> -> memref<32x128xf32, #tpu.memory_space<hbm>>
      tpu.wait_dma2 semaphore(%run_scoped3A : memref<!tpu.dma_semaphore, #tpu.memory_space<semaphore_mem>>) src(%arg11 : memref<32x128xf32, #tpu.memory_space<vmem>>) dst(%dma_wait3A_256 : memref<32x128xf32, #tpu.memory_space<hbm>>)
      tpu.yield
    }) : () -> ()
    %mul3A_167 = arith.constant 640 : i32
    %mul3A_168 = arith.muli %arg1, %mul3A_167 : i32
    %add3A_169 = arith.constant 320 : i32
    %add3A_170 = arith.addi %mul3A_168, %add3A_169 : i32
    "tpu.region"() ({
      %run_scoped3A = tpu.sem_alloc : memref<!tpu.dma_semaphore, #tpu.memory_space<semaphore_mem>>
      %dma_start3A = arith.constant 0 : i32
      %dma_start3A_247 = tpu.memref_slice %arg12[%add3A_170, %dma_start3A] : memref<10240x128xf32, #tpu.memory_space<vmem_shared>> -> memref<32x128xf32, #tpu.memory_space<vmem_shared>>
      %dma_start3A_248 = arith.constant 0 : i32
      %dma_start3A_249 = tpu.memref_slice %arg12[%add3A_170, %dma_start3A_248] : memref<10240x128xf32, #tpu.memory_space<vmem_shared>> -> memref<32x128xf32, #tpu.memory_space<vmem_shared>>
      tpu.enqueue_dma source(%dma_start3A_249 : memref<32x128xf32, #tpu.memory_space<vmem_shared>>) target(%arg11 : memref<32x128xf32, #tpu.memory_space<vmem>>) target_semaphore(%run_scoped3A : memref<!tpu.dma_semaphore, #tpu.memory_space<semaphore_mem>>)
      %dma_wait3A = arith.constant 0 : i32
      %dma_wait3A_250 = tpu.memref_slice %arg12[%add3A_170, %dma_wait3A] : memref<10240x128xf32, #tpu.memory_space<vmem_shared>> -> memref<32x128xf32, #tpu.memory_space<vmem_shared>>
      %dma_wait3A_251 = arith.constant 0 : i32
      %dma_wait3A_252 = tpu.memref_slice %arg12[%add3A_170, %dma_wait3A_251] : memref<10240x128xf32, #tpu.memory_space<vmem_shared>> -> memref<32x128xf32, #tpu.memory_space<vmem_shared>>
      tpu.wait_dma2 semaphore(%run_scoped3A : memref<!tpu.dma_semaphore, #tpu.memory_space<semaphore_mem>>) src(%dma_wait3A_252 : memref<32x128xf32, #tpu.memory_space<vmem_shared>>) dst(%arg11 : memref<32x128xf32, #tpu.memory_space<vmem>>)
      tpu.yield
    }) : () -> ()
    %mul3A_171 = arith.constant 640 : i32
    %mul3A_172 = arith.muli %arg1, %mul3A_171 : i32
    %add3A_173 = arith.constant 320 : i32
    %add3A_174 = arith.addi %mul3A_172, %add3A_173 : i32
    "tpu.region"() ({
      %run_scoped3A = tpu.sem_alloc : memref<!tpu.dma_semaphore, #tpu.memory_space<semaphore_mem>>
      %dma_start3A = arith.constant 0 : i32
      %dma_start3A_247 = tpu.memref_slice %arg6[%arg0, %add3A_174, %dma_start3A] : memref<2x10240x128xf32, #tpu.memory_space<hbm>> -> memref<1x32x128xf32, #tpu.memory_space<hbm>>
      %dma_start3A_248 = tpu.memref_squeeze %dma_start3A_247 : memref<1x32x128xf32, #tpu.memory_space<hbm>> -> memref<32x128xf32, #tpu.memory_space<hbm>>
      %dma_start3A_249 = arith.constant 0 : i32
      %dma_start3A_250 = tpu.memref_slice %arg6[%arg0, %add3A_174, %dma_start3A_249] : memref<2x10240x128xf32, #tpu.memory_space<hbm>> -> memref<1x32x128xf32, #tpu.memory_space<hbm>>
      %dma_start3A_251 = tpu.memref_squeeze %dma_start3A_250 : memref<1x32x128xf32, #tpu.memory_space<hbm>> -> memref<32x128xf32, #tpu.memory_space<hbm>>
      tpu.enqueue_dma source(%arg11 : memref<32x128xf32, #tpu.memory_space<vmem>>) target(%dma_start3A_251 : memref<32x128xf32, #tpu.memory_space<hbm>>) target_semaphore(%run_scoped3A : memref<!tpu.dma_semaphore, #tpu.memory_space<semaphore_mem>>)
      %dma_wait3A = arith.constant 0 : i32
      %dma_wait3A_252 = tpu.memref_slice %arg6[%arg0, %add3A_174, %dma_wait3A] : memref<2x10240x128xf32, #tpu.memory_space<hbm>> -> memref<1x32x128xf32, #tpu.memory_space<hbm>>
      %dma_wait3A_253 = tpu.memref_squeeze %dma_wait3A_252 : memref<1x32x128xf32, #tpu.memory_space<hbm>> -> memref<32x128xf32, #tpu.memory_space<hbm>>
      %dma_wait3A_254 = arith.constant 0 : i32
      %dma_wait3A_255 = tpu.memref_slice %arg6[%arg0, %add3A_174, %dma_wait3A_254] : memref<2x10240x128xf32, #tpu.memory_space<hbm>> -> memref<1x32x128xf32, #tpu.memory_space<hbm>>
      %dma_wait3A_256 = tpu.memref_squeeze %dma_wait3A_255 : memref<1x32x128xf32, #tpu.memory_space<hbm>> -> memref<32x128xf32, #tpu.memory_space<hbm>>
      tpu.wait_dma2 semaphore(%run_scoped3A : memref<!tpu.dma_semaphore, #tpu.memory_space<semaphore_mem>>) src(%arg11 : memref<32x128xf32, #tpu.memory_space<vmem>>) dst(%dma_wait3A_256 : memref<32x128xf32, #tpu.memory_space<hbm>>)
      tpu.yield
    }) : () -> ()
    %mul3A_175 = arith.constant 640 : i32
    %mul3A_176 = arith.muli %arg1, %mul3A_175 : i32
    %add3A_177 = arith.constant 352 : i32
    %add3A_178 = arith.addi %mul3A_176, %add3A_177 : i32
    "tpu.region"() ({
      %run_scoped3A = tpu.sem_alloc : memref<!tpu.dma_semaphore, #tpu.memory_space<semaphore_mem>>
      %dma_start3A = arith.constant 0 : i32
      %dma_start3A_247 = tpu.memref_slice %arg12[%add3A_178, %dma_start3A] : memref<10240x128xf32, #tpu.memory_space<vmem_shared>> -> memref<32x128xf32, #tpu.memory_space<vmem_shared>>
      %dma_start3A_248 = arith.constant 0 : i32
      %dma_start3A_249 = tpu.memref_slice %arg12[%add3A_178, %dma_start3A_248] : memref<10240x128xf32, #tpu.memory_space<vmem_shared>> -> memref<32x128xf32, #tpu.memory_space<vmem_shared>>
      tpu.enqueue_dma source(%dma_start3A_249 : memref<32x128xf32, #tpu.memory_space<vmem_shared>>) target(%arg11 : memref<32x128xf32, #tpu.memory_space<vmem>>) target_semaphore(%run_scoped3A : memref<!tpu.dma_semaphore, #tpu.memory_space<semaphore_mem>>)
      %dma_wait3A = arith.constant 0 : i32
      %dma_wait3A_250 = tpu.memref_slice %arg12[%add3A_178, %dma_wait3A] : memref<10240x128xf32, #tpu.memory_space<vmem_shared>> -> memref<32x128xf32, #tpu.memory_space<vmem_shared>>
      %dma_wait3A_251 = arith.constant 0 : i32
      %dma_wait3A_252 = tpu.memref_slice %arg12[%add3A_178, %dma_wait3A_251] : memref<10240x128xf32, #tpu.memory_space<vmem_shared>> -> memref<32x128xf32, #tpu.memory_space<vmem_shared>>
      tpu.wait_dma2 semaphore(%run_scoped3A : memref<!tpu.dma_semaphore, #tpu.memory_space<semaphore_mem>>) src(%dma_wait3A_252 : memref<32x128xf32, #tpu.memory_space<vmem_shared>>) dst(%arg11 : memref<32x128xf32, #tpu.memory_space<vmem>>)
      tpu.yield
    }) : () -> ()
    %mul3A_179 = arith.constant 640 : i32
    %mul3A_180 = arith.muli %arg1, %mul3A_179 : i32
    %add3A_181 = arith.constant 352 : i32
    %add3A_182 = arith.addi %mul3A_180, %add3A_181 : i32
    "tpu.region"() ({
      %run_scoped3A = tpu.sem_alloc : memref<!tpu.dma_semaphore, #tpu.memory_space<semaphore_mem>>
      %dma_start3A = arith.constant 0 : i32
      %dma_start3A_247 = tpu.memref_slice %arg6[%arg0, %add3A_182, %dma_start3A] : memref<2x10240x128xf32, #tpu.memory_space<hbm>> -> memref<1x32x128xf32, #tpu.memory_space<hbm>>
      %dma_start3A_248 = tpu.memref_squeeze %dma_start3A_247 : memref<1x32x128xf32, #tpu.memory_space<hbm>> -> memref<32x128xf32, #tpu.memory_space<hbm>>
      %dma_start3A_249 = arith.constant 0 : i32
      %dma_start3A_250 = tpu.memref_slice %arg6[%arg0, %add3A_182, %dma_start3A_249] : memref<2x10240x128xf32, #tpu.memory_space<hbm>> -> memref<1x32x128xf32, #tpu.memory_space<hbm>>
      %dma_start3A_251 = tpu.memref_squeeze %dma_start3A_250 : memref<1x32x128xf32, #tpu.memory_space<hbm>> -> memref<32x128xf32, #tpu.memory_space<hbm>>
      tpu.enqueue_dma source(%arg11 : memref<32x128xf32, #tpu.memory_space<vmem>>) target(%dma_start3A_251 : memref<32x128xf32, #tpu.memory_space<hbm>>) target_semaphore(%run_scoped3A : memref<!tpu.dma_semaphore, #tpu.memory_space<semaphore_mem>>)
      %dma_wait3A = arith.constant 0 : i32
      %dma_wait3A_252 = tpu.memref_slice %arg6[%arg0, %add3A_182, %dma_wait3A] : memref<2x10240x128xf32, #tpu.memory_space<hbm>> -> memref<1x32x128xf32, #tpu.memory_space<hbm>>
      %dma_wait3A_253 = tpu.memref_squeeze %dma_wait3A_252 : memref<1x32x128xf32, #tpu.memory_space<hbm>> -> memref<32x128xf32, #tpu.memory_space<hbm>>
      %dma_wait3A_254 = arith.constant 0 : i32
      %dma_wait3A_255 = tpu.memref_slice %arg6[%arg0, %add3A_182, %dma_wait3A_254] : memref<2x10240x128xf32, #tpu.memory_space<hbm>> -> memref<1x32x128xf32, #tpu.memory_space<hbm>>
      %dma_wait3A_256 = tpu.memref_squeeze %dma_wait3A_255 : memref<1x32x128xf32, #tpu.memory_space<hbm>> -> memref<32x128xf32, #tpu.memory_space<hbm>>
      tpu.wait_dma2 semaphore(%run_scoped3A : memref<!tpu.dma_semaphore, #tpu.memory_space<semaphore_mem>>) src(%arg11 : memref<32x128xf32, #tpu.memory_space<vmem>>) dst(%dma_wait3A_256 : memref<32x128xf32, #tpu.memory_space<hbm>>)
      tpu.yield
    }) : () -> ()
    %mul3A_183 = arith.constant 640 : i32
    %mul3A_184 = arith.muli %arg1, %mul3A_183 : i32
    %add3A_185 = arith.constant 384 : i32
    %add3A_186 = arith.addi %mul3A_184, %add3A_185 : i32
    "tpu.region"() ({
      %run_scoped3A = tpu.sem_alloc : memref<!tpu.dma_semaphore, #tpu.memory_space<semaphore_mem>>
      %dma_start3A = arith.constant 0 : i32
      %dma_start3A_247 = tpu.memref_slice %arg12[%add3A_186, %dma_start3A] : memref<10240x128xf32, #tpu.memory_space<vmem_shared>> -> memref<32x128xf32, #tpu.memory_space<vmem_shared>>
      %dma_start3A_248 = arith.constant 0 : i32
      %dma_start3A_249 = tpu.memref_slice %arg12[%add3A_186, %dma_start3A_248] : memref<10240x128xf32, #tpu.memory_space<vmem_shared>> -> memref<32x128xf32, #tpu.memory_space<vmem_shared>>
      tpu.enqueue_dma source(%dma_start3A_249 : memref<32x128xf32, #tpu.memory_space<vmem_shared>>) target(%arg11 : memref<32x128xf32, #tpu.memory_space<vmem>>) target_semaphore(%run_scoped3A : memref<!tpu.dma_semaphore, #tpu.memory_space<semaphore_mem>>)
      %dma_wait3A = arith.constant 0 : i32
      %dma_wait3A_250 = tpu.memref_slice %arg12[%add3A_186, %dma_wait3A] : memref<10240x128xf32, #tpu.memory_space<vmem_shared>> -> memref<32x128xf32, #tpu.memory_space<vmem_shared>>
      %dma_wait3A_251 = arith.constant 0 : i32
      %dma_wait3A_252 = tpu.memref_slice %arg12[%add3A_186, %dma_wait3A_251] : memref<10240x128xf32, #tpu.memory_space<vmem_shared>> -> memref<32x128xf32, #tpu.memory_space<vmem_shared>>
      tpu.wait_dma2 semaphore(%run_scoped3A : memref<!tpu.dma_semaphore, #tpu.memory_space<semaphore_mem>>) src(%dma_wait3A_252 : memref<32x128xf32, #tpu.memory_space<vmem_shared>>) dst(%arg11 : memref<32x128xf32, #tpu.memory_space<vmem>>)
      tpu.yield
    }) : () -> ()
    %mul3A_187 = arith.constant 640 : i32
    %mul3A_188 = arith.muli %arg1, %mul3A_187 : i32
    %add3A_189 = arith.constant 384 : i32
    %add3A_190 = arith.addi %mul3A_188, %add3A_189 : i32
    "tpu.region"() ({
      %run_scoped3A = tpu.sem_alloc : memref<!tpu.dma_semaphore, #tpu.memory_space<semaphore_mem>>
      %dma_start3A = arith.constant 0 : i32
      %dma_start3A_247 = tpu.memref_slice %arg6[%arg0, %add3A_190, %dma_start3A] : memref<2x10240x128xf32, #tpu.memory_space<hbm>> -> memref<1x32x128xf32, #tpu.memory_space<hbm>>
      %dma_start3A_248 = tpu.memref_squeeze %dma_start3A_247 : memref<1x32x128xf32, #tpu.memory_space<hbm>> -> memref<32x128xf32, #tpu.memory_space<hbm>>
      %dma_start3A_249 = arith.constant 0 : i32
      %dma_start3A_250 = tpu.memref_slice %arg6[%arg0, %add3A_190, %dma_start3A_249] : memref<2x10240x128xf32, #tpu.memory_space<hbm>> -> memref<1x32x128xf32, #tpu.memory_space<hbm>>
      %dma_start3A_251 = tpu.memref_squeeze %dma_start3A_250 : memref<1x32x128xf32, #tpu.memory_space<hbm>> -> memref<32x128xf32, #tpu.memory_space<hbm>>
      tpu.enqueue_dma source(%arg11 : memref<32x128xf32, #tpu.memory_space<vmem>>) target(%dma_start3A_251 : memref<32x128xf32, #tpu.memory_space<hbm>>) target_semaphore(%run_scoped3A : memref<!tpu.dma_semaphore, #tpu.memory_space<semaphore_mem>>)
      %dma_wait3A = arith.constant 0 : i32
      %dma_wait3A_252 = tpu.memref_slice %arg6[%arg0, %add3A_190, %dma_wait3A] : memref<2x10240x128xf32, #tpu.memory_space<hbm>> -> memref<1x32x128xf32, #tpu.memory_space<hbm>>
      %dma_wait3A_253 = tpu.memref_squeeze %dma_wait3A_252 : memref<1x32x128xf32, #tpu.memory_space<hbm>> -> memref<32x128xf32, #tpu.memory_space<hbm>>
      %dma_wait3A_254 = arith.constant 0 : i32
      %dma_wait3A_255 = tpu.memref_slice %arg6[%arg0, %add3A_190, %dma_wait3A_254] : memref<2x10240x128xf32, #tpu.memory_space<hbm>> -> memref<1x32x128xf32, #tpu.memory_space<hbm>>
      %dma_wait3A_256 = tpu.memref_squeeze %dma_wait3A_255 : memref<1x32x128xf32, #tpu.memory_space<hbm>> -> memref<32x128xf32, #tpu.memory_space<hbm>>
      tpu.wait_dma2 semaphore(%run_scoped3A : memref<!tpu.dma_semaphore, #tpu.memory_space<semaphore_mem>>) src(%arg11 : memref<32x128xf32, #tpu.memory_space<vmem>>) dst(%dma_wait3A_256 : memref<32x128xf32, #tpu.memory_space<hbm>>)
      tpu.yield
    }) : () -> ()
    %mul3A_191 = arith.constant 640 : i32
    %mul3A_192 = arith.muli %arg1, %mul3A_191 : i32
    %add3A_193 = arith.constant 416 : i32
    %add3A_194 = arith.addi %mul3A_192, %add3A_193 : i32
    "tpu.region"() ({
      %run_scoped3A = tpu.sem_alloc : memref<!tpu.dma_semaphore, #tpu.memory_space<semaphore_mem>>
      %dma_start3A = arith.constant 0 : i32
      %dma_start3A_247 = tpu.memref_slice %arg12[%add3A_194, %dma_start3A] : memref<10240x128xf32, #tpu.memory_space<vmem_shared>> -> memref<32x128xf32, #tpu.memory_space<vmem_shared>>
      %dma_start3A_248 = arith.constant 0 : i32
      %dma_start3A_249 = tpu.memref_slice %arg12[%add3A_194, %dma_start3A_248] : memref<10240x128xf32, #tpu.memory_space<vmem_shared>> -> memref<32x128xf32, #tpu.memory_space<vmem_shared>>
      tpu.enqueue_dma source(%dma_start3A_249 : memref<32x128xf32, #tpu.memory_space<vmem_shared>>) target(%arg11 : memref<32x128xf32, #tpu.memory_space<vmem>>) target_semaphore(%run_scoped3A : memref<!tpu.dma_semaphore, #tpu.memory_space<semaphore_mem>>)
      %dma_wait3A = arith.constant 0 : i32
      %dma_wait3A_250 = tpu.memref_slice %arg12[%add3A_194, %dma_wait3A] : memref<10240x128xf32, #tpu.memory_space<vmem_shared>> -> memref<32x128xf32, #tpu.memory_space<vmem_shared>>
      %dma_wait3A_251 = arith.constant 0 : i32
      %dma_wait3A_252 = tpu.memref_slice %arg12[%add3A_194, %dma_wait3A_251] : memref<10240x128xf32, #tpu.memory_space<vmem_shared>> -> memref<32x128xf32, #tpu.memory_space<vmem_shared>>
      tpu.wait_dma2 semaphore(%run_scoped3A : memref<!tpu.dma_semaphore, #tpu.memory_space<semaphore_mem>>) src(%dma_wait3A_252 : memref<32x128xf32, #tpu.memory_space<vmem_shared>>) dst(%arg11 : memref<32x128xf32, #tpu.memory_space<vmem>>)
      tpu.yield
    }) : () -> ()
    %mul3A_195 = arith.constant 640 : i32
    %mul3A_196 = arith.muli %arg1, %mul3A_195 : i32
    %add3A_197 = arith.constant 416 : i32
    %add3A_198 = arith.addi %mul3A_196, %add3A_197 : i32
    "tpu.region"() ({
      %run_scoped3A = tpu.sem_alloc : memref<!tpu.dma_semaphore, #tpu.memory_space<semaphore_mem>>
      %dma_start3A = arith.constant 0 : i32
      %dma_start3A_247 = tpu.memref_slice %arg6[%arg0, %add3A_198, %dma_start3A] : memref<2x10240x128xf32, #tpu.memory_space<hbm>> -> memref<1x32x128xf32, #tpu.memory_space<hbm>>
      %dma_start3A_248 = tpu.memref_squeeze %dma_start3A_247 : memref<1x32x128xf32, #tpu.memory_space<hbm>> -> memref<32x128xf32, #tpu.memory_space<hbm>>
      %dma_start3A_249 = arith.constant 0 : i32
      %dma_start3A_250 = tpu.memref_slice %arg6[%arg0, %add3A_198, %dma_start3A_249] : memref<2x10240x128xf32, #tpu.memory_space<hbm>> -> memref<1x32x128xf32, #tpu.memory_space<hbm>>
      %dma_start3A_251 = tpu.memref_squeeze %dma_start3A_250 : memref<1x32x128xf32, #tpu.memory_space<hbm>> -> memref<32x128xf32, #tpu.memory_space<hbm>>
      tpu.enqueue_dma source(%arg11 : memref<32x128xf32, #tpu.memory_space<vmem>>) target(%dma_start3A_251 : memref<32x128xf32, #tpu.memory_space<hbm>>) target_semaphore(%run_scoped3A : memref<!tpu.dma_semaphore, #tpu.memory_space<semaphore_mem>>)
      %dma_wait3A = arith.constant 0 : i32
      %dma_wait3A_252 = tpu.memref_slice %arg6[%arg0, %add3A_198, %dma_wait3A] : memref<2x10240x128xf32, #tpu.memory_space<hbm>> -> memref<1x32x128xf32, #tpu.memory_space<hbm>>
      %dma_wait3A_253 = tpu.memref_squeeze %dma_wait3A_252 : memref<1x32x128xf32, #tpu.memory_space<hbm>> -> memref<32x128xf32, #tpu.memory_space<hbm>>
      %dma_wait3A_254 = arith.constant 0 : i32
      %dma_wait3A_255 = tpu.memref_slice %arg6[%arg0, %add3A_198, %dma_wait3A_254] : memref<2x10240x128xf32, #tpu.memory_space<hbm>> -> memref<1x32x128xf32, #tpu.memory_space<hbm>>
      %dma_wait3A_256 = tpu.memref_squeeze %dma_wait3A_255 : memref<1x32x128xf32, #tpu.memory_space<hbm>> -> memref<32x128xf32, #tpu.memory_space<hbm>>
      tpu.wait_dma2 semaphore(%run_scoped3A : memref<!tpu.dma_semaphore, #tpu.memory_space<semaphore_mem>>) src(%arg11 : memref<32x128xf32, #tpu.memory_space<vmem>>) dst(%dma_wait3A_256 : memref<32x128xf32, #tpu.memory_space<hbm>>)
      tpu.yield
    }) : () -> ()
    %mul3A_199 = arith.constant 640 : i32
    %mul3A_200 = arith.muli %arg1, %mul3A_199 : i32
    %add3A_201 = arith.constant 448 : i32
    %add3A_202 = arith.addi %mul3A_200, %add3A_201 : i32
    "tpu.region"() ({
      %run_scoped3A = tpu.sem_alloc : memref<!tpu.dma_semaphore, #tpu.memory_space<semaphore_mem>>
      %dma_start3A = arith.constant 0 : i32
      %dma_start3A_247 = tpu.memref_slice %arg12[%add3A_202, %dma_start3A] : memref<10240x128xf32, #tpu.memory_space<vmem_shared>> -> memref<32x128xf32, #tpu.memory_space<vmem_shared>>
      %dma_start3A_248 = arith.constant 0 : i32
      %dma_start3A_249 = tpu.memref_slice %arg12[%add3A_202, %dma_start3A_248] : memref<10240x128xf32, #tpu.memory_space<vmem_shared>> -> memref<32x128xf32, #tpu.memory_space<vmem_shared>>
      tpu.enqueue_dma source(%dma_start3A_249 : memref<32x128xf32, #tpu.memory_space<vmem_shared>>) target(%arg11 : memref<32x128xf32, #tpu.memory_space<vmem>>) target_semaphore(%run_scoped3A : memref<!tpu.dma_semaphore, #tpu.memory_space<semaphore_mem>>)
      %dma_wait3A = arith.constant 0 : i32
      %dma_wait3A_250 = tpu.memref_slice %arg12[%add3A_202, %dma_wait3A] : memref<10240x128xf32, #tpu.memory_space<vmem_shared>> -> memref<32x128xf32, #tpu.memory_space<vmem_shared>>
      %dma_wait3A_251 = arith.constant 0 : i32
      %dma_wait3A_252 = tpu.memref_slice %arg12[%add3A_202, %dma_wait3A_251] : memref<10240x128xf32, #tpu.memory_space<vmem_shared>> -> memref<32x128xf32, #tpu.memory_space<vmem_shared>>
      tpu.wait_dma2 semaphore(%run_scoped3A : memref<!tpu.dma_semaphore, #tpu.memory_space<semaphore_mem>>) src(%dma_wait3A_252 : memref<32x128xf32, #tpu.memory_space<vmem_shared>>) dst(%arg11 : memref<32x128xf32, #tpu.memory_space<vmem>>)
      tpu.yield
    }) : () -> ()
    %mul3A_203 = arith.constant 640 : i32
    %mul3A_204 = arith.muli %arg1, %mul3A_203 : i32
    %add3A_205 = arith.constant 448 : i32
    %add3A_206 = arith.addi %mul3A_204, %add3A_205 : i32
    "tpu.region"() ({
      %run_scoped3A = tpu.sem_alloc : memref<!tpu.dma_semaphore, #tpu.memory_space<semaphore_mem>>
      %dma_start3A = arith.constant 0 : i32
      %dma_start3A_247 = tpu.memref_slice %arg6[%arg0, %add3A_206, %dma_start3A] : memref<2x10240x128xf32, #tpu.memory_space<hbm>> -> memref<1x32x128xf32, #tpu.memory_space<hbm>>
      %dma_start3A_248 = tpu.memref_squeeze %dma_start3A_247 : memref<1x32x128xf32, #tpu.memory_space<hbm>> -> memref<32x128xf32, #tpu.memory_space<hbm>>
      %dma_start3A_249 = arith.constant 0 : i32
      %dma_start3A_250 = tpu.memref_slice %arg6[%arg0, %add3A_206, %dma_start3A_249] : memref<2x10240x128xf32, #tpu.memory_space<hbm>> -> memref<1x32x128xf32, #tpu.memory_space<hbm>>
      %dma_start3A_251 = tpu.memref_squeeze %dma_start3A_250 : memref<1x32x128xf32, #tpu.memory_space<hbm>> -> memref<32x128xf32, #tpu.memory_space<hbm>>
      tpu.enqueue_dma source(%arg11 : memref<32x128xf32, #tpu.memory_space<vmem>>) target(%dma_start3A_251 : memref<32x128xf32, #tpu.memory_space<hbm>>) target_semaphore(%run_scoped3A : memref<!tpu.dma_semaphore, #tpu.memory_space<semaphore_mem>>)
      %dma_wait3A = arith.constant 0 : i32
      %dma_wait3A_252 = tpu.memref_slice %arg6[%arg0, %add3A_206, %dma_wait3A] : memref<2x10240x128xf32, #tpu.memory_space<hbm>> -> memref<1x32x128xf32, #tpu.memory_space<hbm>>
      %dma_wait3A_253 = tpu.memref_squeeze %dma_wait3A_252 : memref<1x32x128xf32, #tpu.memory_space<hbm>> -> memref<32x128xf32, #tpu.memory_space<hbm>>
      %dma_wait3A_254 = arith.constant 0 : i32
      %dma_wait3A_255 = tpu.memref_slice %arg6[%arg0, %add3A_206, %dma_wait3A_254] : memref<2x10240x128xf32, #tpu.memory_space<hbm>> -> memref<1x32x128xf32, #tpu.memory_space<hbm>>
      %dma_wait3A_256 = tpu.memref_squeeze %dma_wait3A_255 : memref<1x32x128xf32, #tpu.memory_space<hbm>> -> memref<32x128xf32, #tpu.memory_space<hbm>>
      tpu.wait_dma2 semaphore(%run_scoped3A : memref<!tpu.dma_semaphore, #tpu.memory_space<semaphore_mem>>) src(%arg11 : memref<32x128xf32, #tpu.memory_space<vmem>>) dst(%dma_wait3A_256 : memref<32x128xf32, #tpu.memory_space<hbm>>)
      tpu.yield
    }) : () -> ()
    %mul3A_207 = arith.constant 640 : i32
    %mul3A_208 = arith.muli %arg1, %mul3A_207 : i32
    %add3A_209 = arith.constant 480 : i32
    %add3A_210 = arith.addi %mul3A_208, %add3A_209 : i32
    "tpu.region"() ({
      %run_scoped3A = tpu.sem_alloc : memref<!tpu.dma_semaphore, #tpu.memory_space<semaphore_mem>>
      %dma_start3A = arith.constant 0 : i32
      %dma_start3A_247 = tpu.memref_slice %arg12[%add3A_210, %dma_start3A] : memref<10240x128xf32, #tpu.memory_space<vmem_shared>> -> memref<32x128xf32, #tpu.memory_space<vmem_shared>>
      %dma_start3A_248 = arith.constant 0 : i32
      %dma_start3A_249 = tpu.memref_slice %arg12[%add3A_210, %dma_start3A_248] : memref<10240x128xf32, #tpu.memory_space<vmem_shared>> -> memref<32x128xf32, #tpu.memory_space<vmem_shared>>
      tpu.enqueue_dma source(%dma_start3A_249 : memref<32x128xf32, #tpu.memory_space<vmem_shared>>) target(%arg11 : memref<32x128xf32, #tpu.memory_space<vmem>>) target_semaphore(%run_scoped3A : memref<!tpu.dma_semaphore, #tpu.memory_space<semaphore_mem>>)
      %dma_wait3A = arith.constant 0 : i32
      %dma_wait3A_250 = tpu.memref_slice %arg12[%add3A_210, %dma_wait3A] : memref<10240x128xf32, #tpu.memory_space<vmem_shared>> -> memref<32x128xf32, #tpu.memory_space<vmem_shared>>
      %dma_wait3A_251 = arith.constant 0 : i32
      %dma_wait3A_252 = tpu.memref_slice %arg12[%add3A_210, %dma_wait3A_251] : memref<10240x128xf32, #tpu.memory_space<vmem_shared>> -> memref<32x128xf32, #tpu.memory_space<vmem_shared>>
      tpu.wait_dma2 semaphore(%run_scoped3A : memref<!tpu.dma_semaphore, #tpu.memory_space<semaphore_mem>>) src(%dma_wait3A_252 : memref<32x128xf32, #tpu.memory_space<vmem_shared>>) dst(%arg11 : memref<32x128xf32, #tpu.memory_space<vmem>>)
      tpu.yield
    }) : () -> ()
    %mul3A_211 = arith.constant 640 : i32
    %mul3A_212 = arith.muli %arg1, %mul3A_211 : i32
    %add3A_213 = arith.constant 480 : i32
    %add3A_214 = arith.addi %mul3A_212, %add3A_213 : i32
    "tpu.region"() ({
      %run_scoped3A = tpu.sem_alloc : memref<!tpu.dma_semaphore, #tpu.memory_space<semaphore_mem>>
      %dma_start3A = arith.constant 0 : i32
      %dma_start3A_247 = tpu.memref_slice %arg6[%arg0, %add3A_214, %dma_start3A] : memref<2x10240x128xf32, #tpu.memory_space<hbm>> -> memref<1x32x128xf32, #tpu.memory_space<hbm>>
      %dma_start3A_248 = tpu.memref_squeeze %dma_start3A_247 : memref<1x32x128xf32, #tpu.memory_space<hbm>> -> memref<32x128xf32, #tpu.memory_space<hbm>>
      %dma_start3A_249 = arith.constant 0 : i32
      %dma_start3A_250 = tpu.memref_slice %arg6[%arg0, %add3A_214, %dma_start3A_249] : memref<2x10240x128xf32, #tpu.memory_space<hbm>> -> memref<1x32x128xf32, #tpu.memory_space<hbm>>
      %dma_start3A_251 = tpu.memref_squeeze %dma_start3A_250 : memref<1x32x128xf32, #tpu.memory_space<hbm>> -> memref<32x128xf32, #tpu.memory_space<hbm>>
      tpu.enqueue_dma source(%arg11 : memref<32x128xf32, #tpu.memory_space<vmem>>) target(%dma_start3A_251 : memref<32x128xf32, #tpu.memory_space<hbm>>) target_semaphore(%run_scoped3A : memref<!tpu.dma_semaphore, #tpu.memory_space<semaphore_mem>>)
      %dma_wait3A = arith.constant 0 : i32
      %dma_wait3A_252 = tpu.memref_slice %arg6[%arg0, %add3A_214, %dma_wait3A] : memref<2x10240x128xf32, #tpu.memory_space<hbm>> -> memref<1x32x128xf32, #tpu.memory_space<hbm>>
      %dma_wait3A_253 = tpu.memref_squeeze %dma_wait3A_252 : memref<1x32x128xf32, #tpu.memory_space<hbm>> -> memref<32x128xf32, #tpu.memory_space<hbm>>
      %dma_wait3A_254 = arith.constant 0 : i32
      %dma_wait3A_255 = tpu.memref_slice %arg6[%arg0, %add3A_214, %dma_wait3A_254] : memref<2x10240x128xf32, #tpu.memory_space<hbm>> -> memref<1x32x128xf32, #tpu.memory_space<hbm>>
      %dma_wait3A_256 = tpu.memref_squeeze %dma_wait3A_255 : memref<1x32x128xf32, #tpu.memory_space<hbm>> -> memref<32x128xf32, #tpu.memory_space<hbm>>
      tpu.wait_dma2 semaphore(%run_scoped3A : memref<!tpu.dma_semaphore, #tpu.memory_space<semaphore_mem>>) src(%arg11 : memref<32x128xf32, #tpu.memory_space<vmem>>) dst(%dma_wait3A_256 : memref<32x128xf32, #tpu.memory_space<hbm>>)
      tpu.yield
    }) : () -> ()
    %mul3A_215 = arith.constant 640 : i32
    %mul3A_216 = arith.muli %arg1, %mul3A_215 : i32
    %add3A_217 = arith.constant 512 : i32
    %add3A_218 = arith.addi %mul3A_216, %add3A_217 : i32
    "tpu.region"() ({
      %run_scoped3A = tpu.sem_alloc : memref<!tpu.dma_semaphore, #tpu.memory_space<semaphore_mem>>
      %dma_start3A = arith.constant 0 : i32
      %dma_start3A_247 = tpu.memref_slice %arg12[%add3A_218, %dma_start3A] : memref<10240x128xf32, #tpu.memory_space<vmem_shared>> -> memref<32x128xf32, #tpu.memory_space<vmem_shared>>
      %dma_start3A_248 = arith.constant 0 : i32
      %dma_start3A_249 = tpu.memref_slice %arg12[%add3A_218, %dma_start3A_248] : memref<10240x128xf32, #tpu.memory_space<vmem_shared>> -> memref<32x128xf32, #tpu.memory_space<vmem_shared>>
      tpu.enqueue_dma source(%dma_start3A_249 : memref<32x128xf32, #tpu.memory_space<vmem_shared>>) target(%arg11 : memref<32x128xf32, #tpu.memory_space<vmem>>) target_semaphore(%run_scoped3A : memref<!tpu.dma_semaphore, #tpu.memory_space<semaphore_mem>>)
      %dma_wait3A = arith.constant 0 : i32
      %dma_wait3A_250 = tpu.memref_slice %arg12[%add3A_218, %dma_wait3A] : memref<10240x128xf32, #tpu.memory_space<vmem_shared>> -> memref<32x128xf32, #tpu.memory_space<vmem_shared>>
      %dma_wait3A_251 = arith.constant 0 : i32
      %dma_wait3A_252 = tpu.memref_slice %arg12[%add3A_218, %dma_wait3A_251] : memref<10240x128xf32, #tpu.memory_space<vmem_shared>> -> memref<32x128xf32, #tpu.memory_space<vmem_shared>>
      tpu.wait_dma2 semaphore(%run_scoped3A : memref<!tpu.dma_semaphore, #tpu.memory_space<semaphore_mem>>) src(%dma_wait3A_252 : memref<32x128xf32, #tpu.memory_space<vmem_shared>>) dst(%arg11 : memref<32x128xf32, #tpu.memory_space<vmem>>)
      tpu.yield
    }) : () -> ()
    %mul3A_219 = arith.constant 640 : i32
    %mul3A_220 = arith.muli %arg1, %mul3A_219 : i32
    %add3A_221 = arith.constant 512 : i32
    %add3A_222 = arith.addi %mul3A_220, %add3A_221 : i32
    "tpu.region"() ({
      %run_scoped3A = tpu.sem_alloc : memref<!tpu.dma_semaphore, #tpu.memory_space<semaphore_mem>>
      %dma_start3A = arith.constant 0 : i32
      %dma_start3A_247 = tpu.memref_slice %arg6[%arg0, %add3A_222, %dma_start3A] : memref<2x10240x128xf32, #tpu.memory_space<hbm>> -> memref<1x32x128xf32, #tpu.memory_space<hbm>>
      %dma_start3A_248 = tpu.memref_squeeze %dma_start3A_247 : memref<1x32x128xf32, #tpu.memory_space<hbm>> -> memref<32x128xf32, #tpu.memory_space<hbm>>
      %dma_start3A_249 = arith.constant 0 : i32
      %dma_start3A_250 = tpu.memref_slice %arg6[%arg0, %add3A_222, %dma_start3A_249] : memref<2x10240x128xf32, #tpu.memory_space<hbm>> -> memref<1x32x128xf32, #tpu.memory_space<hbm>>
      %dma_start3A_251 = tpu.memref_squeeze %dma_start3A_250 : memref<1x32x128xf32, #tpu.memory_space<hbm>> -> memref<32x128xf32, #tpu.memory_space<hbm>>
      tpu.enqueue_dma source(%arg11 : memref<32x128xf32, #tpu.memory_space<vmem>>) target(%dma_start3A_251 : memref<32x128xf32, #tpu.memory_space<hbm>>) target_semaphore(%run_scoped3A : memref<!tpu.dma_semaphore, #tpu.memory_space<semaphore_mem>>)
      %dma_wait3A = arith.constant 0 : i32
      %dma_wait3A_252 = tpu.memref_slice %arg6[%arg0, %add3A_222, %dma_wait3A] : memref<2x10240x128xf32, #tpu.memory_space<hbm>> -> memref<1x32x128xf32, #tpu.memory_space<hbm>>
      %dma_wait3A_253 = tpu.memref_squeeze %dma_wait3A_252 : memref<1x32x128xf32, #tpu.memory_space<hbm>> -> memref<32x128xf32, #tpu.memory_space<hbm>>
      %dma_wait3A_254 = arith.constant 0 : i32
      %dma_wait3A_255 = tpu.memref_slice %arg6[%arg0, %add3A_222, %dma_wait3A_254] : memref<2x10240x128xf32, #tpu.memory_space<hbm>> -> memref<1x32x128xf32, #tpu.memory_space<hbm>>
      %dma_wait3A_256 = tpu.memref_squeeze %dma_wait3A_255 : memref<1x32x128xf32, #tpu.memory_space<hbm>> -> memref<32x128xf32, #tpu.memory_space<hbm>>
      tpu.wait_dma2 semaphore(%run_scoped3A : memref<!tpu.dma_semaphore, #tpu.memory_space<semaphore_mem>>) src(%arg11 : memref<32x128xf32, #tpu.memory_space<vmem>>) dst(%dma_wait3A_256 : memref<32x128xf32, #tpu.memory_space<hbm>>)
      tpu.yield
    }) : () -> ()
    %mul3A_223 = arith.constant 640 : i32
    %mul3A_224 = arith.muli %arg1, %mul3A_223 : i32
    %add3A_225 = arith.constant 544 : i32
    %add3A_226 = arith.addi %mul3A_224, %add3A_225 : i32
    "tpu.region"() ({
      %run_scoped3A = tpu.sem_alloc : memref<!tpu.dma_semaphore, #tpu.memory_space<semaphore_mem>>
      %dma_start3A = arith.constant 0 : i32
      %dma_start3A_247 = tpu.memref_slice %arg12[%add3A_226, %dma_start3A] : memref<10240x128xf32, #tpu.memory_space<vmem_shared>> -> memref<32x128xf32, #tpu.memory_space<vmem_shared>>
      %dma_start3A_248 = arith.constant 0 : i32
      %dma_start3A_249 = tpu.memref_slice %arg12[%add3A_226, %dma_start3A_248] : memref<10240x128xf32, #tpu.memory_space<vmem_shared>> -> memref<32x128xf32, #tpu.memory_space<vmem_shared>>
      tpu.enqueue_dma source(%dma_start3A_249 : memref<32x128xf32, #tpu.memory_space<vmem_shared>>) target(%arg11 : memref<32x128xf32, #tpu.memory_space<vmem>>) target_semaphore(%run_scoped3A : memref<!tpu.dma_semaphore, #tpu.memory_space<semaphore_mem>>)
      %dma_wait3A = arith.constant 0 : i32
      %dma_wait3A_250 = tpu.memref_slice %arg12[%add3A_226, %dma_wait3A] : memref<10240x128xf32, #tpu.memory_space<vmem_shared>> -> memref<32x128xf32, #tpu.memory_space<vmem_shared>>
      %dma_wait3A_251 = arith.constant 0 : i32
      %dma_wait3A_252 = tpu.memref_slice %arg12[%add3A_226, %dma_wait3A_251] : memref<10240x128xf32, #tpu.memory_space<vmem_shared>> -> memref<32x128xf32, #tpu.memory_space<vmem_shared>>
      tpu.wait_dma2 semaphore(%run_scoped3A : memref<!tpu.dma_semaphore, #tpu.memory_space<semaphore_mem>>) src(%dma_wait3A_252 : memref<32x128xf32, #tpu.memory_space<vmem_shared>>) dst(%arg11 : memref<32x128xf32, #tpu.memory_space<vmem>>)
      tpu.yield
    }) : () -> ()
    %mul3A_227 = arith.constant 640 : i32
    %mul3A_228 = arith.muli %arg1, %mul3A_227 : i32
    %add3A_229 = arith.constant 544 : i32
    %add3A_230 = arith.addi %mul3A_228, %add3A_229 : i32
    "tpu.region"() ({
      %run_scoped3A = tpu.sem_alloc : memref<!tpu.dma_semaphore, #tpu.memory_space<semaphore_mem>>
      %dma_start3A = arith.constant 0 : i32
      %dma_start3A_247 = tpu.memref_slice %arg6[%arg0, %add3A_230, %dma_start3A] : memref<2x10240x128xf32, #tpu.memory_space<hbm>> -> memref<1x32x128xf32, #tpu.memory_space<hbm>>
      %dma_start3A_248 = tpu.memref_squeeze %dma_start3A_247 : memref<1x32x128xf32, #tpu.memory_space<hbm>> -> memref<32x128xf32, #tpu.memory_space<hbm>>
      %dma_start3A_249 = arith.constant 0 : i32
      %dma_start3A_250 = tpu.memref_slice %arg6[%arg0, %add3A_230, %dma_start3A_249] : memref<2x10240x128xf32, #tpu.memory_space<hbm>> -> memref<1x32x128xf32, #tpu.memory_space<hbm>>
      %dma_start3A_251 = tpu.memref_squeeze %dma_start3A_250 : memref<1x32x128xf32, #tpu.memory_space<hbm>> -> memref<32x128xf32, #tpu.memory_space<hbm>>
      tpu.enqueue_dma source(%arg11 : memref<32x128xf32, #tpu.memory_space<vmem>>) target(%dma_start3A_251 : memref<32x128xf32, #tpu.memory_space<hbm>>) target_semaphore(%run_scoped3A : memref<!tpu.dma_semaphore, #tpu.memory_space<semaphore_mem>>)
      %dma_wait3A = arith.constant 0 : i32
      %dma_wait3A_252 = tpu.memref_slice %arg6[%arg0, %add3A_230, %dma_wait3A] : memref<2x10240x128xf32, #tpu.memory_space<hbm>> -> memref<1x32x128xf32, #tpu.memory_space<hbm>>
      %dma_wait3A_253 = tpu.memref_squeeze %dma_wait3A_252 : memref<1x32x128xf32, #tpu.memory_space<hbm>> -> memref<32x128xf32, #tpu.memory_space<hbm>>
      %dma_wait3A_254 = arith.constant 0 : i32
      %dma_wait3A_255 = tpu.memref_slice %arg6[%arg0, %add3A_230, %dma_wait3A_254] : memref<2x10240x128xf32, #tpu.memory_space<hbm>> -> memref<1x32x128xf32, #tpu.memory_space<hbm>>
      %dma_wait3A_256 = tpu.memref_squeeze %dma_wait3A_255 : memref<1x32x128xf32, #tpu.memory_space<hbm>> -> memref<32x128xf32, #tpu.memory_space<hbm>>
      tpu.wait_dma2 semaphore(%run_scoped3A : memref<!tpu.dma_semaphore, #tpu.memory_space<semaphore_mem>>) src(%arg11 : memref<32x128xf32, #tpu.memory_space<vmem>>) dst(%dma_wait3A_256 : memref<32x128xf32, #tpu.memory_space<hbm>>)
      tpu.yield
    }) : () -> ()
    %mul3A_231 = arith.constant 640 : i32
    %mul3A_232 = arith.muli %arg1, %mul3A_231 : i32
    %add3A_233 = arith.constant 576 : i32
    %add3A_234 = arith.addi %mul3A_232, %add3A_233 : i32
    "tpu.region"() ({
      %run_scoped3A = tpu.sem_alloc : memref<!tpu.dma_semaphore, #tpu.memory_space<semaphore_mem>>
      %dma_start3A = arith.constant 0 : i32
      %dma_start3A_247 = tpu.memref_slice %arg12[%add3A_234, %dma_start3A] : memref<10240x128xf32, #tpu.memory_space<vmem_shared>> -> memref<32x128xf32, #tpu.memory_space<vmem_shared>>
      %dma_start3A_248 = arith.constant 0 : i32
      %dma_start3A_249 = tpu.memref_slice %arg12[%add3A_234, %dma_start3A_248] : memref<10240x128xf32, #tpu.memory_space<vmem_shared>> -> memref<32x128xf32, #tpu.memory_space<vmem_shared>>
      tpu.enqueue_dma source(%dma_start3A_249 : memref<32x128xf32, #tpu.memory_space<vmem_shared>>) target(%arg11 : memref<32x128xf32, #tpu.memory_space<vmem>>) target_semaphore(%run_scoped3A : memref<!tpu.dma_semaphore, #tpu.memory_space<semaphore_mem>>)
      %dma_wait3A = arith.constant 0 : i32
      %dma_wait3A_250 = tpu.memref_slice %arg12[%add3A_234, %dma_wait3A] : memref<10240x128xf32, #tpu.memory_space<vmem_shared>> -> memref<32x128xf32, #tpu.memory_space<vmem_shared>>
      %dma_wait3A_251 = arith.constant 0 : i32
      %dma_wait3A_252 = tpu.memref_slice %arg12[%add3A_234, %dma_wait3A_251] : memref<10240x128xf32, #tpu.memory_space<vmem_shared>> -> memref<32x128xf32, #tpu.memory_space<vmem_shared>>
      tpu.wait_dma2 semaphore(%run_scoped3A : memref<!tpu.dma_semaphore, #tpu.memory_space<semaphore_mem>>) src(%dma_wait3A_252 : memref<32x128xf32, #tpu.memory_space<vmem_shared>>) dst(%arg11 : memref<32x128xf32, #tpu.memory_space<vmem>>)
      tpu.yield
    }) : () -> ()
    %mul3A_235 = arith.constant 640 : i32
    %mul3A_236 = arith.muli %arg1, %mul3A_235 : i32
    %add3A_237 = arith.constant 576 : i32
    %add3A_238 = arith.addi %mul3A_236, %add3A_237 : i32
    "tpu.region"() ({
      %run_scoped3A = tpu.sem_alloc : memref<!tpu.dma_semaphore, #tpu.memory_space<semaphore_mem>>
      %dma_start3A = arith.constant 0 : i32
      %dma_start3A_247 = tpu.memref_slice %arg6[%arg0, %add3A_238, %dma_start3A] : memref<2x10240x128xf32, #tpu.memory_space<hbm>> -> memref<1x32x128xf32, #tpu.memory_space<hbm>>
      %dma_start3A_248 = tpu.memref_squeeze %dma_start3A_247 : memref<1x32x128xf32, #tpu.memory_space<hbm>> -> memref<32x128xf32, #tpu.memory_space<hbm>>
      %dma_start3A_249 = arith.constant 0 : i32
      %dma_start3A_250 = tpu.memref_slice %arg6[%arg0, %add3A_238, %dma_start3A_249] : memref<2x10240x128xf32, #tpu.memory_space<hbm>> -> memref<1x32x128xf32, #tpu.memory_space<hbm>>
      %dma_start3A_251 = tpu.memref_squeeze %dma_start3A_250 : memref<1x32x128xf32, #tpu.memory_space<hbm>> -> memref<32x128xf32, #tpu.memory_space<hbm>>
      tpu.enqueue_dma source(%arg11 : memref<32x128xf32, #tpu.memory_space<vmem>>) target(%dma_start3A_251 : memref<32x128xf32, #tpu.memory_space<hbm>>) target_semaphore(%run_scoped3A : memref<!tpu.dma_semaphore, #tpu.memory_space<semaphore_mem>>)
      %dma_wait3A = arith.constant 0 : i32
      %dma_wait3A_252 = tpu.memref_slice %arg6[%arg0, %add3A_238, %dma_wait3A] : memref<2x10240x128xf32, #tpu.memory_space<hbm>> -> memref<1x32x128xf32, #tpu.memory_space<hbm>>
      %dma_wait3A_253 = tpu.memref_squeeze %dma_wait3A_252 : memref<1x32x128xf32, #tpu.memory_space<hbm>> -> memref<32x128xf32, #tpu.memory_space<hbm>>
      %dma_wait3A_254 = arith.constant 0 : i32
      %dma_wait3A_255 = tpu.memref_slice %arg6[%arg0, %add3A_238, %dma_wait3A_254] : memref<2x10240x128xf32, #tpu.memory_space<hbm>> -> memref<1x32x128xf32, #tpu.memory_space<hbm>>
      %dma_wait3A_256 = tpu.memref_squeeze %dma_wait3A_255 : memref<1x32x128xf32, #tpu.memory_space<hbm>> -> memref<32x128xf32, #tpu.memory_space<hbm>>
      tpu.wait_dma2 semaphore(%run_scoped3A : memref<!tpu.dma_semaphore, #tpu.memory_space<semaphore_mem>>) src(%arg11 : memref<32x128xf32, #tpu.memory_space<vmem>>) dst(%dma_wait3A_256 : memref<32x128xf32, #tpu.memory_space<hbm>>)
      tpu.yield
    }) : () -> ()
    %mul3A_239 = arith.constant 640 : i32
    %mul3A_240 = arith.muli %arg1, %mul3A_239 : i32
    %add3A_241 = arith.constant 608 : i32
    %add3A_242 = arith.addi %mul3A_240, %add3A_241 : i32
    "tpu.region"() ({
      %run_scoped3A = tpu.sem_alloc : memref<!tpu.dma_semaphore, #tpu.memory_space<semaphore_mem>>
      %dma_start3A = arith.constant 0 : i32
      %dma_start3A_247 = tpu.memref_slice %arg12[%add3A_242, %dma_start3A] : memref<10240x128xf32, #tpu.memory_space<vmem_shared>> -> memref<32x128xf32, #tpu.memory_space<vmem_shared>>
      %dma_start3A_248 = arith.constant 0 : i32
      %dma_start3A_249 = tpu.memref_slice %arg12[%add3A_242, %dma_start3A_248] : memref<10240x128xf32, #tpu.memory_space<vmem_shared>> -> memref<32x128xf32, #tpu.memory_space<vmem_shared>>
      tpu.enqueue_dma source(%dma_start3A_249 : memref<32x128xf32, #tpu.memory_space<vmem_shared>>) target(%arg11 : memref<32x128xf32, #tpu.memory_space<vmem>>) target_semaphore(%run_scoped3A : memref<!tpu.dma_semaphore, #tpu.memory_space<semaphore_mem>>)
      %dma_wait3A = arith.constant 0 : i32
      %dma_wait3A_250 = tpu.memref_slice %arg12[%add3A_242, %dma_wait3A] : memref<10240x128xf32, #tpu.memory_space<vmem_shared>> -> memref<32x128xf32, #tpu.memory_space<vmem_shared>>
      %dma_wait3A_251 = arith.constant 0 : i32
      %dma_wait3A_252 = tpu.memref_slice %arg12[%add3A_242, %dma_wait3A_251] : memref<10240x128xf32, #tpu.memory_space<vmem_shared>> -> memref<32x128xf32, #tpu.memory_space<vmem_shared>>
      tpu.wait_dma2 semaphore(%run_scoped3A : memref<!tpu.dma_semaphore, #tpu.memory_space<semaphore_mem>>) src(%dma_wait3A_252 : memref<32x128xf32, #tpu.memory_space<vmem_shared>>) dst(%arg11 : memref<32x128xf32, #tpu.memory_space<vmem>>)
      tpu.yield
    }) : () -> ()
    %mul3A_243 = arith.constant 640 : i32
    %mul3A_244 = arith.muli %arg1, %mul3A_243 : i32
    %add3A_245 = arith.constant 608 : i32
    %add3A_246 = arith.addi %mul3A_244, %add3A_245 : i32
    "tpu.region"() ({
      %run_scoped3A = tpu.sem_alloc : memref<!tpu.dma_semaphore, #tpu.memory_space<semaphore_mem>>
      %dma_start3A = arith.constant 0 : i32
      %dma_start3A_247 = tpu.memref_slice %arg6[%arg0, %add3A_246, %dma_start3A] : memref<2x10240x128xf32, #tpu.memory_space<hbm>> -> memref<1x32x128xf32, #tpu.memory_space<hbm>>
      %dma_start3A_248 = tpu.memref_squeeze %dma_start3A_247 : memref<1x32x128xf32, #tpu.memory_space<hbm>> -> memref<32x128xf32, #tpu.memory_space<hbm>>
      %dma_start3A_249 = arith.constant 0 : i32
      %dma_start3A_250 = tpu.memref_slice %arg6[%arg0, %add3A_246, %dma_start3A_249] : memref<2x10240x128xf32, #tpu.memory_space<hbm>> -> memref<1x32x128xf32, #tpu.memory_space<hbm>>
      %dma_start3A_251 = tpu.memref_squeeze %dma_start3A_250 : memref<1x32x128xf32, #tpu.memory_space<hbm>> -> memref<32x128xf32, #tpu.memory_space<hbm>>
      tpu.enqueue_dma source(%arg11 : memref<32x128xf32, #tpu.memory_space<vmem>>) target(%dma_start3A_251 : memref<32x128xf32, #tpu.memory_space<hbm>>) target_semaphore(%run_scoped3A : memref<!tpu.dma_semaphore, #tpu.memory_space<semaphore_mem>>)
      %dma_wait3A = arith.constant 0 : i32
      %dma_wait3A_252 = tpu.memref_slice %arg6[%arg0, %add3A_246, %dma_wait3A] : memref<2x10240x128xf32, #tpu.memory_space<hbm>> -> memref<1x32x128xf32, #tpu.memory_space<hbm>>
      %dma_wait3A_253 = tpu.memref_squeeze %dma_wait3A_252 : memref<1x32x128xf32, #tpu.memory_space<hbm>> -> memref<32x128xf32, #tpu.memory_space<hbm>>
      %dma_wait3A_254 = arith.constant 0 : i32
      %dma_wait3A_255 = tpu.memref_slice %arg6[%arg0, %add3A_246, %dma_wait3A_254] : memref<2x10240x128xf32, #tpu.memory_space<hbm>> -> memref<1x32x128xf32, #tpu.memory_space<hbm>>
      %dma_wait3A_256 = tpu.memref_squeeze %dma_wait3A_255 : memref<1x32x128xf32, #tpu.memory_space<hbm>> -> memref<32x128xf32, #tpu.memory_space<hbm>>
      tpu.wait_dma2 semaphore(%run_scoped3A : memref<!tpu.dma_semaphore, #tpu.memory_space<semaphore_mem>>) src(%arg11 : memref<32x128xf32, #tpu.memory_space<vmem>>) dst(%dma_wait3A_256 : memref<32x128xf32, #tpu.memory_space<hbm>>)
      tpu.yield
    }) : () -> ()
    return
  }
}

#map = affine_map<(d0, d1) -> (0, 0, 0, 0)>
#map1 = affine_map<(d0, d1) -> (0, 0)>
#map2 = affine_map<(d0, d1) -> (0, 0, 0)>
module attributes {stable_mosaic.version = 14 : i64} {
  func.func @_deg_body(%arg0: i32, %arg1: i32, %arg2: memref<32x16x5x125xi32, #tpu.memory_space<hbm>>, %arg3: memref<125x128xf32, #tpu.memory_space<hbm>>, %arg4: memref<32x128xf32, #tpu.memory_space<hbm>>, %arg5: memref<2x10240x128xf32, #tpu.memory_space<hbm>>, %arg6: memref<5x125xi32, #tpu.memory_space<vmem>>, %arg7: memref<125x128xf32, #tpu.memory_space<vmem>>, %arg8: memref<32x128xf32, #tpu.memory_space<vmem>>, %arg9: memref<10240x128xf32, #tpu.memory_space<vmem_shared>>, %arg10: memref<!tpu.dma_semaphore, #tpu.memory_space<semaphore_mem>>) attributes {dimension_semantics = [#tpu.dimension_semantics<core_parallel>, #tpu.dimension_semantics<subcore_parallel>], iteration_bounds = array<i64: 2, 16>, scalar_prefetch = 0 : i64, scratch_operands = 5 : i64, tpu.core_type = #tpu.core_type<sc_vector_subcore>, window_params = [{transform_indices = #map}, {transform_indices = #map1}, {transform_indices = #map1}, {transform_indices = #map2}]} {
    %mul3A = arith.constant 16 : i32
    %mul3A_0 = arith.muli %arg0, %mul3A : i32
    %add3A = arith.addi %mul3A_0, %arg1 : i32
    "tpu.region"() ({
      %run_scoped3A = tpu.sem_alloc : memref<!tpu.dma_semaphore, #tpu.memory_space<semaphore_mem>>
      tpu.enqueue_dma source(%arg3 : memref<125x128xf32, #tpu.memory_space<hbm>>) target(%arg7 : memref<125x128xf32, #tpu.memory_space<vmem>>) target_semaphore(%run_scoped3A : memref<!tpu.dma_semaphore, #tpu.memory_space<semaphore_mem>>)
      tpu.wait_dma2 semaphore(%run_scoped3A : memref<!tpu.dma_semaphore, #tpu.memory_space<semaphore_mem>>) src(%arg3 : memref<125x128xf32, #tpu.memory_space<hbm>>) dst(%arg7 : memref<125x128xf32, #tpu.memory_space<vmem>>)
      tpu.yield
    }) : () -> ()
    "tpu.region"() ({
      %run_scoped3A = tpu.sem_alloc : memref<!tpu.dma_semaphore, #tpu.memory_space<semaphore_mem>>
      tpu.enqueue_dma source(%arg4 : memref<32x128xf32, #tpu.memory_space<hbm>>) target(%arg8 : memref<32x128xf32, #tpu.memory_space<vmem>>) target_semaphore(%run_scoped3A : memref<!tpu.dma_semaphore, #tpu.memory_space<semaphore_mem>>)
      tpu.wait_dma2 semaphore(%run_scoped3A : memref<!tpu.dma_semaphore, #tpu.memory_space<semaphore_mem>>) src(%arg4 : memref<32x128xf32, #tpu.memory_space<hbm>>) dst(%arg8 : memref<32x128xf32, #tpu.memory_space<vmem>>)
      tpu.yield
    }) : () -> ()
    %mul3A_1 = arith.constant 640 : i32
    %mul3A_2 = arith.muli %arg1, %mul3A_1 : i32
    %add3A_3 = arith.constant 0 : i32
    %add3A_4 = arith.addi %mul3A_2, %add3A_3 : i32
    "tpu.region"() ({
      %run_scoped3A = tpu.sem_alloc : memref<!tpu.dma_semaphore, #tpu.memory_space<semaphore_mem>>
      %dma_start3A = arith.constant 0 : i32
      %dma_start3A_247 = tpu.memref_slice %arg9[%add3A_4, %dma_start3A] : memref<10240x128xf32, #tpu.memory_space<vmem_shared>> -> memref<32x128xf32, #tpu.memory_space<vmem_shared>>
      %dma_start3A_248 = arith.constant 0 : i32
      %dma_start3A_249 = tpu.memref_slice %arg9[%add3A_4, %dma_start3A_248] : memref<10240x128xf32, #tpu.memory_space<vmem_shared>> -> memref<32x128xf32, #tpu.memory_space<vmem_shared>>
      tpu.enqueue_dma source(%arg8 : memref<32x128xf32, #tpu.memory_space<vmem>>) target(%dma_start3A_249 : memref<32x128xf32, #tpu.memory_space<vmem_shared>>) target_semaphore(%run_scoped3A : memref<!tpu.dma_semaphore, #tpu.memory_space<semaphore_mem>>)
      %dma_wait3A = arith.constant 0 : i32
      %dma_wait3A_250 = tpu.memref_slice %arg9[%add3A_4, %dma_wait3A] : memref<10240x128xf32, #tpu.memory_space<vmem_shared>> -> memref<32x128xf32, #tpu.memory_space<vmem_shared>>
      %dma_wait3A_251 = arith.constant 0 : i32
      %dma_wait3A_252 = tpu.memref_slice %arg9[%add3A_4, %dma_wait3A_251] : memref<10240x128xf32, #tpu.memory_space<vmem_shared>> -> memref<32x128xf32, #tpu.memory_space<vmem_shared>>
      tpu.wait_dma2 semaphore(%run_scoped3A : memref<!tpu.dma_semaphore, #tpu.memory_space<semaphore_mem>>) src(%arg8 : memref<32x128xf32, #tpu.memory_space<vmem>>) dst(%dma_wait3A_252 : memref<32x128xf32, #tpu.memory_space<vmem_shared>>)
      tpu.yield
    }) : () -> ()
    %mul3A_5 = arith.constant 640 : i32
    %mul3A_6 = arith.muli %arg1, %mul3A_5 : i32
    %add3A_7 = arith.constant 32 : i32
    %add3A_8 = arith.addi %mul3A_6, %add3A_7 : i32
    "tpu.region"() ({
      %run_scoped3A = tpu.sem_alloc : memref<!tpu.dma_semaphore, #tpu.memory_space<semaphore_mem>>
      %dma_start3A = arith.constant 0 : i32
      %dma_start3A_247 = tpu.memref_slice %arg9[%add3A_8, %dma_start3A] : memref<10240x128xf32, #tpu.memory_space<vmem_shared>> -> memref<32x128xf32, #tpu.memory_space<vmem_shared>>
      %dma_start3A_248 = arith.constant 0 : i32
      %dma_start3A_249 = tpu.memref_slice %arg9[%add3A_8, %dma_start3A_248] : memref<10240x128xf32, #tpu.memory_space<vmem_shared>> -> memref<32x128xf32, #tpu.memory_space<vmem_shared>>
      tpu.enqueue_dma source(%arg8 : memref<32x128xf32, #tpu.memory_space<vmem>>) target(%dma_start3A_249 : memref<32x128xf32, #tpu.memory_space<vmem_shared>>) target_semaphore(%run_scoped3A : memref<!tpu.dma_semaphore, #tpu.memory_space<semaphore_mem>>)
      %dma_wait3A = arith.constant 0 : i32
      %dma_wait3A_250 = tpu.memref_slice %arg9[%add3A_8, %dma_wait3A] : memref<10240x128xf32, #tpu.memory_space<vmem_shared>> -> memref<32x128xf32, #tpu.memory_space<vmem_shared>>
      %dma_wait3A_251 = arith.constant 0 : i32
      %dma_wait3A_252 = tpu.memref_slice %arg9[%add3A_8, %dma_wait3A_251] : memref<10240x128xf32, #tpu.memory_space<vmem_shared>> -> memref<32x128xf32, #tpu.memory_space<vmem_shared>>
      tpu.wait_dma2 semaphore(%run_scoped3A : memref<!tpu.dma_semaphore, #tpu.memory_space<semaphore_mem>>) src(%arg8 : memref<32x128xf32, #tpu.memory_space<vmem>>) dst(%dma_wait3A_252 : memref<32x128xf32, #tpu.memory_space<vmem_shared>>)
      tpu.yield
    }) : () -> ()
    %mul3A_9 = arith.constant 640 : i32
    %mul3A_10 = arith.muli %arg1, %mul3A_9 : i32
    %add3A_11 = arith.constant 64 : i32
    %add3A_12 = arith.addi %mul3A_10, %add3A_11 : i32
    "tpu.region"() ({
      %run_scoped3A = tpu.sem_alloc : memref<!tpu.dma_semaphore, #tpu.memory_space<semaphore_mem>>
      %dma_start3A = arith.constant 0 : i32
      %dma_start3A_247 = tpu.memref_slice %arg9[%add3A_12, %dma_start3A] : memref<10240x128xf32, #tpu.memory_space<vmem_shared>> -> memref<32x128xf32, #tpu.memory_space<vmem_shared>>
      %dma_start3A_248 = arith.constant 0 : i32
      %dma_start3A_249 = tpu.memref_slice %arg9[%add3A_12, %dma_start3A_248] : memref<10240x128xf32, #tpu.memory_space<vmem_shared>> -> memref<32x128xf32, #tpu.memory_space<vmem_shared>>
      tpu.enqueue_dma source(%arg8 : memref<32x128xf32, #tpu.memory_space<vmem>>) target(%dma_start3A_249 : memref<32x128xf32, #tpu.memory_space<vmem_shared>>) target_semaphore(%run_scoped3A : memref<!tpu.dma_semaphore, #tpu.memory_space<semaphore_mem>>)
      %dma_wait3A = arith.constant 0 : i32
      %dma_wait3A_250 = tpu.memref_slice %arg9[%add3A_12, %dma_wait3A] : memref<10240x128xf32, #tpu.memory_space<vmem_shared>> -> memref<32x128xf32, #tpu.memory_space<vmem_shared>>
      %dma_wait3A_251 = arith.constant 0 : i32
      %dma_wait3A_252 = tpu.memref_slice %arg9[%add3A_12, %dma_wait3A_251] : memref<10240x128xf32, #tpu.memory_space<vmem_shared>> -> memref<32x128xf32, #tpu.memory_space<vmem_shared>>
      tpu.wait_dma2 semaphore(%run_scoped3A : memref<!tpu.dma_semaphore, #tpu.memory_space<semaphore_mem>>) src(%arg8 : memref<32x128xf32, #tpu.memory_space<vmem>>) dst(%dma_wait3A_252 : memref<32x128xf32, #tpu.memory_space<vmem_shared>>)
      tpu.yield
    }) : () -> ()
    %mul3A_13 = arith.constant 640 : i32
    %mul3A_14 = arith.muli %arg1, %mul3A_13 : i32
    %add3A_15 = arith.constant 96 : i32
    %add3A_16 = arith.addi %mul3A_14, %add3A_15 : i32
    "tpu.region"() ({
      %run_scoped3A = tpu.sem_alloc : memref<!tpu.dma_semaphore, #tpu.memory_space<semaphore_mem>>
      %dma_start3A = arith.constant 0 : i32
      %dma_start3A_247 = tpu.memref_slice %arg9[%add3A_16, %dma_start3A] : memref<10240x128xf32, #tpu.memory_space<vmem_shared>> -> memref<32x128xf32, #tpu.memory_space<vmem_shared>>
      %dma_start3A_248 = arith.constant 0 : i32
      %dma_start3A_249 = tpu.memref_slice %arg9[%add3A_16, %dma_start3A_248] : memref<10240x128xf32, #tpu.memory_space<vmem_shared>> -> memref<32x128xf32, #tpu.memory_space<vmem_shared>>
      tpu.enqueue_dma source(%arg8 : memref<32x128xf32, #tpu.memory_space<vmem>>) target(%dma_start3A_249 : memref<32x128xf32, #tpu.memory_space<vmem_shared>>) target_semaphore(%run_scoped3A : memref<!tpu.dma_semaphore, #tpu.memory_space<semaphore_mem>>)
      %dma_wait3A = arith.constant 0 : i32
      %dma_wait3A_250 = tpu.memref_slice %arg9[%add3A_16, %dma_wait3A] : memref<10240x128xf32, #tpu.memory_space<vmem_shared>> -> memref<32x128xf32, #tpu.memory_space<vmem_shared>>
      %dma_wait3A_251 = arith.constant 0 : i32
      %dma_wait3A_252 = tpu.memref_slice %arg9[%add3A_16, %dma_wait3A_251] : memref<10240x128xf32, #tpu.memory_space<vmem_shared>> -> memref<32x128xf32, #tpu.memory_space<vmem_shared>>
      tpu.wait_dma2 semaphore(%run_scoped3A : memref<!tpu.dma_semaphore, #tpu.memory_space<semaphore_mem>>) src(%arg8 : memref<32x128xf32, #tpu.memory_space<vmem>>) dst(%dma_wait3A_252 : memref<32x128xf32, #tpu.memory_space<vmem_shared>>)
      tpu.yield
    }) : () -> ()
    %mul3A_17 = arith.constant 640 : i32
    %mul3A_18 = arith.muli %arg1, %mul3A_17 : i32
    %add3A_19 = arith.constant 128 : i32
    %add3A_20 = arith.addi %mul3A_18, %add3A_19 : i32
    "tpu.region"() ({
      %run_scoped3A = tpu.sem_alloc : memref<!tpu.dma_semaphore, #tpu.memory_space<semaphore_mem>>
      %dma_start3A = arith.constant 0 : i32
      %dma_start3A_247 = tpu.memref_slice %arg9[%add3A_20, %dma_start3A] : memref<10240x128xf32, #tpu.memory_space<vmem_shared>> -> memref<32x128xf32, #tpu.memory_space<vmem_shared>>
      %dma_start3A_248 = arith.constant 0 : i32
      %dma_start3A_249 = tpu.memref_slice %arg9[%add3A_20, %dma_start3A_248] : memref<10240x128xf32, #tpu.memory_space<vmem_shared>> -> memref<32x128xf32, #tpu.memory_space<vmem_shared>>
      tpu.enqueue_dma source(%arg8 : memref<32x128xf32, #tpu.memory_space<vmem>>) target(%dma_start3A_249 : memref<32x128xf32, #tpu.memory_space<vmem_shared>>) target_semaphore(%run_scoped3A : memref<!tpu.dma_semaphore, #tpu.memory_space<semaphore_mem>>)
      %dma_wait3A = arith.constant 0 : i32
      %dma_wait3A_250 = tpu.memref_slice %arg9[%add3A_20, %dma_wait3A] : memref<10240x128xf32, #tpu.memory_space<vmem_shared>> -> memref<32x128xf32, #tpu.memory_space<vmem_shared>>
      %dma_wait3A_251 = arith.constant 0 : i32
      %dma_wait3A_252 = tpu.memref_slice %arg9[%add3A_20, %dma_wait3A_251] : memref<10240x128xf32, #tpu.memory_space<vmem_shared>> -> memref<32x128xf32, #tpu.memory_space<vmem_shared>>
      tpu.wait_dma2 semaphore(%run_scoped3A : memref<!tpu.dma_semaphore, #tpu.memory_space<semaphore_mem>>) src(%arg8 : memref<32x128xf32, #tpu.memory_space<vmem>>) dst(%dma_wait3A_252 : memref<32x128xf32, #tpu.memory_space<vmem_shared>>)
      tpu.yield
    }) : () -> ()
    %mul3A_21 = arith.constant 640 : i32
    %mul3A_22 = arith.muli %arg1, %mul3A_21 : i32
    %add3A_23 = arith.constant 160 : i32
    %add3A_24 = arith.addi %mul3A_22, %add3A_23 : i32
    "tpu.region"() ({
      %run_scoped3A = tpu.sem_alloc : memref<!tpu.dma_semaphore, #tpu.memory_space<semaphore_mem>>
      %dma_start3A = arith.constant 0 : i32
      %dma_start3A_247 = tpu.memref_slice %arg9[%add3A_24, %dma_start3A] : memref<10240x128xf32, #tpu.memory_space<vmem_shared>> -> memref<32x128xf32, #tpu.memory_space<vmem_shared>>
      %dma_start3A_248 = arith.constant 0 : i32
      %dma_start3A_249 = tpu.memref_slice %arg9[%add3A_24, %dma_start3A_248] : memref<10240x128xf32, #tpu.memory_space<vmem_shared>> -> memref<32x128xf32, #tpu.memory_space<vmem_shared>>
      tpu.enqueue_dma source(%arg8 : memref<32x128xf32, #tpu.memory_space<vmem>>) target(%dma_start3A_249 : memref<32x128xf32, #tpu.memory_space<vmem_shared>>) target_semaphore(%run_scoped3A : memref<!tpu.dma_semaphore, #tpu.memory_space<semaphore_mem>>)
      %dma_wait3A = arith.constant 0 : i32
      %dma_wait3A_250 = tpu.memref_slice %arg9[%add3A_24, %dma_wait3A] : memref<10240x128xf32, #tpu.memory_space<vmem_shared>> -> memref<32x128xf32, #tpu.memory_space<vmem_shared>>
      %dma_wait3A_251 = arith.constant 0 : i32
      %dma_wait3A_252 = tpu.memref_slice %arg9[%add3A_24, %dma_wait3A_251] : memref<10240x128xf32, #tpu.memory_space<vmem_shared>> -> memref<32x128xf32, #tpu.memory_space<vmem_shared>>
      tpu.wait_dma2 semaphore(%run_scoped3A : memref<!tpu.dma_semaphore, #tpu.memory_space<semaphore_mem>>) src(%arg8 : memref<32x128xf32, #tpu.memory_space<vmem>>) dst(%dma_wait3A_252 : memref<32x128xf32, #tpu.memory_space<vmem_shared>>)
      tpu.yield
    }) : () -> ()
    %mul3A_25 = arith.constant 640 : i32
    %mul3A_26 = arith.muli %arg1, %mul3A_25 : i32
    %add3A_27 = arith.constant 192 : i32
    %add3A_28 = arith.addi %mul3A_26, %add3A_27 : i32
    "tpu.region"() ({
      %run_scoped3A = tpu.sem_alloc : memref<!tpu.dma_semaphore, #tpu.memory_space<semaphore_mem>>
      %dma_start3A = arith.constant 0 : i32
      %dma_start3A_247 = tpu.memref_slice %arg9[%add3A_28, %dma_start3A] : memref<10240x128xf32, #tpu.memory_space<vmem_shared>> -> memref<32x128xf32, #tpu.memory_space<vmem_shared>>
      %dma_start3A_248 = arith.constant 0 : i32
      %dma_start3A_249 = tpu.memref_slice %arg9[%add3A_28, %dma_start3A_248] : memref<10240x128xf32, #tpu.memory_space<vmem_shared>> -> memref<32x128xf32, #tpu.memory_space<vmem_shared>>
      tpu.enqueue_dma source(%arg8 : memref<32x128xf32, #tpu.memory_space<vmem>>) target(%dma_start3A_249 : memref<32x128xf32, #tpu.memory_space<vmem_shared>>) target_semaphore(%run_scoped3A : memref<!tpu.dma_semaphore, #tpu.memory_space<semaphore_mem>>)
      %dma_wait3A = arith.constant 0 : i32
      %dma_wait3A_250 = tpu.memref_slice %arg9[%add3A_28, %dma_wait3A] : memref<10240x128xf32, #tpu.memory_space<vmem_shared>> -> memref<32x128xf32, #tpu.memory_space<vmem_shared>>
      %dma_wait3A_251 = arith.constant 0 : i32
      %dma_wait3A_252 = tpu.memref_slice %arg9[%add3A_28, %dma_wait3A_251] : memref<10240x128xf32, #tpu.memory_space<vmem_shared>> -> memref<32x128xf32, #tpu.memory_space<vmem_shared>>
      tpu.wait_dma2 semaphore(%run_scoped3A : memref<!tpu.dma_semaphore, #tpu.memory_space<semaphore_mem>>) src(%arg8 : memref<32x128xf32, #tpu.memory_space<vmem>>) dst(%dma_wait3A_252 : memref<32x128xf32, #tpu.memory_space<vmem_shared>>)
      tpu.yield
    }) : () -> ()
    %mul3A_29 = arith.constant 640 : i32
    %mul3A_30 = arith.muli %arg1, %mul3A_29 : i32
    %add3A_31 = arith.constant 224 : i32
    %add3A_32 = arith.addi %mul3A_30, %add3A_31 : i32
    "tpu.region"() ({
      %run_scoped3A = tpu.sem_alloc : memref<!tpu.dma_semaphore, #tpu.memory_space<semaphore_mem>>
      %dma_start3A = arith.constant 0 : i32
      %dma_start3A_247 = tpu.memref_slice %arg9[%add3A_32, %dma_start3A] : memref<10240x128xf32, #tpu.memory_space<vmem_shared>> -> memref<32x128xf32, #tpu.memory_space<vmem_shared>>
      %dma_start3A_248 = arith.constant 0 : i32
      %dma_start3A_249 = tpu.memref_slice %arg9[%add3A_32, %dma_start3A_248] : memref<10240x128xf32, #tpu.memory_space<vmem_shared>> -> memref<32x128xf32, #tpu.memory_space<vmem_shared>>
      tpu.enqueue_dma source(%arg8 : memref<32x128xf32, #tpu.memory_space<vmem>>) target(%dma_start3A_249 : memref<32x128xf32, #tpu.memory_space<vmem_shared>>) target_semaphore(%run_scoped3A : memref<!tpu.dma_semaphore, #tpu.memory_space<semaphore_mem>>)
      %dma_wait3A = arith.constant 0 : i32
      %dma_wait3A_250 = tpu.memref_slice %arg9[%add3A_32, %dma_wait3A] : memref<10240x128xf32, #tpu.memory_space<vmem_shared>> -> memref<32x128xf32, #tpu.memory_space<vmem_shared>>
      %dma_wait3A_251 = arith.constant 0 : i32
      %dma_wait3A_252 = tpu.memref_slice %arg9[%add3A_32, %dma_wait3A_251] : memref<10240x128xf32, #tpu.memory_space<vmem_shared>> -> memref<32x128xf32, #tpu.memory_space<vmem_shared>>
      tpu.wait_dma2 semaphore(%run_scoped3A : memref<!tpu.dma_semaphore, #tpu.memory_space<semaphore_mem>>) src(%arg8 : memref<32x128xf32, #tpu.memory_space<vmem>>) dst(%dma_wait3A_252 : memref<32x128xf32, #tpu.memory_space<vmem_shared>>)
      tpu.yield
    }) : () -> ()
    %mul3A_33 = arith.constant 640 : i32
    %mul3A_34 = arith.muli %arg1, %mul3A_33 : i32
    %add3A_35 = arith.constant 256 : i32
    %add3A_36 = arith.addi %mul3A_34, %add3A_35 : i32
    "tpu.region"() ({
      %run_scoped3A = tpu.sem_alloc : memref<!tpu.dma_semaphore, #tpu.memory_space<semaphore_mem>>
      %dma_start3A = arith.constant 0 : i32
      %dma_start3A_247 = tpu.memref_slice %arg9[%add3A_36, %dma_start3A] : memref<10240x128xf32, #tpu.memory_space<vmem_shared>> -> memref<32x128xf32, #tpu.memory_space<vmem_shared>>
      %dma_start3A_248 = arith.constant 0 : i32
      %dma_start3A_249 = tpu.memref_slice %arg9[%add3A_36, %dma_start3A_248] : memref<10240x128xf32, #tpu.memory_space<vmem_shared>> -> memref<32x128xf32, #tpu.memory_space<vmem_shared>>
      tpu.enqueue_dma source(%arg8 : memref<32x128xf32, #tpu.memory_space<vmem>>) target(%dma_start3A_249 : memref<32x128xf32, #tpu.memory_space<vmem_shared>>) target_semaphore(%run_scoped3A : memref<!tpu.dma_semaphore, #tpu.memory_space<semaphore_mem>>)
      %dma_wait3A = arith.constant 0 : i32
      %dma_wait3A_250 = tpu.memref_slice %arg9[%add3A_36, %dma_wait3A] : memref<10240x128xf32, #tpu.memory_space<vmem_shared>> -> memref<32x128xf32, #tpu.memory_space<vmem_shared>>
      %dma_wait3A_251 = arith.constant 0 : i32
      %dma_wait3A_252 = tpu.memref_slice %arg9[%add3A_36, %dma_wait3A_251] : memref<10240x128xf32, #tpu.memory_space<vmem_shared>> -> memref<32x128xf32, #tpu.memory_space<vmem_shared>>
      tpu.wait_dma2 semaphore(%run_scoped3A : memref<!tpu.dma_semaphore, #tpu.memory_space<semaphore_mem>>) src(%arg8 : memref<32x128xf32, #tpu.memory_space<vmem>>) dst(%dma_wait3A_252 : memref<32x128xf32, #tpu.memory_space<vmem_shared>>)
      tpu.yield
    }) : () -> ()
    %mul3A_37 = arith.constant 640 : i32
    %mul3A_38 = arith.muli %arg1, %mul3A_37 : i32
    %add3A_39 = arith.constant 288 : i32
    %add3A_40 = arith.addi %mul3A_38, %add3A_39 : i32
    "tpu.region"() ({
      %run_scoped3A = tpu.sem_alloc : memref<!tpu.dma_semaphore, #tpu.memory_space<semaphore_mem>>
      %dma_start3A = arith.constant 0 : i32
      %dma_start3A_247 = tpu.memref_slice %arg9[%add3A_40, %dma_start3A] : memref<10240x128xf32, #tpu.memory_space<vmem_shared>> -> memref<32x128xf32, #tpu.memory_space<vmem_shared>>
      %dma_start3A_248 = arith.constant 0 : i32
      %dma_start3A_249 = tpu.memref_slice %arg9[%add3A_40, %dma_start3A_248] : memref<10240x128xf32, #tpu.memory_space<vmem_shared>> -> memref<32x128xf32, #tpu.memory_space<vmem_shared>>
      tpu.enqueue_dma source(%arg8 : memref<32x128xf32, #tpu.memory_space<vmem>>) target(%dma_start3A_249 : memref<32x128xf32, #tpu.memory_space<vmem_shared>>) target_semaphore(%run_scoped3A : memref<!tpu.dma_semaphore, #tpu.memory_space<semaphore_mem>>)
      %dma_wait3A = arith.constant 0 : i32
      %dma_wait3A_250 = tpu.memref_slice %arg9[%add3A_40, %dma_wait3A] : memref<10240x128xf32, #tpu.memory_space<vmem_shared>> -> memref<32x128xf32, #tpu.memory_space<vmem_shared>>
      %dma_wait3A_251 = arith.constant 0 : i32
      %dma_wait3A_252 = tpu.memref_slice %arg9[%add3A_40, %dma_wait3A_251] : memref<10240x128xf32, #tpu.memory_space<vmem_shared>> -> memref<32x128xf32, #tpu.memory_space<vmem_shared>>
      tpu.wait_dma2 semaphore(%run_scoped3A : memref<!tpu.dma_semaphore, #tpu.memory_space<semaphore_mem>>) src(%arg8 : memref<32x128xf32, #tpu.memory_space<vmem>>) dst(%dma_wait3A_252 : memref<32x128xf32, #tpu.memory_space<vmem_shared>>)
      tpu.yield
    }) : () -> ()
    %mul3A_41 = arith.constant 640 : i32
    %mul3A_42 = arith.muli %arg1, %mul3A_41 : i32
    %add3A_43 = arith.constant 320 : i32
    %add3A_44 = arith.addi %mul3A_42, %add3A_43 : i32
    "tpu.region"() ({
      %run_scoped3A = tpu.sem_alloc : memref<!tpu.dma_semaphore, #tpu.memory_space<semaphore_mem>>
      %dma_start3A = arith.constant 0 : i32
      %dma_start3A_247 = tpu.memref_slice %arg9[%add3A_44, %dma_start3A] : memref<10240x128xf32, #tpu.memory_space<vmem_shared>> -> memref<32x128xf32, #tpu.memory_space<vmem_shared>>
      %dma_start3A_248 = arith.constant 0 : i32
      %dma_start3A_249 = tpu.memref_slice %arg9[%add3A_44, %dma_start3A_248] : memref<10240x128xf32, #tpu.memory_space<vmem_shared>> -> memref<32x128xf32, #tpu.memory_space<vmem_shared>>
      tpu.enqueue_dma source(%arg8 : memref<32x128xf32, #tpu.memory_space<vmem>>) target(%dma_start3A_249 : memref<32x128xf32, #tpu.memory_space<vmem_shared>>) target_semaphore(%run_scoped3A : memref<!tpu.dma_semaphore, #tpu.memory_space<semaphore_mem>>)
      %dma_wait3A = arith.constant 0 : i32
      %dma_wait3A_250 = tpu.memref_slice %arg9[%add3A_44, %dma_wait3A] : memref<10240x128xf32, #tpu.memory_space<vmem_shared>> -> memref<32x128xf32, #tpu.memory_space<vmem_shared>>
      %dma_wait3A_251 = arith.constant 0 : i32
      %dma_wait3A_252 = tpu.memref_slice %arg9[%add3A_44, %dma_wait3A_251] : memref<10240x128xf32, #tpu.memory_space<vmem_shared>> -> memref<32x128xf32, #tpu.memory_space<vmem_shared>>
      tpu.wait_dma2 semaphore(%run_scoped3A : memref<!tpu.dma_semaphore, #tpu.memory_space<semaphore_mem>>) src(%arg8 : memref<32x128xf32, #tpu.memory_space<vmem>>) dst(%dma_wait3A_252 : memref<32x128xf32, #tpu.memory_space<vmem_shared>>)
      tpu.yield
    }) : () -> ()
    %mul3A_45 = arith.constant 640 : i32
    %mul3A_46 = arith.muli %arg1, %mul3A_45 : i32
    %add3A_47 = arith.constant 352 : i32
    %add3A_48 = arith.addi %mul3A_46, %add3A_47 : i32
    "tpu.region"() ({
      %run_scoped3A = tpu.sem_alloc : memref<!tpu.dma_semaphore, #tpu.memory_space<semaphore_mem>>
      %dma_start3A = arith.constant 0 : i32
      %dma_start3A_247 = tpu.memref_slice %arg9[%add3A_48, %dma_start3A] : memref<10240x128xf32, #tpu.memory_space<vmem_shared>> -> memref<32x128xf32, #tpu.memory_space<vmem_shared>>
      %dma_start3A_248 = arith.constant 0 : i32
      %dma_start3A_249 = tpu.memref_slice %arg9[%add3A_48, %dma_start3A_248] : memref<10240x128xf32, #tpu.memory_space<vmem_shared>> -> memref<32x128xf32, #tpu.memory_space<vmem_shared>>
      tpu.enqueue_dma source(%arg8 : memref<32x128xf32, #tpu.memory_space<vmem>>) target(%dma_start3A_249 : memref<32x128xf32, #tpu.memory_space<vmem_shared>>) target_semaphore(%run_scoped3A : memref<!tpu.dma_semaphore, #tpu.memory_space<semaphore_mem>>)
      %dma_wait3A = arith.constant 0 : i32
      %dma_wait3A_250 = tpu.memref_slice %arg9[%add3A_48, %dma_wait3A] : memref<10240x128xf32, #tpu.memory_space<vmem_shared>> -> memref<32x128xf32, #tpu.memory_space<vmem_shared>>
      %dma_wait3A_251 = arith.constant 0 : i32
      %dma_wait3A_252 = tpu.memref_slice %arg9[%add3A_48, %dma_wait3A_251] : memref<10240x128xf32, #tpu.memory_space<vmem_shared>> -> memref<32x128xf32, #tpu.memory_space<vmem_shared>>
      tpu.wait_dma2 semaphore(%run_scoped3A : memref<!tpu.dma_semaphore, #tpu.memory_space<semaphore_mem>>) src(%arg8 : memref<32x128xf32, #tpu.memory_space<vmem>>) dst(%dma_wait3A_252 : memref<32x128xf32, #tpu.memory_space<vmem_shared>>)
      tpu.yield
    }) : () -> ()
    %mul3A_49 = arith.constant 640 : i32
    %mul3A_50 = arith.muli %arg1, %mul3A_49 : i32
    %add3A_51 = arith.constant 384 : i32
    %add3A_52 = arith.addi %mul3A_50, %add3A_51 : i32
    "tpu.region"() ({
      %run_scoped3A = tpu.sem_alloc : memref<!tpu.dma_semaphore, #tpu.memory_space<semaphore_mem>>
      %dma_start3A = arith.constant 0 : i32
      %dma_start3A_247 = tpu.memref_slice %arg9[%add3A_52, %dma_start3A] : memref<10240x128xf32, #tpu.memory_space<vmem_shared>> -> memref<32x128xf32, #tpu.memory_space<vmem_shared>>
      %dma_start3A_248 = arith.constant 0 : i32
      %dma_start3A_249 = tpu.memref_slice %arg9[%add3A_52, %dma_start3A_248] : memref<10240x128xf32, #tpu.memory_space<vmem_shared>> -> memref<32x128xf32, #tpu.memory_space<vmem_shared>>
      tpu.enqueue_dma source(%arg8 : memref<32x128xf32, #tpu.memory_space<vmem>>) target(%dma_start3A_249 : memref<32x128xf32, #tpu.memory_space<vmem_shared>>) target_semaphore(%run_scoped3A : memref<!tpu.dma_semaphore, #tpu.memory_space<semaphore_mem>>)
      %dma_wait3A = arith.constant 0 : i32
      %dma_wait3A_250 = tpu.memref_slice %arg9[%add3A_52, %dma_wait3A] : memref<10240x128xf32, #tpu.memory_space<vmem_shared>> -> memref<32x128xf32, #tpu.memory_space<vmem_shared>>
      %dma_wait3A_251 = arith.constant 0 : i32
      %dma_wait3A_252 = tpu.memref_slice %arg9[%add3A_52, %dma_wait3A_251] : memref<10240x128xf32, #tpu.memory_space<vmem_shared>> -> memref<32x128xf32, #tpu.memory_space<vmem_shared>>
      tpu.wait_dma2 semaphore(%run_scoped3A : memref<!tpu.dma_semaphore, #tpu.memory_space<semaphore_mem>>) src(%arg8 : memref<32x128xf32, #tpu.memory_space<vmem>>) dst(%dma_wait3A_252 : memref<32x128xf32, #tpu.memory_space<vmem_shared>>)
      tpu.yield
    }) : () -> ()
    %mul3A_53 = arith.constant 640 : i32
    %mul3A_54 = arith.muli %arg1, %mul3A_53 : i32
    %add3A_55 = arith.constant 416 : i32
    %add3A_56 = arith.addi %mul3A_54, %add3A_55 : i32
    "tpu.region"() ({
      %run_scoped3A = tpu.sem_alloc : memref<!tpu.dma_semaphore, #tpu.memory_space<semaphore_mem>>
      %dma_start3A = arith.constant 0 : i32
      %dma_start3A_247 = tpu.memref_slice %arg9[%add3A_56, %dma_start3A] : memref<10240x128xf32, #tpu.memory_space<vmem_shared>> -> memref<32x128xf32, #tpu.memory_space<vmem_shared>>
      %dma_start3A_248 = arith.constant 0 : i32
      %dma_start3A_249 = tpu.memref_slice %arg9[%add3A_56, %dma_start3A_248] : memref<10240x128xf32, #tpu.memory_space<vmem_shared>> -> memref<32x128xf32, #tpu.memory_space<vmem_shared>>
      tpu.enqueue_dma source(%arg8 : memref<32x128xf32, #tpu.memory_space<vmem>>) target(%dma_start3A_249 : memref<32x128xf32, #tpu.memory_space<vmem_shared>>) target_semaphore(%run_scoped3A : memref<!tpu.dma_semaphore, #tpu.memory_space<semaphore_mem>>)
      %dma_wait3A = arith.constant 0 : i32
      %dma_wait3A_250 = tpu.memref_slice %arg9[%add3A_56, %dma_wait3A] : memref<10240x128xf32, #tpu.memory_space<vmem_shared>> -> memref<32x128xf32, #tpu.memory_space<vmem_shared>>
      %dma_wait3A_251 = arith.constant 0 : i32
      %dma_wait3A_252 = tpu.memref_slice %arg9[%add3A_56, %dma_wait3A_251] : memref<10240x128xf32, #tpu.memory_space<vmem_shared>> -> memref<32x128xf32, #tpu.memory_space<vmem_shared>>
      tpu.wait_dma2 semaphore(%run_scoped3A : memref<!tpu.dma_semaphore, #tpu.memory_space<semaphore_mem>>) src(%arg8 : memref<32x128xf32, #tpu.memory_space<vmem>>) dst(%dma_wait3A_252 : memref<32x128xf32, #tpu.memory_space<vmem_shared>>)
      tpu.yield
    }) : () -> ()
    %mul3A_57 = arith.constant 640 : i32
    %mul3A_58 = arith.muli %arg1, %mul3A_57 : i32
    %add3A_59 = arith.constant 448 : i32
    %add3A_60 = arith.addi %mul3A_58, %add3A_59 : i32
    "tpu.region"() ({
      %run_scoped3A = tpu.sem_alloc : memref<!tpu.dma_semaphore, #tpu.memory_space<semaphore_mem>>
      %dma_start3A = arith.constant 0 : i32
      %dma_start3A_247 = tpu.memref_slice %arg9[%add3A_60, %dma_start3A] : memref<10240x128xf32, #tpu.memory_space<vmem_shared>> -> memref<32x128xf32, #tpu.memory_space<vmem_shared>>
      %dma_start3A_248 = arith.constant 0 : i32
      %dma_start3A_249 = tpu.memref_slice %arg9[%add3A_60, %dma_start3A_248] : memref<10240x128xf32, #tpu.memory_space<vmem_shared>> -> memref<32x128xf32, #tpu.memory_space<vmem_shared>>
      tpu.enqueue_dma source(%arg8 : memref<32x128xf32, #tpu.memory_space<vmem>>) target(%dma_start3A_249 : memref<32x128xf32, #tpu.memory_space<vmem_shared>>) target_semaphore(%run_scoped3A : memref<!tpu.dma_semaphore, #tpu.memory_space<semaphore_mem>>)
      %dma_wait3A = arith.constant 0 : i32
      %dma_wait3A_250 = tpu.memref_slice %arg9[%add3A_60, %dma_wait3A] : memref<10240x128xf32, #tpu.memory_space<vmem_shared>> -> memref<32x128xf32, #tpu.memory_space<vmem_shared>>
      %dma_wait3A_251 = arith.constant 0 : i32
      %dma_wait3A_252 = tpu.memref_slice %arg9[%add3A_60, %dma_wait3A_251] : memref<10240x128xf32, #tpu.memory_space<vmem_shared>> -> memref<32x128xf32, #tpu.memory_space<vmem_shared>>
      tpu.wait_dma2 semaphore(%run_scoped3A : memref<!tpu.dma_semaphore, #tpu.memory_space<semaphore_mem>>) src(%arg8 : memref<32x128xf32, #tpu.memory_space<vmem>>) dst(%dma_wait3A_252 : memref<32x128xf32, #tpu.memory_space<vmem_shared>>)
      tpu.yield
    }) : () -> ()
    %mul3A_61 = arith.constant 640 : i32
    %mul3A_62 = arith.muli %arg1, %mul3A_61 : i32
    %add3A_63 = arith.constant 480 : i32
    %add3A_64 = arith.addi %mul3A_62, %add3A_63 : i32
    "tpu.region"() ({
      %run_scoped3A = tpu.sem_alloc : memref<!tpu.dma_semaphore, #tpu.memory_space<semaphore_mem>>
      %dma_start3A = arith.constant 0 : i32
      %dma_start3A_247 = tpu.memref_slice %arg9[%add3A_64, %dma_start3A] : memref<10240x128xf32, #tpu.memory_space<vmem_shared>> -> memref<32x128xf32, #tpu.memory_space<vmem_shared>>
      %dma_start3A_248 = arith.constant 0 : i32
      %dma_start3A_249 = tpu.memref_slice %arg9[%add3A_64, %dma_start3A_248] : memref<10240x128xf32, #tpu.memory_space<vmem_shared>> -> memref<32x128xf32, #tpu.memory_space<vmem_shared>>
      tpu.enqueue_dma source(%arg8 : memref<32x128xf32, #tpu.memory_space<vmem>>) target(%dma_start3A_249 : memref<32x128xf32, #tpu.memory_space<vmem_shared>>) target_semaphore(%run_scoped3A : memref<!tpu.dma_semaphore, #tpu.memory_space<semaphore_mem>>)
      %dma_wait3A = arith.constant 0 : i32
      %dma_wait3A_250 = tpu.memref_slice %arg9[%add3A_64, %dma_wait3A] : memref<10240x128xf32, #tpu.memory_space<vmem_shared>> -> memref<32x128xf32, #tpu.memory_space<vmem_shared>>
      %dma_wait3A_251 = arith.constant 0 : i32
      %dma_wait3A_252 = tpu.memref_slice %arg9[%add3A_64, %dma_wait3A_251] : memref<10240x128xf32, #tpu.memory_space<vmem_shared>> -> memref<32x128xf32, #tpu.memory_space<vmem_shared>>
      tpu.wait_dma2 semaphore(%run_scoped3A : memref<!tpu.dma_semaphore, #tpu.memory_space<semaphore_mem>>) src(%arg8 : memref<32x128xf32, #tpu.memory_space<vmem>>) dst(%dma_wait3A_252 : memref<32x128xf32, #tpu.memory_space<vmem_shared>>)
      tpu.yield
    }) : () -> ()
    %mul3A_65 = arith.constant 640 : i32
    %mul3A_66 = arith.muli %arg1, %mul3A_65 : i32
    %add3A_67 = arith.constant 512 : i32
    %add3A_68 = arith.addi %mul3A_66, %add3A_67 : i32
    "tpu.region"() ({
      %run_scoped3A = tpu.sem_alloc : memref<!tpu.dma_semaphore, #tpu.memory_space<semaphore_mem>>
      %dma_start3A = arith.constant 0 : i32
      %dma_start3A_247 = tpu.memref_slice %arg9[%add3A_68, %dma_start3A] : memref<10240x128xf32, #tpu.memory_space<vmem_shared>> -> memref<32x128xf32, #tpu.memory_space<vmem_shared>>
      %dma_start3A_248 = arith.constant 0 : i32
      %dma_start3A_249 = tpu.memref_slice %arg9[%add3A_68, %dma_start3A_248] : memref<10240x128xf32, #tpu.memory_space<vmem_shared>> -> memref<32x128xf32, #tpu.memory_space<vmem_shared>>
      tpu.enqueue_dma source(%arg8 : memref<32x128xf32, #tpu.memory_space<vmem>>) target(%dma_start3A_249 : memref<32x128xf32, #tpu.memory_space<vmem_shared>>) target_semaphore(%run_scoped3A : memref<!tpu.dma_semaphore, #tpu.memory_space<semaphore_mem>>)
      %dma_wait3A = arith.constant 0 : i32
      %dma_wait3A_250 = tpu.memref_slice %arg9[%add3A_68, %dma_wait3A] : memref<10240x128xf32, #tpu.memory_space<vmem_shared>> -> memref<32x128xf32, #tpu.memory_space<vmem_shared>>
      %dma_wait3A_251 = arith.constant 0 : i32
      %dma_wait3A_252 = tpu.memref_slice %arg9[%add3A_68, %dma_wait3A_251] : memref<10240x128xf32, #tpu.memory_space<vmem_shared>> -> memref<32x128xf32, #tpu.memory_space<vmem_shared>>
      tpu.wait_dma2 semaphore(%run_scoped3A : memref<!tpu.dma_semaphore, #tpu.memory_space<semaphore_mem>>) src(%arg8 : memref<32x128xf32, #tpu.memory_space<vmem>>) dst(%dma_wait3A_252 : memref<32x128xf32, #tpu.memory_space<vmem_shared>>)
      tpu.yield
    }) : () -> ()
    %mul3A_69 = arith.constant 640 : i32
    %mul3A_70 = arith.muli %arg1, %mul3A_69 : i32
    %add3A_71 = arith.constant 544 : i32
    %add3A_72 = arith.addi %mul3A_70, %add3A_71 : i32
    "tpu.region"() ({
      %run_scoped3A = tpu.sem_alloc : memref<!tpu.dma_semaphore, #tpu.memory_space<semaphore_mem>>
      %dma_start3A = arith.constant 0 : i32
      %dma_start3A_247 = tpu.memref_slice %arg9[%add3A_72, %dma_start3A] : memref<10240x128xf32, #tpu.memory_space<vmem_shared>> -> memref<32x128xf32, #tpu.memory_space<vmem_shared>>
      %dma_start3A_248 = arith.constant 0 : i32
      %dma_start3A_249 = tpu.memref_slice %arg9[%add3A_72, %dma_start3A_248] : memref<10240x128xf32, #tpu.memory_space<vmem_shared>> -> memref<32x128xf32, #tpu.memory_space<vmem_shared>>
      tpu.enqueue_dma source(%arg8 : memref<32x128xf32, #tpu.memory_space<vmem>>) target(%dma_start3A_249 : memref<32x128xf32, #tpu.memory_space<vmem_shared>>) target_semaphore(%run_scoped3A : memref<!tpu.dma_semaphore, #tpu.memory_space<semaphore_mem>>)
      %dma_wait3A = arith.constant 0 : i32
      %dma_wait3A_250 = tpu.memref_slice %arg9[%add3A_72, %dma_wait3A] : memref<10240x128xf32, #tpu.memory_space<vmem_shared>> -> memref<32x128xf32, #tpu.memory_space<vmem_shared>>
      %dma_wait3A_251 = arith.constant 0 : i32
      %dma_wait3A_252 = tpu.memref_slice %arg9[%add3A_72, %dma_wait3A_251] : memref<10240x128xf32, #tpu.memory_space<vmem_shared>> -> memref<32x128xf32, #tpu.memory_space<vmem_shared>>
      tpu.wait_dma2 semaphore(%run_scoped3A : memref<!tpu.dma_semaphore, #tpu.memory_space<semaphore_mem>>) src(%arg8 : memref<32x128xf32, #tpu.memory_space<vmem>>) dst(%dma_wait3A_252 : memref<32x128xf32, #tpu.memory_space<vmem_shared>>)
      tpu.yield
    }) : () -> ()
    %mul3A_73 = arith.constant 640 : i32
    %mul3A_74 = arith.muli %arg1, %mul3A_73 : i32
    %add3A_75 = arith.constant 576 : i32
    %add3A_76 = arith.addi %mul3A_74, %add3A_75 : i32
    "tpu.region"() ({
      %run_scoped3A = tpu.sem_alloc : memref<!tpu.dma_semaphore, #tpu.memory_space<semaphore_mem>>
      %dma_start3A = arith.constant 0 : i32
      %dma_start3A_247 = tpu.memref_slice %arg9[%add3A_76, %dma_start3A] : memref<10240x128xf32, #tpu.memory_space<vmem_shared>> -> memref<32x128xf32, #tpu.memory_space<vmem_shared>>
      %dma_start3A_248 = arith.constant 0 : i32
      %dma_start3A_249 = tpu.memref_slice %arg9[%add3A_76, %dma_start3A_248] : memref<10240x128xf32, #tpu.memory_space<vmem_shared>> -> memref<32x128xf32, #tpu.memory_space<vmem_shared>>
      tpu.enqueue_dma source(%arg8 : memref<32x128xf32, #tpu.memory_space<vmem>>) target(%dma_start3A_249 : memref<32x128xf32, #tpu.memory_space<vmem_shared>>) target_semaphore(%run_scoped3A : memref<!tpu.dma_semaphore, #tpu.memory_space<semaphore_mem>>)
      %dma_wait3A = arith.constant 0 : i32
      %dma_wait3A_250 = tpu.memref_slice %arg9[%add3A_76, %dma_wait3A] : memref<10240x128xf32, #tpu.memory_space<vmem_shared>> -> memref<32x128xf32, #tpu.memory_space<vmem_shared>>
      %dma_wait3A_251 = arith.constant 0 : i32
      %dma_wait3A_252 = tpu.memref_slice %arg9[%add3A_76, %dma_wait3A_251] : memref<10240x128xf32, #tpu.memory_space<vmem_shared>> -> memref<32x128xf32, #tpu.memory_space<vmem_shared>>
      tpu.wait_dma2 semaphore(%run_scoped3A : memref<!tpu.dma_semaphore, #tpu.memory_space<semaphore_mem>>) src(%arg8 : memref<32x128xf32, #tpu.memory_space<vmem>>) dst(%dma_wait3A_252 : memref<32x128xf32, #tpu.memory_space<vmem_shared>>)
      tpu.yield
    }) : () -> ()
    %mul3A_77 = arith.constant 640 : i32
    %mul3A_78 = arith.muli %arg1, %mul3A_77 : i32
    %add3A_79 = arith.constant 608 : i32
    %add3A_80 = arith.addi %mul3A_78, %add3A_79 : i32
    "tpu.region"() ({
      %run_scoped3A = tpu.sem_alloc : memref<!tpu.dma_semaphore, #tpu.memory_space<semaphore_mem>>
      %dma_start3A = arith.constant 0 : i32
      %dma_start3A_247 = tpu.memref_slice %arg9[%add3A_80, %dma_start3A] : memref<10240x128xf32, #tpu.memory_space<vmem_shared>> -> memref<32x128xf32, #tpu.memory_space<vmem_shared>>
      %dma_start3A_248 = arith.constant 0 : i32
      %dma_start3A_249 = tpu.memref_slice %arg9[%add3A_80, %dma_start3A_248] : memref<10240x128xf32, #tpu.memory_space<vmem_shared>> -> memref<32x128xf32, #tpu.memory_space<vmem_shared>>
      tpu.enqueue_dma source(%arg8 : memref<32x128xf32, #tpu.memory_space<vmem>>) target(%dma_start3A_249 : memref<32x128xf32, #tpu.memory_space<vmem_shared>>) target_semaphore(%run_scoped3A : memref<!tpu.dma_semaphore, #tpu.memory_space<semaphore_mem>>)
      %dma_wait3A = arith.constant 0 : i32
      %dma_wait3A_250 = tpu.memref_slice %arg9[%add3A_80, %dma_wait3A] : memref<10240x128xf32, #tpu.memory_space<vmem_shared>> -> memref<32x128xf32, #tpu.memory_space<vmem_shared>>
      %dma_wait3A_251 = arith.constant 0 : i32
      %dma_wait3A_252 = tpu.memref_slice %arg9[%add3A_80, %dma_wait3A_251] : memref<10240x128xf32, #tpu.memory_space<vmem_shared>> -> memref<32x128xf32, #tpu.memory_space<vmem_shared>>
      tpu.wait_dma2 semaphore(%run_scoped3A : memref<!tpu.dma_semaphore, #tpu.memory_space<semaphore_mem>>) src(%arg8 : memref<32x128xf32, #tpu.memory_space<vmem>>) dst(%dma_wait3A_252 : memref<32x128xf32, #tpu.memory_space<vmem_shared>>)
      tpu.yield
    }) : () -> ()
    %barrier3A = arith.constant 0 : index
    tpu.barrier barrier_id(%barrier3A)
    %scan3A = arith.constant 0 : i32
    %scan3A_81 = arith.constant 0 : i32
    %scan3A_82 = arith.constant 16 : i32
    %scan3A_83 = arith.addi %scan3A_81, %scan3A_82 : i32
    %scan3A_84 = arith.constant 1 : i32
    scf.for %scan3A_247 = %scan3A_81 to %scan3A_83 step %scan3A_84  : i32 {
      "tpu.region"() ({
        %run_scoped3A = tpu.sem_alloc : memref<!tpu.dma_semaphore, #tpu.memory_space<semaphore_mem>>
        %dma_start3A_316 = arith.constant 0 : i32
        %dma_start3A_317 = arith.constant 0 : i32
        %dma_start3A_318 = tpu.memref_slice %arg2[%add3A, %scan3A_247, %dma_start3A_316, %dma_start3A_317] : memref<32x16x5x125xi32, #tpu.memory_space<hbm>> -> memref<1x1x5x125xi32, #tpu.memory_space<hbm>>
        %dma_start3A_319 = tpu.memref_squeeze %dma_start3A_318 : memref<1x1x5x125xi32, #tpu.memory_space<hbm>> -> memref<5x125xi32, #tpu.memory_space<hbm>>
        %dma_start3A_320 = arith.constant 0 : i32
        %dma_start3A_321 = arith.constant 0 : i32
        %dma_start3A_322 = tpu.memref_slice %arg2[%add3A, %scan3A_247, %dma_start3A_320, %dma_start3A_321] : memref<32x16x5x125xi32, #tpu.memory_space<hbm>> -> memref<1x1x5x125xi32, #tpu.memory_space<hbm>>
        %dma_start3A_323 = tpu.memref_squeeze %dma_start3A_322 : memref<1x1x5x125xi32, #tpu.memory_space<hbm>> -> memref<5x125xi32, #tpu.memory_space<hbm>>
        tpu.enqueue_dma source(%dma_start3A_323 : memref<5x125xi32, #tpu.memory_space<hbm>>) target(%arg6 : memref<5x125xi32, #tpu.memory_space<vmem>>) target_semaphore(%run_scoped3A : memref<!tpu.dma_semaphore, #tpu.memory_space<semaphore_mem>>)
        %dma_wait3A_324 = arith.constant 0 : i32
        %dma_wait3A_325 = arith.constant 0 : i32
        %dma_wait3A_326 = tpu.memref_slice %arg2[%add3A, %scan3A_247, %dma_wait3A_324, %dma_wait3A_325] : memref<32x16x5x125xi32, #tpu.memory_space<hbm>> -> memref<1x1x5x125xi32, #tpu.memory_space<hbm>>
        %dma_wait3A_327 = tpu.memref_squeeze %dma_wait3A_326 : memref<1x1x5x125xi32, #tpu.memory_space<hbm>> -> memref<5x125xi32, #tpu.memory_space<hbm>>
        %dma_wait3A_328 = arith.constant 0 : i32
        %dma_wait3A_329 = arith.constant 0 : i32
        %dma_wait3A_330 = tpu.memref_slice %arg2[%add3A, %scan3A_247, %dma_wait3A_328, %dma_wait3A_329] : memref<32x16x5x125xi32, #tpu.memory_space<hbm>> -> memref<1x1x5x125xi32, #tpu.memory_space<hbm>>
        %dma_wait3A_331 = tpu.memref_squeeze %dma_wait3A_330 : memref<1x1x5x125xi32, #tpu.memory_space<hbm>> -> memref<5x125xi32, #tpu.memory_space<hbm>>
        tpu.wait_dma2 semaphore(%run_scoped3A : memref<!tpu.dma_semaphore, #tpu.memory_space<semaphore_mem>>) src(%dma_wait3A_331 : memref<5x125xi32, #tpu.memory_space<hbm>>) dst(%arg6 : memref<5x125xi32, #tpu.memory_space<vmem>>)
        tpu.yield
      }) : () -> ()
      %dma_start3A = arith.constant 0 : i32
      %dma_start3A_248 = arith.constant 0 : i32
      %dma_start3A_249 = tpu.memref_slice %arg6[%dma_start3A, %dma_start3A_248] : memref<5x125xi32, #tpu.memory_space<vmem>> -> memref<1x125xi32, #tpu.memory_space<vmem>>
      %dma_start3A_250 = tpu.memref_squeeze %dma_start3A_249 : memref<1x125xi32, #tpu.memory_space<vmem>> -> memref<125xi32, #tpu.memory_space<vmem>>
      %dma_start3A_251 = arith.constant 0 : i32
      %dma_start3A_252 = arith.constant 0 : i32
      %dma_start3A_253 = tpu.memref_slice %arg9[%dma_start3A_251, %dma_start3A_252] : memref<10240x128xf32, #tpu.memory_space<vmem_shared>> -> memref<10240x128xf32, #tpu.memory_space<vmem_shared>>
      tpu.enqueue_indirect_dma source(%arg7 : memref<125x128xf32, #tpu.memory_space<vmem>>) target(%dma_start3A_253 : memref<10240x128xf32, #tpu.memory_space<vmem_shared>>) offsets(%dma_start3A_250 : memref<125xi32, #tpu.memory_space<vmem>>) semaphore(%arg10 : memref<!tpu.dma_semaphore, #tpu.memory_space<semaphore_mem>>) {add = true}
      %dma_start3A_254 = arith.constant 1 : i32
      %dma_start3A_255 = arith.constant 0 : i32
      %dma_start3A_256 = tpu.memref_slice %arg6[%dma_start3A_254, %dma_start3A_255] : memref<5x125xi32, #tpu.memory_space<vmem>> -> memref<1x125xi32, #tpu.memory_space<vmem>>
      %dma_start3A_257 = tpu.memref_squeeze %dma_start3A_256 : memref<1x125xi32, #tpu.memory_space<vmem>> -> memref<125xi32, #tpu.memory_space<vmem>>
      %dma_start3A_258 = arith.constant 0 : i32
      %dma_start3A_259 = arith.constant 0 : i32
      %dma_start3A_260 = tpu.memref_slice %arg9[%dma_start3A_258, %dma_start3A_259] : memref<10240x128xf32, #tpu.memory_space<vmem_shared>> -> memref<10240x128xf32, #tpu.memory_space<vmem_shared>>
      tpu.enqueue_indirect_dma source(%arg7 : memref<125x128xf32, #tpu.memory_space<vmem>>) target(%dma_start3A_260 : memref<10240x128xf32, #tpu.memory_space<vmem_shared>>) offsets(%dma_start3A_257 : memref<125xi32, #tpu.memory_space<vmem>>) semaphore(%arg10 : memref<!tpu.dma_semaphore, #tpu.memory_space<semaphore_mem>>) {add = true}
      %dma_start3A_261 = arith.constant 2 : i32
      %dma_start3A_262 = arith.constant 0 : i32
      %dma_start3A_263 = tpu.memref_slice %arg6[%dma_start3A_261, %dma_start3A_262] : memref<5x125xi32, #tpu.memory_space<vmem>> -> memref<1x125xi32, #tpu.memory_space<vmem>>
      %dma_start3A_264 = tpu.memref_squeeze %dma_start3A_263 : memref<1x125xi32, #tpu.memory_space<vmem>> -> memref<125xi32, #tpu.memory_space<vmem>>
      %dma_start3A_265 = arith.constant 0 : i32
      %dma_start3A_266 = arith.constant 0 : i32
      %dma_start3A_267 = tpu.memref_slice %arg9[%dma_start3A_265, %dma_start3A_266] : memref<10240x128xf32, #tpu.memory_space<vmem_shared>> -> memref<10240x128xf32, #tpu.memory_space<vmem_shared>>
      tpu.enqueue_indirect_dma source(%arg7 : memref<125x128xf32, #tpu.memory_space<vmem>>) target(%dma_start3A_267 : memref<10240x128xf32, #tpu.memory_space<vmem_shared>>) offsets(%dma_start3A_264 : memref<125xi32, #tpu.memory_space<vmem>>) semaphore(%arg10 : memref<!tpu.dma_semaphore, #tpu.memory_space<semaphore_mem>>) {add = true}
      %dma_start3A_268 = arith.constant 3 : i32
      %dma_start3A_269 = arith.constant 0 : i32
      %dma_start3A_270 = tpu.memref_slice %arg6[%dma_start3A_268, %dma_start3A_269] : memref<5x125xi32, #tpu.memory_space<vmem>> -> memref<1x125xi32, #tpu.memory_space<vmem>>
      %dma_start3A_271 = tpu.memref_squeeze %dma_start3A_270 : memref<1x125xi32, #tpu.memory_space<vmem>> -> memref<125xi32, #tpu.memory_space<vmem>>
      %dma_start3A_272 = arith.constant 0 : i32
      %dma_start3A_273 = arith.constant 0 : i32
      %dma_start3A_274 = tpu.memref_slice %arg9[%dma_start3A_272, %dma_start3A_273] : memref<10240x128xf32, #tpu.memory_space<vmem_shared>> -> memref<10240x128xf32, #tpu.memory_space<vmem_shared>>
      tpu.enqueue_indirect_dma source(%arg7 : memref<125x128xf32, #tpu.memory_space<vmem>>) target(%dma_start3A_274 : memref<10240x128xf32, #tpu.memory_space<vmem_shared>>) offsets(%dma_start3A_271 : memref<125xi32, #tpu.memory_space<vmem>>) semaphore(%arg10 : memref<!tpu.dma_semaphore, #tpu.memory_space<semaphore_mem>>) {add = true}
      %dma_start3A_275 = arith.constant 4 : i32
      %dma_start3A_276 = arith.constant 0 : i32
      %dma_start3A_277 = tpu.memref_slice %arg6[%dma_start3A_275, %dma_start3A_276] : memref<5x125xi32, #tpu.memory_space<vmem>> -> memref<1x125xi32, #tpu.memory_space<vmem>>
      %dma_start3A_278 = tpu.memref_squeeze %dma_start3A_277 : memref<1x125xi32, #tpu.memory_space<vmem>> -> memref<125xi32, #tpu.memory_space<vmem>>
      %dma_start3A_279 = arith.constant 0 : i32
      %dma_start3A_280 = arith.constant 0 : i32
      %dma_start3A_281 = tpu.memref_slice %arg9[%dma_start3A_279, %dma_start3A_280] : memref<10240x128xf32, #tpu.memory_space<vmem_shared>> -> memref<10240x128xf32, #tpu.memory_space<vmem_shared>>
      tpu.enqueue_indirect_dma source(%arg7 : memref<125x128xf32, #tpu.memory_space<vmem>>) target(%dma_start3A_281 : memref<10240x128xf32, #tpu.memory_space<vmem_shared>>) offsets(%dma_start3A_278 : memref<125xi32, #tpu.memory_space<vmem>>) semaphore(%arg10 : memref<!tpu.dma_semaphore, #tpu.memory_space<semaphore_mem>>) {add = true}
      %dma_wait3A = arith.constant 0 : i32
      %dma_wait3A_282 = arith.constant 0 : i32
      %dma_wait3A_283 = tpu.memref_slice %arg6[%dma_wait3A, %dma_wait3A_282] : memref<5x125xi32, #tpu.memory_space<vmem>> -> memref<1x125xi32, #tpu.memory_space<vmem>>
      %dma_wait3A_284 = tpu.memref_squeeze %dma_wait3A_283 : memref<1x125xi32, #tpu.memory_space<vmem>> -> memref<125xi32, #tpu.memory_space<vmem>>
      %dma_wait3A_285 = arith.constant 0 : i32
      %dma_wait3A_286 = arith.constant 0 : i32
      %dma_wait3A_287 = tpu.memref_slice %arg9[%dma_wait3A_285, %dma_wait3A_286] : memref<10240x128xf32, #tpu.memory_space<vmem_shared>> -> memref<10240x128xf32, #tpu.memory_space<vmem_shared>>
      tpu.wait_indirect_dma semaphore(%arg10 : memref<!tpu.dma_semaphore, #tpu.memory_space<semaphore_mem>>) src(%arg7 : memref<125x128xf32, #tpu.memory_space<vmem>>) dst(%dma_wait3A_287 : memref<10240x128xf32, #tpu.memory_space<vmem_shared>>)
      %dma_wait3A_288 = arith.constant 1 : i32
      %dma_wait3A_289 = arith.constant 0 : i32
      %dma_wait3A_290 = tpu.memref_slice %arg6[%dma_wait3A_288, %dma_wait3A_289] : memref<5x125xi32, #tpu.memory_space<vmem>> -> memref<1x125xi32, #tpu.memory_space<vmem>>
      %dma_wait3A_291 = tpu.memref_squeeze %dma_wait3A_290 : memref<1x125xi32, #tpu.memory_space<vmem>> -> memref<125xi32, #tpu.memory_space<vmem>>
      %dma_wait3A_292 = arith.constant 0 : i32
      %dma_wait3A_293 = arith.constant 0 : i32
      %dma_wait3A_294 = tpu.memref_slice %arg9[%dma_wait3A_292, %dma_wait3A_293] : memref<10240x128xf32, #tpu.memory_space<vmem_shared>> -> memref<10240x128xf32, #tpu.memory_space<vmem_shared>>
      tpu.wait_indirect_dma semaphore(%arg10 : memref<!tpu.dma_semaphore, #tpu.memory_space<semaphore_mem>>) src(%arg7 : memref<125x128xf32, #tpu.memory_space<vmem>>) dst(%dma_wait3A_294 : memref<10240x128xf32, #tpu.memory_space<vmem_shared>>)
      %dma_wait3A_295 = arith.constant 2 : i32
      %dma_wait3A_296 = arith.constant 0 : i32
      %dma_wait3A_297 = tpu.memref_slice %arg6[%dma_wait3A_295, %dma_wait3A_296] : memref<5x125xi32, #tpu.memory_space<vmem>> -> memref<1x125xi32, #tpu.memory_space<vmem>>
      %dma_wait3A_298 = tpu.memref_squeeze %dma_wait3A_297 : memref<1x125xi32, #tpu.memory_space<vmem>> -> memref<125xi32, #tpu.memory_space<vmem>>
      %dma_wait3A_299 = arith.constant 0 : i32
      %dma_wait3A_300 = arith.constant 0 : i32
      %dma_wait3A_301 = tpu.memref_slice %arg9[%dma_wait3A_299, %dma_wait3A_300] : memref<10240x128xf32, #tpu.memory_space<vmem_shared>> -> memref<10240x128xf32, #tpu.memory_space<vmem_shared>>
      tpu.wait_indirect_dma semaphore(%arg10 : memref<!tpu.dma_semaphore, #tpu.memory_space<semaphore_mem>>) src(%arg7 : memref<125x128xf32, #tpu.memory_space<vmem>>) dst(%dma_wait3A_301 : memref<10240x128xf32, #tpu.memory_space<vmem_shared>>)
      %dma_wait3A_302 = arith.constant 3 : i32
      %dma_wait3A_303 = arith.constant 0 : i32
      %dma_wait3A_304 = tpu.memref_slice %arg6[%dma_wait3A_302, %dma_wait3A_303] : memref<5x125xi32, #tpu.memory_space<vmem>> -> memref<1x125xi32, #tpu.memory_space<vmem>>
      %dma_wait3A_305 = tpu.memref_squeeze %dma_wait3A_304 : memref<1x125xi32, #tpu.memory_space<vmem>> -> memref<125xi32, #tpu.memory_space<vmem>>
      %dma_wait3A_306 = arith.constant 0 : i32
      %dma_wait3A_307 = arith.constant 0 : i32
      %dma_wait3A_308 = tpu.memref_slice %arg9[%dma_wait3A_306, %dma_wait3A_307] : memref<10240x128xf32, #tpu.memory_space<vmem_shared>> -> memref<10240x128xf32, #tpu.memory_space<vmem_shared>>
      tpu.wait_indirect_dma semaphore(%arg10 : memref<!tpu.dma_semaphore, #tpu.memory_space<semaphore_mem>>) src(%arg7 : memref<125x128xf32, #tpu.memory_space<vmem>>) dst(%dma_wait3A_308 : memref<10240x128xf32, #tpu.memory_space<vmem_shared>>)
      %dma_wait3A_309 = arith.constant 4 : i32
      %dma_wait3A_310 = arith.constant 0 : i32
      %dma_wait3A_311 = tpu.memref_slice %arg6[%dma_wait3A_309, %dma_wait3A_310] : memref<5x125xi32, #tpu.memory_space<vmem>> -> memref<1x125xi32, #tpu.memory_space<vmem>>
      %dma_wait3A_312 = tpu.memref_squeeze %dma_wait3A_311 : memref<1x125xi32, #tpu.memory_space<vmem>> -> memref<125xi32, #tpu.memory_space<vmem>>
      %dma_wait3A_313 = arith.constant 0 : i32
      %dma_wait3A_314 = arith.constant 0 : i32
      %dma_wait3A_315 = tpu.memref_slice %arg9[%dma_wait3A_313, %dma_wait3A_314] : memref<10240x128xf32, #tpu.memory_space<vmem_shared>> -> memref<10240x128xf32, #tpu.memory_space<vmem_shared>>
      tpu.wait_indirect_dma semaphore(%arg10 : memref<!tpu.dma_semaphore, #tpu.memory_space<semaphore_mem>>) src(%arg7 : memref<125x128xf32, #tpu.memory_space<vmem>>) dst(%dma_wait3A_315 : memref<10240x128xf32, #tpu.memory_space<vmem_shared>>)
    }
    %scan3A_85 = arith.constant 16 : i32
    %barrier3A_86 = arith.constant 0 : index
    tpu.barrier barrier_id(%barrier3A_86)
    %mul3A_87 = arith.constant 640 : i32
    %mul3A_88 = arith.muli %arg1, %mul3A_87 : i32
    %add3A_89 = arith.constant 0 : i32
    %add3A_90 = arith.addi %mul3A_88, %add3A_89 : i32
    "tpu.region"() ({
      %run_scoped3A = tpu.sem_alloc : memref<!tpu.dma_semaphore, #tpu.memory_space<semaphore_mem>>
      %dma_start3A = arith.constant 0 : i32
      %dma_start3A_247 = tpu.memref_slice %arg9[%add3A_90, %dma_start3A] : memref<10240x128xf32, #tpu.memory_space<vmem_shared>> -> memref<32x128xf32, #tpu.memory_space<vmem_shared>>
      %dma_start3A_248 = arith.constant 0 : i32
      %dma_start3A_249 = tpu.memref_slice %arg9[%add3A_90, %dma_start3A_248] : memref<10240x128xf32, #tpu.memory_space<vmem_shared>> -> memref<32x128xf32, #tpu.memory_space<vmem_shared>>
      tpu.enqueue_dma source(%dma_start3A_249 : memref<32x128xf32, #tpu.memory_space<vmem_shared>>) target(%arg8 : memref<32x128xf32, #tpu.memory_space<vmem>>) target_semaphore(%run_scoped3A : memref<!tpu.dma_semaphore, #tpu.memory_space<semaphore_mem>>)
      %dma_wait3A = arith.constant 0 : i32
      %dma_wait3A_250 = tpu.memref_slice %arg9[%add3A_90, %dma_wait3A] : memref<10240x128xf32, #tpu.memory_space<vmem_shared>> -> memref<32x128xf32, #tpu.memory_space<vmem_shared>>
      %dma_wait3A_251 = arith.constant 0 : i32
      %dma_wait3A_252 = tpu.memref_slice %arg9[%add3A_90, %dma_wait3A_251] : memref<10240x128xf32, #tpu.memory_space<vmem_shared>> -> memref<32x128xf32, #tpu.memory_space<vmem_shared>>
      tpu.wait_dma2 semaphore(%run_scoped3A : memref<!tpu.dma_semaphore, #tpu.memory_space<semaphore_mem>>) src(%dma_wait3A_252 : memref<32x128xf32, #tpu.memory_space<vmem_shared>>) dst(%arg8 : memref<32x128xf32, #tpu.memory_space<vmem>>)
      tpu.yield
    }) : () -> ()
    %mul3A_91 = arith.constant 640 : i32
    %mul3A_92 = arith.muli %arg1, %mul3A_91 : i32
    %add3A_93 = arith.constant 0 : i32
    %add3A_94 = arith.addi %mul3A_92, %add3A_93 : i32
    "tpu.region"() ({
      %run_scoped3A = tpu.sem_alloc : memref<!tpu.dma_semaphore, #tpu.memory_space<semaphore_mem>>
      %dma_start3A = arith.constant 0 : i32
      %dma_start3A_247 = tpu.memref_slice %arg5[%arg0, %add3A_94, %dma_start3A] : memref<2x10240x128xf32, #tpu.memory_space<hbm>> -> memref<1x32x128xf32, #tpu.memory_space<hbm>>
      %dma_start3A_248 = tpu.memref_squeeze %dma_start3A_247 : memref<1x32x128xf32, #tpu.memory_space<hbm>> -> memref<32x128xf32, #tpu.memory_space<hbm>>
      %dma_start3A_249 = arith.constant 0 : i32
      %dma_start3A_250 = tpu.memref_slice %arg5[%arg0, %add3A_94, %dma_start3A_249] : memref<2x10240x128xf32, #tpu.memory_space<hbm>> -> memref<1x32x128xf32, #tpu.memory_space<hbm>>
      %dma_start3A_251 = tpu.memref_squeeze %dma_start3A_250 : memref<1x32x128xf32, #tpu.memory_space<hbm>> -> memref<32x128xf32, #tpu.memory_space<hbm>>
      tpu.enqueue_dma source(%arg8 : memref<32x128xf32, #tpu.memory_space<vmem>>) target(%dma_start3A_251 : memref<32x128xf32, #tpu.memory_space<hbm>>) target_semaphore(%run_scoped3A : memref<!tpu.dma_semaphore, #tpu.memory_space<semaphore_mem>>)
      %dma_wait3A = arith.constant 0 : i32
      %dma_wait3A_252 = tpu.memref_slice %arg5[%arg0, %add3A_94, %dma_wait3A] : memref<2x10240x128xf32, #tpu.memory_space<hbm>> -> memref<1x32x128xf32, #tpu.memory_space<hbm>>
      %dma_wait3A_253 = tpu.memref_squeeze %dma_wait3A_252 : memref<1x32x128xf32, #tpu.memory_space<hbm>> -> memref<32x128xf32, #tpu.memory_space<hbm>>
      %dma_wait3A_254 = arith.constant 0 : i32
      %dma_wait3A_255 = tpu.memref_slice %arg5[%arg0, %add3A_94, %dma_wait3A_254] : memref<2x10240x128xf32, #tpu.memory_space<hbm>> -> memref<1x32x128xf32, #tpu.memory_space<hbm>>
      %dma_wait3A_256 = tpu.memref_squeeze %dma_wait3A_255 : memref<1x32x128xf32, #tpu.memory_space<hbm>> -> memref<32x128xf32, #tpu.memory_space<hbm>>
      tpu.wait_dma2 semaphore(%run_scoped3A : memref<!tpu.dma_semaphore, #tpu.memory_space<semaphore_mem>>) src(%arg8 : memref<32x128xf32, #tpu.memory_space<vmem>>) dst(%dma_wait3A_256 : memref<32x128xf32, #tpu.memory_space<hbm>>)
      tpu.yield
    }) : () -> ()
    %mul3A_95 = arith.constant 640 : i32
    %mul3A_96 = arith.muli %arg1, %mul3A_95 : i32
    %add3A_97 = arith.constant 32 : i32
    %add3A_98 = arith.addi %mul3A_96, %add3A_97 : i32
    "tpu.region"() ({
      %run_scoped3A = tpu.sem_alloc : memref<!tpu.dma_semaphore, #tpu.memory_space<semaphore_mem>>
      %dma_start3A = arith.constant 0 : i32
      %dma_start3A_247 = tpu.memref_slice %arg9[%add3A_98, %dma_start3A] : memref<10240x128xf32, #tpu.memory_space<vmem_shared>> -> memref<32x128xf32, #tpu.memory_space<vmem_shared>>
      %dma_start3A_248 = arith.constant 0 : i32
      %dma_start3A_249 = tpu.memref_slice %arg9[%add3A_98, %dma_start3A_248] : memref<10240x128xf32, #tpu.memory_space<vmem_shared>> -> memref<32x128xf32, #tpu.memory_space<vmem_shared>>
      tpu.enqueue_dma source(%dma_start3A_249 : memref<32x128xf32, #tpu.memory_space<vmem_shared>>) target(%arg8 : memref<32x128xf32, #tpu.memory_space<vmem>>) target_semaphore(%run_scoped3A : memref<!tpu.dma_semaphore, #tpu.memory_space<semaphore_mem>>)
      %dma_wait3A = arith.constant 0 : i32
      %dma_wait3A_250 = tpu.memref_slice %arg9[%add3A_98, %dma_wait3A] : memref<10240x128xf32, #tpu.memory_space<vmem_shared>> -> memref<32x128xf32, #tpu.memory_space<vmem_shared>>
      %dma_wait3A_251 = arith.constant 0 : i32
      %dma_wait3A_252 = tpu.memref_slice %arg9[%add3A_98, %dma_wait3A_251] : memref<10240x128xf32, #tpu.memory_space<vmem_shared>> -> memref<32x128xf32, #tpu.memory_space<vmem_shared>>
      tpu.wait_dma2 semaphore(%run_scoped3A : memref<!tpu.dma_semaphore, #tpu.memory_space<semaphore_mem>>) src(%dma_wait3A_252 : memref<32x128xf32, #tpu.memory_space<vmem_shared>>) dst(%arg8 : memref<32x128xf32, #tpu.memory_space<vmem>>)
      tpu.yield
    }) : () -> ()
    %mul3A_99 = arith.constant 640 : i32
    %mul3A_100 = arith.muli %arg1, %mul3A_99 : i32
    %add3A_101 = arith.constant 32 : i32
    %add3A_102 = arith.addi %mul3A_100, %add3A_101 : i32
    "tpu.region"() ({
      %run_scoped3A = tpu.sem_alloc : memref<!tpu.dma_semaphore, #tpu.memory_space<semaphore_mem>>
      %dma_start3A = arith.constant 0 : i32
      %dma_start3A_247 = tpu.memref_slice %arg5[%arg0, %add3A_102, %dma_start3A] : memref<2x10240x128xf32, #tpu.memory_space<hbm>> -> memref<1x32x128xf32, #tpu.memory_space<hbm>>
      %dma_start3A_248 = tpu.memref_squeeze %dma_start3A_247 : memref<1x32x128xf32, #tpu.memory_space<hbm>> -> memref<32x128xf32, #tpu.memory_space<hbm>>
      %dma_start3A_249 = arith.constant 0 : i32
      %dma_start3A_250 = tpu.memref_slice %arg5[%arg0, %add3A_102, %dma_start3A_249] : memref<2x10240x128xf32, #tpu.memory_space<hbm>> -> memref<1x32x128xf32, #tpu.memory_space<hbm>>
      %dma_start3A_251 = tpu.memref_squeeze %dma_start3A_250 : memref<1x32x128xf32, #tpu.memory_space<hbm>> -> memref<32x128xf32, #tpu.memory_space<hbm>>
      tpu.enqueue_dma source(%arg8 : memref<32x128xf32, #tpu.memory_space<vmem>>) target(%dma_start3A_251 : memref<32x128xf32, #tpu.memory_space<hbm>>) target_semaphore(%run_scoped3A : memref<!tpu.dma_semaphore, #tpu.memory_space<semaphore_mem>>)
      %dma_wait3A = arith.constant 0 : i32
      %dma_wait3A_252 = tpu.memref_slice %arg5[%arg0, %add3A_102, %dma_wait3A] : memref<2x10240x128xf32, #tpu.memory_space<hbm>> -> memref<1x32x128xf32, #tpu.memory_space<hbm>>
      %dma_wait3A_253 = tpu.memref_squeeze %dma_wait3A_252 : memref<1x32x128xf32, #tpu.memory_space<hbm>> -> memref<32x128xf32, #tpu.memory_space<hbm>>
      %dma_wait3A_254 = arith.constant 0 : i32
      %dma_wait3A_255 = tpu.memref_slice %arg5[%arg0, %add3A_102, %dma_wait3A_254] : memref<2x10240x128xf32, #tpu.memory_space<hbm>> -> memref<1x32x128xf32, #tpu.memory_space<hbm>>
      %dma_wait3A_256 = tpu.memref_squeeze %dma_wait3A_255 : memref<1x32x128xf32, #tpu.memory_space<hbm>> -> memref<32x128xf32, #tpu.memory_space<hbm>>
      tpu.wait_dma2 semaphore(%run_scoped3A : memref<!tpu.dma_semaphore, #tpu.memory_space<semaphore_mem>>) src(%arg8 : memref<32x128xf32, #tpu.memory_space<vmem>>) dst(%dma_wait3A_256 : memref<32x128xf32, #tpu.memory_space<hbm>>)
      tpu.yield
    }) : () -> ()
    %mul3A_103 = arith.constant 640 : i32
    %mul3A_104 = arith.muli %arg1, %mul3A_103 : i32
    %add3A_105 = arith.constant 64 : i32
    %add3A_106 = arith.addi %mul3A_104, %add3A_105 : i32
    "tpu.region"() ({
      %run_scoped3A = tpu.sem_alloc : memref<!tpu.dma_semaphore, #tpu.memory_space<semaphore_mem>>
      %dma_start3A = arith.constant 0 : i32
      %dma_start3A_247 = tpu.memref_slice %arg9[%add3A_106, %dma_start3A] : memref<10240x128xf32, #tpu.memory_space<vmem_shared>> -> memref<32x128xf32, #tpu.memory_space<vmem_shared>>
      %dma_start3A_248 = arith.constant 0 : i32
      %dma_start3A_249 = tpu.memref_slice %arg9[%add3A_106, %dma_start3A_248] : memref<10240x128xf32, #tpu.memory_space<vmem_shared>> -> memref<32x128xf32, #tpu.memory_space<vmem_shared>>
      tpu.enqueue_dma source(%dma_start3A_249 : memref<32x128xf32, #tpu.memory_space<vmem_shared>>) target(%arg8 : memref<32x128xf32, #tpu.memory_space<vmem>>) target_semaphore(%run_scoped3A : memref<!tpu.dma_semaphore, #tpu.memory_space<semaphore_mem>>)
      %dma_wait3A = arith.constant 0 : i32
      %dma_wait3A_250 = tpu.memref_slice %arg9[%add3A_106, %dma_wait3A] : memref<10240x128xf32, #tpu.memory_space<vmem_shared>> -> memref<32x128xf32, #tpu.memory_space<vmem_shared>>
      %dma_wait3A_251 = arith.constant 0 : i32
      %dma_wait3A_252 = tpu.memref_slice %arg9[%add3A_106, %dma_wait3A_251] : memref<10240x128xf32, #tpu.memory_space<vmem_shared>> -> memref<32x128xf32, #tpu.memory_space<vmem_shared>>
      tpu.wait_dma2 semaphore(%run_scoped3A : memref<!tpu.dma_semaphore, #tpu.memory_space<semaphore_mem>>) src(%dma_wait3A_252 : memref<32x128xf32, #tpu.memory_space<vmem_shared>>) dst(%arg8 : memref<32x128xf32, #tpu.memory_space<vmem>>)
      tpu.yield
    }) : () -> ()
    %mul3A_107 = arith.constant 640 : i32
    %mul3A_108 = arith.muli %arg1, %mul3A_107 : i32
    %add3A_109 = arith.constant 64 : i32
    %add3A_110 = arith.addi %mul3A_108, %add3A_109 : i32
    "tpu.region"() ({
      %run_scoped3A = tpu.sem_alloc : memref<!tpu.dma_semaphore, #tpu.memory_space<semaphore_mem>>
      %dma_start3A = arith.constant 0 : i32
      %dma_start3A_247 = tpu.memref_slice %arg5[%arg0, %add3A_110, %dma_start3A] : memref<2x10240x128xf32, #tpu.memory_space<hbm>> -> memref<1x32x128xf32, #tpu.memory_space<hbm>>
      %dma_start3A_248 = tpu.memref_squeeze %dma_start3A_247 : memref<1x32x128xf32, #tpu.memory_space<hbm>> -> memref<32x128xf32, #tpu.memory_space<hbm>>
      %dma_start3A_249 = arith.constant 0 : i32
      %dma_start3A_250 = tpu.memref_slice %arg5[%arg0, %add3A_110, %dma_start3A_249] : memref<2x10240x128xf32, #tpu.memory_space<hbm>> -> memref<1x32x128xf32, #tpu.memory_space<hbm>>
      %dma_start3A_251 = tpu.memref_squeeze %dma_start3A_250 : memref<1x32x128xf32, #tpu.memory_space<hbm>> -> memref<32x128xf32, #tpu.memory_space<hbm>>
      tpu.enqueue_dma source(%arg8 : memref<32x128xf32, #tpu.memory_space<vmem>>) target(%dma_start3A_251 : memref<32x128xf32, #tpu.memory_space<hbm>>) target_semaphore(%run_scoped3A : memref<!tpu.dma_semaphore, #tpu.memory_space<semaphore_mem>>)
      %dma_wait3A = arith.constant 0 : i32
      %dma_wait3A_252 = tpu.memref_slice %arg5[%arg0, %add3A_110, %dma_wait3A] : memref<2x10240x128xf32, #tpu.memory_space<hbm>> -> memref<1x32x128xf32, #tpu.memory_space<hbm>>
      %dma_wait3A_253 = tpu.memref_squeeze %dma_wait3A_252 : memref<1x32x128xf32, #tpu.memory_space<hbm>> -> memref<32x128xf32, #tpu.memory_space<hbm>>
      %dma_wait3A_254 = arith.constant 0 : i32
      %dma_wait3A_255 = tpu.memref_slice %arg5[%arg0, %add3A_110, %dma_wait3A_254] : memref<2x10240x128xf32, #tpu.memory_space<hbm>> -> memref<1x32x128xf32, #tpu.memory_space<hbm>>
      %dma_wait3A_256 = tpu.memref_squeeze %dma_wait3A_255 : memref<1x32x128xf32, #tpu.memory_space<hbm>> -> memref<32x128xf32, #tpu.memory_space<hbm>>
      tpu.wait_dma2 semaphore(%run_scoped3A : memref<!tpu.dma_semaphore, #tpu.memory_space<semaphore_mem>>) src(%arg8 : memref<32x128xf32, #tpu.memory_space<vmem>>) dst(%dma_wait3A_256 : memref<32x128xf32, #tpu.memory_space<hbm>>)
      tpu.yield
    }) : () -> ()
    %mul3A_111 = arith.constant 640 : i32
    %mul3A_112 = arith.muli %arg1, %mul3A_111 : i32
    %add3A_113 = arith.constant 96 : i32
    %add3A_114 = arith.addi %mul3A_112, %add3A_113 : i32
    "tpu.region"() ({
      %run_scoped3A = tpu.sem_alloc : memref<!tpu.dma_semaphore, #tpu.memory_space<semaphore_mem>>
      %dma_start3A = arith.constant 0 : i32
      %dma_start3A_247 = tpu.memref_slice %arg9[%add3A_114, %dma_start3A] : memref<10240x128xf32, #tpu.memory_space<vmem_shared>> -> memref<32x128xf32, #tpu.memory_space<vmem_shared>>
      %dma_start3A_248 = arith.constant 0 : i32
      %dma_start3A_249 = tpu.memref_slice %arg9[%add3A_114, %dma_start3A_248] : memref<10240x128xf32, #tpu.memory_space<vmem_shared>> -> memref<32x128xf32, #tpu.memory_space<vmem_shared>>
      tpu.enqueue_dma source(%dma_start3A_249 : memref<32x128xf32, #tpu.memory_space<vmem_shared>>) target(%arg8 : memref<32x128xf32, #tpu.memory_space<vmem>>) target_semaphore(%run_scoped3A : memref<!tpu.dma_semaphore, #tpu.memory_space<semaphore_mem>>)
      %dma_wait3A = arith.constant 0 : i32
      %dma_wait3A_250 = tpu.memref_slice %arg9[%add3A_114, %dma_wait3A] : memref<10240x128xf32, #tpu.memory_space<vmem_shared>> -> memref<32x128xf32, #tpu.memory_space<vmem_shared>>
      %dma_wait3A_251 = arith.constant 0 : i32
      %dma_wait3A_252 = tpu.memref_slice %arg9[%add3A_114, %dma_wait3A_251] : memref<10240x128xf32, #tpu.memory_space<vmem_shared>> -> memref<32x128xf32, #tpu.memory_space<vmem_shared>>
      tpu.wait_dma2 semaphore(%run_scoped3A : memref<!tpu.dma_semaphore, #tpu.memory_space<semaphore_mem>>) src(%dma_wait3A_252 : memref<32x128xf32, #tpu.memory_space<vmem_shared>>) dst(%arg8 : memref<32x128xf32, #tpu.memory_space<vmem>>)
      tpu.yield
    }) : () -> ()
    %mul3A_115 = arith.constant 640 : i32
    %mul3A_116 = arith.muli %arg1, %mul3A_115 : i32
    %add3A_117 = arith.constant 96 : i32
    %add3A_118 = arith.addi %mul3A_116, %add3A_117 : i32
    "tpu.region"() ({
      %run_scoped3A = tpu.sem_alloc : memref<!tpu.dma_semaphore, #tpu.memory_space<semaphore_mem>>
      %dma_start3A = arith.constant 0 : i32
      %dma_start3A_247 = tpu.memref_slice %arg5[%arg0, %add3A_118, %dma_start3A] : memref<2x10240x128xf32, #tpu.memory_space<hbm>> -> memref<1x32x128xf32, #tpu.memory_space<hbm>>
      %dma_start3A_248 = tpu.memref_squeeze %dma_start3A_247 : memref<1x32x128xf32, #tpu.memory_space<hbm>> -> memref<32x128xf32, #tpu.memory_space<hbm>>
      %dma_start3A_249 = arith.constant 0 : i32
      %dma_start3A_250 = tpu.memref_slice %arg5[%arg0, %add3A_118, %dma_start3A_249] : memref<2x10240x128xf32, #tpu.memory_space<hbm>> -> memref<1x32x128xf32, #tpu.memory_space<hbm>>
      %dma_start3A_251 = tpu.memref_squeeze %dma_start3A_250 : memref<1x32x128xf32, #tpu.memory_space<hbm>> -> memref<32x128xf32, #tpu.memory_space<hbm>>
      tpu.enqueue_dma source(%arg8 : memref<32x128xf32, #tpu.memory_space<vmem>>) target(%dma_start3A_251 : memref<32x128xf32, #tpu.memory_space<hbm>>) target_semaphore(%run_scoped3A : memref<!tpu.dma_semaphore, #tpu.memory_space<semaphore_mem>>)
      %dma_wait3A = arith.constant 0 : i32
      %dma_wait3A_252 = tpu.memref_slice %arg5[%arg0, %add3A_118, %dma_wait3A] : memref<2x10240x128xf32, #tpu.memory_space<hbm>> -> memref<1x32x128xf32, #tpu.memory_space<hbm>>
      %dma_wait3A_253 = tpu.memref_squeeze %dma_wait3A_252 : memref<1x32x128xf32, #tpu.memory_space<hbm>> -> memref<32x128xf32, #tpu.memory_space<hbm>>
      %dma_wait3A_254 = arith.constant 0 : i32
      %dma_wait3A_255 = tpu.memref_slice %arg5[%arg0, %add3A_118, %dma_wait3A_254] : memref<2x10240x128xf32, #tpu.memory_space<hbm>> -> memref<1x32x128xf32, #tpu.memory_space<hbm>>
      %dma_wait3A_256 = tpu.memref_squeeze %dma_wait3A_255 : memref<1x32x128xf32, #tpu.memory_space<hbm>> -> memref<32x128xf32, #tpu.memory_space<hbm>>
      tpu.wait_dma2 semaphore(%run_scoped3A : memref<!tpu.dma_semaphore, #tpu.memory_space<semaphore_mem>>) src(%arg8 : memref<32x128xf32, #tpu.memory_space<vmem>>) dst(%dma_wait3A_256 : memref<32x128xf32, #tpu.memory_space<hbm>>)
      tpu.yield
    }) : () -> ()
    %mul3A_119 = arith.constant 640 : i32
    %mul3A_120 = arith.muli %arg1, %mul3A_119 : i32
    %add3A_121 = arith.constant 128 : i32
    %add3A_122 = arith.addi %mul3A_120, %add3A_121 : i32
    "tpu.region"() ({
      %run_scoped3A = tpu.sem_alloc : memref<!tpu.dma_semaphore, #tpu.memory_space<semaphore_mem>>
      %dma_start3A = arith.constant 0 : i32
      %dma_start3A_247 = tpu.memref_slice %arg9[%add3A_122, %dma_start3A] : memref<10240x128xf32, #tpu.memory_space<vmem_shared>> -> memref<32x128xf32, #tpu.memory_space<vmem_shared>>
      %dma_start3A_248 = arith.constant 0 : i32
      %dma_start3A_249 = tpu.memref_slice %arg9[%add3A_122, %dma_start3A_248] : memref<10240x128xf32, #tpu.memory_space<vmem_shared>> -> memref<32x128xf32, #tpu.memory_space<vmem_shared>>
      tpu.enqueue_dma source(%dma_start3A_249 : memref<32x128xf32, #tpu.memory_space<vmem_shared>>) target(%arg8 : memref<32x128xf32, #tpu.memory_space<vmem>>) target_semaphore(%run_scoped3A : memref<!tpu.dma_semaphore, #tpu.memory_space<semaphore_mem>>)
      %dma_wait3A = arith.constant 0 : i32
      %dma_wait3A_250 = tpu.memref_slice %arg9[%add3A_122, %dma_wait3A] : memref<10240x128xf32, #tpu.memory_space<vmem_shared>> -> memref<32x128xf32, #tpu.memory_space<vmem_shared>>
      %dma_wait3A_251 = arith.constant 0 : i32
      %dma_wait3A_252 = tpu.memref_slice %arg9[%add3A_122, %dma_wait3A_251] : memref<10240x128xf32, #tpu.memory_space<vmem_shared>> -> memref<32x128xf32, #tpu.memory_space<vmem_shared>>
      tpu.wait_dma2 semaphore(%run_scoped3A : memref<!tpu.dma_semaphore, #tpu.memory_space<semaphore_mem>>) src(%dma_wait3A_252 : memref<32x128xf32, #tpu.memory_space<vmem_shared>>) dst(%arg8 : memref<32x128xf32, #tpu.memory_space<vmem>>)
      tpu.yield
    }) : () -> ()
    %mul3A_123 = arith.constant 640 : i32
    %mul3A_124 = arith.muli %arg1, %mul3A_123 : i32
    %add3A_125 = arith.constant 128 : i32
    %add3A_126 = arith.addi %mul3A_124, %add3A_125 : i32
    "tpu.region"() ({
      %run_scoped3A = tpu.sem_alloc : memref<!tpu.dma_semaphore, #tpu.memory_space<semaphore_mem>>
      %dma_start3A = arith.constant 0 : i32
      %dma_start3A_247 = tpu.memref_slice %arg5[%arg0, %add3A_126, %dma_start3A] : memref<2x10240x128xf32, #tpu.memory_space<hbm>> -> memref<1x32x128xf32, #tpu.memory_space<hbm>>
      %dma_start3A_248 = tpu.memref_squeeze %dma_start3A_247 : memref<1x32x128xf32, #tpu.memory_space<hbm>> -> memref<32x128xf32, #tpu.memory_space<hbm>>
      %dma_start3A_249 = arith.constant 0 : i32
      %dma_start3A_250 = tpu.memref_slice %arg5[%arg0, %add3A_126, %dma_start3A_249] : memref<2x10240x128xf32, #tpu.memory_space<hbm>> -> memref<1x32x128xf32, #tpu.memory_space<hbm>>
      %dma_start3A_251 = tpu.memref_squeeze %dma_start3A_250 : memref<1x32x128xf32, #tpu.memory_space<hbm>> -> memref<32x128xf32, #tpu.memory_space<hbm>>
      tpu.enqueue_dma source(%arg8 : memref<32x128xf32, #tpu.memory_space<vmem>>) target(%dma_start3A_251 : memref<32x128xf32, #tpu.memory_space<hbm>>) target_semaphore(%run_scoped3A : memref<!tpu.dma_semaphore, #tpu.memory_space<semaphore_mem>>)
      %dma_wait3A = arith.constant 0 : i32
      %dma_wait3A_252 = tpu.memref_slice %arg5[%arg0, %add3A_126, %dma_wait3A] : memref<2x10240x128xf32, #tpu.memory_space<hbm>> -> memref<1x32x128xf32, #tpu.memory_space<hbm>>
      %dma_wait3A_253 = tpu.memref_squeeze %dma_wait3A_252 : memref<1x32x128xf32, #tpu.memory_space<hbm>> -> memref<32x128xf32, #tpu.memory_space<hbm>>
      %dma_wait3A_254 = arith.constant 0 : i32
      %dma_wait3A_255 = tpu.memref_slice %arg5[%arg0, %add3A_126, %dma_wait3A_254] : memref<2x10240x128xf32, #tpu.memory_space<hbm>> -> memref<1x32x128xf32, #tpu.memory_space<hbm>>
      %dma_wait3A_256 = tpu.memref_squeeze %dma_wait3A_255 : memref<1x32x128xf32, #tpu.memory_space<hbm>> -> memref<32x128xf32, #tpu.memory_space<hbm>>
      tpu.wait_dma2 semaphore(%run_scoped3A : memref<!tpu.dma_semaphore, #tpu.memory_space<semaphore_mem>>) src(%arg8 : memref<32x128xf32, #tpu.memory_space<vmem>>) dst(%dma_wait3A_256 : memref<32x128xf32, #tpu.memory_space<hbm>>)
      tpu.yield
    }) : () -> ()
    %mul3A_127 = arith.constant 640 : i32
    %mul3A_128 = arith.muli %arg1, %mul3A_127 : i32
    %add3A_129 = arith.constant 160 : i32
    %add3A_130 = arith.addi %mul3A_128, %add3A_129 : i32
    "tpu.region"() ({
      %run_scoped3A = tpu.sem_alloc : memref<!tpu.dma_semaphore, #tpu.memory_space<semaphore_mem>>
      %dma_start3A = arith.constant 0 : i32
      %dma_start3A_247 = tpu.memref_slice %arg9[%add3A_130, %dma_start3A] : memref<10240x128xf32, #tpu.memory_space<vmem_shared>> -> memref<32x128xf32, #tpu.memory_space<vmem_shared>>
      %dma_start3A_248 = arith.constant 0 : i32
      %dma_start3A_249 = tpu.memref_slice %arg9[%add3A_130, %dma_start3A_248] : memref<10240x128xf32, #tpu.memory_space<vmem_shared>> -> memref<32x128xf32, #tpu.memory_space<vmem_shared>>
      tpu.enqueue_dma source(%dma_start3A_249 : memref<32x128xf32, #tpu.memory_space<vmem_shared>>) target(%arg8 : memref<32x128xf32, #tpu.memory_space<vmem>>) target_semaphore(%run_scoped3A : memref<!tpu.dma_semaphore, #tpu.memory_space<semaphore_mem>>)
      %dma_wait3A = arith.constant 0 : i32
      %dma_wait3A_250 = tpu.memref_slice %arg9[%add3A_130, %dma_wait3A] : memref<10240x128xf32, #tpu.memory_space<vmem_shared>> -> memref<32x128xf32, #tpu.memory_space<vmem_shared>>
      %dma_wait3A_251 = arith.constant 0 : i32
      %dma_wait3A_252 = tpu.memref_slice %arg9[%add3A_130, %dma_wait3A_251] : memref<10240x128xf32, #tpu.memory_space<vmem_shared>> -> memref<32x128xf32, #tpu.memory_space<vmem_shared>>
      tpu.wait_dma2 semaphore(%run_scoped3A : memref<!tpu.dma_semaphore, #tpu.memory_space<semaphore_mem>>) src(%dma_wait3A_252 : memref<32x128xf32, #tpu.memory_space<vmem_shared>>) dst(%arg8 : memref<32x128xf32, #tpu.memory_space<vmem>>)
      tpu.yield
    }) : () -> ()
    %mul3A_131 = arith.constant 640 : i32
    %mul3A_132 = arith.muli %arg1, %mul3A_131 : i32
    %add3A_133 = arith.constant 160 : i32
    %add3A_134 = arith.addi %mul3A_132, %add3A_133 : i32
    "tpu.region"() ({
      %run_scoped3A = tpu.sem_alloc : memref<!tpu.dma_semaphore, #tpu.memory_space<semaphore_mem>>
      %dma_start3A = arith.constant 0 : i32
      %dma_start3A_247 = tpu.memref_slice %arg5[%arg0, %add3A_134, %dma_start3A] : memref<2x10240x128xf32, #tpu.memory_space<hbm>> -> memref<1x32x128xf32, #tpu.memory_space<hbm>>
      %dma_start3A_248 = tpu.memref_squeeze %dma_start3A_247 : memref<1x32x128xf32, #tpu.memory_space<hbm>> -> memref<32x128xf32, #tpu.memory_space<hbm>>
      %dma_start3A_249 = arith.constant 0 : i32
      %dma_start3A_250 = tpu.memref_slice %arg5[%arg0, %add3A_134, %dma_start3A_249] : memref<2x10240x128xf32, #tpu.memory_space<hbm>> -> memref<1x32x128xf32, #tpu.memory_space<hbm>>
      %dma_start3A_251 = tpu.memref_squeeze %dma_start3A_250 : memref<1x32x128xf32, #tpu.memory_space<hbm>> -> memref<32x128xf32, #tpu.memory_space<hbm>>
      tpu.enqueue_dma source(%arg8 : memref<32x128xf32, #tpu.memory_space<vmem>>) target(%dma_start3A_251 : memref<32x128xf32, #tpu.memory_space<hbm>>) target_semaphore(%run_scoped3A : memref<!tpu.dma_semaphore, #tpu.memory_space<semaphore_mem>>)
      %dma_wait3A = arith.constant 0 : i32
      %dma_wait3A_252 = tpu.memref_slice %arg5[%arg0, %add3A_134, %dma_wait3A] : memref<2x10240x128xf32, #tpu.memory_space<hbm>> -> memref<1x32x128xf32, #tpu.memory_space<hbm>>
      %dma_wait3A_253 = tpu.memref_squeeze %dma_wait3A_252 : memref<1x32x128xf32, #tpu.memory_space<hbm>> -> memref<32x128xf32, #tpu.memory_space<hbm>>
      %dma_wait3A_254 = arith.constant 0 : i32
      %dma_wait3A_255 = tpu.memref_slice %arg5[%arg0, %add3A_134, %dma_wait3A_254] : memref<2x10240x128xf32, #tpu.memory_space<hbm>> -> memref<1x32x128xf32, #tpu.memory_space<hbm>>
      %dma_wait3A_256 = tpu.memref_squeeze %dma_wait3A_255 : memref<1x32x128xf32, #tpu.memory_space<hbm>> -> memref<32x128xf32, #tpu.memory_space<hbm>>
      tpu.wait_dma2 semaphore(%run_scoped3A : memref<!tpu.dma_semaphore, #tpu.memory_space<semaphore_mem>>) src(%arg8 : memref<32x128xf32, #tpu.memory_space<vmem>>) dst(%dma_wait3A_256 : memref<32x128xf32, #tpu.memory_space<hbm>>)
      tpu.yield
    }) : () -> ()
    %mul3A_135 = arith.constant 640 : i32
    %mul3A_136 = arith.muli %arg1, %mul3A_135 : i32
    %add3A_137 = arith.constant 192 : i32
    %add3A_138 = arith.addi %mul3A_136, %add3A_137 : i32
    "tpu.region"() ({
      %run_scoped3A = tpu.sem_alloc : memref<!tpu.dma_semaphore, #tpu.memory_space<semaphore_mem>>
      %dma_start3A = arith.constant 0 : i32
      %dma_start3A_247 = tpu.memref_slice %arg9[%add3A_138, %dma_start3A] : memref<10240x128xf32, #tpu.memory_space<vmem_shared>> -> memref<32x128xf32, #tpu.memory_space<vmem_shared>>
      %dma_start3A_248 = arith.constant 0 : i32
      %dma_start3A_249 = tpu.memref_slice %arg9[%add3A_138, %dma_start3A_248] : memref<10240x128xf32, #tpu.memory_space<vmem_shared>> -> memref<32x128xf32, #tpu.memory_space<vmem_shared>>
      tpu.enqueue_dma source(%dma_start3A_249 : memref<32x128xf32, #tpu.memory_space<vmem_shared>>) target(%arg8 : memref<32x128xf32, #tpu.memory_space<vmem>>) target_semaphore(%run_scoped3A : memref<!tpu.dma_semaphore, #tpu.memory_space<semaphore_mem>>)
      %dma_wait3A = arith.constant 0 : i32
      %dma_wait3A_250 = tpu.memref_slice %arg9[%add3A_138, %dma_wait3A] : memref<10240x128xf32, #tpu.memory_space<vmem_shared>> -> memref<32x128xf32, #tpu.memory_space<vmem_shared>>
      %dma_wait3A_251 = arith.constant 0 : i32
      %dma_wait3A_252 = tpu.memref_slice %arg9[%add3A_138, %dma_wait3A_251] : memref<10240x128xf32, #tpu.memory_space<vmem_shared>> -> memref<32x128xf32, #tpu.memory_space<vmem_shared>>
      tpu.wait_dma2 semaphore(%run_scoped3A : memref<!tpu.dma_semaphore, #tpu.memory_space<semaphore_mem>>) src(%dma_wait3A_252 : memref<32x128xf32, #tpu.memory_space<vmem_shared>>) dst(%arg8 : memref<32x128xf32, #tpu.memory_space<vmem>>)
      tpu.yield
    }) : () -> ()
    %mul3A_139 = arith.constant 640 : i32
    %mul3A_140 = arith.muli %arg1, %mul3A_139 : i32
    %add3A_141 = arith.constant 192 : i32
    %add3A_142 = arith.addi %mul3A_140, %add3A_141 : i32
    "tpu.region"() ({
      %run_scoped3A = tpu.sem_alloc : memref<!tpu.dma_semaphore, #tpu.memory_space<semaphore_mem>>
      %dma_start3A = arith.constant 0 : i32
      %dma_start3A_247 = tpu.memref_slice %arg5[%arg0, %add3A_142, %dma_start3A] : memref<2x10240x128xf32, #tpu.memory_space<hbm>> -> memref<1x32x128xf32, #tpu.memory_space<hbm>>
      %dma_start3A_248 = tpu.memref_squeeze %dma_start3A_247 : memref<1x32x128xf32, #tpu.memory_space<hbm>> -> memref<32x128xf32, #tpu.memory_space<hbm>>
      %dma_start3A_249 = arith.constant 0 : i32
      %dma_start3A_250 = tpu.memref_slice %arg5[%arg0, %add3A_142, %dma_start3A_249] : memref<2x10240x128xf32, #tpu.memory_space<hbm>> -> memref<1x32x128xf32, #tpu.memory_space<hbm>>
      %dma_start3A_251 = tpu.memref_squeeze %dma_start3A_250 : memref<1x32x128xf32, #tpu.memory_space<hbm>> -> memref<32x128xf32, #tpu.memory_space<hbm>>
      tpu.enqueue_dma source(%arg8 : memref<32x128xf32, #tpu.memory_space<vmem>>) target(%dma_start3A_251 : memref<32x128xf32, #tpu.memory_space<hbm>>) target_semaphore(%run_scoped3A : memref<!tpu.dma_semaphore, #tpu.memory_space<semaphore_mem>>)
      %dma_wait3A = arith.constant 0 : i32
      %dma_wait3A_252 = tpu.memref_slice %arg5[%arg0, %add3A_142, %dma_wait3A] : memref<2x10240x128xf32, #tpu.memory_space<hbm>> -> memref<1x32x128xf32, #tpu.memory_space<hbm>>
      %dma_wait3A_253 = tpu.memref_squeeze %dma_wait3A_252 : memref<1x32x128xf32, #tpu.memory_space<hbm>> -> memref<32x128xf32, #tpu.memory_space<hbm>>
      %dma_wait3A_254 = arith.constant 0 : i32
      %dma_wait3A_255 = tpu.memref_slice %arg5[%arg0, %add3A_142, %dma_wait3A_254] : memref<2x10240x128xf32, #tpu.memory_space<hbm>> -> memref<1x32x128xf32, #tpu.memory_space<hbm>>
      %dma_wait3A_256 = tpu.memref_squeeze %dma_wait3A_255 : memref<1x32x128xf32, #tpu.memory_space<hbm>> -> memref<32x128xf32, #tpu.memory_space<hbm>>
      tpu.wait_dma2 semaphore(%run_scoped3A : memref<!tpu.dma_semaphore, #tpu.memory_space<semaphore_mem>>) src(%arg8 : memref<32x128xf32, #tpu.memory_space<vmem>>) dst(%dma_wait3A_256 : memref<32x128xf32, #tpu.memory_space<hbm>>)
      tpu.yield
    }) : () -> ()
    %mul3A_143 = arith.constant 640 : i32
    %mul3A_144 = arith.muli %arg1, %mul3A_143 : i32
    %add3A_145 = arith.constant 224 : i32
    %add3A_146 = arith.addi %mul3A_144, %add3A_145 : i32
    "tpu.region"() ({
      %run_scoped3A = tpu.sem_alloc : memref<!tpu.dma_semaphore, #tpu.memory_space<semaphore_mem>>
      %dma_start3A = arith.constant 0 : i32
      %dma_start3A_247 = tpu.memref_slice %arg9[%add3A_146, %dma_start3A] : memref<10240x128xf32, #tpu.memory_space<vmem_shared>> -> memref<32x128xf32, #tpu.memory_space<vmem_shared>>
      %dma_start3A_248 = arith.constant 0 : i32
      %dma_start3A_249 = tpu.memref_slice %arg9[%add3A_146, %dma_start3A_248] : memref<10240x128xf32, #tpu.memory_space<vmem_shared>> -> memref<32x128xf32, #tpu.memory_space<vmem_shared>>
      tpu.enqueue_dma source(%dma_start3A_249 : memref<32x128xf32, #tpu.memory_space<vmem_shared>>) target(%arg8 : memref<32x128xf32, #tpu.memory_space<vmem>>) target_semaphore(%run_scoped3A : memref<!tpu.dma_semaphore, #tpu.memory_space<semaphore_mem>>)
      %dma_wait3A = arith.constant 0 : i32
      %dma_wait3A_250 = tpu.memref_slice %arg9[%add3A_146, %dma_wait3A] : memref<10240x128xf32, #tpu.memory_space<vmem_shared>> -> memref<32x128xf32, #tpu.memory_space<vmem_shared>>
      %dma_wait3A_251 = arith.constant 0 : i32
      %dma_wait3A_252 = tpu.memref_slice %arg9[%add3A_146, %dma_wait3A_251] : memref<10240x128xf32, #tpu.memory_space<vmem_shared>> -> memref<32x128xf32, #tpu.memory_space<vmem_shared>>
      tpu.wait_dma2 semaphore(%run_scoped3A : memref<!tpu.dma_semaphore, #tpu.memory_space<semaphore_mem>>) src(%dma_wait3A_252 : memref<32x128xf32, #tpu.memory_space<vmem_shared>>) dst(%arg8 : memref<32x128xf32, #tpu.memory_space<vmem>>)
      tpu.yield
    }) : () -> ()
    %mul3A_147 = arith.constant 640 : i32
    %mul3A_148 = arith.muli %arg1, %mul3A_147 : i32
    %add3A_149 = arith.constant 224 : i32
    %add3A_150 = arith.addi %mul3A_148, %add3A_149 : i32
    "tpu.region"() ({
      %run_scoped3A = tpu.sem_alloc : memref<!tpu.dma_semaphore, #tpu.memory_space<semaphore_mem>>
      %dma_start3A = arith.constant 0 : i32
      %dma_start3A_247 = tpu.memref_slice %arg5[%arg0, %add3A_150, %dma_start3A] : memref<2x10240x128xf32, #tpu.memory_space<hbm>> -> memref<1x32x128xf32, #tpu.memory_space<hbm>>
      %dma_start3A_248 = tpu.memref_squeeze %dma_start3A_247 : memref<1x32x128xf32, #tpu.memory_space<hbm>> -> memref<32x128xf32, #tpu.memory_space<hbm>>
      %dma_start3A_249 = arith.constant 0 : i32
      %dma_start3A_250 = tpu.memref_slice %arg5[%arg0, %add3A_150, %dma_start3A_249] : memref<2x10240x128xf32, #tpu.memory_space<hbm>> -> memref<1x32x128xf32, #tpu.memory_space<hbm>>
      %dma_start3A_251 = tpu.memref_squeeze %dma_start3A_250 : memref<1x32x128xf32, #tpu.memory_space<hbm>> -> memref<32x128xf32, #tpu.memory_space<hbm>>
      tpu.enqueue_dma source(%arg8 : memref<32x128xf32, #tpu.memory_space<vmem>>) target(%dma_start3A_251 : memref<32x128xf32, #tpu.memory_space<hbm>>) target_semaphore(%run_scoped3A : memref<!tpu.dma_semaphore, #tpu.memory_space<semaphore_mem>>)
      %dma_wait3A = arith.constant 0 : i32
      %dma_wait3A_252 = tpu.memref_slice %arg5[%arg0, %add3A_150, %dma_wait3A] : memref<2x10240x128xf32, #tpu.memory_space<hbm>> -> memref<1x32x128xf32, #tpu.memory_space<hbm>>
      %dma_wait3A_253 = tpu.memref_squeeze %dma_wait3A_252 : memref<1x32x128xf32, #tpu.memory_space<hbm>> -> memref<32x128xf32, #tpu.memory_space<hbm>>
      %dma_wait3A_254 = arith.constant 0 : i32
      %dma_wait3A_255 = tpu.memref_slice %arg5[%arg0, %add3A_150, %dma_wait3A_254] : memref<2x10240x128xf32, #tpu.memory_space<hbm>> -> memref<1x32x128xf32, #tpu.memory_space<hbm>>
      %dma_wait3A_256 = tpu.memref_squeeze %dma_wait3A_255 : memref<1x32x128xf32, #tpu.memory_space<hbm>> -> memref<32x128xf32, #tpu.memory_space<hbm>>
      tpu.wait_dma2 semaphore(%run_scoped3A : memref<!tpu.dma_semaphore, #tpu.memory_space<semaphore_mem>>) src(%arg8 : memref<32x128xf32, #tpu.memory_space<vmem>>) dst(%dma_wait3A_256 : memref<32x128xf32, #tpu.memory_space<hbm>>)
      tpu.yield
    }) : () -> ()
    %mul3A_151 = arith.constant 640 : i32
    %mul3A_152 = arith.muli %arg1, %mul3A_151 : i32
    %add3A_153 = arith.constant 256 : i32
    %add3A_154 = arith.addi %mul3A_152, %add3A_153 : i32
    "tpu.region"() ({
      %run_scoped3A = tpu.sem_alloc : memref<!tpu.dma_semaphore, #tpu.memory_space<semaphore_mem>>
      %dma_start3A = arith.constant 0 : i32
      %dma_start3A_247 = tpu.memref_slice %arg9[%add3A_154, %dma_start3A] : memref<10240x128xf32, #tpu.memory_space<vmem_shared>> -> memref<32x128xf32, #tpu.memory_space<vmem_shared>>
      %dma_start3A_248 = arith.constant 0 : i32
      %dma_start3A_249 = tpu.memref_slice %arg9[%add3A_154, %dma_start3A_248] : memref<10240x128xf32, #tpu.memory_space<vmem_shared>> -> memref<32x128xf32, #tpu.memory_space<vmem_shared>>
      tpu.enqueue_dma source(%dma_start3A_249 : memref<32x128xf32, #tpu.memory_space<vmem_shared>>) target(%arg8 : memref<32x128xf32, #tpu.memory_space<vmem>>) target_semaphore(%run_scoped3A : memref<!tpu.dma_semaphore, #tpu.memory_space<semaphore_mem>>)
      %dma_wait3A = arith.constant 0 : i32
      %dma_wait3A_250 = tpu.memref_slice %arg9[%add3A_154, %dma_wait3A] : memref<10240x128xf32, #tpu.memory_space<vmem_shared>> -> memref<32x128xf32, #tpu.memory_space<vmem_shared>>
      %dma_wait3A_251 = arith.constant 0 : i32
      %dma_wait3A_252 = tpu.memref_slice %arg9[%add3A_154, %dma_wait3A_251] : memref<10240x128xf32, #tpu.memory_space<vmem_shared>> -> memref<32x128xf32, #tpu.memory_space<vmem_shared>>
      tpu.wait_dma2 semaphore(%run_scoped3A : memref<!tpu.dma_semaphore, #tpu.memory_space<semaphore_mem>>) src(%dma_wait3A_252 : memref<32x128xf32, #tpu.memory_space<vmem_shared>>) dst(%arg8 : memref<32x128xf32, #tpu.memory_space<vmem>>)
      tpu.yield
    }) : () -> ()
    %mul3A_155 = arith.constant 640 : i32
    %mul3A_156 = arith.muli %arg1, %mul3A_155 : i32
    %add3A_157 = arith.constant 256 : i32
    %add3A_158 = arith.addi %mul3A_156, %add3A_157 : i32
    "tpu.region"() ({
      %run_scoped3A = tpu.sem_alloc : memref<!tpu.dma_semaphore, #tpu.memory_space<semaphore_mem>>
      %dma_start3A = arith.constant 0 : i32
      %dma_start3A_247 = tpu.memref_slice %arg5[%arg0, %add3A_158, %dma_start3A] : memref<2x10240x128xf32, #tpu.memory_space<hbm>> -> memref<1x32x128xf32, #tpu.memory_space<hbm>>
      %dma_start3A_248 = tpu.memref_squeeze %dma_start3A_247 : memref<1x32x128xf32, #tpu.memory_space<hbm>> -> memref<32x128xf32, #tpu.memory_space<hbm>>
      %dma_start3A_249 = arith.constant 0 : i32
      %dma_start3A_250 = tpu.memref_slice %arg5[%arg0, %add3A_158, %dma_start3A_249] : memref<2x10240x128xf32, #tpu.memory_space<hbm>> -> memref<1x32x128xf32, #tpu.memory_space<hbm>>
      %dma_start3A_251 = tpu.memref_squeeze %dma_start3A_250 : memref<1x32x128xf32, #tpu.memory_space<hbm>> -> memref<32x128xf32, #tpu.memory_space<hbm>>
      tpu.enqueue_dma source(%arg8 : memref<32x128xf32, #tpu.memory_space<vmem>>) target(%dma_start3A_251 : memref<32x128xf32, #tpu.memory_space<hbm>>) target_semaphore(%run_scoped3A : memref<!tpu.dma_semaphore, #tpu.memory_space<semaphore_mem>>)
      %dma_wait3A = arith.constant 0 : i32
      %dma_wait3A_252 = tpu.memref_slice %arg5[%arg0, %add3A_158, %dma_wait3A] : memref<2x10240x128xf32, #tpu.memory_space<hbm>> -> memref<1x32x128xf32, #tpu.memory_space<hbm>>
      %dma_wait3A_253 = tpu.memref_squeeze %dma_wait3A_252 : memref<1x32x128xf32, #tpu.memory_space<hbm>> -> memref<32x128xf32, #tpu.memory_space<hbm>>
      %dma_wait3A_254 = arith.constant 0 : i32
      %dma_wait3A_255 = tpu.memref_slice %arg5[%arg0, %add3A_158, %dma_wait3A_254] : memref<2x10240x128xf32, #tpu.memory_space<hbm>> -> memref<1x32x128xf32, #tpu.memory_space<hbm>>
      %dma_wait3A_256 = tpu.memref_squeeze %dma_wait3A_255 : memref<1x32x128xf32, #tpu.memory_space<hbm>> -> memref<32x128xf32, #tpu.memory_space<hbm>>
      tpu.wait_dma2 semaphore(%run_scoped3A : memref<!tpu.dma_semaphore, #tpu.memory_space<semaphore_mem>>) src(%arg8 : memref<32x128xf32, #tpu.memory_space<vmem>>) dst(%dma_wait3A_256 : memref<32x128xf32, #tpu.memory_space<hbm>>)
      tpu.yield
    }) : () -> ()
    %mul3A_159 = arith.constant 640 : i32
    %mul3A_160 = arith.muli %arg1, %mul3A_159 : i32
    %add3A_161 = arith.constant 288 : i32
    %add3A_162 = arith.addi %mul3A_160, %add3A_161 : i32
    "tpu.region"() ({
      %run_scoped3A = tpu.sem_alloc : memref<!tpu.dma_semaphore, #tpu.memory_space<semaphore_mem>>
      %dma_start3A = arith.constant 0 : i32
      %dma_start3A_247 = tpu.memref_slice %arg9[%add3A_162, %dma_start3A] : memref<10240x128xf32, #tpu.memory_space<vmem_shared>> -> memref<32x128xf32, #tpu.memory_space<vmem_shared>>
      %dma_start3A_248 = arith.constant 0 : i32
      %dma_start3A_249 = tpu.memref_slice %arg9[%add3A_162, %dma_start3A_248] : memref<10240x128xf32, #tpu.memory_space<vmem_shared>> -> memref<32x128xf32, #tpu.memory_space<vmem_shared>>
      tpu.enqueue_dma source(%dma_start3A_249 : memref<32x128xf32, #tpu.memory_space<vmem_shared>>) target(%arg8 : memref<32x128xf32, #tpu.memory_space<vmem>>) target_semaphore(%run_scoped3A : memref<!tpu.dma_semaphore, #tpu.memory_space<semaphore_mem>>)
      %dma_wait3A = arith.constant 0 : i32
      %dma_wait3A_250 = tpu.memref_slice %arg9[%add3A_162, %dma_wait3A] : memref<10240x128xf32, #tpu.memory_space<vmem_shared>> -> memref<32x128xf32, #tpu.memory_space<vmem_shared>>
      %dma_wait3A_251 = arith.constant 0 : i32
      %dma_wait3A_252 = tpu.memref_slice %arg9[%add3A_162, %dma_wait3A_251] : memref<10240x128xf32, #tpu.memory_space<vmem_shared>> -> memref<32x128xf32, #tpu.memory_space<vmem_shared>>
      tpu.wait_dma2 semaphore(%run_scoped3A : memref<!tpu.dma_semaphore, #tpu.memory_space<semaphore_mem>>) src(%dma_wait3A_252 : memref<32x128xf32, #tpu.memory_space<vmem_shared>>) dst(%arg8 : memref<32x128xf32, #tpu.memory_space<vmem>>)
      tpu.yield
    }) : () -> ()
    %mul3A_163 = arith.constant 640 : i32
    %mul3A_164 = arith.muli %arg1, %mul3A_163 : i32
    %add3A_165 = arith.constant 288 : i32
    %add3A_166 = arith.addi %mul3A_164, %add3A_165 : i32
    "tpu.region"() ({
      %run_scoped3A = tpu.sem_alloc : memref<!tpu.dma_semaphore, #tpu.memory_space<semaphore_mem>>
      %dma_start3A = arith.constant 0 : i32
      %dma_start3A_247 = tpu.memref_slice %arg5[%arg0, %add3A_166, %dma_start3A] : memref<2x10240x128xf32, #tpu.memory_space<hbm>> -> memref<1x32x128xf32, #tpu.memory_space<hbm>>
      %dma_start3A_248 = tpu.memref_squeeze %dma_start3A_247 : memref<1x32x128xf32, #tpu.memory_space<hbm>> -> memref<32x128xf32, #tpu.memory_space<hbm>>
      %dma_start3A_249 = arith.constant 0 : i32
      %dma_start3A_250 = tpu.memref_slice %arg5[%arg0, %add3A_166, %dma_start3A_249] : memref<2x10240x128xf32, #tpu.memory_space<hbm>> -> memref<1x32x128xf32, #tpu.memory_space<hbm>>
      %dma_start3A_251 = tpu.memref_squeeze %dma_start3A_250 : memref<1x32x128xf32, #tpu.memory_space<hbm>> -> memref<32x128xf32, #tpu.memory_space<hbm>>
      tpu.enqueue_dma source(%arg8 : memref<32x128xf32, #tpu.memory_space<vmem>>) target(%dma_start3A_251 : memref<32x128xf32, #tpu.memory_space<hbm>>) target_semaphore(%run_scoped3A : memref<!tpu.dma_semaphore, #tpu.memory_space<semaphore_mem>>)
      %dma_wait3A = arith.constant 0 : i32
      %dma_wait3A_252 = tpu.memref_slice %arg5[%arg0, %add3A_166, %dma_wait3A] : memref<2x10240x128xf32, #tpu.memory_space<hbm>> -> memref<1x32x128xf32, #tpu.memory_space<hbm>>
      %dma_wait3A_253 = tpu.memref_squeeze %dma_wait3A_252 : memref<1x32x128xf32, #tpu.memory_space<hbm>> -> memref<32x128xf32, #tpu.memory_space<hbm>>
      %dma_wait3A_254 = arith.constant 0 : i32
      %dma_wait3A_255 = tpu.memref_slice %arg5[%arg0, %add3A_166, %dma_wait3A_254] : memref<2x10240x128xf32, #tpu.memory_space<hbm>> -> memref<1x32x128xf32, #tpu.memory_space<hbm>>
      %dma_wait3A_256 = tpu.memref_squeeze %dma_wait3A_255 : memref<1x32x128xf32, #tpu.memory_space<hbm>> -> memref<32x128xf32, #tpu.memory_space<hbm>>
      tpu.wait_dma2 semaphore(%run_scoped3A : memref<!tpu.dma_semaphore, #tpu.memory_space<semaphore_mem>>) src(%arg8 : memref<32x128xf32, #tpu.memory_space<vmem>>) dst(%dma_wait3A_256 : memref<32x128xf32, #tpu.memory_space<hbm>>)
      tpu.yield
    }) : () -> ()
    %mul3A_167 = arith.constant 640 : i32
    %mul3A_168 = arith.muli %arg1, %mul3A_167 : i32
    %add3A_169 = arith.constant 320 : i32
    %add3A_170 = arith.addi %mul3A_168, %add3A_169 : i32
    "tpu.region"() ({
      %run_scoped3A = tpu.sem_alloc : memref<!tpu.dma_semaphore, #tpu.memory_space<semaphore_mem>>
      %dma_start3A = arith.constant 0 : i32
      %dma_start3A_247 = tpu.memref_slice %arg9[%add3A_170, %dma_start3A] : memref<10240x128xf32, #tpu.memory_space<vmem_shared>> -> memref<32x128xf32, #tpu.memory_space<vmem_shared>>
      %dma_start3A_248 = arith.constant 0 : i32
      %dma_start3A_249 = tpu.memref_slice %arg9[%add3A_170, %dma_start3A_248] : memref<10240x128xf32, #tpu.memory_space<vmem_shared>> -> memref<32x128xf32, #tpu.memory_space<vmem_shared>>
      tpu.enqueue_dma source(%dma_start3A_249 : memref<32x128xf32, #tpu.memory_space<vmem_shared>>) target(%arg8 : memref<32x128xf32, #tpu.memory_space<vmem>>) target_semaphore(%run_scoped3A : memref<!tpu.dma_semaphore, #tpu.memory_space<semaphore_mem>>)
      %dma_wait3A = arith.constant 0 : i32
      %dma_wait3A_250 = tpu.memref_slice %arg9[%add3A_170, %dma_wait3A] : memref<10240x128xf32, #tpu.memory_space<vmem_shared>> -> memref<32x128xf32, #tpu.memory_space<vmem_shared>>
      %dma_wait3A_251 = arith.constant 0 : i32
      %dma_wait3A_252 = tpu.memref_slice %arg9[%add3A_170, %dma_wait3A_251] : memref<10240x128xf32, #tpu.memory_space<vmem_shared>> -> memref<32x128xf32, #tpu.memory_space<vmem_shared>>
      tpu.wait_dma2 semaphore(%run_scoped3A : memref<!tpu.dma_semaphore, #tpu.memory_space<semaphore_mem>>) src(%dma_wait3A_252 : memref<32x128xf32, #tpu.memory_space<vmem_shared>>) dst(%arg8 : memref<32x128xf32, #tpu.memory_space<vmem>>)
      tpu.yield
    }) : () -> ()
    %mul3A_171 = arith.constant 640 : i32
    %mul3A_172 = arith.muli %arg1, %mul3A_171 : i32
    %add3A_173 = arith.constant 320 : i32
    %add3A_174 = arith.addi %mul3A_172, %add3A_173 : i32
    "tpu.region"() ({
      %run_scoped3A = tpu.sem_alloc : memref<!tpu.dma_semaphore, #tpu.memory_space<semaphore_mem>>
      %dma_start3A = arith.constant 0 : i32
      %dma_start3A_247 = tpu.memref_slice %arg5[%arg0, %add3A_174, %dma_start3A] : memref<2x10240x128xf32, #tpu.memory_space<hbm>> -> memref<1x32x128xf32, #tpu.memory_space<hbm>>
      %dma_start3A_248 = tpu.memref_squeeze %dma_start3A_247 : memref<1x32x128xf32, #tpu.memory_space<hbm>> -> memref<32x128xf32, #tpu.memory_space<hbm>>
      %dma_start3A_249 = arith.constant 0 : i32
      %dma_start3A_250 = tpu.memref_slice %arg5[%arg0, %add3A_174, %dma_start3A_249] : memref<2x10240x128xf32, #tpu.memory_space<hbm>> -> memref<1x32x128xf32, #tpu.memory_space<hbm>>
      %dma_start3A_251 = tpu.memref_squeeze %dma_start3A_250 : memref<1x32x128xf32, #tpu.memory_space<hbm>> -> memref<32x128xf32, #tpu.memory_space<hbm>>
      tpu.enqueue_dma source(%arg8 : memref<32x128xf32, #tpu.memory_space<vmem>>) target(%dma_start3A_251 : memref<32x128xf32, #tpu.memory_space<hbm>>) target_semaphore(%run_scoped3A : memref<!tpu.dma_semaphore, #tpu.memory_space<semaphore_mem>>)
      %dma_wait3A = arith.constant 0 : i32
      %dma_wait3A_252 = tpu.memref_slice %arg5[%arg0, %add3A_174, %dma_wait3A] : memref<2x10240x128xf32, #tpu.memory_space<hbm>> -> memref<1x32x128xf32, #tpu.memory_space<hbm>>
      %dma_wait3A_253 = tpu.memref_squeeze %dma_wait3A_252 : memref<1x32x128xf32, #tpu.memory_space<hbm>> -> memref<32x128xf32, #tpu.memory_space<hbm>>
      %dma_wait3A_254 = arith.constant 0 : i32
      %dma_wait3A_255 = tpu.memref_slice %arg5[%arg0, %add3A_174, %dma_wait3A_254] : memref<2x10240x128xf32, #tpu.memory_space<hbm>> -> memref<1x32x128xf32, #tpu.memory_space<hbm>>
      %dma_wait3A_256 = tpu.memref_squeeze %dma_wait3A_255 : memref<1x32x128xf32, #tpu.memory_space<hbm>> -> memref<32x128xf32, #tpu.memory_space<hbm>>
      tpu.wait_dma2 semaphore(%run_scoped3A : memref<!tpu.dma_semaphore, #tpu.memory_space<semaphore_mem>>) src(%arg8 : memref<32x128xf32, #tpu.memory_space<vmem>>) dst(%dma_wait3A_256 : memref<32x128xf32, #tpu.memory_space<hbm>>)
      tpu.yield
    }) : () -> ()
    %mul3A_175 = arith.constant 640 : i32
    %mul3A_176 = arith.muli %arg1, %mul3A_175 : i32
    %add3A_177 = arith.constant 352 : i32
    %add3A_178 = arith.addi %mul3A_176, %add3A_177 : i32
    "tpu.region"() ({
      %run_scoped3A = tpu.sem_alloc : memref<!tpu.dma_semaphore, #tpu.memory_space<semaphore_mem>>
      %dma_start3A = arith.constant 0 : i32
      %dma_start3A_247 = tpu.memref_slice %arg9[%add3A_178, %dma_start3A] : memref<10240x128xf32, #tpu.memory_space<vmem_shared>> -> memref<32x128xf32, #tpu.memory_space<vmem_shared>>
      %dma_start3A_248 = arith.constant 0 : i32
      %dma_start3A_249 = tpu.memref_slice %arg9[%add3A_178, %dma_start3A_248] : memref<10240x128xf32, #tpu.memory_space<vmem_shared>> -> memref<32x128xf32, #tpu.memory_space<vmem_shared>>
      tpu.enqueue_dma source(%dma_start3A_249 : memref<32x128xf32, #tpu.memory_space<vmem_shared>>) target(%arg8 : memref<32x128xf32, #tpu.memory_space<vmem>>) target_semaphore(%run_scoped3A : memref<!tpu.dma_semaphore, #tpu.memory_space<semaphore_mem>>)
      %dma_wait3A = arith.constant 0 : i32
      %dma_wait3A_250 = tpu.memref_slice %arg9[%add3A_178, %dma_wait3A] : memref<10240x128xf32, #tpu.memory_space<vmem_shared>> -> memref<32x128xf32, #tpu.memory_space<vmem_shared>>
      %dma_wait3A_251 = arith.constant 0 : i32
      %dma_wait3A_252 = tpu.memref_slice %arg9[%add3A_178, %dma_wait3A_251] : memref<10240x128xf32, #tpu.memory_space<vmem_shared>> -> memref<32x128xf32, #tpu.memory_space<vmem_shared>>
      tpu.wait_dma2 semaphore(%run_scoped3A : memref<!tpu.dma_semaphore, #tpu.memory_space<semaphore_mem>>) src(%dma_wait3A_252 : memref<32x128xf32, #tpu.memory_space<vmem_shared>>) dst(%arg8 : memref<32x128xf32, #tpu.memory_space<vmem>>)
      tpu.yield
    }) : () -> ()
    %mul3A_179 = arith.constant 640 : i32
    %mul3A_180 = arith.muli %arg1, %mul3A_179 : i32
    %add3A_181 = arith.constant 352 : i32
    %add3A_182 = arith.addi %mul3A_180, %add3A_181 : i32
    "tpu.region"() ({
      %run_scoped3A = tpu.sem_alloc : memref<!tpu.dma_semaphore, #tpu.memory_space<semaphore_mem>>
      %dma_start3A = arith.constant 0 : i32
      %dma_start3A_247 = tpu.memref_slice %arg5[%arg0, %add3A_182, %dma_start3A] : memref<2x10240x128xf32, #tpu.memory_space<hbm>> -> memref<1x32x128xf32, #tpu.memory_space<hbm>>
      %dma_start3A_248 = tpu.memref_squeeze %dma_start3A_247 : memref<1x32x128xf32, #tpu.memory_space<hbm>> -> memref<32x128xf32, #tpu.memory_space<hbm>>
      %dma_start3A_249 = arith.constant 0 : i32
      %dma_start3A_250 = tpu.memref_slice %arg5[%arg0, %add3A_182, %dma_start3A_249] : memref<2x10240x128xf32, #tpu.memory_space<hbm>> -> memref<1x32x128xf32, #tpu.memory_space<hbm>>
      %dma_start3A_251 = tpu.memref_squeeze %dma_start3A_250 : memref<1x32x128xf32, #tpu.memory_space<hbm>> -> memref<32x128xf32, #tpu.memory_space<hbm>>
      tpu.enqueue_dma source(%arg8 : memref<32x128xf32, #tpu.memory_space<vmem>>) target(%dma_start3A_251 : memref<32x128xf32, #tpu.memory_space<hbm>>) target_semaphore(%run_scoped3A : memref<!tpu.dma_semaphore, #tpu.memory_space<semaphore_mem>>)
      %dma_wait3A = arith.constant 0 : i32
      %dma_wait3A_252 = tpu.memref_slice %arg5[%arg0, %add3A_182, %dma_wait3A] : memref<2x10240x128xf32, #tpu.memory_space<hbm>> -> memref<1x32x128xf32, #tpu.memory_space<hbm>>
      %dma_wait3A_253 = tpu.memref_squeeze %dma_wait3A_252 : memref<1x32x128xf32, #tpu.memory_space<hbm>> -> memref<32x128xf32, #tpu.memory_space<hbm>>
      %dma_wait3A_254 = arith.constant 0 : i32
      %dma_wait3A_255 = tpu.memref_slice %arg5[%arg0, %add3A_182, %dma_wait3A_254] : memref<2x10240x128xf32, #tpu.memory_space<hbm>> -> memref<1x32x128xf32, #tpu.memory_space<hbm>>
      %dma_wait3A_256 = tpu.memref_squeeze %dma_wait3A_255 : memref<1x32x128xf32, #tpu.memory_space<hbm>> -> memref<32x128xf32, #tpu.memory_space<hbm>>
      tpu.wait_dma2 semaphore(%run_scoped3A : memref<!tpu.dma_semaphore, #tpu.memory_space<semaphore_mem>>) src(%arg8 : memref<32x128xf32, #tpu.memory_space<vmem>>) dst(%dma_wait3A_256 : memref<32x128xf32, #tpu.memory_space<hbm>>)
      tpu.yield
    }) : () -> ()
    %mul3A_183 = arith.constant 640 : i32
    %mul3A_184 = arith.muli %arg1, %mul3A_183 : i32
    %add3A_185 = arith.constant 384 : i32
    %add3A_186 = arith.addi %mul3A_184, %add3A_185 : i32
    "tpu.region"() ({
      %run_scoped3A = tpu.sem_alloc : memref<!tpu.dma_semaphore, #tpu.memory_space<semaphore_mem>>
      %dma_start3A = arith.constant 0 : i32
      %dma_start3A_247 = tpu.memref_slice %arg9[%add3A_186, %dma_start3A] : memref<10240x128xf32, #tpu.memory_space<vmem_shared>> -> memref<32x128xf32, #tpu.memory_space<vmem_shared>>
      %dma_start3A_248 = arith.constant 0 : i32
      %dma_start3A_249 = tpu.memref_slice %arg9[%add3A_186, %dma_start3A_248] : memref<10240x128xf32, #tpu.memory_space<vmem_shared>> -> memref<32x128xf32, #tpu.memory_space<vmem_shared>>
      tpu.enqueue_dma source(%dma_start3A_249 : memref<32x128xf32, #tpu.memory_space<vmem_shared>>) target(%arg8 : memref<32x128xf32, #tpu.memory_space<vmem>>) target_semaphore(%run_scoped3A : memref<!tpu.dma_semaphore, #tpu.memory_space<semaphore_mem>>)
      %dma_wait3A = arith.constant 0 : i32
      %dma_wait3A_250 = tpu.memref_slice %arg9[%add3A_186, %dma_wait3A] : memref<10240x128xf32, #tpu.memory_space<vmem_shared>> -> memref<32x128xf32, #tpu.memory_space<vmem_shared>>
      %dma_wait3A_251 = arith.constant 0 : i32
      %dma_wait3A_252 = tpu.memref_slice %arg9[%add3A_186, %dma_wait3A_251] : memref<10240x128xf32, #tpu.memory_space<vmem_shared>> -> memref<32x128xf32, #tpu.memory_space<vmem_shared>>
      tpu.wait_dma2 semaphore(%run_scoped3A : memref<!tpu.dma_semaphore, #tpu.memory_space<semaphore_mem>>) src(%dma_wait3A_252 : memref<32x128xf32, #tpu.memory_space<vmem_shared>>) dst(%arg8 : memref<32x128xf32, #tpu.memory_space<vmem>>)
      tpu.yield
    }) : () -> ()
    %mul3A_187 = arith.constant 640 : i32
    %mul3A_188 = arith.muli %arg1, %mul3A_187 : i32
    %add3A_189 = arith.constant 384 : i32
    %add3A_190 = arith.addi %mul3A_188, %add3A_189 : i32
    "tpu.region"() ({
      %run_scoped3A = tpu.sem_alloc : memref<!tpu.dma_semaphore, #tpu.memory_space<semaphore_mem>>
      %dma_start3A = arith.constant 0 : i32
      %dma_start3A_247 = tpu.memref_slice %arg5[%arg0, %add3A_190, %dma_start3A] : memref<2x10240x128xf32, #tpu.memory_space<hbm>> -> memref<1x32x128xf32, #tpu.memory_space<hbm>>
      %dma_start3A_248 = tpu.memref_squeeze %dma_start3A_247 : memref<1x32x128xf32, #tpu.memory_space<hbm>> -> memref<32x128xf32, #tpu.memory_space<hbm>>
      %dma_start3A_249 = arith.constant 0 : i32
      %dma_start3A_250 = tpu.memref_slice %arg5[%arg0, %add3A_190, %dma_start3A_249] : memref<2x10240x128xf32, #tpu.memory_space<hbm>> -> memref<1x32x128xf32, #tpu.memory_space<hbm>>
      %dma_start3A_251 = tpu.memref_squeeze %dma_start3A_250 : memref<1x32x128xf32, #tpu.memory_space<hbm>> -> memref<32x128xf32, #tpu.memory_space<hbm>>
      tpu.enqueue_dma source(%arg8 : memref<32x128xf32, #tpu.memory_space<vmem>>) target(%dma_start3A_251 : memref<32x128xf32, #tpu.memory_space<hbm>>) target_semaphore(%run_scoped3A : memref<!tpu.dma_semaphore, #tpu.memory_space<semaphore_mem>>)
      %dma_wait3A = arith.constant 0 : i32
      %dma_wait3A_252 = tpu.memref_slice %arg5[%arg0, %add3A_190, %dma_wait3A] : memref<2x10240x128xf32, #tpu.memory_space<hbm>> -> memref<1x32x128xf32, #tpu.memory_space<hbm>>
      %dma_wait3A_253 = tpu.memref_squeeze %dma_wait3A_252 : memref<1x32x128xf32, #tpu.memory_space<hbm>> -> memref<32x128xf32, #tpu.memory_space<hbm>>
      %dma_wait3A_254 = arith.constant 0 : i32
      %dma_wait3A_255 = tpu.memref_slice %arg5[%arg0, %add3A_190, %dma_wait3A_254] : memref<2x10240x128xf32, #tpu.memory_space<hbm>> -> memref<1x32x128xf32, #tpu.memory_space<hbm>>
      %dma_wait3A_256 = tpu.memref_squeeze %dma_wait3A_255 : memref<1x32x128xf32, #tpu.memory_space<hbm>> -> memref<32x128xf32, #tpu.memory_space<hbm>>
      tpu.wait_dma2 semaphore(%run_scoped3A : memref<!tpu.dma_semaphore, #tpu.memory_space<semaphore_mem>>) src(%arg8 : memref<32x128xf32, #tpu.memory_space<vmem>>) dst(%dma_wait3A_256 : memref<32x128xf32, #tpu.memory_space<hbm>>)
      tpu.yield
    }) : () -> ()
    %mul3A_191 = arith.constant 640 : i32
    %mul3A_192 = arith.muli %arg1, %mul3A_191 : i32
    %add3A_193 = arith.constant 416 : i32
    %add3A_194 = arith.addi %mul3A_192, %add3A_193 : i32
    "tpu.region"() ({
      %run_scoped3A = tpu.sem_alloc : memref<!tpu.dma_semaphore, #tpu.memory_space<semaphore_mem>>
      %dma_start3A = arith.constant 0 : i32
      %dma_start3A_247 = tpu.memref_slice %arg9[%add3A_194, %dma_start3A] : memref<10240x128xf32, #tpu.memory_space<vmem_shared>> -> memref<32x128xf32, #tpu.memory_space<vmem_shared>>
      %dma_start3A_248 = arith.constant 0 : i32
      %dma_start3A_249 = tpu.memref_slice %arg9[%add3A_194, %dma_start3A_248] : memref<10240x128xf32, #tpu.memory_space<vmem_shared>> -> memref<32x128xf32, #tpu.memory_space<vmem_shared>>
      tpu.enqueue_dma source(%dma_start3A_249 : memref<32x128xf32, #tpu.memory_space<vmem_shared>>) target(%arg8 : memref<32x128xf32, #tpu.memory_space<vmem>>) target_semaphore(%run_scoped3A : memref<!tpu.dma_semaphore, #tpu.memory_space<semaphore_mem>>)
      %dma_wait3A = arith.constant 0 : i32
      %dma_wait3A_250 = tpu.memref_slice %arg9[%add3A_194, %dma_wait3A] : memref<10240x128xf32, #tpu.memory_space<vmem_shared>> -> memref<32x128xf32, #tpu.memory_space<vmem_shared>>
      %dma_wait3A_251 = arith.constant 0 : i32
      %dma_wait3A_252 = tpu.memref_slice %arg9[%add3A_194, %dma_wait3A_251] : memref<10240x128xf32, #tpu.memory_space<vmem_shared>> -> memref<32x128xf32, #tpu.memory_space<vmem_shared>>
      tpu.wait_dma2 semaphore(%run_scoped3A : memref<!tpu.dma_semaphore, #tpu.memory_space<semaphore_mem>>) src(%dma_wait3A_252 : memref<32x128xf32, #tpu.memory_space<vmem_shared>>) dst(%arg8 : memref<32x128xf32, #tpu.memory_space<vmem>>)
      tpu.yield
    }) : () -> ()
    %mul3A_195 = arith.constant 640 : i32
    %mul3A_196 = arith.muli %arg1, %mul3A_195 : i32
    %add3A_197 = arith.constant 416 : i32
    %add3A_198 = arith.addi %mul3A_196, %add3A_197 : i32
    "tpu.region"() ({
      %run_scoped3A = tpu.sem_alloc : memref<!tpu.dma_semaphore, #tpu.memory_space<semaphore_mem>>
      %dma_start3A = arith.constant 0 : i32
      %dma_start3A_247 = tpu.memref_slice %arg5[%arg0, %add3A_198, %dma_start3A] : memref<2x10240x128xf32, #tpu.memory_space<hbm>> -> memref<1x32x128xf32, #tpu.memory_space<hbm>>
      %dma_start3A_248 = tpu.memref_squeeze %dma_start3A_247 : memref<1x32x128xf32, #tpu.memory_space<hbm>> -> memref<32x128xf32, #tpu.memory_space<hbm>>
      %dma_start3A_249 = arith.constant 0 : i32
      %dma_start3A_250 = tpu.memref_slice %arg5[%arg0, %add3A_198, %dma_start3A_249] : memref<2x10240x128xf32, #tpu.memory_space<hbm>> -> memref<1x32x128xf32, #tpu.memory_space<hbm>>
      %dma_start3A_251 = tpu.memref_squeeze %dma_start3A_250 : memref<1x32x128xf32, #tpu.memory_space<hbm>> -> memref<32x128xf32, #tpu.memory_space<hbm>>
      tpu.enqueue_dma source(%arg8 : memref<32x128xf32, #tpu.memory_space<vmem>>) target(%dma_start3A_251 : memref<32x128xf32, #tpu.memory_space<hbm>>) target_semaphore(%run_scoped3A : memref<!tpu.dma_semaphore, #tpu.memory_space<semaphore_mem>>)
      %dma_wait3A = arith.constant 0 : i32
      %dma_wait3A_252 = tpu.memref_slice %arg5[%arg0, %add3A_198, %dma_wait3A] : memref<2x10240x128xf32, #tpu.memory_space<hbm>> -> memref<1x32x128xf32, #tpu.memory_space<hbm>>
      %dma_wait3A_253 = tpu.memref_squeeze %dma_wait3A_252 : memref<1x32x128xf32, #tpu.memory_space<hbm>> -> memref<32x128xf32, #tpu.memory_space<hbm>>
      %dma_wait3A_254 = arith.constant 0 : i32
      %dma_wait3A_255 = tpu.memref_slice %arg5[%arg0, %add3A_198, %dma_wait3A_254] : memref<2x10240x128xf32, #tpu.memory_space<hbm>> -> memref<1x32x128xf32, #tpu.memory_space<hbm>>
      %dma_wait3A_256 = tpu.memref_squeeze %dma_wait3A_255 : memref<1x32x128xf32, #tpu.memory_space<hbm>> -> memref<32x128xf32, #tpu.memory_space<hbm>>
      tpu.wait_dma2 semaphore(%run_scoped3A : memref<!tpu.dma_semaphore, #tpu.memory_space<semaphore_mem>>) src(%arg8 : memref<32x128xf32, #tpu.memory_space<vmem>>) dst(%dma_wait3A_256 : memref<32x128xf32, #tpu.memory_space<hbm>>)
      tpu.yield
    }) : () -> ()
    %mul3A_199 = arith.constant 640 : i32
    %mul3A_200 = arith.muli %arg1, %mul3A_199 : i32
    %add3A_201 = arith.constant 448 : i32
    %add3A_202 = arith.addi %mul3A_200, %add3A_201 : i32
    "tpu.region"() ({
      %run_scoped3A = tpu.sem_alloc : memref<!tpu.dma_semaphore, #tpu.memory_space<semaphore_mem>>
      %dma_start3A = arith.constant 0 : i32
      %dma_start3A_247 = tpu.memref_slice %arg9[%add3A_202, %dma_start3A] : memref<10240x128xf32, #tpu.memory_space<vmem_shared>> -> memref<32x128xf32, #tpu.memory_space<vmem_shared>>
      %dma_start3A_248 = arith.constant 0 : i32
      %dma_start3A_249 = tpu.memref_slice %arg9[%add3A_202, %dma_start3A_248] : memref<10240x128xf32, #tpu.memory_space<vmem_shared>> -> memref<32x128xf32, #tpu.memory_space<vmem_shared>>
      tpu.enqueue_dma source(%dma_start3A_249 : memref<32x128xf32, #tpu.memory_space<vmem_shared>>) target(%arg8 : memref<32x128xf32, #tpu.memory_space<vmem>>) target_semaphore(%run_scoped3A : memref<!tpu.dma_semaphore, #tpu.memory_space<semaphore_mem>>)
      %dma_wait3A = arith.constant 0 : i32
      %dma_wait3A_250 = tpu.memref_slice %arg9[%add3A_202, %dma_wait3A] : memref<10240x128xf32, #tpu.memory_space<vmem_shared>> -> memref<32x128xf32, #tpu.memory_space<vmem_shared>>
      %dma_wait3A_251 = arith.constant 0 : i32
      %dma_wait3A_252 = tpu.memref_slice %arg9[%add3A_202, %dma_wait3A_251] : memref<10240x128xf32, #tpu.memory_space<vmem_shared>> -> memref<32x128xf32, #tpu.memory_space<vmem_shared>>
      tpu.wait_dma2 semaphore(%run_scoped3A : memref<!tpu.dma_semaphore, #tpu.memory_space<semaphore_mem>>) src(%dma_wait3A_252 : memref<32x128xf32, #tpu.memory_space<vmem_shared>>) dst(%arg8 : memref<32x128xf32, #tpu.memory_space<vmem>>)
      tpu.yield
    }) : () -> ()
    %mul3A_203 = arith.constant 640 : i32
    %mul3A_204 = arith.muli %arg1, %mul3A_203 : i32
    %add3A_205 = arith.constant 448 : i32
    %add3A_206 = arith.addi %mul3A_204, %add3A_205 : i32
    "tpu.region"() ({
      %run_scoped3A = tpu.sem_alloc : memref<!tpu.dma_semaphore, #tpu.memory_space<semaphore_mem>>
      %dma_start3A = arith.constant 0 : i32
      %dma_start3A_247 = tpu.memref_slice %arg5[%arg0, %add3A_206, %dma_start3A] : memref<2x10240x128xf32, #tpu.memory_space<hbm>> -> memref<1x32x128xf32, #tpu.memory_space<hbm>>
      %dma_start3A_248 = tpu.memref_squeeze %dma_start3A_247 : memref<1x32x128xf32, #tpu.memory_space<hbm>> -> memref<32x128xf32, #tpu.memory_space<hbm>>
      %dma_start3A_249 = arith.constant 0 : i32
      %dma_start3A_250 = tpu.memref_slice %arg5[%arg0, %add3A_206, %dma_start3A_249] : memref<2x10240x128xf32, #tpu.memory_space<hbm>> -> memref<1x32x128xf32, #tpu.memory_space<hbm>>
      %dma_start3A_251 = tpu.memref_squeeze %dma_start3A_250 : memref<1x32x128xf32, #tpu.memory_space<hbm>> -> memref<32x128xf32, #tpu.memory_space<hbm>>
      tpu.enqueue_dma source(%arg8 : memref<32x128xf32, #tpu.memory_space<vmem>>) target(%dma_start3A_251 : memref<32x128xf32, #tpu.memory_space<hbm>>) target_semaphore(%run_scoped3A : memref<!tpu.dma_semaphore, #tpu.memory_space<semaphore_mem>>)
      %dma_wait3A = arith.constant 0 : i32
      %dma_wait3A_252 = tpu.memref_slice %arg5[%arg0, %add3A_206, %dma_wait3A] : memref<2x10240x128xf32, #tpu.memory_space<hbm>> -> memref<1x32x128xf32, #tpu.memory_space<hbm>>
      %dma_wait3A_253 = tpu.memref_squeeze %dma_wait3A_252 : memref<1x32x128xf32, #tpu.memory_space<hbm>> -> memref<32x128xf32, #tpu.memory_space<hbm>>
      %dma_wait3A_254 = arith.constant 0 : i32
      %dma_wait3A_255 = tpu.memref_slice %arg5[%arg0, %add3A_206, %dma_wait3A_254] : memref<2x10240x128xf32, #tpu.memory_space<hbm>> -> memref<1x32x128xf32, #tpu.memory_space<hbm>>
      %dma_wait3A_256 = tpu.memref_squeeze %dma_wait3A_255 : memref<1x32x128xf32, #tpu.memory_space<hbm>> -> memref<32x128xf32, #tpu.memory_space<hbm>>
      tpu.wait_dma2 semaphore(%run_scoped3A : memref<!tpu.dma_semaphore, #tpu.memory_space<semaphore_mem>>) src(%arg8 : memref<32x128xf32, #tpu.memory_space<vmem>>) dst(%dma_wait3A_256 : memref<32x128xf32, #tpu.memory_space<hbm>>)
      tpu.yield
    }) : () -> ()
    %mul3A_207 = arith.constant 640 : i32
    %mul3A_208 = arith.muli %arg1, %mul3A_207 : i32
    %add3A_209 = arith.constant 480 : i32
    %add3A_210 = arith.addi %mul3A_208, %add3A_209 : i32
    "tpu.region"() ({
      %run_scoped3A = tpu.sem_alloc : memref<!tpu.dma_semaphore, #tpu.memory_space<semaphore_mem>>
      %dma_start3A = arith.constant 0 : i32
      %dma_start3A_247 = tpu.memref_slice %arg9[%add3A_210, %dma_start3A] : memref<10240x128xf32, #tpu.memory_space<vmem_shared>> -> memref<32x128xf32, #tpu.memory_space<vmem_shared>>
      %dma_start3A_248 = arith.constant 0 : i32
      %dma_start3A_249 = tpu.memref_slice %arg9[%add3A_210, %dma_start3A_248] : memref<10240x128xf32, #tpu.memory_space<vmem_shared>> -> memref<32x128xf32, #tpu.memory_space<vmem_shared>>
      tpu.enqueue_dma source(%dma_start3A_249 : memref<32x128xf32, #tpu.memory_space<vmem_shared>>) target(%arg8 : memref<32x128xf32, #tpu.memory_space<vmem>>) target_semaphore(%run_scoped3A : memref<!tpu.dma_semaphore, #tpu.memory_space<semaphore_mem>>)
      %dma_wait3A = arith.constant 0 : i32
      %dma_wait3A_250 = tpu.memref_slice %arg9[%add3A_210, %dma_wait3A] : memref<10240x128xf32, #tpu.memory_space<vmem_shared>> -> memref<32x128xf32, #tpu.memory_space<vmem_shared>>
      %dma_wait3A_251 = arith.constant 0 : i32
      %dma_wait3A_252 = tpu.memref_slice %arg9[%add3A_210, %dma_wait3A_251] : memref<10240x128xf32, #tpu.memory_space<vmem_shared>> -> memref<32x128xf32, #tpu.memory_space<vmem_shared>>
      tpu.wait_dma2 semaphore(%run_scoped3A : memref<!tpu.dma_semaphore, #tpu.memory_space<semaphore_mem>>) src(%dma_wait3A_252 : memref<32x128xf32, #tpu.memory_space<vmem_shared>>) dst(%arg8 : memref<32x128xf32, #tpu.memory_space<vmem>>)
      tpu.yield
    }) : () -> ()
    %mul3A_211 = arith.constant 640 : i32
    %mul3A_212 = arith.muli %arg1, %mul3A_211 : i32
    %add3A_213 = arith.constant 480 : i32
    %add3A_214 = arith.addi %mul3A_212, %add3A_213 : i32
    "tpu.region"() ({
      %run_scoped3A = tpu.sem_alloc : memref<!tpu.dma_semaphore, #tpu.memory_space<semaphore_mem>>
      %dma_start3A = arith.constant 0 : i32
      %dma_start3A_247 = tpu.memref_slice %arg5[%arg0, %add3A_214, %dma_start3A] : memref<2x10240x128xf32, #tpu.memory_space<hbm>> -> memref<1x32x128xf32, #tpu.memory_space<hbm>>
      %dma_start3A_248 = tpu.memref_squeeze %dma_start3A_247 : memref<1x32x128xf32, #tpu.memory_space<hbm>> -> memref<32x128xf32, #tpu.memory_space<hbm>>
      %dma_start3A_249 = arith.constant 0 : i32
      %dma_start3A_250 = tpu.memref_slice %arg5[%arg0, %add3A_214, %dma_start3A_249] : memref<2x10240x128xf32, #tpu.memory_space<hbm>> -> memref<1x32x128xf32, #tpu.memory_space<hbm>>
      %dma_start3A_251 = tpu.memref_squeeze %dma_start3A_250 : memref<1x32x128xf32, #tpu.memory_space<hbm>> -> memref<32x128xf32, #tpu.memory_space<hbm>>
      tpu.enqueue_dma source(%arg8 : memref<32x128xf32, #tpu.memory_space<vmem>>) target(%dma_start3A_251 : memref<32x128xf32, #tpu.memory_space<hbm>>) target_semaphore(%run_scoped3A : memref<!tpu.dma_semaphore, #tpu.memory_space<semaphore_mem>>)
      %dma_wait3A = arith.constant 0 : i32
      %dma_wait3A_252 = tpu.memref_slice %arg5[%arg0, %add3A_214, %dma_wait3A] : memref<2x10240x128xf32, #tpu.memory_space<hbm>> -> memref<1x32x128xf32, #tpu.memory_space<hbm>>
      %dma_wait3A_253 = tpu.memref_squeeze %dma_wait3A_252 : memref<1x32x128xf32, #tpu.memory_space<hbm>> -> memref<32x128xf32, #tpu.memory_space<hbm>>
      %dma_wait3A_254 = arith.constant 0 : i32
      %dma_wait3A_255 = tpu.memref_slice %arg5[%arg0, %add3A_214, %dma_wait3A_254] : memref<2x10240x128xf32, #tpu.memory_space<hbm>> -> memref<1x32x128xf32, #tpu.memory_space<hbm>>
      %dma_wait3A_256 = tpu.memref_squeeze %dma_wait3A_255 : memref<1x32x128xf32, #tpu.memory_space<hbm>> -> memref<32x128xf32, #tpu.memory_space<hbm>>
      tpu.wait_dma2 semaphore(%run_scoped3A : memref<!tpu.dma_semaphore, #tpu.memory_space<semaphore_mem>>) src(%arg8 : memref<32x128xf32, #tpu.memory_space<vmem>>) dst(%dma_wait3A_256 : memref<32x128xf32, #tpu.memory_space<hbm>>)
      tpu.yield
    }) : () -> ()
    %mul3A_215 = arith.constant 640 : i32
    %mul3A_216 = arith.muli %arg1, %mul3A_215 : i32
    %add3A_217 = arith.constant 512 : i32
    %add3A_218 = arith.addi %mul3A_216, %add3A_217 : i32
    "tpu.region"() ({
      %run_scoped3A = tpu.sem_alloc : memref<!tpu.dma_semaphore, #tpu.memory_space<semaphore_mem>>
      %dma_start3A = arith.constant 0 : i32
      %dma_start3A_247 = tpu.memref_slice %arg9[%add3A_218, %dma_start3A] : memref<10240x128xf32, #tpu.memory_space<vmem_shared>> -> memref<32x128xf32, #tpu.memory_space<vmem_shared>>
      %dma_start3A_248 = arith.constant 0 : i32
      %dma_start3A_249 = tpu.memref_slice %arg9[%add3A_218, %dma_start3A_248] : memref<10240x128xf32, #tpu.memory_space<vmem_shared>> -> memref<32x128xf32, #tpu.memory_space<vmem_shared>>
      tpu.enqueue_dma source(%dma_start3A_249 : memref<32x128xf32, #tpu.memory_space<vmem_shared>>) target(%arg8 : memref<32x128xf32, #tpu.memory_space<vmem>>) target_semaphore(%run_scoped3A : memref<!tpu.dma_semaphore, #tpu.memory_space<semaphore_mem>>)
      %dma_wait3A = arith.constant 0 : i32
      %dma_wait3A_250 = tpu.memref_slice %arg9[%add3A_218, %dma_wait3A] : memref<10240x128xf32, #tpu.memory_space<vmem_shared>> -> memref<32x128xf32, #tpu.memory_space<vmem_shared>>
      %dma_wait3A_251 = arith.constant 0 : i32
      %dma_wait3A_252 = tpu.memref_slice %arg9[%add3A_218, %dma_wait3A_251] : memref<10240x128xf32, #tpu.memory_space<vmem_shared>> -> memref<32x128xf32, #tpu.memory_space<vmem_shared>>
      tpu.wait_dma2 semaphore(%run_scoped3A : memref<!tpu.dma_semaphore, #tpu.memory_space<semaphore_mem>>) src(%dma_wait3A_252 : memref<32x128xf32, #tpu.memory_space<vmem_shared>>) dst(%arg8 : memref<32x128xf32, #tpu.memory_space<vmem>>)
      tpu.yield
    }) : () -> ()
    %mul3A_219 = arith.constant 640 : i32
    %mul3A_220 = arith.muli %arg1, %mul3A_219 : i32
    %add3A_221 = arith.constant 512 : i32
    %add3A_222 = arith.addi %mul3A_220, %add3A_221 : i32
    "tpu.region"() ({
      %run_scoped3A = tpu.sem_alloc : memref<!tpu.dma_semaphore, #tpu.memory_space<semaphore_mem>>
      %dma_start3A = arith.constant 0 : i32
      %dma_start3A_247 = tpu.memref_slice %arg5[%arg0, %add3A_222, %dma_start3A] : memref<2x10240x128xf32, #tpu.memory_space<hbm>> -> memref<1x32x128xf32, #tpu.memory_space<hbm>>
      %dma_start3A_248 = tpu.memref_squeeze %dma_start3A_247 : memref<1x32x128xf32, #tpu.memory_space<hbm>> -> memref<32x128xf32, #tpu.memory_space<hbm>>
      %dma_start3A_249 = arith.constant 0 : i32
      %dma_start3A_250 = tpu.memref_slice %arg5[%arg0, %add3A_222, %dma_start3A_249] : memref<2x10240x128xf32, #tpu.memory_space<hbm>> -> memref<1x32x128xf32, #tpu.memory_space<hbm>>
      %dma_start3A_251 = tpu.memref_squeeze %dma_start3A_250 : memref<1x32x128xf32, #tpu.memory_space<hbm>> -> memref<32x128xf32, #tpu.memory_space<hbm>>
      tpu.enqueue_dma source(%arg8 : memref<32x128xf32, #tpu.memory_space<vmem>>) target(%dma_start3A_251 : memref<32x128xf32, #tpu.memory_space<hbm>>) target_semaphore(%run_scoped3A : memref<!tpu.dma_semaphore, #tpu.memory_space<semaphore_mem>>)
      %dma_wait3A = arith.constant 0 : i32
      %dma_wait3A_252 = tpu.memref_slice %arg5[%arg0, %add3A_222, %dma_wait3A] : memref<2x10240x128xf32, #tpu.memory_space<hbm>> -> memref<1x32x128xf32, #tpu.memory_space<hbm>>
      %dma_wait3A_253 = tpu.memref_squeeze %dma_wait3A_252 : memref<1x32x128xf32, #tpu.memory_space<hbm>> -> memref<32x128xf32, #tpu.memory_space<hbm>>
      %dma_wait3A_254 = arith.constant 0 : i32
      %dma_wait3A_255 = tpu.memref_slice %arg5[%arg0, %add3A_222, %dma_wait3A_254] : memref<2x10240x128xf32, #tpu.memory_space<hbm>> -> memref<1x32x128xf32, #tpu.memory_space<hbm>>
      %dma_wait3A_256 = tpu.memref_squeeze %dma_wait3A_255 : memref<1x32x128xf32, #tpu.memory_space<hbm>> -> memref<32x128xf32, #tpu.memory_space<hbm>>
      tpu.wait_dma2 semaphore(%run_scoped3A : memref<!tpu.dma_semaphore, #tpu.memory_space<semaphore_mem>>) src(%arg8 : memref<32x128xf32, #tpu.memory_space<vmem>>) dst(%dma_wait3A_256 : memref<32x128xf32, #tpu.memory_space<hbm>>)
      tpu.yield
    }) : () -> ()
    %mul3A_223 = arith.constant 640 : i32
    %mul3A_224 = arith.muli %arg1, %mul3A_223 : i32
    %add3A_225 = arith.constant 544 : i32
    %add3A_226 = arith.addi %mul3A_224, %add3A_225 : i32
    "tpu.region"() ({
      %run_scoped3A = tpu.sem_alloc : memref<!tpu.dma_semaphore, #tpu.memory_space<semaphore_mem>>
      %dma_start3A = arith.constant 0 : i32
      %dma_start3A_247 = tpu.memref_slice %arg9[%add3A_226, %dma_start3A] : memref<10240x128xf32, #tpu.memory_space<vmem_shared>> -> memref<32x128xf32, #tpu.memory_space<vmem_shared>>
      %dma_start3A_248 = arith.constant 0 : i32
      %dma_start3A_249 = tpu.memref_slice %arg9[%add3A_226, %dma_start3A_248] : memref<10240x128xf32, #tpu.memory_space<vmem_shared>> -> memref<32x128xf32, #tpu.memory_space<vmem_shared>>
      tpu.enqueue_dma source(%dma_start3A_249 : memref<32x128xf32, #tpu.memory_space<vmem_shared>>) target(%arg8 : memref<32x128xf32, #tpu.memory_space<vmem>>) target_semaphore(%run_scoped3A : memref<!tpu.dma_semaphore, #tpu.memory_space<semaphore_mem>>)
      %dma_wait3A = arith.constant 0 : i32
      %dma_wait3A_250 = tpu.memref_slice %arg9[%add3A_226, %dma_wait3A] : memref<10240x128xf32, #tpu.memory_space<vmem_shared>> -> memref<32x128xf32, #tpu.memory_space<vmem_shared>>
      %dma_wait3A_251 = arith.constant 0 : i32
      %dma_wait3A_252 = tpu.memref_slice %arg9[%add3A_226, %dma_wait3A_251] : memref<10240x128xf32, #tpu.memory_space<vmem_shared>> -> memref<32x128xf32, #tpu.memory_space<vmem_shared>>
      tpu.wait_dma2 semaphore(%run_scoped3A : memref<!tpu.dma_semaphore, #tpu.memory_space<semaphore_mem>>) src(%dma_wait3A_252 : memref<32x128xf32, #tpu.memory_space<vmem_shared>>) dst(%arg8 : memref<32x128xf32, #tpu.memory_space<vmem>>)
      tpu.yield
    }) : () -> ()
    %mul3A_227 = arith.constant 640 : i32
    %mul3A_228 = arith.muli %arg1, %mul3A_227 : i32
    %add3A_229 = arith.constant 544 : i32
    %add3A_230 = arith.addi %mul3A_228, %add3A_229 : i32
    "tpu.region"() ({
      %run_scoped3A = tpu.sem_alloc : memref<!tpu.dma_semaphore, #tpu.memory_space<semaphore_mem>>
      %dma_start3A = arith.constant 0 : i32
      %dma_start3A_247 = tpu.memref_slice %arg5[%arg0, %add3A_230, %dma_start3A] : memref<2x10240x128xf32, #tpu.memory_space<hbm>> -> memref<1x32x128xf32, #tpu.memory_space<hbm>>
      %dma_start3A_248 = tpu.memref_squeeze %dma_start3A_247 : memref<1x32x128xf32, #tpu.memory_space<hbm>> -> memref<32x128xf32, #tpu.memory_space<hbm>>
      %dma_start3A_249 = arith.constant 0 : i32
      %dma_start3A_250 = tpu.memref_slice %arg5[%arg0, %add3A_230, %dma_start3A_249] : memref<2x10240x128xf32, #tpu.memory_space<hbm>> -> memref<1x32x128xf32, #tpu.memory_space<hbm>>
      %dma_start3A_251 = tpu.memref_squeeze %dma_start3A_250 : memref<1x32x128xf32, #tpu.memory_space<hbm>> -> memref<32x128xf32, #tpu.memory_space<hbm>>
      tpu.enqueue_dma source(%arg8 : memref<32x128xf32, #tpu.memory_space<vmem>>) target(%dma_start3A_251 : memref<32x128xf32, #tpu.memory_space<hbm>>) target_semaphore(%run_scoped3A : memref<!tpu.dma_semaphore, #tpu.memory_space<semaphore_mem>>)
      %dma_wait3A = arith.constant 0 : i32
      %dma_wait3A_252 = tpu.memref_slice %arg5[%arg0, %add3A_230, %dma_wait3A] : memref<2x10240x128xf32, #tpu.memory_space<hbm>> -> memref<1x32x128xf32, #tpu.memory_space<hbm>>
      %dma_wait3A_253 = tpu.memref_squeeze %dma_wait3A_252 : memref<1x32x128xf32, #tpu.memory_space<hbm>> -> memref<32x128xf32, #tpu.memory_space<hbm>>
      %dma_wait3A_254 = arith.constant 0 : i32
      %dma_wait3A_255 = tpu.memref_slice %arg5[%arg0, %add3A_230, %dma_wait3A_254] : memref<2x10240x128xf32, #tpu.memory_space<hbm>> -> memref<1x32x128xf32, #tpu.memory_space<hbm>>
      %dma_wait3A_256 = tpu.memref_squeeze %dma_wait3A_255 : memref<1x32x128xf32, #tpu.memory_space<hbm>> -> memref<32x128xf32, #tpu.memory_space<hbm>>
      tpu.wait_dma2 semaphore(%run_scoped3A : memref<!tpu.dma_semaphore, #tpu.memory_space<semaphore_mem>>) src(%arg8 : memref<32x128xf32, #tpu.memory_space<vmem>>) dst(%dma_wait3A_256 : memref<32x128xf32, #tpu.memory_space<hbm>>)
      tpu.yield
    }) : () -> ()
    %mul3A_231 = arith.constant 640 : i32
    %mul3A_232 = arith.muli %arg1, %mul3A_231 : i32
    %add3A_233 = arith.constant 576 : i32
    %add3A_234 = arith.addi %mul3A_232, %add3A_233 : i32
    "tpu.region"() ({
      %run_scoped3A = tpu.sem_alloc : memref<!tpu.dma_semaphore, #tpu.memory_space<semaphore_mem>>
      %dma_start3A = arith.constant 0 : i32
      %dma_start3A_247 = tpu.memref_slice %arg9[%add3A_234, %dma_start3A] : memref<10240x128xf32, #tpu.memory_space<vmem_shared>> -> memref<32x128xf32, #tpu.memory_space<vmem_shared>>
      %dma_start3A_248 = arith.constant 0 : i32
      %dma_start3A_249 = tpu.memref_slice %arg9[%add3A_234, %dma_start3A_248] : memref<10240x128xf32, #tpu.memory_space<vmem_shared>> -> memref<32x128xf32, #tpu.memory_space<vmem_shared>>
      tpu.enqueue_dma source(%dma_start3A_249 : memref<32x128xf32, #tpu.memory_space<vmem_shared>>) target(%arg8 : memref<32x128xf32, #tpu.memory_space<vmem>>) target_semaphore(%run_scoped3A : memref<!tpu.dma_semaphore, #tpu.memory_space<semaphore_mem>>)
      %dma_wait3A = arith.constant 0 : i32
      %dma_wait3A_250 = tpu.memref_slice %arg9[%add3A_234, %dma_wait3A] : memref<10240x128xf32, #tpu.memory_space<vmem_shared>> -> memref<32x128xf32, #tpu.memory_space<vmem_shared>>
      %dma_wait3A_251 = arith.constant 0 : i32
      %dma_wait3A_252 = tpu.memref_slice %arg9[%add3A_234, %dma_wait3A_251] : memref<10240x128xf32, #tpu.memory_space<vmem_shared>> -> memref<32x128xf32, #tpu.memory_space<vmem_shared>>
      tpu.wait_dma2 semaphore(%run_scoped3A : memref<!tpu.dma_semaphore, #tpu.memory_space<semaphore_mem>>) src(%dma_wait3A_252 : memref<32x128xf32, #tpu.memory_space<vmem_shared>>) dst(%arg8 : memref<32x128xf32, #tpu.memory_space<vmem>>)
      tpu.yield
    }) : () -> ()
    %mul3A_235 = arith.constant 640 : i32
    %mul3A_236 = arith.muli %arg1, %mul3A_235 : i32
    %add3A_237 = arith.constant 576 : i32
    %add3A_238 = arith.addi %mul3A_236, %add3A_237 : i32
    "tpu.region"() ({
      %run_scoped3A = tpu.sem_alloc : memref<!tpu.dma_semaphore, #tpu.memory_space<semaphore_mem>>
      %dma_start3A = arith.constant 0 : i32
      %dma_start3A_247 = tpu.memref_slice %arg5[%arg0, %add3A_238, %dma_start3A] : memref<2x10240x128xf32, #tpu.memory_space<hbm>> -> memref<1x32x128xf32, #tpu.memory_space<hbm>>
      %dma_start3A_248 = tpu.memref_squeeze %dma_start3A_247 : memref<1x32x128xf32, #tpu.memory_space<hbm>> -> memref<32x128xf32, #tpu.memory_space<hbm>>
      %dma_start3A_249 = arith.constant 0 : i32
      %dma_start3A_250 = tpu.memref_slice %arg5[%arg0, %add3A_238, %dma_start3A_249] : memref<2x10240x128xf32, #tpu.memory_space<hbm>> -> memref<1x32x128xf32, #tpu.memory_space<hbm>>
      %dma_start3A_251 = tpu.memref_squeeze %dma_start3A_250 : memref<1x32x128xf32, #tpu.memory_space<hbm>> -> memref<32x128xf32, #tpu.memory_space<hbm>>
      tpu.enqueue_dma source(%arg8 : memref<32x128xf32, #tpu.memory_space<vmem>>) target(%dma_start3A_251 : memref<32x128xf32, #tpu.memory_space<hbm>>) target_semaphore(%run_scoped3A : memref<!tpu.dma_semaphore, #tpu.memory_space<semaphore_mem>>)
      %dma_wait3A = arith.constant 0 : i32
      %dma_wait3A_252 = tpu.memref_slice %arg5[%arg0, %add3A_238, %dma_wait3A] : memref<2x10240x128xf32, #tpu.memory_space<hbm>> -> memref<1x32x128xf32, #tpu.memory_space<hbm>>
      %dma_wait3A_253 = tpu.memref_squeeze %dma_wait3A_252 : memref<1x32x128xf32, #tpu.memory_space<hbm>> -> memref<32x128xf32, #tpu.memory_space<hbm>>
      %dma_wait3A_254 = arith.constant 0 : i32
      %dma_wait3A_255 = tpu.memref_slice %arg5[%arg0, %add3A_238, %dma_wait3A_254] : memref<2x10240x128xf32, #tpu.memory_space<hbm>> -> memref<1x32x128xf32, #tpu.memory_space<hbm>>
      %dma_wait3A_256 = tpu.memref_squeeze %dma_wait3A_255 : memref<1x32x128xf32, #tpu.memory_space<hbm>> -> memref<32x128xf32, #tpu.memory_space<hbm>>
      tpu.wait_dma2 semaphore(%run_scoped3A : memref<!tpu.dma_semaphore, #tpu.memory_space<semaphore_mem>>) src(%arg8 : memref<32x128xf32, #tpu.memory_space<vmem>>) dst(%dma_wait3A_256 : memref<32x128xf32, #tpu.memory_space<hbm>>)
      tpu.yield
    }) : () -> ()
    %mul3A_239 = arith.constant 640 : i32
    %mul3A_240 = arith.muli %arg1, %mul3A_239 : i32
    %add3A_241 = arith.constant 608 : i32
    %add3A_242 = arith.addi %mul3A_240, %add3A_241 : i32
    "tpu.region"() ({
      %run_scoped3A = tpu.sem_alloc : memref<!tpu.dma_semaphore, #tpu.memory_space<semaphore_mem>>
      %dma_start3A = arith.constant 0 : i32
      %dma_start3A_247 = tpu.memref_slice %arg9[%add3A_242, %dma_start3A] : memref<10240x128xf32, #tpu.memory_space<vmem_shared>> -> memref<32x128xf32, #tpu.memory_space<vmem_shared>>
      %dma_start3A_248 = arith.constant 0 : i32
      %dma_start3A_249 = tpu.memref_slice %arg9[%add3A_242, %dma_start3A_248] : memref<10240x128xf32, #tpu.memory_space<vmem_shared>> -> memref<32x128xf32, #tpu.memory_space<vmem_shared>>
      tpu.enqueue_dma source(%dma_start3A_249 : memref<32x128xf32, #tpu.memory_space<vmem_shared>>) target(%arg8 : memref<32x128xf32, #tpu.memory_space<vmem>>) target_semaphore(%run_scoped3A : memref<!tpu.dma_semaphore, #tpu.memory_space<semaphore_mem>>)
      %dma_wait3A = arith.constant 0 : i32
      %dma_wait3A_250 = tpu.memref_slice %arg9[%add3A_242, %dma_wait3A] : memref<10240x128xf32, #tpu.memory_space<vmem_shared>> -> memref<32x128xf32, #tpu.memory_space<vmem_shared>>
      %dma_wait3A_251 = arith.constant 0 : i32
      %dma_wait3A_252 = tpu.memref_slice %arg9[%add3A_242, %dma_wait3A_251] : memref<10240x128xf32, #tpu.memory_space<vmem_shared>> -> memref<32x128xf32, #tpu.memory_space<vmem_shared>>
      tpu.wait_dma2 semaphore(%run_scoped3A : memref<!tpu.dma_semaphore, #tpu.memory_space<semaphore_mem>>) src(%dma_wait3A_252 : memref<32x128xf32, #tpu.memory_space<vmem_shared>>) dst(%arg8 : memref<32x128xf32, #tpu.memory_space<vmem>>)
      tpu.yield
    }) : () -> ()
    %mul3A_243 = arith.constant 640 : i32
    %mul3A_244 = arith.muli %arg1, %mul3A_243 : i32
    %add3A_245 = arith.constant 608 : i32
    %add3A_246 = arith.addi %mul3A_244, %add3A_245 : i32
    "tpu.region"() ({
      %run_scoped3A = tpu.sem_alloc : memref<!tpu.dma_semaphore, #tpu.memory_space<semaphore_mem>>
      %dma_start3A = arith.constant 0 : i32
      %dma_start3A_247 = tpu.memref_slice %arg5[%arg0, %add3A_246, %dma_start3A] : memref<2x10240x128xf32, #tpu.memory_space<hbm>> -> memref<1x32x128xf32, #tpu.memory_space<hbm>>
      %dma_start3A_248 = tpu.memref_squeeze %dma_start3A_247 : memref<1x32x128xf32, #tpu.memory_space<hbm>> -> memref<32x128xf32, #tpu.memory_space<hbm>>
      %dma_start3A_249 = arith.constant 0 : i32
      %dma_start3A_250 = tpu.memref_slice %arg5[%arg0, %add3A_246, %dma_start3A_249] : memref<2x10240x128xf32, #tpu.memory_space<hbm>> -> memref<1x32x128xf32, #tpu.memory_space<hbm>>
      %dma_start3A_251 = tpu.memref_squeeze %dma_start3A_250 : memref<1x32x128xf32, #tpu.memory_space<hbm>> -> memref<32x128xf32, #tpu.memory_space<hbm>>
      tpu.enqueue_dma source(%arg8 : memref<32x128xf32, #tpu.memory_space<vmem>>) target(%dma_start3A_251 : memref<32x128xf32, #tpu.memory_space<hbm>>) target_semaphore(%run_scoped3A : memref<!tpu.dma_semaphore, #tpu.memory_space<semaphore_mem>>)
      %dma_wait3A = arith.constant 0 : i32
      %dma_wait3A_252 = tpu.memref_slice %arg5[%arg0, %add3A_246, %dma_wait3A] : memref<2x10240x128xf32, #tpu.memory_space<hbm>> -> memref<1x32x128xf32, #tpu.memory_space<hbm>>
      %dma_wait3A_253 = tpu.memref_squeeze %dma_wait3A_252 : memref<1x32x128xf32, #tpu.memory_space<hbm>> -> memref<32x128xf32, #tpu.memory_space<hbm>>
      %dma_wait3A_254 = arith.constant 0 : i32
      %dma_wait3A_255 = tpu.memref_slice %arg5[%arg0, %add3A_246, %dma_wait3A_254] : memref<2x10240x128xf32, #tpu.memory_space<hbm>> -> memref<1x32x128xf32, #tpu.memory_space<hbm>>
      %dma_wait3A_256 = tpu.memref_squeeze %dma_wait3A_255 : memref<1x32x128xf32, #tpu.memory_space<hbm>> -> memref<32x128xf32, #tpu.memory_space<hbm>>
      tpu.wait_dma2 semaphore(%run_scoped3A : memref<!tpu.dma_semaphore, #tpu.memory_space<semaphore_mem>>) src(%arg8 : memref<32x128xf32, #tpu.memory_space<vmem>>) dst(%dma_wait3A_256 : memref<32x128xf32, #tpu.memory_space<hbm>>)
      tpu.yield
    }) : () -> ()
    return
  }
}

module attributes {stable_mosaic.version = 14 : i64} {
  func.func @_tc1_body(%arg0: i32, %arg1: memref<1000x128xf32, #tpu.memory_space<vmem>>, %arg2: memref<128x128xf32, #tpu.memory_space<vmem>>, %arg3: memref<2x1000x128xf32, #tpu.memory_space<vmem>>, %arg4: memref<1000x128xf32, #tpu.memory_space<vmem>>) attributes {dimension_semantics = [#tpu.dimension_semantics<arbitrary>], iteration_bounds = array<i64: 10>, scalar_prefetch = 0 : i64, scratch_operands = 0 : i64, tpu.core_type = #tpu.core_type<tc>, window_params = [{transform_indices = @transform_0, window_bounds = array<i64: 1000, 128>}, {pipeline_mode = #tpu.pipeline_mode<synchronous>, transform_indices = @transform_1, window_bounds = array<i64: 128, 128>}, {transform_indices = @transform_2, window_bounds = array<i64: 2, 1000, 128>}, {transform_indices = @transform_3, window_bounds = array<i64: 1000, 128>}]} {
    %get3A = arith.constant 0 : index
    %get3A_0 = arith.constant 0 : index
    %get3A_1 = arith.constant 0 : index
    %get3A_2 = vector.load %arg3[%get3A, %get3A_0, %get3A_1] : memref<2x1000x128xf32, #tpu.memory_space<vmem>>, vector<1x1000x1xf32>
    %get3A_3 = vector.shape_cast %get3A_2 : vector<1x1000x1xf32> to vector<1000x1xf32>
    %get3A_4 = arith.constant 1 : index
    %get3A_5 = arith.constant 0 : index
    %get3A_6 = arith.constant 0 : index
    %get3A_7 = vector.load %arg3[%get3A_4, %get3A_5, %get3A_6] : memref<2x1000x128xf32, #tpu.memory_space<vmem>>, vector<1x1000x1xf32>
    %get3A_8 = vector.shape_cast %get3A_7 : vector<1x1000x1xf32> to vector<1000x1xf32>
    %add3A = arith.addf %get3A_3, %get3A_8 : vector<1000x1xf32>
    %add3A_9 = arith.constant 1.000000e+00 : f32
    %add3A_10 = vector.broadcast %add3A_9 : f32 to vector<1000x1xf32>
    %add3A_11 = arith.addf %add3A, %add3A_10 : vector<1000x1xf32>
    %rsqrt3A = math.rsqrt %add3A_11 : vector<1000x1xf32>
    %get3A_12 = arith.constant 0 : index
    %get3A_13 = arith.constant 0 : index
    %get3A_14 = vector.load %arg1[%get3A_12, %get3A_13] : memref<1000x128xf32, #tpu.memory_space<vmem>>, vector<1000x128xf32>
    %get3A_15 = arith.constant 0 : index
    %get3A_16 = arith.constant 0 : index
    %get3A_17 = vector.load %arg2[%get3A_15, %get3A_16] : memref<128x128xf32, #tpu.memory_space<vmem>>, vector<128x128xf32>
    %dot_general3A = arith.constant dense<0.000000e+00> : vector<1000x128xf32>
    %dot_general3A_18 = tpu.matmul %get3A_14, %get3A_17, %dot_general3A {dimension_numbers = #tpu.dot_dimension_numbers<[1], [1], [0], [0], [0, 0, 1, 0], [], []>, transpose_lhs_hint = false} : vector<1000x128xf32>, vector<128x128xf32>, vector<1000x128xf32> -> vector<1000x128xf32>
    %mul3A = vector.broadcast %rsqrt3A : vector<1000x1xf32> to vector<1000x128xf32>
    %mul3A_19 = arith.mulf %dot_general3A_18, %mul3A : vector<1000x128xf32>
    %swap3A = arith.constant 0 : index
    %swap3A_20 = arith.constant 0 : index
    %swap3A_21 = vector.load %arg4[%swap3A, %swap3A_20] : memref<1000x128xf32, #tpu.memory_space<vmem>>, vector<1000x128xf32>
    tpu.vector_store %arg4[%swap3A, %swap3A_20], %mul3A_19 {strides = array<i32>} : memref<1000x128xf32, #tpu.memory_space<vmem>>, vector<1000x128xf32>,
    return
  }
  func.func @transform_0(%arg0: i32) -> (i32, i32) {
    %c0_i32 = arith.constant 0 : i32
    %c0_i32_0 = arith.constant 0 : i32
    return %arg0, %c0_i32 : i32, i32
  }
  func.func @transform_1(%arg0: i32) -> (i32, i32) {
    %c0_i32 = arith.constant 0 : i32
    %c0_i32_0 = arith.constant 0 : i32
    %c0_i32_1 = arith.constant 0 : i32
    return %c0_i32, %c0_i32_0 : i32, i32
  }
  func.func @transform_2(%arg0: i32) -> (i32, i32, i32) {
    %c0_i32 = arith.constant 0 : i32
    %c0_i32_0 = arith.constant 0 : i32
    %c0_i32_1 = arith.constant 0 : i32
    return %c0_i32, %arg0, %c0_i32_0 : i32, i32, i32
  }
  func.func @transform_3(%arg0: i32) -> (i32, i32) {
    %c0_i32 = arith.constant 0 : i32
    %c0_i32_0 = arith.constant 0 : i32
    return %arg0, %c0_i32 : i32, i32
  }
}

module attributes {stable_mosaic.version = 14 : i64} {
  func.func @_tc2_body(%arg0: i32, %arg1: memref<1000x128xf32, #tpu.memory_space<vmem>>, %arg2: memref<2x1000x128xf32, #tpu.memory_space<vmem>>, %arg3: memref<2x1000x128xf32, #tpu.memory_space<vmem>>, %arg4: memref<1000x128xf32, #tpu.memory_space<vmem>>) attributes {dimension_semantics = [#tpu.dimension_semantics<arbitrary>], iteration_bounds = array<i64: 10>, scalar_prefetch = 0 : i64, scratch_operands = 0 : i64, tpu.core_type = #tpu.core_type<tc>, window_params = [{transform_indices = @transform_0, window_bounds = array<i64: 1000, 128>}, {transform_indices = @transform_1, window_bounds = array<i64: 2, 1000, 128>}, {transform_indices = @transform_2, window_bounds = array<i64: 2, 1000, 128>}, {transform_indices = @transform_3, window_bounds = array<i64: 1000, 128>}]} {
    %get3A = arith.constant 0 : index
    %get3A_0 = arith.constant 0 : index
    %get3A_1 = arith.constant 0 : index
    %get3A_2 = vector.load %arg3[%get3A, %get3A_0, %get3A_1] : memref<2x1000x128xf32, #tpu.memory_space<vmem>>, vector<1x1000x1xf32>
    %get3A_3 = vector.shape_cast %get3A_2 : vector<1x1000x1xf32> to vector<1000x1xf32>
    %get3A_4 = arith.constant 1 : index
    %get3A_5 = arith.constant 0 : index
    %get3A_6 = arith.constant 0 : index
    %get3A_7 = vector.load %arg3[%get3A_4, %get3A_5, %get3A_6] : memref<2x1000x128xf32, #tpu.memory_space<vmem>>, vector<1x1000x1xf32>
    %get3A_8 = vector.shape_cast %get3A_7 : vector<1x1000x1xf32> to vector<1000x1xf32>
    %add3A = arith.addf %get3A_3, %get3A_8 : vector<1000x1xf32>
    %add3A_9 = arith.constant 1.000000e+00 : f32
    %add3A_10 = vector.broadcast %add3A_9 : f32 to vector<1000x1xf32>
    %add3A_11 = arith.addf %add3A, %add3A_10 : vector<1000x1xf32>
    %rsqrt3A = math.rsqrt %add3A_11 : vector<1000x1xf32>
    %get3A_12 = arith.constant 0 : index
    %get3A_13 = arith.constant 0 : index
    %get3A_14 = vector.load %arg1[%get3A_12, %get3A_13] : memref<1000x128xf32, #tpu.memory_space<vmem>>, vector<1000x128xf32>
    %get3A_15 = arith.constant 0 : index
    %get3A_16 = arith.constant 0 : index
    %get3A_17 = arith.constant 0 : index
    %get3A_18 = vector.load %arg2[%get3A_15, %get3A_16, %get3A_17] : memref<2x1000x128xf32, #tpu.memory_space<vmem>>, vector<1x1000x128xf32>
    %get3A_19 = vector.shape_cast %get3A_18 : vector<1x1000x128xf32> to vector<1000x128xf32>
    %add3A_20 = arith.addf %get3A_14, %get3A_19 : vector<1000x128xf32>
    %get3A_21 = arith.constant 1 : index
    %get3A_22 = arith.constant 0 : index
    %get3A_23 = arith.constant 0 : index
    %get3A_24 = vector.load %arg2[%get3A_21, %get3A_22, %get3A_23] : memref<2x1000x128xf32, #tpu.memory_space<vmem>>, vector<1x1000x128xf32>
    %get3A_25 = vector.shape_cast %get3A_24 : vector<1x1000x128xf32> to vector<1000x128xf32>
    %add3A_26 = arith.addf %add3A_20, %get3A_25 : vector<1000x128xf32>
    %mul3A = vector.broadcast %rsqrt3A : vector<1000x1xf32> to vector<1000x128xf32>
    %mul3A_27 = arith.mulf %add3A_26, %mul3A : vector<1000x128xf32>
    %swap3A = arith.constant 0 : index
    %swap3A_28 = arith.constant 0 : index
    %swap3A_29 = vector.load %arg4[%swap3A, %swap3A_28] : memref<1000x128xf32, #tpu.memory_space<vmem>>, vector<1000x128xf32>
    tpu.vector_store %arg4[%swap3A, %swap3A_28], %mul3A_27 {strides = array<i32>} : memref<1000x128xf32, #tpu.memory_space<vmem>>, vector<1000x128xf32>,
    return
  }
  func.func @transform_0(%arg0: i32) -> (i32, i32) {
    %c0_i32 = arith.constant 0 : i32
    %c0_i32_0 = arith.constant 0 : i32
    return %arg0, %c0_i32 : i32, i32
  }
  func.func @transform_1(%arg0: i32) -> (i32, i32, i32) {
    %c0_i32 = arith.constant 0 : i32
    %c0_i32_0 = arith.constant 0 : i32
    %c0_i32_1 = arith.constant 0 : i32
    return %c0_i32, %arg0, %c0_i32_0 : i32, i32, i32
  }
  func.func @transform_2(%arg0: i32) -> (i32, i32, i32) {
    %c0_i32 = arith.constant 0 : i32
    %c0_i32_0 = arith.constant 0 : i32
    %c0_i32_1 = arith.constant 0 : i32
    return %c0_i32, %arg0, %c0_i32_0 : i32, i32, i32
  }
  func.func @transform_3(%arg0: i32) -> (i32, i32) {
    %c0_i32 = arith.constant 0 : i32
    %c0_i32_0 = arith.constant 0 : i32
    return %arg0, %c0_i32 : i32, i32
  }
}

</mosaic_0001>

<sc_bundles>
// kernel: kernel.6.cloned.1.call-start
scs
__scs_entry_jumppad:
0x0: {  	(pc) =	sbr.rel $0x88, $3  }
0x1: {  	(tag) =	ssettag $0x0;
	lr =	simm.s32 $0x1  }
0x2: {  	[smem:$0x3F9E] =	sst lr;
	_ =	strace $0xD0000000  }
0x3: {  	_ = 	snop  }
0x4: {  	_ = 	snop  }
0x5: {  	_ = 	snop  }
0x6: {  	_ = 	snop  }
0x7: {  	_ = 	snop  }
__scs_overlays_trampoline_lowered:
0x8: {  	[smem:$0x3FAD] =	sst s0  }
0x9: {  	[smem:$0x3FAE] =	sst s1  }
0xa: {  	[smem:$0x3FAF] =	sst s2  }
0xb: {  	[smem:$0x3FB0] =	sst s3  }
0xc: {  	[smem:$0x3FB1] =	sst s4  }
0xd: {  	[smem:$0x3FB2] =	sst s5  }
0xe: {  	[smem:$0x3FB3] =	sst s6  }
0xf: {  	[smem:$0x3FB4] =	sst s7  }
0x10: {  	[smem:$0x3FB5] =	sst s8  }
0x11: {  	[smem:$0x3FB6] =	sst s9;
	s0 =	simm.s32 @!p0 $0x0  }
0x12: {  	s1 =	sld [smem:$0x3F9C];
	s0 =	simm.s32 @p0 $0x1  }
0x13: {  	[smem:$0x3FB7] =	sst s0;
	s0 =	simm.s32 @!p1 $0x0  }
0x14: {  	s2 =	sld [smem:$0x3F9B];
	s0 =	simm.s32 @p1 $0x1  }
0x15: {  	[smem:$0x3FB8] =	sst s0;
	s0 =	simm.s32 @!p2 $0x0  }
0x16: {  	s3 =	sld [smem:$0x3FDB];
	s0 =	simm.s32 @p2 $0x1  }
0x17: {  	s4 =	simm.s32 $0x1BF5;
	[smem:$0x3FBA] =	sst s0  }
0x18: {  	s0 =	sld [smem:$0x3F9D];
	_ =	swait.ge [sflag:s4], $0x0  }
0x19: {  	s7 =	sld [smem:$0x3F9E]  }
0x1a: {  	s8 =	sadd.s32 $0xFFFFE003, lr  }
0x1b: {  	s9 =	sadd.s32 $0xFFFFFEF7, lr;
	s5 =	simm.s32 $0xFFFFFFFF;
	p2 =	slt.u32 s8, $0xFFFFF086  }
0x1c: {  	p1 =	slt.u32 s9, $0xF7A;
	s5 =	simm.s32 @!p2 $0x0  }
0x1d: {  	s5 =	simm.s32 @p1 $0x1;
	p0 =	seq.s32 s7, s2  }
0x1e: {  	s7 =	smul.u32 @!p0 $0xF7A, s2;
	p2 =	seq.s32 @!p0 s5, $0x0  }
0x1f: {  	s9 =	smul.u32 $0xF7A, s1;
	s8 =	simm.s32 @!p0 $0x1BF5;
	p2 =	por !p2, p0  }
0x20: {  	[sflag:s8] =	ssyncset.s32 @!p0 $0xFFFFF086;
	s6 =	sadd.s32 @!p0 s3, s7;
	s7 =	simm.s32 @!p0 $0x108  }
0x21: {  	s3 =	sadd.s32 s3, s9;
	s6 =	sadd.s32 @!p0 $0x88, s6;
	s7 =	simm.s32 @p2 $0x1082  }
0x22: {  	[simem:s7], [sflag:s8] =	dma.local @!p0 [hbm:s6], $0xF7A  }
0x23: {  	s9 =	sor.u32 $0xD0000000, s2;
	s6 =	simm.s32 $0x108;
	_ =	swait.ge @!p0 [sflag:s8], $0x0  }
0x24: {  	s3 =	sadd.s32 $0x88, s3;
	s6 =	simm.s32 @!p1 $0x1082;
	[sflag:s4] =	ssyncset.s32 $0xFFFFF086  }
0x25: {  	[simem:s6], [sflag:s4] =	dma.local [hbm:s3], $0xF7A  }
0x26: {  	[smem:$0x3F9E] =	sst s1;
	(tag) =	ssettag s2;
	_ =	strace s9  }
0x27: {  	s1 =	sld [smem:$0x3FAE]  }
0x28: {  	s2 =	sld [smem:$0x3FAF]  }
0x29: {  	s4 =	sld [smem:$0x3FB1]  }
0x2a: {  	p0 =	seq.s32 s5, $0x0;
	s5 =	sld [smem:$0x3FB2]  }
0x2b: {  	s6 =	sld [smem:$0x3FB3]  }
0x2c: {  	s7 =	sld [smem:$0x3FB4]  }
0x2d: {  	s3 =	simm.s32 $0x108;
	s8 =	sld [smem:$0x3FB5]  }
0x2e: {  	s3 =	simm.s32 @!p0 $0x1082;
	s9 =	sld [smem:$0x3FB6]  }
0x2f: {  	lr =	sadd.s32 s0, s3;
	s0 =	sld [smem:$0x3FAD]  }
0x30: {  	s3 =	sld [smem:$0x3FB0]  }
0x31: {  	[smem:$0x3FB9] =	sst s10  }
0x32: {  	s10 =	sld [smem:$0x3FB7];
	_ =	sdelay $0x3  }
0x33: {  	p0 =	seq.s32 s10, $0x1;
	s10 =	sld [smem:$0x3FB9];
	_ =	sdelay $0x3  }
0x34: {  	[smem:$0x3FB9] =	sst s10  }
0x35: {  	s10 =	sld [smem:$0x3FB8];
	_ =	sdelay $0x3  }
0x36: {  	p1 =	seq.s32 s10, $0x1;
	s10 =	sld [smem:$0x3FB9];
	_ =	sdelay $0x3  }
0x37: {  	[smem:$0x3FB9] =	sst s10  }
0x38: {  	s10 =	sld [smem:$0x3FBA]  }
0x39: {  	_ = 	snop;
	(pc) =	sbr.ind lr, $3  }
0x3a: {  	_ = 	snop  }
0x3b: {  	_ = 	snop  }
0x3c: {  	p2 =	seq.s32 s10, $0x1;
	s10 =	sld [smem:$0x3FB9]  }
0x3d: {  	_ =	shalt  }
0x3e: {  	_ =	shalt  }
0x3f: {  	_ =	shalt  }
0x40: {  	_ =	shalt  }
0x41: {  	_ =	shalt  }
0x42: {  	_ =	shalt  }
0x43: {  	_ =	shalt  }
0x44: {  	_ =	shalt  }
0x45: {  	_ =	shalt  }
0x46: {  	_ =	shalt  }
0x47: {  	_ =	shalt  }
0x48: {  	_ =	shalt  }
0x49: {  	_ =	shalt  }
0x4a: {  	_ =	shalt  }
0x4b: {  	_ =	shalt  }
0x4c: {  	_ =	shalt  }
0x4d: {  	_ =	shalt  }
0x4e: {  	_ =	shalt  }
0x4f: {  	_ =	shalt  }
0x50: {  	_ =	shalt  }
0x51: {  	_ =	shalt  }
0x52: {  	_ =	shalt  }
0x53: {  	_ =	shalt  }
0x54: {  	_ =	shalt  }
0x55: {  	_ =	shalt  }
0x56: {  	_ =	shalt  }
0x57: {  	_ =	shalt  }
0x58: {  	_ =	shalt  }
0x59: {  	_ =	shalt  }
0x5a: {  	_ =	shalt  }
0x5b: {  	_ =	shalt  }
0x5c: {  	_ =	shalt  }
0x5d: {  	_ =	shalt  }
0x5e: {  	_ =	shalt  }
0x5f: {  	_ =	shalt  }
0x60: {  	_ =	shalt  }
0x61: {  	_ =	shalt  }
0x62: {  	_ =	shalt  }
0x63: {  	_ =	shalt  }
0x64: {  	_ =	shalt  }
0x65: {  	_ =	shalt  }
0x66: {  	_ =	shalt  }
0x67: {  	_ =	shalt  }
0x68: {  	_ =	shalt  }
0x69: {  	_ =	shalt  }
0x6a: {  	_ =	shalt  }
0x6b: {  	_ =	shalt  }
0x6c: {  	_ =	shalt  }
0x6d: {  	_ =	shalt  }
0x6e: {  	_ =	shalt  }
0x6f: {  	_ =	shalt  }
0x70: {  	_ =	shalt  }
0x71: {  	_ =	shalt  }
0x72: {  	_ =	shalt  }
0x73: {  	_ =	shalt  }
0x74: {  	_ =	shalt  }
0x75: {  	_ =	shalt  }
0x76: {  	_ =	shalt  }
0x77: {  	_ =	shalt  }
0x78: {  	_ =	shalt  }
0x79: {  	_ =	shalt  }
0x7a: {  	_ =	shalt  }
0x7b: {  	_ =	shalt  }
0x7c: {  	_ =	shalt  }
0x7d: {  	_ =	shalt  }
0x7e: {  	_ =	shalt  }
0x7f: {  	_ =	shalt  }
0x80: {  	_ =	shalt  }
0x81: {  	_ =	shalt  }
0x82: {  	_ =	shalt  }
0x83: {  	_ =	shalt  }
0x84: {  	_ =	shalt  }
0x85: {  	_ =	shalt  }
0x86: {  	_ =	shalt  }
0x87: {  	_ =	shalt  }
.Lfunc_end0:
.L_simem_size_0:
called_computation_lowered:
.L_overlay_start_0:
0x88: {  	s2 =	sld [smem:$0x3FD9]  }
0x89: {  	s3 =	sld [smem:$0x3FFE];
	_ =	sdelay $0x1  }
0x8a: {  	s1 =	srdreg.scid  }
0x8b: {  	s0 =	sand.u32 $0x1, s1  }
0x8c: {  	s17 =	sshll.u32 s0, $0xA;
	s2 =	sadd.s32 s3, s2  }
0x8d: {  	s2 =	sadd.s32 s2, s17  }
0x8e: {  	[smem:$0x3FC5] =	sst s2  }
0x8f: {  	_ = 	snop  }
0x90: {  	s2 =	sld [smem:$0x3FD0];
	(tm) =	ssettm $0x1  }
0x91: {  	s18 =	sld [smem:$0x3FFB];
	_ =	sdelay $0x3  }
0x92: {  	_ =	strace s18  }
0x93: {  	s3 =	sld [smem:$0x3FFC];
	_ =	sdelay $0x3  }
0x94: {  	_ =	strace s3  }
0x95: {  	s3 =	sld [smem:$0x3FFD];
	_ =	sdelay $0x3  }
0x96: {  	_ =	strace s3  }
0x97: {  	_ =	strace $0x8FFFFFFF  }
0x98: {  	s19 =	sld [smem:$0x3FDB];
	_ =	sdelay $0x1  }
0x99: {  	s4 =	simm.s32 $_scs_section_size  }
0x9a: {  	s5 =	simm.s32 $_size__tile_overlayer_lowered;
	s6 =	simm.s32 $_tile_overlayer_lowered  }
0x9b: {  	s22 =	simm.s32 $0x1BFF;
	s21 =	sshll.u32 s6, $0x1;
	s3 =	sadd.s32 s4, s19  }
0x9c: {  	s7 =	simm.s32 $0x0;
	s20 =	sshll.u32 s5, $0x1;
	s5 =	sadd.s32 s21, s3  }
0x9d: {  	[timem:s7], [sflag:s22] =	dma.local [hbm:s5], s20  }
0x9e: {  	_ =	swait.ge [sflag:s22], s20  }
0x9f: {  	s4 =	ssub.s32 $0x0, s20;
	[sflag:s22] =	ssyncset.done $0x0  }
0xa0: {  	[sflag:s22] =	ssyncadd.s32 s4;
	_ =	sdelay $0x1  }
0xa1: {  	s23 =	simm.s32 $0x1B8B  }
0xa2: {  	_ =	swait.ge [sflag:s23], $0x1  }
0xa3: {  	[sflag:s23] =	ssyncset.done $0x0  }
0xa4: {  	s25 =	simm.s32 $0x1B8E;
	s24 =	sld [smem:$0x3FFE];
	[sflag:s23] =	ssyncadd.s32 $0xFFFFFFFF  }
0xa5: {  	s26 =	simm.s32 $execute0_lowered;
	[smem:$0x3FD2] =	sst s25  }
0xa6: {  	s5 =	sshll.u32 s26, $0x1;
	_ =	strace $0x80000046;
	[dreg:$0x1] =	wrdreg $0xFFFFFFFF  }
0xa7: {  	s28 =	simm.s32 $_size_execute0_lowered;
	s3 =	sadd.s32 s3, s5;
	[dreg:$0x0] =	wrdreg $0x0  }
0xa8: {  	s5 =	sshll.u32 s28, $0x1;
	[dreg:$0x2] =	wrdreg s3  }
0xa9: {  	[dreg:$0x3] =	wrdreg s5  }
0xaa: {  	[dreg:$0x4] =	wrdreg $0xC0  }
0xab: {  	_ =	task [dreg:s7], $0x5FFFF  }
0xac: {  	[dreg:$0x1] =	wrdreg $0xFFFFFFFF  }
0xad: {  	[dreg:$0x0] =	wrdreg $0x60  }
0xae: {  	[dreg:$0x2] =	wrdreg s2  }
0xaf: {  	[dreg:$0x3] =	wrdreg s24  }
0xb0: {  	[dreg:$0x4] =	wrdreg $0x54000  }
0xb1: {  	[dreg:$0x5] =	wrdreg $0x9  }
0xb2: {  	_ =	task.clear_ibuf [dreg:s7], $0x6FFFF;
	_ =	strace $0x90000046  }
0xb3: {  	s29 =	simm.s32 $0x9;
	_ =	strace $0x80000048  }
0xb4: {  	_ =	swait.ge [sflag:s29], $0x1  }
0xb5: {  	[sflag:s29] =	ssyncadd.s32 $0xFFFFFFFF  }
0xb6: {  	_ =	strace $0x90000048  }
0xb7: {  	_ =	sfence  }
0xb8: {  	s30 =	sld [smem:$0x0];
	_ =	sdelay $0x2  }
0xb9: {  	s31 =	sshll.u32 s1, $0xD;
	s1 =	sshrl.u32 s1, $0x2  }
0xba: {  	s3 =	sand.u32 $0x4000, s31;
	s1 =	sadd.s32 s1, s30  }
0xbb: {  	s0 =	sor.u32 s3, s0;
	s1 =	sshll.u32 s1, $0x11  }
0xbc: {  	s0 =	sor.u32 s1, s0  }
0xbd: {  	s0 =	sadd.s32 $0x8F2B, s0  }
0xbe: {  	[sflag:s0] =	ssyncadd.remote.s32 $0x1  }
0xbf: {  	_ =	sfence.sel $0xFFFF  }
0xc0: {  	[dreg:$0x0] =	wrdreg $0xFFFFFFFF;
	(pc) =	sbr.abs _section_cstart, $3  }
0xc1: {  	[dreg:$0x1] =	wrdreg $0xFFFFFFFF  }
0xc2: {  	_ =	task.clear_ibuf [dreg:s7], $0x2FFFF;
	_ =	strace $0x9FFFFFFF  }
0xc3: {  	(tm) =	ssettm $0x7FFFFFFF  }
tec
execute0_lowered:
.L_overlay_start_1:
0x0: {  	(tag) =	ssettag $0x1  }
0x1: {  	s0 =	srdreg.scid;
	s29 =	stileid.u32  }
0x2: {  	s21 =	sand.u32 $0x1, s0;
	s23 =	smul.u32 $0x14000, s29;
	s0 =	rddreg [dreg:$0x1]  }
0x3: {  	s2 =	ssub.s32 $0x2, s21;
	s24 =	smul.u32 $0x140000, s21;
	s26 =	sadd.s32 $0x1C00, s0  }
0x4: {  	s3 =	sshrl.u32 s2, $0x1;
	s4 =	sor.u32 $0x3000, s23;
	s5 =	sadd.s32 $0x4000, s23  }
0x5: {  	s6 =	sadd.s32 $0x5000, s23;
	s7 =	sadd.s32 $0x6000, s23;
	s8 =	sadd.s32 $0x7000, s23  }
0x6: {  	s9 =	sadd.s32 $0x8000, s23;
	s10 =	sadd.s32 $0x9000, s23;
	s11 =	sadd.s32 $0xA000, s23  }
0x7: {  	s12 =	sadd.s32 $0xB000, s23;
	s13 =	sadd.s32 $0xC000, s23;
	s14 =	sadd.s32 $0xD000, s23  }
0x8: {  	s15 =	sadd.s32 $0xE000, s23;
	s17 =	sadd.s32 $0xF000, s23;
	s18 =	sadd.s32 $0x10000, s23  }
0x9: {  	s19 =	sadd.s32 $0x11000, s23;
	s16 =	ssub.s32 s2, s3;
	s2 =	sor.u32 $0x1000, s23  }
0xa: {  	s20 =	sadd.s32 $0x12000, s23;
	s22 =	sadd.s32 $0x13000, s23;
	s25 =	sadd.s32 s24, s2  }
0xb: {  	s3 =	sor.u32 $0x2000, s23;
	s23 =	sadd.s32 s23, s24;
	s25 =	sshrl.u32 s25, $0x3  }
0xc: {  	s23 =	sshrl.u32 s23, $0x3;
	s25 =	sadd.s32 s26, s25  }
0xd: {  	s23 =	sadd.s32 s26, s23;
	[dreg:$0x5] =	wrdreg s25;
	s25 =	sadd.s32 s24, s3  }
0xe: {  	[dreg:$0x4] =	wrdreg s23;
	s23 =	sshrl.u32 s25, $0x3  }
0xf: {  	s28 =	sadd.s32 s24, s5;
	s25 =	sadd.s32 s24, s4;
	s23 =	sadd.s32 s26, s23  }
0x10: {  	[dreg:$0x6] =	wrdreg s23;
	s23 =	sshrl.u32 s25, $0x3;
	s25 =	sshrl.u32 s28, $0x3  }
0x11: {  	s25 =	sadd.s32 s26, s25  }
0x12: {  	s23 =	sadd.s32 s26, s23;
	[dreg:$0x8] =	wrdreg s25;
	s25 =	sadd.s32 s24, s6  }
0x13: {  	[dreg:$0x7] =	wrdreg s23;
	s23 =	sshrl.u32 s25, $0x3  }
0x14: {  	s28 =	sadd.s32 s24, s8;
	s25 =	sadd.s32 s24, s7;
	s23 =	sadd.s32 s26, s23  }
0x15: {  	[dreg:$0x9] =	wrdreg s23;
	s23 =	sshrl.u32 s25, $0x3;
	s25 =	sshrl.u32 s28, $0x3  }
0x16: {  	s25 =	sadd.s32 s26, s25  }
0x17: {  	s23 =	sadd.s32 s26, s23;
	[dreg:$0xb] =	wrdreg s25;
	s25 =	sadd.s32 s24, s9  }
0x18: {  	[dreg:$0xa] =	wrdreg s23;
	s23 =	sshrl.u32 s25, $0x3  }
0x19: {  	s28 =	sadd.s32 s24, s11;
	s25 =	sadd.s32 s24, s10;
	s23 =	sadd.s32 s26, s23  }
0x1a: {  	[dreg:$0xc] =	wrdreg s23;
	s23 =	sshrl.u32 s25, $0x3;
	s25 =	sshrl.u32 s28, $0x3  }
0x1b: {  	s25 =	sadd.s32 s26, s25  }
0x1c: {  	s23 =	sadd.s32 s26, s23;
	[dreg:$0xe] =	wrdreg s25;
	s25 =	sadd.s32 s24, s12  }
0x1d: {  	[dreg:$0xd] =	wrdreg s23;
	s23 =	sshrl.u32 s25, $0x3  }
0x1e: {  	s28 =	sadd.s32 s24, s14;
	s25 =	sadd.s32 s24, s13;
	s23 =	sadd.s32 s26, s23  }
0x1f: {  	[dreg:$0xf] =	wrdreg s23;
	s23 =	sshrl.u32 s25, $0x3;
	s25 =	sshrl.u32 s28, $0x3  }
0x20: {  	s25 =	sadd.s32 s26, s25  }
0x21: {  	s23 =	sadd.s32 s26, s23;
	[dreg:$0x11] =	wrdreg s25;
	s25 =	sadd.s32 s24, s15  }
0x22: {  	s1 =	simm.s32 $0x0;
	[dreg:$0x10] =	wrdreg s23;
	s23 =	sshrl.u32 s25, $0x3  }
0x23: {  	s28 =	sadd.s32 s24, s18;
	s25 =	sadd.s32 s24, s17;
	s23 =	sadd.s32 s26, s23  }
0x24: {  	[dreg:$0x12] =	wrdreg s23;
	s23 =	sshrl.u32 s25, $0x3;
	s25 =	sshrl.u32 s28, $0x3  }
0x25: {  	[smem:$0x7FF] =	sst s1;
	s25 =	sadd.s32 s26, s25  }
0x26: {  	s23 =	sadd.s32 s26, s23;
	[dreg:$0x14] =	wrdreg s25;
	s25 =	sadd.s32 s24, s19  }
0x27: {  	[dreg:$0x13] =	wrdreg s23;
	s23 =	sshrl.u32 s25, $0x3  }
0x28: {  	s25 =	sadd.s32 s24, s20;
	s24 =	sadd.s32 s24, s22;
	s23 =	sadd.s32 s26, s23  }
0x29: {  	s25 =	sshrl.u32 s25, $0x3;
	s24 =	sshrl.u32 s24, $0x3;
	[dreg:$0x15] =	wrdreg s23  }
0x2a: {  	s23 =	sadd.s32 s26, s25;
	s25 =	sadd.s32 s26, s24;
	s26 =	rddreg [dreg:$0x0]  }
0x2b: {  	[dreg:$0x16] =	wrdreg s23  }
0x2c: {  	s21 =	sshll.u32 s21, $0xF;
	s28 =	simm.s32 $0x1;
	[dreg:$0x17] =	wrdreg s25  }
0x2d: {  	s23 =	rddreg [dreg:$0x2];
	s21 =	sadd.s32 s21, s26;
	s26 =	sshll.u32 s29, $0xB  }
0x2e: {  	s25 =	smul.u32 $0x50000, s29;
	s24 =	sadd.s32 s26, s21;
	_ =	strace $0x80000047  }
0x2f: {  	s26 =	sadd.s32 $0x1400, s0;
	s0 =	sadd.s32 $0x1200, s0;
	s30 =	sadd.s32 s2, s23  }
0x30: {  	s31 =	sadd.s32 s3, s23;
	s4 =	sadd.s32 s4, s23;
	[dreg:$0x18] =	wrdreg s26  }
0x31: {  	s5 =	sadd.s32 s5, s23;
	s29 =	sadd.s32 s19, s23;
	[dreg:$0x19] =	wrdreg s0  }
0x32: {  	s2 =	sadd.s32 s20, s23;
	s3 =	sadd.s32 s22, s23;
	[smem:$0x7F7] =	sst s5  }
0x33: {  	s19 =	simm.s32 $0x4400;
	s20 =	simm.s32 $0x7D;
	[dreg:$0x1d] =	wrdreg s29  }
0x34: {  	s22 =	simm.s32 $0x80;
	s21 =	sshrl.u32 s25, $0x2;
	[dreg:$0x1e] =	wrdreg s2  }
0x35: {  	s25 =	sadd.s32 s6, s23;
	s5 =	sadd.s32 s7, s23;
	[smem:$0x7FB] =	sst s3  }
0x36: {  	s6 =	sadd.s32 s8, s23;
	s7 =	sadd.s32 s9, s23;
	[smem:$0x7FC] =	sst s30  }
0x37: {  	s8 =	sadd.s32 s10, s23;
	s9 =	sadd.s32 s11, s23;
	[smem:$0x7FD] =	sst s4  }
0x38: {  	s10 =	sadd.s32 s12, s23;
	s26 =	smax.u32 s16, $0x1;
	[smem:$0x7F8] =	sst s25  }
0x39: {  	s11 =	sadd.s32 s13, s23;
	s0 =	simm.s32 $0x0;
	[smem:$0x7F9] =	sst s26  }
0x3a: {  	s12 =	sadd.s32 s14, s23;
	s13 =	sadd.s32 s15, s23;
	[smem:$0x7FA] =	sst s0  }
0x3b: {  	s14 =	sadd.s32 s17, s23;
	s15 =	sadd.s32 s18, s23;
	[dreg:$0x1a] =	wrdreg s13  }
0x3c: {  	s17 =	simm.s32 $0x400;
	s18 =	simm.s32 $0x2;
	[dreg:$0x1b] =	wrdreg s14  }
0x3d: {  	s16 =	simm.s32 $0x200;
	s21 =	sadd.s32 s21, s23;
	[dreg:$0x1c] =	wrdreg s15  }
0x3e: {  	s25 =	simm.s32 $0x100;
	s26 =	simm.s32 $0x180;
	[dreg:$0x1f] =	wrdreg s21  }
.LBB2_1:
0x3f: {  	s0 =	rddreg [dreg:$0x18]  }
0x40: {  	[tilespmem:s17], [sflag:$0x2] =	stream.linear.gather [hbm4b:s0+s1], $0x3E80, $0x38;
	[tilespmem:$0x19400] =	vst v63  }
0x41: {  	_ =	swait.ge [sflag:s18], $0x3E80  }
0x42: {  	[sflag:s18] =	ssyncset.done $0x0  }
0x43: {  	s0 =	rddreg [dreg:$0x19];
	[sflag:s18] =	ssyncadd.s32 $0xFFFFC180  }
0x44: {  	[tilespmem:s19], [sflag:$0x2] =	stream.linear.gather [hbm4b:s0+s1], $0x1000, $0x38;
	[tilespmem:$0x19400] =	vst v63  }
0x45: {  	_ =	swait.ge [sflag:s18], $0x1000  }
0x46: {  	[sflag:s18] =	ssyncset.done $0x0  }
0x47: {  	[sflag:s18] =	ssyncadd.s32 $0xFFFFF000  }
0x48: {  	[spmem:s21] =	stream.linear.scatter [tilespmem:s19], [sflag:$0x2], $0x1000, $0x38;
	[tilespmem:$0x19400] =	vst v63  }
0x49: {  	_ =	swait.ge [sflag:s18], $0x1000  }
0x4a: {  	[sflag:s18] =	ssyncset.done $0x0  }
0x4b: {  	[sflag:s18] =	ssyncadd.s32 $0xFFFFF000  }
0x4c: {  	[spmem:s30] =	stream.linear.scatter [tilespmem:s19], [sflag:$0x2], $0x1000, $0x38;
	[tilespmem:$0x19400] =	vst v63  }
0x4d: {  	s21 =	sld [smem:$0x7F7];
	_ =	swait.ge [sflag:s18], $0x1000  }
0x4e: {  	[sflag:s18] =	ssyncset.done $0x0  }
0x4f: {  	[sflag:s18] =	ssyncadd.s32 $0xFFFFF000  }
0x50: {  	[spmem:s31] =	stream.linear.scatter [tilespmem:s19], [sflag:$0x2], $0x1000, $0x38;
	[tilespmem:$0x19400] =	vst v63  }
0x51: {  	s30 =	sld [smem:$0x7F8];
	_ =	swait.ge [sflag:s18], $0x1000  }
0x52: {  	[sflag:s18] =	ssyncset.done $0x0  }
0x53: {  	s0 =	smov.u32 s4;
	[sflag:s18] =	ssyncadd.s32 $0xFFFFF000  }
0x54: {  	[spmem:s0] =	stream.linear.scatter [tilespmem:s19], [sflag:$0x2], $0x1000, $0x38;
	[tilespmem:$0x19400] =	vst v63  }
0x55: {  	_ =	swait.ge [sflag:s18], $0x1000  }
0x56: {  	[sflag:s18] =	ssyncset.done $0x0  }
0x57: {  	[sflag:s18] =	ssyncadd.s32 $0xFFFFF000  }
0x58: {  	[spmem:s21] =	stream.linear.scatter [tilespmem:s19], [sflag:$0x2], $0x1000, $0x38;
	[tilespmem:$0x19400] =	vst v63  }
0x59: {  	_ =	swait.ge [sflag:s18], $0x1000  }
0x5a: {  	[sflag:s18] =	ssyncset.done $0x0  }
0x5b: {  	[sflag:s18] =	ssyncadd.s32 $0xFFFFF000  }
0x5c: {  	[spmem:s30] =	stream.linear.scatter [tilespmem:s19], [sflag:$0x2], $0x1000, $0x38;
	[tilespmem:$0x19400] =	vst v63  }
0x5d: {  	_ =	swait.ge [sflag:s18], $0x1000  }
0x5e: {  	[sflag:s18] =	ssyncset.done $0x0  }
0x5f: {  	s4 =	smov.u32 s31;
	s31 =	smov.u32 s5;
	[sflag:s18] =	ssyncadd.s32 $0xFFFFF000  }
0x60: {  	[spmem:s31] =	stream.linear.scatter [tilespmem:s19], [sflag:$0x2], $0x1000, $0x38;
	[tilespmem:$0x19400] =	vst v63  }
0x61: {  	_ =	swait.ge [sflag:s18], $0x1000  }
0x62: {  	[sflag:s18] =	ssyncset.done $0x0  }
0x63: {  	s5 =	smov.u32 s0;
	s0 =	smov.u32 s6;
	[sflag:s18] =	ssyncadd.s32 $0xFFFFF000  }
0x64: {  	[spmem:s0] =	stream.linear.scatter [tilespmem:s19], [sflag:$0x2], $0x1000, $0x38;
	[tilespmem:$0x19400] =	vst v63  }
0x65: {  	_ =	swait.ge [sflag:s18], $0x1000  }
0x66: {  	[sflag:s18] =	ssyncset.done $0x0  }
0x67: {  	s6 =	smov.u32 s21;
	s21 =	smov.u32 s7;
	[sflag:s18] =	ssyncadd.s32 $0xFFFFF000  }
0x68: {  	[spmem:s21] =	stream.linear.scatter [tilespmem:s19], [sflag:$0x2], $0x1000, $0x38;
	[tilespmem:$0x19400] =	vst v63  }
0x69: {  	_ =	swait.ge [sflag:s18], $0x1000  }
0x6a: {  	[sflag:s18] =	ssyncset.done $0x0  }
0x6b: {  	s7 =	smov.u32 s30;
	s30 =	smov.u32 s8;
	[sflag:s18] =	ssyncadd.s32 $0xFFFFF000  }
0x6c: {  	[spmem:s30] =	stream.linear.scatter [tilespmem:s19], [sflag:$0x2], $0x1000, $0x38;
	[tilespmem:$0x19400] =	vst v63  }
0x6d: {  	_ =	swait.ge [sflag:s18], $0x1000  }
0x6e: {  	[sflag:s18] =	ssyncset.done $0x0  }
0x6f: {  	s8 =	smov.u32 s31;
	s31 =	smov.u32 s9;
	[sflag:s18] =	ssyncadd.s32 $0xFFFFF000  }
0x70: {  	[spmem:s31] =	stream.linear.scatter [tilespmem:s19], [sflag:$0x2], $0x1000, $0x38;
	[tilespmem:$0x19400] =	vst v63  }
0x71: {  	_ =	swait.ge [sflag:s18], $0x1000  }
0x72: {  	[sflag:s18] =	ssyncset.done $0x0  }
0x73: {  	s9 =	smov.u32 s0;
	s0 =	smov.u32 s10;
	[sflag:s18] =	ssyncadd.s32 $0xFFFFF000  }
0x74: {  	[spmem:s0] =	stream.linear.scatter [tilespmem:s19], [sflag:$0x2], $0x1000, $0x38;
	[tilespmem:$0x19400] =	vst v63  }
0x75: {  	_ =	swait.ge [sflag:s18], $0x1000  }
0x76: {  	[sflag:s18] =	ssyncset.done $0x0  }
0x77: {  	s10 =	smov.u32 s21;
	s21 =	smov.u32 s11;
	[sflag:s18] =	ssyncadd.s32 $0xFFFFF000  }
0x78: {  	[spmem:s21] =	stream.linear.scatter [tilespmem:s19], [sflag:$0x2], $0x1000, $0x38;
	[tilespmem:$0x19400] =	vst v63  }
0x79: {  	_ =	swait.ge [sflag:s18], $0x1000  }
0x7a: {  	[sflag:s18] =	ssyncset.done $0x0  }
0x7b: {  	s11 =	smov.u32 s30;
	s30 =	smov.u32 s12;
	[sflag:s18] =	ssyncadd.s32 $0xFFFFF000  }
0x7c: {  	[spmem:s30] =	stream.linear.scatter [tilespmem:s19], [sflag:$0x2], $0x1000, $0x38;
	[tilespmem:$0x19400] =	vst v63  }
0x7d: {  	_ =	swait.ge [sflag:s18], $0x1000  }
0x7e: {  	[sflag:s18] =	ssyncset.done $0x0  }
0x7f: {  	s12 =	smov.u32 s31;
	s31 =	smov.u32 s13;
	[sflag:s18] =	ssyncadd.s32 $0xFFFFF000  }
0x80: {  	[spmem:s31] =	stream.linear.scatter [tilespmem:s19], [sflag:$0x2], $0x1000, $0x38;
	[tilespmem:$0x19400] =	vst v63  }
0x81: {  	_ =	swait.ge [sflag:s18], $0x1000  }
0x82: {  	[sflag:s18] =	ssyncset.done $0x0  }
0x83: {  	s13 =	smov.u32 s0;
	s0 =	smov.u32 s14;
	[sflag:s18] =	ssyncadd.s32 $0xFFFFF000  }
0x84: {  	[spmem:s0] =	stream.linear.scatter [tilespmem:s19], [sflag:$0x2], $0x1000, $0x38;
	[tilespmem:$0x19400] =	vst v63  }
0x85: {  	_ =	swait.ge [sflag:s18], $0x1000  }
0x86: {  	[sflag:s18] =	ssyncset.done $0x0  }
0x87: {  	s14 =	smov.u32 s21;
	s21 =	smov.u32 s15;
	[sflag:s18] =	ssyncadd.s32 $0xFFFFF000  }
0x88: {  	[spmem:s21] =	stream.linear.scatter [tilespmem:s19], [sflag:$0x2], $0x1000, $0x38;
	[tilespmem:$0x19400] =	vst v63  }
0x89: {  	_ =	swait.ge [sflag:s18], $0x1000  }
0x8a: {  	[sflag:s18] =	ssyncset.done $0x0  }
0x8b: {  	[sflag:s18] =	ssyncadd.s32 $0xFFFFF000  }
0x8c: {  	[spmem:s29] =	stream.linear.scatter [tilespmem:s19], [sflag:$0x2], $0x1000, $0x38;
	[tilespmem:$0x19400] =	vst v63  }
0x8d: {  	_ =	swait.ge [sflag:s18], $0x1000  }
0x8e: {  	[sflag:s18] =	ssyncset.done $0x0  }
0x8f: {  	[sflag:s18] =	ssyncadd.s32 $0xFFFFF000  }
0x90: {  	[spmem:s2] =	stream.linear.scatter [tilespmem:s19], [sflag:$0x2], $0x1000, $0x38;
	[tilespmem:$0x19400] =	vst v63  }
0x91: {  	_ =	swait.ge [sflag:s18], $0x1000  }
0x92: {  	[sflag:s18] =	ssyncset.done $0x0  }
0x93: {  	[sflag:s18] =	ssyncadd.s32 $0xFFFFF000  }
0x94: {  	[spmem:s3] =	stream.linear.scatter [tilespmem:s19], [sflag:$0x2], $0x1000, $0x38;
	[tilespmem:$0x19400] =	vst v63  }
0x95: {  	_ =	swait.ge [sflag:s18], $0x1000  }
0x96: {  	[sflag:s18] =	ssyncset.done $0x0  }
0x97: {  	[sflag:s18] =	ssyncadd.s32 $0xFFFFF000  }
0x98: {  	s15 =	smov.u32 s30;
	s30 =	sadd.s32 $0x0, s24;
	[bflag:$0x0] =	sbarrier.arrive $0xFFFF  }
0x99: {  	[tilespmem:s1], [sflag:$0x2] =	stream.linear.gather [hbm4b:s30+s1], $0x280, $0x38;
	[tilespmem:$0x19400] =	vst v63  }
0x9a: {  	_ =	swait.ge [sflag:s18], $0x280  }
0x9b: {  	[sflag:s18] =	ssyncset.done $0x0  }
0x9c: {  	[sflag:s18] =	ssyncadd.s32 $0xFFFFFD80  }
0x9d: {  	[spmem:s23] =	stream.indirect.scatter.add.f32 [tilespmem:s17], [sflag:$0x1], $0x80, s1, s20, $0xb8;
	[tilespmem:$0x19400] =	vst v63  }
0x9e: {  	_ = 	snop  }
0x9f: {  	[spmem:s23] =	stream.indirect.scatter.add.f32 [tilespmem:s17], [sflag:$0x1], $0x80, s22, s20, $0xb8;
	[tilespmem:$0x19400] =	vst v63  }
0xa0: {  	_ = 	snop  }
0xa1: {  	[spmem:s23] =	stream.indirect.scatter.add.f32 [tilespmem:s17], [sflag:$0x1], $0x80, s25, s20, $0xb8;
	[tilespmem:$0x19400] =	vst v63  }
0xa2: {  	_ = 	snop  }
0xa3: {  	[spmem:s23] =	stream.indirect.scatter.add.f32 [tilespmem:s17], [sflag:$0x1], $0x80, s26, s20, $0xb8;
	[tilespmem:$0x19400] =	vst v63  }
0xa4: {  	_ = 	snop  }
0xa5: {  	[spmem:s23] =	stream.indirect.scatter.add.f32 [tilespmem:s17], [sflag:$0x1], $0x80, s16, s20, $0xb8;
	[tilespmem:$0x19400] =	vst v63  }
0xa6: {  	_ =	swait.ge [sflag:s28], $0x3E80  }
0xa7: {  	[sflag:s28] =	ssyncset.done $0x0  }
0xa8: {  	[sflag:s28] =	ssyncadd.s32 $0xFFFFC180  }
0xa9: {  	_ =	swait.ge [sflag:s28], $0x3E80  }
0xaa: {  	[sflag:s28] =	ssyncset.done $0x0  }
0xab: {  	[sflag:s28] =	ssyncadd.s32 $0xFFFFC180  }
0xac: {  	_ =	swait.ge [sflag:s28], $0x3E80  }
0xad: {  	[sflag:s28] =	ssyncset.done $0x0  }
0xae: {  	[sflag:s28] =	ssyncadd.s32 $0xFFFFC180  }
0xaf: {  	_ =	swait.ge [sflag:s28], $0x3E80  }
0xb0: {  	[sflag:s28] =	ssyncset.done $0x0  }
0xb1: {  	[sflag:s28] =	ssyncadd.s32 $0xFFFFC180  }
0xb2: {  	_ =	swait.ge [sflag:s28], $0x3E80  }
0xb3: {  	s31 =	simm.s32 $0x100;
	s30 =	simm.s32 $0x80;
	[sflag:s28] =	ssyncset.done $0x0  }
.LBB2_2:
0xb4: {  	s21 =	sadd.s32 s30, s24  }
0xb5: {  	[sflag:s28] =	ssyncadd.s32 $0xFFFFC180;
	s30 =	smov.u32 s31;
	s0 =	sadd.s32 $0x80, s31  }
0xb6: {  	[tilespmem:s1], [sflag:$0x2] =	stream.linear.gather [hbm4b:s21+s1], $0x280, $0x38;
	[tilespmem:$0x19400] =	vst v63  }
0xb7: {  	p0 =	sne.s32 s31, $0x780;
	_ =	swait.ge [sflag:s18], $0x280  }
0xb8: {  	[sflag:s18] =	ssyncset.done $0x0  }
0xb9: {  	[sflag:s18] =	ssyncadd.s32 $0xFFFFFD80  }
0xba: {  	[spmem:s23] =	stream.indirect.scatter.add.f32 [tilespmem:s17], [sflag:$0x1], $0x80, s1, s20, $0xb8;
	[tilespmem:$0x19400] =	vst v63  }
0xbb: {  	_ = 	snop  }
0xbc: {  	[spmem:s23] =	stream.indirect.scatter.add.f32 [tilespmem:s17], [sflag:$0x1], $0x80, s22, s20, $0xb8;
	[tilespmem:$0x19400] =	vst v63  }
0xbd: {  	_ = 	snop  }
0xbe: {  	[spmem:s23] =	stream.indirect.scatter.add.f32 [tilespmem:s17], [sflag:$0x1], $0x80, s25, s20, $0xb8;
	[tilespmem:$0x19400] =	vst v63  }
0xbf: {  	_ = 	snop  }
0xc0: {  	[spmem:s23] =	stream.indirect.scatter.add.f32 [tilespmem:s17], [sflag:$0x1], $0x80, s26, s20, $0xb8;
	[tilespmem:$0x19400] =	vst v63  }
0xc1: {  	_ = 	snop  }
0xc2: {  	[spmem:s23] =	stream.indirect.scatter.add.f32 [tilespmem:s17], [sflag:$0x1], $0x80, s16, s20, $0xb8;
	[tilespmem:$0x19400] =	vst v63  }
0xc3: {  	_ =	swait.ge [sflag:s28], $0x3E80  }
0xc4: {  	[sflag:s28] =	ssyncset.done $0x0  }
0xc5: {  	[sflag:s28] =	ssyncadd.s32 $0xFFFFC180  }
0xc6: {  	_ =	swait.ge [sflag:s28], $0x3E80  }
0xc7: {  	[sflag:s28] =	ssyncset.done $0x0  }
0xc8: {  	[sflag:s28] =	ssyncadd.s32 $0xFFFFC180  }
0xc9: {  	_ =	swait.ge [sflag:s28], $0x3E80  }
0xca: {  	[sflag:s28] =	ssyncset.done $0x0  }
0xcb: {  	[sflag:s28] =	ssyncadd.s32 $0xFFFFC180  }
.Ltmp0:
0xcc: {  	_ =	swait.ge [sflag:s28], $0x3E80;
	(pc) =	sbr.rel @p0 .LBB2_2-.Ltmp0, $4  }
0xcd: {  	[sflag:s28] =	ssyncset.done $0x0  }
0xce: {  	[sflag:s28] =	ssyncadd.s32 $0xFFFFC180  }
0xcf: {  	_ =	swait.ge [sflag:s28], $0x3E80  }
0xd0: {  	s31 =	smov.u32 s0;
	[sflag:s28] =	ssyncset.done $0x0  }
0xd1: {  	s0 =	sadd.s32 s30, s24;
	[sflag:s28] =	ssyncadd.s32 $0xFFFFC180  }
0xd2: {  	[tilespmem:s1], [sflag:$0x2] =	stream.linear.gather [hbm4b:s0+s1], $0x280, $0x38;
	[tilespmem:$0x19400] =	vst v63  }
0xd3: {  	_ =	swait.ge [sflag:s18], $0x280  }
0xd4: {  	[sflag:s18] =	ssyncset.done $0x0  }
0xd5: {  	[sflag:s18] =	ssyncadd.s32 $0xFFFFFD80  }
0xd6: {  	[spmem:s23] =	stream.indirect.scatter.add.f32 [tilespmem:s17], [sflag:$0x1], $0x80, s1, s20, $0xb8;
	[tilespmem:$0x19400] =	vst v63  }
0xd7: {  	_ = 	snop  }
0xd8: {  	[spmem:s23] =	stream.indirect.scatter.add.f32 [tilespmem:s17], [sflag:$0x1], $0x80, s22, s20, $0xb8;
	[tilespmem:$0x19400] =	vst v63  }
0xd9: {  	_ = 	snop  }
0xda: {  	[spmem:s23] =	stream.indirect.scatter.add.f32 [tilespmem:s17], [sflag:$0x1], $0x80, s25, s20, $0xb8;
	[tilespmem:$0x19400] =	vst v63  }
0xdb: {  	_ = 	snop  }
0xdc: {  	[spmem:s23] =	stream.indirect.scatter.add.f32 [tilespmem:s17], [sflag:$0x1], $0x80, s26, s20, $0xb8;
	[tilespmem:$0x19400] =	vst v63  }
0xdd: {  	_ = 	snop  }
0xde: {  	[spmem:s23] =	stream.indirect.scatter.add.f32 [tilespmem:s17], [sflag:$0x1], $0x80, s16, s20, $0xb8;
	[tilespmem:$0x19400] =	vst v63  }
0xdf: {  	_ =	swait.ge [sflag:s28], $0x3E80  }
0xe0: {  	[sflag:s28] =	ssyncset.done $0x0  }
0xe1: {  	[sflag:s28] =	ssyncadd.s32 $0xFFFFC180  }
0xe2: {  	_ =	swait.ge [sflag:s28], $0x3E80  }
0xe3: {  	[sflag:s28] =	ssyncset.done $0x0  }
0xe4: {  	[sflag:s28] =	ssyncadd.s32 $0xFFFFC180  }
0xe5: {  	_ =	swait.ge [sflag:s28], $0x3E80  }
0xe6: {  	[sflag:s28] =	ssyncset.done $0x0  }
0xe7: {  	[sflag:s28] =	ssyncadd.s32 $0xFFFFC180  }
0xe8: {  	_ =	swait.ge [sflag:s28], $0x3E80  }
0xe9: {  	[sflag:s28] =	ssyncset.done $0x0  }
0xea: {  	[sflag:s28] =	ssyncadd.s32 $0xFFFFC180  }
0xeb: {  	_ =	swait.ge [sflag:s28], $0x3E80  }
0xec: {  	[sflag:s28] =	ssyncset.done $0x0  }
0xed: {  	[sflag:s28] =	ssyncadd.s32 $0xFFFFC180  }
0xee: {  	[bflag:$0x0] =	sbarrier.arrive $0xFFFF  }
0xef: {  	s21 =	rddreg [dreg:$0x1f]  }
0xf0: {  	[tilespmem:s19], [sflag:$0x2] =	stream.linear.gather [spmem:s21], $0x1000, $0x38;
	[tilespmem:$0x19400] =	vst v63  }
0xf1: {  	_ =	swait.ge [sflag:s18], $0x1000  }
0xf2: {  	[sflag:s18] =	ssyncset.done $0x0  }
0xf3: {  	s2 =	rddreg [dreg:$0x4];
	[sflag:s18] =	ssyncadd.s32 $0xFFFFF000  }
0xf4: {  	[hbm4b:s2+s1] =	stream.linear.scatter [tilespmem:s19], [sflag:$0x2], $0x1000, $0x38;
	[tilespmem:$0x19400] =	vst v63  }
0xf5: {  	_ =	swait.ge [sflag:s18], $0x1000  }
0xf6: {  	s30 =	sld [smem:$0x7FC]  }
0xf7: {  	[sflag:s18] =	ssyncset.done $0x0  }
0xf8: {  	[sflag:s18] =	ssyncadd.s32 $0xFFFFF000  }
0xf9: {  	[tilespmem:s19], [sflag:$0x2] =	stream.linear.gather [spmem:s30], $0x1000, $0x38;
	[tilespmem:$0x19400] =	vst v63  }
0xfa: {  	_ =	swait.ge [sflag:s18], $0x1000  }
0xfb: {  	[sflag:s18] =	ssyncset.done $0x0  }
0xfc: {  	s3 =	rddreg [dreg:$0x5];
	[sflag:s18] =	ssyncadd.s32 $0xFFFFF000  }
0xfd: {  	[hbm4b:s3+s1] =	stream.linear.scatter [tilespmem:s19], [sflag:$0x2], $0x1000, $0x38;
	[tilespmem:$0x19400] =	vst v63  }
0xfe: {  	_ =	swait.ge [sflag:s18], $0x1000  }
0xff: {  	[sflag:s18] =	ssyncset.done $0x0  }
0x100: {  	[sflag:s18] =	ssyncadd.s32 $0xFFFFF000  }
0x101: {  	[tilespmem:s19], [sflag:$0x2] =	stream.linear.gather [spmem:s4], $0x1000, $0x38;
	[tilespmem:$0x19400] =	vst v63  }
0x102: {  	_ =	swait.ge [sflag:s18], $0x1000  }
0x103: {  	[sflag:s18] =	ssyncset.done $0x0  }
0x104: {  	s31 =	smov.u32 s4;
	s4 =	rddreg [dreg:$0x6];
	[sflag:s18] =	ssyncadd.s32 $0xFFFFF000  }
0x105: {  	[hbm4b:s4+s1] =	stream.linear.scatter [tilespmem:s19], [sflag:$0x2], $0x1000, $0x38;
	[tilespmem:$0x19400] =	vst v63  }
0x106: {  	_ =	swait.ge [sflag:s18], $0x1000  }
0x107: {  	[sflag:s18] =	ssyncset.done $0x0  }
0x108: {  	[sflag:s18] =	ssyncadd.s32 $0xFFFFF000  }
0x109: {  	[tilespmem:s19], [sflag:$0x2] =	stream.linear.gather [spmem:s5], $0x1000, $0x38;
	[tilespmem:$0x19400] =	vst v63  }
0x10a: {  	_ =	swait.ge [sflag:s18], $0x1000  }
0x10b: {  	[sflag:s18] =	ssyncset.done $0x0  }
0x10c: {  	s5 =	rddreg [dreg:$0x7];
	[sflag:s18] =	ssyncadd.s32 $0xFFFFF000  }
0x10d: {  	[hbm4b:s5+s1] =	stream.linear.scatter [tilespmem:s19], [sflag:$0x2], $0x1000, $0x38;
	[tilespmem:$0x19400] =	vst v63  }
0x10e: {  	_ =	swait.ge [sflag:s18], $0x1000  }
0x10f: {  	[sflag:s18] =	ssyncset.done $0x0  }
0x110: {  	[sflag:s18] =	ssyncadd.s32 $0xFFFFF000  }
0x111: {  	[tilespmem:s19], [sflag:$0x2] =	stream.linear.gather [spmem:s6], $0x1000, $0x38;
	[tilespmem:$0x19400] =	vst v63  }
0x112: {  	_ =	swait.ge [sflag:s18], $0x1000  }
0x113: {  	[sflag:s18] =	ssyncset.done $0x0  }
0x114: {  	s6 =	rddreg [dreg:$0x8];
	[sflag:s18] =	ssyncadd.s32 $0xFFFFF000  }
0x115: {  	[hbm4b:s6+s1] =	stream.linear.scatter [tilespmem:s19], [sflag:$0x2], $0x1000, $0x38;
	[tilespmem:$0x19400] =	vst v63  }
0x116: {  	_ =	swait.ge [sflag:s18], $0x1000  }
0x117: {  	[sflag:s18] =	ssyncset.done $0x0  }
0x118: {  	[sflag:s18] =	ssyncadd.s32 $0xFFFFF000  }
0x119: {  	[tilespmem:s19], [sflag:$0x2] =	stream.linear.gather [spmem:s7], $0x1000, $0x38;
	[tilespmem:$0x19400] =	vst v63  }
0x11a: {  	_ =	swait.ge [sflag:s18], $0x1000  }
0x11b: {  	[sflag:s18] =	ssyncset.done $0x0  }
0x11c: {  	s7 =	rddreg [dreg:$0x9];
	[sflag:s18] =	ssyncadd.s32 $0xFFFFF000  }
0x11d: {  	[hbm4b:s7+s1] =	stream.linear.scatter [tilespmem:s19], [sflag:$0x2], $0x1000, $0x38;
	[tilespmem:$0x19400] =	vst v63  }
0x11e: {  	_ =	swait.ge [sflag:s18], $0x1000  }
0x11f: {  	[sflag:s18] =	ssyncset.done $0x0  }
0x120: {  	[sflag:s18] =	ssyncadd.s32 $0xFFFFF000  }
0x121: {  	[tilespmem:s19], [sflag:$0x2] =	stream.linear.gather [spmem:s8], $0x1000, $0x38;
	[tilespmem:$0x19400] =	vst v63  }
0x122: {  	_ =	swait.ge [sflag:s18], $0x1000  }
0x123: {  	[sflag:s18] =	ssyncset.done $0x0  }
0x124: {  	s5 =	smov.u32 s8;
	s8 =	rddreg [dreg:$0xa];
	[sflag:s18] =	ssyncadd.s32 $0xFFFFF000  }
0x125: {  	[hbm4b:s8+s1] =	stream.linear.scatter [tilespmem:s19], [sflag:$0x2], $0x1000, $0x38;
	[tilespmem:$0x19400] =	vst v63  }
0x126: {  	_ =	swait.ge [sflag:s18], $0x1000  }
0x127: {  	[sflag:s18] =	ssyncset.done $0x0  }
0x128: {  	[sflag:s18] =	ssyncadd.s32 $0xFFFFF000  }
0x129: {  	[tilespmem:s19], [sflag:$0x2] =	stream.linear.gather [spmem:s9], $0x1000, $0x38;
	[tilespmem:$0x19400] =	vst v63  }
0x12a: {  	_ =	swait.ge [sflag:s18], $0x1000  }
0x12b: {  	[sflag:s18] =	ssyncset.done $0x0  }
0x12c: {  	s6 =	smov.u32 s9;
	s9 =	rddreg [dreg:$0xb];
	[sflag:s18] =	ssyncadd.s32 $0xFFFFF000  }
0x12d: {  	[hbm4b:s9+s1] =	stream.linear.scatter [tilespmem:s19], [sflag:$0x2], $0x1000, $0x38;
	[tilespmem:$0x19400] =	vst v63  }
0x12e: {  	_ =	swait.ge [sflag:s18], $0x1000  }
0x12f: {  	[sflag:s18] =	ssyncset.done $0x0  }
0x130: {  	[sflag:s18] =	ssyncadd.s32 $0xFFFFF000  }
0x131: {  	[tilespmem:s19], [sflag:$0x2] =	stream.linear.gather [spmem:s10], $0x1000, $0x38;
	[tilespmem:$0x19400] =	vst v63  }
0x132: {  	_ =	swait.ge [sflag:s18], $0x1000  }
0x133: {  	[sflag:s18] =	ssyncset.done $0x0  }
0x134: {  	s7 =	smov.u32 s10;
	s10 =	rddreg [dreg:$0xc];
	[sflag:s18] =	ssyncadd.s32 $0xFFFFF000  }
0x135: {  	[hbm4b:s10+s1] =	stream.linear.scatter [tilespmem:s19], [sflag:$0x2], $0x1000, $0x38;
	[tilespmem:$0x19400] =	vst v63  }
0x136: {  	_ =	swait.ge [sflag:s18], $0x1000  }
0x137: {  	[sflag:s18] =	ssyncset.done $0x0  }
0x138: {  	[sflag:s18] =	ssyncadd.s32 $0xFFFFF000  }
0x139: {  	[tilespmem:s19], [sflag:$0x2] =	stream.linear.gather [spmem:s11], $0x1000, $0x38;
	[tilespmem:$0x19400] =	vst v63  }
0x13a: {  	_ =	swait.ge [sflag:s18], $0x1000  }
0x13b: {  	[sflag:s18] =	ssyncset.done $0x0  }
0x13c: {  	s8 =	smov.u32 s11;
	s11 =	rddreg [dreg:$0xd];
	[sflag:s18] =	ssyncadd.s32 $0xFFFFF000  }
0x13d: {  	[hbm4b:s11+s1] =	stream.linear.scatter [tilespmem:s19], [sflag:$0x2], $0x1000, $0x38;
	[tilespmem:$0x19400] =	vst v63  }
0x13e: {  	_ =	swait.ge [sflag:s18], $0x1000  }
0x13f: {  	[sflag:s18] =	ssyncset.done $0x0  }
0x140: {  	[sflag:s18] =	ssyncadd.s32 $0xFFFFF000  }
0x141: {  	[tilespmem:s19], [sflag:$0x2] =	stream.linear.gather [spmem:s12], $0x1000, $0x38;
	[tilespmem:$0x19400] =	vst v63  }
0x142: {  	_ =	swait.ge [sflag:s18], $0x1000  }
0x143: {  	[sflag:s18] =	ssyncset.done $0x0  }
0x144: {  	s9 =	smov.u32 s12;
	s12 =	rddreg [dreg:$0xe];
	[sflag:s18] =	ssyncadd.s32 $0xFFFFF000  }
0x145: {  	[hbm4b:s12+s1] =	stream.linear.scatter [tilespmem:s19], [sflag:$0x2], $0x1000, $0x38;
	[tilespmem:$0x19400] =	vst v63  }
0x146: {  	_ =	swait.ge [sflag:s18], $0x1000  }
0x147: {  	[sflag:s18] =	ssyncset.done $0x0  }
0x148: {  	[sflag:s18] =	ssyncadd.s32 $0xFFFFF000  }
0x149: {  	[tilespmem:s19], [sflag:$0x2] =	stream.linear.gather [spmem:s13], $0x1000, $0x38;
	[tilespmem:$0x19400] =	vst v63  }
0x14a: {  	_ =	swait.ge [sflag:s18], $0x1000  }
0x14b: {  	[sflag:s18] =	ssyncset.done $0x0  }
0x14c: {  	s10 =	smov.u32 s13;
	s13 =	rddreg [dreg:$0xf];
	[sflag:s18] =	ssyncadd.s32 $0xFFFFF000  }
0x14d: {  	[hbm4b:s13+s1] =	stream.linear.scatter [tilespmem:s19], [sflag:$0x2], $0x1000, $0x38;
	[tilespmem:$0x19400] =	vst v63  }
0x14e: {  	_ =	swait.ge [sflag:s18], $0x1000  }
0x14f: {  	[sflag:s18] =	ssyncset.done $0x0  }
0x150: {  	[sflag:s18] =	ssyncadd.s32 $0xFFFFF000  }
0x151: {  	[tilespmem:s19], [sflag:$0x2] =	stream.linear.gather [spmem:s14], $0x1000, $0x38;
	[tilespmem:$0x19400] =	vst v63  }
0x152: {  	_ =	swait.ge [sflag:s18], $0x1000  }
0x153: {  	[sflag:s18] =	ssyncset.done $0x0  }
0x154: {  	s11 =	smov.u32 s14;
	s14 =	rddreg [dreg:$0x10];
	[sflag:s18] =	ssyncadd.s32 $0xFFFFF000  }
0x155: {  	[hbm4b:s14+s1] =	stream.linear.scatter [tilespmem:s19], [sflag:$0x2], $0x1000, $0x38;
	[tilespmem:$0x19400] =	vst v63  }
0x156: {  	_ =	swait.ge [sflag:s18], $0x1000  }
0x157: {  	[sflag:s18] =	ssyncset.done $0x0  }
0x158: {  	[sflag:s18] =	ssyncadd.s32 $0xFFFFF000  }
0x159: {  	[tilespmem:s19], [sflag:$0x2] =	stream.linear.gather [spmem:s15], $0x1000, $0x38;
	[tilespmem:$0x19400] =	vst v63  }
0x15a: {  	_ =	swait.ge [sflag:s18], $0x1000  }
0x15b: {  	[sflag:s18] =	ssyncset.done $0x0  }
0x15c: {  	s12 =	smov.u32 s15;
	s15 =	rddreg [dreg:$0x11];
	[sflag:s18] =	ssyncadd.s32 $0xFFFFF000  }
0x15d: {  	[hbm4b:s15+s1] =	stream.linear.scatter [tilespmem:s19], [sflag:$0x2], $0x1000, $0x38;
	[tilespmem:$0x19400] =	vst v63  }
0x15e: {  	_ =	swait.ge [sflag:s18], $0x1000  }
0x15f: {  	[sflag:s18] =	ssyncset.done $0x0  }
0x160: {  	s13 =	rddreg [dreg:$0x1a];
	[sflag:s18] =	ssyncadd.s32 $0xFFFFF000  }
0x161: {  	[tilespmem:s19], [sflag:$0x2] =	stream.linear.gather [spmem:s13], $0x1000, $0x38;
	[tilespmem:$0x19400] =	vst v63  }
0x162: {  	_ =	swait.ge [sflag:s18], $0x1000  }
0x163: {  	[sflag:s18] =	ssyncset.done $0x0  }
0x164: {  	s2 =	rddreg [dreg:$0x12];
	[sflag:s18] =	ssyncadd.s32 $0xFFFFF000  }
0x165: {  	[hbm4b:s2+s1] =	stream.linear.scatter [tilespmem:s19], [sflag:$0x2], $0x1000, $0x38;
	[tilespmem:$0x19400] =	vst v63  }
0x166: {  	_ =	swait.ge [sflag:s18], $0x1000  }
0x167: {  	[sflag:s18] =	ssyncset.done $0x0  }
0x168: {  	s14 =	rddreg [dreg:$0x1b];
	[sflag:s18] =	ssyncadd.s32 $0xFFFFF000  }
0x169: {  	[tilespmem:s19], [sflag:$0x2] =	stream.linear.gather [spmem:s14], $0x1000, $0x38;
	[tilespmem:$0x19400] =	vst v63  }
0x16a: {  	_ =	swait.ge [sflag:s18], $0x1000  }
0x16b: {  	[sflag:s18] =	ssyncset.done $0x0  }
0x16c: {  	s3 =	rddreg [dreg:$0x13];
	[sflag:s18] =	ssyncadd.s32 $0xFFFFF000  }
0x16d: {  	[hbm4b:s3+s1] =	stream.linear.scatter [tilespmem:s19], [sflag:$0x2], $0x1000, $0x38;
	[tilespmem:$0x19400] =	vst v63  }
0x16e: {  	_ =	swait.ge [sflag:s18], $0x1000  }
0x16f: {  	[sflag:s18] =	ssyncset.done $0x0  }
0x170: {  	s15 =	rddreg [dreg:$0x1c];
	[sflag:s18] =	ssyncadd.s32 $0xFFFFF000  }
0x171: {  	[tilespmem:s19], [sflag:$0x2] =	stream.linear.gather [spmem:s15], $0x1000, $0x38;
	[tilespmem:$0x19400] =	vst v63  }
0x172: {  	_ =	swait.ge [sflag:s18], $0x1000  }
0x173: {  	[sflag:s18] =	ssyncset.done $0x0  }
0x174: {  	s4 =	rddreg [dreg:$0x14];
	[sflag:s18] =	ssyncadd.s32 $0xFFFFF000  }
0x175: {  	[hbm4b:s4+s1] =	stream.linear.scatter [tilespmem:s19], [sflag:$0x2], $0x1000, $0x38;
	[tilespmem:$0x19400] =	vst v63  }
0x176: {  	_ =	swait.ge [sflag:s18], $0x1000  }
0x177: {  	[sflag:s18] =	ssyncset.done $0x0  }
0x178: {  	s29 =	rddreg [dreg:$0x1d];
	[sflag:s18] =	ssyncadd.s32 $0xFFFFF000  }
0x179: {  	[tilespmem:s19], [sflag:$0x2] =	stream.linear.gather [spmem:s29], $0x1000, $0x38;
	[tilespmem:$0x19400] =	vst v63  }
0x17a: {  	_ =	swait.ge [sflag:s18], $0x1000  }
0x17b: {  	[sflag:s18] =	ssyncset.done $0x0  }
0x17c: {  	s2 =	rddreg [dreg:$0x15];
	[sflag:s18] =	ssyncadd.s32 $0xFFFFF000  }
0x17d: {  	[hbm4b:s2+s1] =	stream.linear.scatter [tilespmem:s19], [sflag:$0x2], $0x1000, $0x38;
	[tilespmem:$0x19400] =	vst v63  }
0x17e: {  	_ =	swait.ge [sflag:s18], $0x1000  }
0x17f: {  	[sflag:s18] =	ssyncset.done $0x0  }
0x180: {  	s2 =	rddreg [dreg:$0x1e];
	[sflag:s18] =	ssyncadd.s32 $0xFFFFF000  }
0x181: {  	[tilespmem:s19], [sflag:$0x2] =	stream.linear.gather [spmem:s2], $0x1000, $0x38;
	[tilespmem:$0x19400] =	vst v63  }
0x182: {  	_ =	swait.ge [sflag:s18], $0x1000  }
0x183: {  	[sflag:s18] =	ssyncset.done $0x0  }
0x184: {  	s3 =	rddreg [dreg:$0x16];
	[sflag:s18] =	ssyncadd.s32 $0xFFFFF000  }
0x185: {  	[hbm4b:s3+s1] =	stream.linear.scatter [tilespmem:s19], [sflag:$0x2], $0x1000, $0x38;
	[tilespmem:$0x19400] =	vst v63  }
0x186: {  	_ =	swait.ge [sflag:s18], $0x1000  }
0x187: {  	s3 =	sld [smem:$0x7FB]  }
0x188: {  	[sflag:s18] =	ssyncset.done $0x0  }
0x189: {  	[sflag:s18] =	ssyncadd.s32 $0xFFFFF000  }
0x18a: {  	[tilespmem:s19], [sflag:$0x2] =	stream.linear.gather [spmem:s3], $0x1000, $0x38;
	[tilespmem:$0x19400] =	vst v63  }
0x18b: {  	_ =	swait.ge [sflag:s18], $0x1000  }
0x18c: {  	[sflag:s18] =	ssyncset.done $0x0  }
0x18d: {  	s4 =	rddreg [dreg:$0x17];
	[sflag:s18] =	ssyncadd.s32 $0xFFFFF000  }
0x18e: {  	[hbm4b:s4+s1] =	stream.linear.scatter [tilespmem:s19], [sflag:$0x2], $0x1000, $0x38;
	[tilespmem:$0x19400] =	vst v63  }
0x18f: {  	_ =	swait.ge [sflag:s18], $0x1000  }
0x190: {  	s0 =	sld [smem:$0x7FA];
	_ =	sdelay $0x2  }
0x191: {  	s4 =	sadd.s32 $0x1, s0;
	s0 =	sld [smem:$0x7F9];
	_ =	sdelay $0x2  }
0x192: {  	p0 =	sne.s32 s4, s0  }
.Ltmp1:
0x193: {  	_ = 	snop;
	(pc) =	sbr.rel @p0 .LBB2_1-.Ltmp1, $3  }
0x194: {  	_ =	sdelay $0x1  }
0x195: {  	[sflag:s18] =	ssyncset.done $0x0;
	[smem:$0x7FA] =	sst s4  }
0x196: {  	[sflag:s18] =	ssyncadd.s32 $0xFFFFF000;
	s4 =	sld [smem:$0x7FD]  }
0x197: {  	_ =	sfence.sel $0x180000  }
0x198: {  	[bflag:$0x0] =	sbarrier.arrive $0xFFFF  }
0x199: {  	_ =	strace $0x90000047  }
0x19a: {  	s0 =	stileid.u32;
	[bflag:$0x2] =	sbarrier.arrive $0xFFFF  }
0x19b: {  	p0 =	sne.s32 s0, $0x0;
	s0 =	rddreg [dreg:$0x3]  }
0x19c: {  	s0 =	sadd.s32 @!p0 $0x100000, s0  }
0x19d: {  	[sflag:s0] =	ssyncadd.tile.s32 @!p0 $0x1;
	_ =	shalt  }
.Lfunc_end2:
_tile_overlayer_lowered:
.L_overlay_start_2:
0x19e: {  	(tag) =	ssettag $0x2  }
0x19f: {  	s0 =	rddreg [dreg:$0x0];
	s2 =	stileid.u32  }
0x1a0: {  	s1 =	rddreg [dreg:$0x1];
	p0 =	sne.s32 s2, $0x0  }
0x1a1: {  	s3 =	rddreg [dreg:$0x2];
	[bflag:$0x3] =	sbarrier.arrive $0xFFFF;
	s2 =	simm.s32 @!p0 $0x1C02  }
0x1a2: {  	[timem:s3], [sflag:s2] =	dma.local @!p0 [hbm:s0], s1  }
0x1a3: {  	s0 =	simm.s32 @!p0 $0x2  }
0x1a4: {  	_ =	swait.ge @!p0 [sflag:s0], s1  }
0x1a5: {  	s1 =	ssub.s32 @!p0 $0x0, s1;
	[sflag:s0] =	ssyncset.done @!p0 $0x0  }
0x1a6: {  	[sflag:s0] =	ssyncadd.s32 @!p0 s1  }
0x1a7: {  	[bflag:$0x3] =	sbarrier.arrive $0xFFFF  }
0x1a8: {  	_ =	shalt  }

// kernel: kernel.9.cloned.1.call-start
scs
__scs_entry_jumppad:
0x0: {  	(pc) =	sbr.rel $0x88, $3  }
0x1: {  	(tag) =	ssettag $0x0;
	lr =	simm.s32 $0x1  }
0x2: {  	[smem:$0x3F9E] =	sst lr;
	_ =	strace $0xD0000000  }
0x3: {  	_ = 	snop  }
0x4: {  	_ = 	snop  }
0x5: {  	_ = 	snop  }
0x6: {  	_ = 	snop  }
0x7: {  	_ = 	snop  }
__scs_overlays_trampoline_lowered:
0x8: {  	[smem:$0x3FAD] =	sst s0  }
0x9: {  	[smem:$0x3FAE] =	sst s1  }
0xa: {  	[smem:$0x3FAF] =	sst s2  }
0xb: {  	[smem:$0x3FB0] =	sst s3  }
0xc: {  	[smem:$0x3FB1] =	sst s4  }
0xd: {  	[smem:$0x3FB2] =	sst s5  }
0xe: {  	[smem:$0x3FB3] =	sst s6  }
0xf: {  	[smem:$0x3FB4] =	sst s7  }
0x10: {  	[smem:$0x3FB5] =	sst s8  }
0x11: {  	[smem:$0x3FB6] =	sst s9;
	s0 =	simm.s32 @!p0 $0x0  }
0x12: {  	s1 =	sld [smem:$0x3F9C];
	s0 =	simm.s32 @p0 $0x1  }
0x13: {  	[smem:$0x3FB7] =	sst s0;
	s0 =	simm.s32 @!p1 $0x0  }
0x14: {  	s2 =	sld [smem:$0x3F9B];
	s0 =	simm.s32 @p1 $0x1  }
0x15: {  	[smem:$0x3FB8] =	sst s0;
	s0 =	simm.s32 @!p2 $0x0  }
0x16: {  	s3 =	sld [smem:$0x3FDB];
	s0 =	simm.s32 @p2 $0x1  }
0x17: {  	s4 =	simm.s32 $0x1BF5;
	[smem:$0x3FBA] =	sst s0  }
0x18: {  	s0 =	sld [smem:$0x3F9D];
	_ =	swait.ge [sflag:s4], $0x0  }
0x19: {  	s7 =	sld [smem:$0x3F9E]  }
0x1a: {  	s8 =	sadd.s32 $0xFFFFE003, lr  }
0x1b: {  	s9 =	sadd.s32 $0xFFFFFEF7, lr;
	s5 =	simm.s32 $0xFFFFFFFF;
	p2 =	slt.u32 s8, $0xFFFFF086  }
0x1c: {  	p1 =	slt.u32 s9, $0xF7A;
	s5 =	simm.s32 @!p2 $0x0  }
0x1d: {  	s5 =	simm.s32 @p1 $0x1;
	p0 =	seq.s32 s7, s2  }
0x1e: {  	s7 =	smul.u32 @!p0 $0xF7A, s2;
	p2 =	seq.s32 @!p0 s5, $0x0  }
0x1f: {  	s9 =	smul.u32 $0xF7A, s1;
	s8 =	simm.s32 @!p0 $0x1BF5;
	p2 =	por !p2, p0  }
0x20: {  	[sflag:s8] =	ssyncset.s32 @!p0 $0xFFFFF086;
	s6 =	sadd.s32 @!p0 s3, s7;
	s7 =	simm.s32 @!p0 $0x108  }
0x21: {  	s3 =	sadd.s32 s3, s9;
	s6 =	sadd.s32 @!p0 $0x88, s6;
	s7 =	simm.s32 @p2 $0x1082  }
0x22: {  	[simem:s7], [sflag:s8] =	dma.local @!p0 [hbm:s6], $0xF7A  }
0x23: {  	s9 =	sor.u32 $0xD0000000, s2;
	s6 =	simm.s32 $0x108;
	_ =	swait.ge @!p0 [sflag:s8], $0x0  }
0x24: {  	s3 =	sadd.s32 $0x88, s3;
	s6 =	simm.s32 @!p1 $0x1082;
	[sflag:s4] =	ssyncset.s32 $0xFFFFF086  }
0x25: {  	[simem:s6], [sflag:s4] =	dma.local [hbm:s3], $0xF7A  }
0x26: {  	[smem:$0x3F9E] =	sst s1;
	(tag) =	ssettag s2;
	_ =	strace s9  }
0x27: {  	s1 =	sld [smem:$0x3FAE]  }
0x28: {  	s2 =	sld [smem:$0x3FAF]  }
0x29: {  	s4 =	sld [smem:$0x3FB1]  }
0x2a: {  	p0 =	seq.s32 s5, $0x0;
	s5 =	sld [smem:$0x3FB2]  }
0x2b: {  	s6 =	sld [smem:$0x3FB3]  }
0x2c: {  	s7 =	sld [smem:$0x3FB4]  }
0x2d: {  	s3 =	simm.s32 $0x108;
	s8 =	sld [smem:$0x3FB5]  }
0x2e: {  	s3 =	simm.s32 @!p0 $0x1082;
	s9 =	sld [smem:$0x3FB6]  }
0x2f: {  	lr =	sadd.s32 s0, s3;
	s0 =	sld [smem:$0x3FAD]  }
0x30: {  	s3 =	sld [smem:$0x3FB0]  }
0x31: {  	[smem:$0x3FB9] =	sst s10  }
0x32: {  	s10 =	sld [smem:$0x3FB7];
	_ =	sdelay $0x3  }
0x33: {  	p0 =	seq.s32 s10, $0x1;
	s10 =	sld [smem:$0x3FB9];
	_ =	sdelay $0x3  }
0x34: {  	[smem:$0x3FB9] =	sst s10  }
0x35: {  	s10 =	sld [smem:$0x3FB8];
	_ =	sdelay $0x3  }
0x36: {  	p1 =	seq.s32 s10, $0x1;
	s10 =	sld [smem:$0x3FB9];
	_ =	sdelay $0x3  }
0x37: {  	[smem:$0x3FB9] =	sst s10  }
0x38: {  	s10 =	sld [smem:$0x3FBA]  }
0x39: {  	_ = 	snop;
	(pc) =	sbr.ind lr, $3  }
0x3a: {  	_ = 	snop  }
0x3b: {  	_ = 	snop  }
0x3c: {  	p2 =	seq.s32 s10, $0x1;
	s10 =	sld [smem:$0x3FB9]  }
0x3d: {  	_ =	shalt  }
0x3e: {  	_ =	shalt  }
0x3f: {  	_ =	shalt  }
0x40: {  	_ =	shalt  }
0x41: {  	_ =	shalt  }
0x42: {  	_ =	shalt  }
0x43: {  	_ =	shalt  }
0x44: {  	_ =	shalt  }
0x45: {  	_ =	shalt  }
0x46: {  	_ =	shalt  }
0x47: {  	_ =	shalt  }
0x48: {  	_ =	shalt  }
0x49: {  	_ =	shalt  }
0x4a: {  	_ =	shalt  }
0x4b: {  	_ =	shalt  }
0x4c: {  	_ =	shalt  }
0x4d: {  	_ =	shalt  }
0x4e: {  	_ =	shalt  }
0x4f: {  	_ =	shalt  }
0x50: {  	_ =	shalt  }
0x51: {  	_ =	shalt  }
0x52: {  	_ =	shalt  }
0x53: {  	_ =	shalt  }
0x54: {  	_ =	shalt  }
0x55: {  	_ =	shalt  }
0x56: {  	_ =	shalt  }
0x57: {  	_ =	shalt  }
0x58: {  	_ =	shalt  }
0x59: {  	_ =	shalt  }
0x5a: {  	_ =	shalt  }
0x5b: {  	_ =	shalt  }
0x5c: {  	_ =	shalt  }
0x5d: {  	_ =	shalt  }
0x5e: {  	_ =	shalt  }
0x5f: {  	_ =	shalt  }
0x60: {  	_ =	shalt  }
0x61: {  	_ =	shalt  }
0x62: {  	_ =	shalt  }
0x63: {  	_ =	shalt  }
0x64: {  	_ =	shalt  }
0x65: {  	_ =	shalt  }
0x66: {  	_ =	shalt  }
0x67: {  	_ =	shalt  }
0x68: {  	_ =	shalt  }
0x69: {  	_ =	shalt  }
0x6a: {  	_ =	shalt  }
0x6b: {  	_ =	shalt  }
0x6c: {  	_ =	shalt  }
0x6d: {  	_ =	shalt  }
0x6e: {  	_ =	shalt  }
0x6f: {  	_ =	shalt  }
0x70: {  	_ =	shalt  }
0x71: {  	_ =	shalt  }
0x72: {  	_ =	shalt  }
0x73: {  	_ =	shalt  }
0x74: {  	_ =	shalt  }
0x75: {  	_ =	shalt  }
0x76: {  	_ =	shalt  }
0x77: {  	_ =	shalt  }
0x78: {  	_ =	shalt  }
0x79: {  	_ =	shalt  }
0x7a: {  	_ =	shalt  }
0x7b: {  	_ =	shalt  }
0x7c: {  	_ =	shalt  }
0x7d: {  	_ =	shalt  }
0x7e: {  	_ =	shalt  }
0x7f: {  	_ =	shalt  }
0x80: {  	_ =	shalt  }
0x81: {  	_ =	shalt  }
0x82: {  	_ =	shalt  }
0x83: {  	_ =	shalt  }
0x84: {  	_ =	shalt  }
0x85: {  	_ =	shalt  }
0x86: {  	_ =	shalt  }
0x87: {  	_ =	shalt  }
.Lfunc_end0:
.L_simem_size_0:
called_computation.1_lowered:
.L_overlay_start_0:
0x88: {  	s2 =	sld [smem:$0x3FD9]  }
0x89: {  	s3 =	sld [smem:$0x3FFE];
	_ =	sdelay $0x1  }
0x8a: {  	s1 =	srdreg.scid  }
0x8b: {  	s0 =	sand.u32 $0x1, s1  }
0x8c: {  	s17 =	sshll.u32 s0, $0xA;
	s2 =	sadd.s32 s3, s2  }
0x8d: {  	s2 =	sadd.s32 s2, s17  }
0x8e: {  	[smem:$0x3FC5] =	sst s2  }
0x8f: {  	_ = 	snop  }
0x90: {  	s2 =	sld [smem:$0x3FD0];
	(tm) =	ssettm $0x1  }
0x91: {  	s18 =	sld [smem:$0x3FFB];
	_ =	sdelay $0x3  }
0x92: {  	_ =	strace s18  }
0x93: {  	s3 =	sld [smem:$0x3FFC];
	_ =	sdelay $0x3  }
0x94: {  	_ =	strace s3  }
0x95: {  	s3 =	sld [smem:$0x3FFD];
	_ =	sdelay $0x3  }
0x96: {  	_ =	strace s3  }
0x97: {  	_ =	strace $0x8FFFFFFF  }
0x98: {  	s19 =	sld [smem:$0x3FDB];
	_ =	sdelay $0x1  }
0x99: {  	s4 =	simm.s32 $_scs_section_size  }
0x9a: {  	s5 =	simm.s32 $_size__tile_overlayer_lowered;
	s6 =	simm.s32 $_tile_overlayer_lowered  }
0x9b: {  	s22 =	simm.s32 $0x1BFF;
	s21 =	sshll.u32 s6, $0x1;
	s3 =	sadd.s32 s4, s19  }
0x9c: {  	s7 =	simm.s32 $0x0;
	s20 =	sshll.u32 s5, $0x1;
	s5 =	sadd.s32 s21, s3  }
0x9d: {  	[timem:s7], [sflag:s22] =	dma.local [hbm:s5], s20  }
0x9e: {  	_ =	swait.ge [sflag:s22], s20  }
0x9f: {  	s4 =	ssub.s32 $0x0, s20;
	[sflag:s22] =	ssyncset.done $0x0  }
0xa0: {  	[sflag:s22] =	ssyncadd.s32 s4;
	_ =	sdelay $0x1  }
0xa1: {  	s23 =	simm.s32 $0x1B8B  }
0xa2: {  	_ =	swait.ge [sflag:s23], $0x1  }
0xa3: {  	[sflag:s23] =	ssyncset.done $0x0  }
0xa4: {  	s25 =	simm.s32 $0x1B8E;
	s24 =	sld [smem:$0x3FFE];
	[sflag:s23] =	ssyncadd.s32 $0xFFFFFFFF  }
0xa5: {  	s26 =	simm.s32 $execute0_lowered;
	[smem:$0x3FD2] =	sst s25  }
0xa6: {  	s5 =	sshll.u32 s26, $0x1;
	_ =	strace $0x80000049;
	[dreg:$0x1] =	wrdreg $0xFFFFFFFF  }
0xa7: {  	s28 =	simm.s32 $_size_execute0_lowered;
	s3 =	sadd.s32 s3, s5;
	[dreg:$0x0] =	wrdreg $0x0  }
0xa8: {  	s5 =	sshll.u32 s28, $0x1;
	[dreg:$0x2] =	wrdreg s3  }
0xa9: {  	[dreg:$0x3] =	wrdreg s5  }
0xaa: {  	[dreg:$0x4] =	wrdreg $0xC0  }
0xab: {  	_ =	task [dreg:s7], $0x5FFFF  }
0xac: {  	[dreg:$0x1] =	wrdreg $0xFFFFFFFF  }
0xad: {  	[dreg:$0x0] =	wrdreg $0x60  }
0xae: {  	[dreg:$0x2] =	wrdreg s2  }
0xaf: {  	[dreg:$0x3] =	wrdreg s24  }
0xb0: {  	[dreg:$0x4] =	wrdreg $0x98000  }
0xb1: {  	[dreg:$0x5] =	wrdreg $0x9  }
0xb2: {  	_ =	task.clear_ibuf [dreg:s7], $0x6FFFF;
	_ =	strace $0x90000049  }
0xb3: {  	s29 =	simm.s32 $0x9;
	_ =	strace $0x8000004B  }
0xb4: {  	_ =	swait.ge [sflag:s29], $0x1  }
0xb5: {  	[sflag:s29] =	ssyncadd.s32 $0xFFFFFFFF  }
0xb6: {  	_ =	strace $0x9000004B  }
0xb7: {  	_ =	sfence  }
0xb8: {  	s30 =	sld [smem:$0x0];
	_ =	sdelay $0x2  }
0xb9: {  	s31 =	sshll.u32 s1, $0xD;
	s1 =	sshrl.u32 s1, $0x2  }
0xba: {  	s3 =	sand.u32 $0x4000, s31;
	s1 =	sadd.s32 s1, s30  }
0xbb: {  	s0 =	sor.u32 s3, s0;
	s1 =	sshll.u32 s1, $0x11  }
0xbc: {  	s0 =	sor.u32 s1, s0  }
0xbd: {  	s0 =	sadd.s32 $0x8F2B, s0  }
0xbe: {  	[sflag:s0] =	ssyncadd.remote.s32 $0x1  }
0xbf: {  	_ =	sfence.sel $0xFFFF  }
0xc0: {  	[dreg:$0x0] =	wrdreg $0xFFFFFFFF;
	(pc) =	sbr.abs _section_cstart, $3  }
0xc1: {  	[dreg:$0x1] =	wrdreg $0xFFFFFFFF  }
0xc2: {  	_ =	task.clear_ibuf [dreg:s7], $0x2FFFF;
	_ =	strace $0x9FFFFFFF  }
0xc3: {  	(tm) =	ssettm $0x7FFFFFFF  }
tec
execute0_lowered:
.L_overlay_start_1:
0x0: {  	(tag) =	ssettag $0x1  }
0x1: {  	s29 =	stileid.u32  }
0x2: {  	s0 =	srdreg.scid;
	s3 =	smul.u32 $0x2800, s29  }
0x3: {  	s15 =	sand.u32 $0x1, s0;
	s22 =	smul.u32 $0x14000, s29  }
0x4: {  	s2 =	rddreg [dreg:$0x1];
	s1 =	simm.s32 $0x0;
	s0 =	smul.u32 $0x28000, s15  }
0x5: {  	[smem:$0x7FF] =	sst s1;
	s4 =	ssub.s32 $0x2, s15;
	s21 =	smul.u32 $0x140000, s15  }
0x6: {  	s5 =	sshrl.u32 s4, $0x1;
	s6 =	sadd.s32 $0x4000, s22;
	s7 =	sadd.s32 $0x5000, s22  }
0x7: {  	s8 =	sadd.s32 $0x6000, s22;
	s9 =	sadd.s32 $0x7000, s22;
	s10 =	sadd.s32 $0x8000, s22  }
0x8: {  	s11 =	sadd.s32 $0x9000, s22;
	s30 =	sadd.s32 $0xA000, s22;
	s31 =	sadd.s32 $0xB000, s22  }
0x9: {  	s12 =	sadd.s32 $0xC000, s22;
	s15 =	sadd.s32 $0xD000, s22;
	s16 =	sadd.s32 $0xE000, s22  }
0xa: {  	s17 =	sadd.s32 $0xF000, s22;
	s19 =	sadd.s32 $0x11000, s22;
	s20 =	sadd.s32 $0x12000, s22  }
0xb: {  	s23 =	sadd.s32 $0x13000, s22;
	s24 =	sadd.s32 s3, s0;
	s13 =	ssub.s32 s4, s5  }
0xc: {  	s3 =	sor.u32 $0x1000, s22;
	s4 =	sor.u32 $0x2000, s22;
	s25 =	sadd.s32 s22, s21  }
0xd: {  	s5 =	sor.u32 $0x3000, s22;
	s0 =	sadd.s32 $0x10000, s22;
	s18 =	sshrl.u32 s25, $0x3  }
0xe: {  	s25 =	sadd.s32 $0x65C00, s2;
	s26 =	sadd.s32 s21, s3;
	s28 =	sadd.s32 s21, s4  }
0xf: {  	s22 =	sadd.s32 s25, s18;
	s14 =	sshrl.u32 s26, $0x3;
	s18 =	sshrl.u32 s28, $0x3  }
0x10: {  	s28 =	sadd.s32 s21, s7;
	[dreg:$0x4] =	wrdreg s22;
	s22 =	sadd.s32 s25, s14  }
0x11: {  	s26 =	sadd.s32 s25, s18;
	s14 =	sadd.s32 s21, s5;
	[dreg:$0x5] =	wrdreg s22  }
0x12: {  	s18 =	sadd.s32 s21, s6;
	[dreg:$0x6] =	wrdreg s26;
	s22 =	sshrl.u32 s14, $0x3  }
0x13: {  	s14 =	sshrl.u32 s18, $0x3;
	s18 =	sshrl.u32 s28, $0x3;
	s22 =	sadd.s32 s25, s22  }
0x14: {  	s28 =	sadd.s32 s21, s10;
	s26 =	sadd.s32 s25, s18;
	[dreg:$0x7] =	wrdreg s22  }
0x15: {  	s22 =	sadd.s32 s25, s14;
	[dreg:$0x9] =	wrdreg s26;
	s14 =	sadd.s32 s21, s8  }
0x16: {  	s18 =	sadd.s32 s21, s9;
	[dreg:$0x8] =	wrdreg s22;
	s22 =	sshrl.u32 s14, $0x3  }
0x17: {  	s14 =	sshrl.u32 s18, $0x3;
	s18 =	sshrl.u32 s28, $0x3;
	s22 =	sadd.s32 s25, s22  }
0x18: {  	s28 =	sadd.s32 s21, s31;
	s26 =	sadd.s32 s25, s18;
	[dreg:$0xa] =	wrdreg s22  }
0x19: {  	s22 =	sadd.s32 s25, s14;
	[dreg:$0xc] =	wrdreg s26;
	s14 =	sadd.s32 s21, s11  }
0x1a: {  	s18 =	sadd.s32 s21, s30;
	[dreg:$0xb] =	wrdreg s22;
	s22 =	sshrl.u32 s14, $0x3  }
0x1b: {  	s14 =	sshrl.u32 s18, $0x3;
	s18 =	sshrl.u32 s28, $0x3;
	s22 =	sadd.s32 s25, s22  }
0x1c: {  	s28 =	sadd.s32 s21, s16;
	s26 =	sadd.s32 s25, s18;
	[dreg:$0xd] =	wrdreg s22  }
0x1d: {  	s22 =	sadd.s32 s25, s14;
	[dreg:$0xf] =	wrdreg s26;
	s14 =	sadd.s32 s21, s12  }
0x1e: {  	s18 =	sadd.s32 s21, s15;
	[dreg:$0xe] =	wrdreg s22;
	s22 =	sshrl.u32 s14, $0x3  }
0x1f: {  	s14 =	sshrl.u32 s18, $0x3;
	s18 =	sshrl.u32 s28, $0x3;
	s22 =	sadd.s32 s25, s22  }
0x20: {  	s28 =	sadd.s32 s21, s19;
	s26 =	sadd.s32 s25, s18;
	[dreg:$0x10] =	wrdreg s22  }
0x21: {  	s22 =	sadd.s32 s25, s14;
	[dreg:$0x12] =	wrdreg s26;
	s14 =	sadd.s32 s21, s17  }
0x22: {  	s18 =	sadd.s32 s21, s0;
	[dreg:$0x11] =	wrdreg s22;
	s22 =	sshrl.u32 s14, $0x3  }
0x23: {  	s14 =	sshrl.u32 s18, $0x3;
	s18 =	sshrl.u32 s28, $0x3;
	s22 =	sadd.s32 s25, s22  }
0x24: {  	s29 =	smul.u32 $0x50000, s29;
	s26 =	sadd.s32 s25, s18;
	[dreg:$0x13] =	wrdreg s22  }
0x25: {  	s24 =	sshrl.u32 s24, $0x3;
	s22 =	sadd.s32 s25, s14;
	[dreg:$0x15] =	wrdreg s26  }
0x26: {  	s24 =	sadd.s32 s24, s2;
	s14 =	sadd.s32 s21, s20;
	[dreg:$0x14] =	wrdreg s22  }
0x27: {  	s18 =	sshrl.u32 s14, $0x3;
	s14 =	sadd.s32 s21, s23;
	s21 =	rddreg [dreg:$0x0]  }
0x28: {  	s22 =	rddreg [dreg:$0x2];
	s28 =	sshrl.u32 s14, $0x3;
	s26 =	sadd.s32 s25, s18  }
0x29: {  	s2 =	sadd.s32 $0x1200, s2;
	[dreg:$0x16] =	wrdreg s26;
	s25 =	sadd.s32 s25, s28  }
0x2a: {  	s18 =	sshrl.u32 s29, $0x2;
	s3 =	sadd.s32 s3, s22;
	[dreg:$0x17] =	wrdreg s25  }
0x2b: {  	s14 =	sadd.s32 s12, s22;
	_ =	strace $0x8000004A;
	[dreg:$0x18] =	wrdreg s2  }
0x2c: {  	s15 =	sadd.s32 s15, s22;
	s26 =	sadd.s32 s4, s22;
	[dreg:$0x1a] =	wrdreg s3  }
0x2d: {  	s16 =	sadd.s32 s16, s22;
	s4 =	sadd.s32 s6, s22;
	[dreg:$0x1b] =	wrdreg s26  }
0x2e: {  	s17 =	sadd.s32 s17, s22;
	s6 =	sadd.s32 s8, s22;
	[dreg:$0x1d] =	wrdreg s4  }
0x2f: {  	s0 =	sadd.s32 s0, s22;
	s8 =	sadd.s32 s10, s22;
	[dreg:$0x1f] =	wrdreg s6  }
0x30: {  	s12 =	sadd.s32 s20, s22;
	s10 =	sadd.s32 s30, s22;
	[smem:$0x7F0] =	sst s8  }
0x31: {  	s29 =	simm.s32 $0x2;
	s20 =	simm.s32 $0x580;
	[smem:$0x7F2] =	sst s10  }
0x32: {  	s18 =	sadd.s32 s18, s22;
	s28 =	simm.s32 $0x4800;
	[smem:$0x7F4] =	sst s14  }
0x33: {  	s30 =	simm.s32 $0x500;
	s25 =	sadd.s32 s19, s22;
	[smem:$0x7F5] =	sst s15  }
0x34: {  	s19 =	simm.s32 $0x3;
	s2 =	sadd.s32 s5, s22;
	[smem:$0x7F6] =	sst s16  }
0x35: {  	s5 =	sadd.s32 s7, s22;
	s7 =	sadd.s32 s9, s22;
	[smem:$0x7F7] =	sst s17  }
0x36: {  	s9 =	sadd.s32 s11, s22;
	s11 =	sadd.s32 s31, s22;
	[smem:$0x7F8] =	sst s0  }
0x37: {  	[smem:$0x7F9] =	sst s25;
	s14 =	sadd.s32 s23, s22;
	s26 =	smax.u32 s13, $0x1  }
0x38: {  	s16 =	sadd.s32 $0x5BC00, s24;
	s17 =	sadd.s32 $0x51C00, s24;
	[dreg:$0x19] =	wrdreg s18  }
0x39: {  	s13 =	simm.s32 $0x8800;
	s23 =	simm.s32 $0x400;
	[smem:$0x7FC] =	sst s12  }
0x3a: {  	s24 =	simm.s32 $0x7D;
	s25 =	simm.s32 $0x800;
	[dreg:$0x1c] =	wrdreg s2  }
0x3b: {  	s15 =	simm.s32 $0x1;
	s31 =	simm.s32 $0x80;
	[dreg:$0x1e] =	wrdreg s5  }
0x3c: {  	s0 =	simm.s32 $0x100;
	s3 =	simm.s32 $0x180;
	[smem:$0x7EF] =	sst s7  }
0x3d: {  	s4 =	simm.s32 $0x680;
	s6 =	simm.s32 $0x700;
	[smem:$0x7F1] =	sst s9  }
0x3e: {  	s8 =	simm.s32 $0x780;
	s10 =	simm.s32 $0x380;
	[smem:$0x7F3] =	sst s11  }
0x3f: {  	[smem:$0x7FA] =	sst s26;
	s26 =	simm.s32 $0x480;
	s2 =	simm.s32 $0x600  }
0x40: {  	s5 =	simm.s32 $0x200;
	s11 =	simm.s32 $0x0;
	[smem:$0x7FD] =	sst s14  }
0x41: {  	s7 =	simm.s32 $0x280;
	s9 =	simm.s32 $0x300;
	[smem:$0x7FB] =	sst s11  }
.LBB2_1:
0x42: {  	s11 =	rddreg [dreg:$0x18]  }
0x43: {  	[tilespmem:s13], [sflag:$0x3] =	stream.linear.gather [hbm4b:s11+s1], $0x1000, $0x38;
	[tilespmem:$0x1D800] =	vst v63  }
0x44: {  	_ =	swait.ge [sflag:s19], $0x1000  }
0x45: {  	[sflag:s19] =	ssyncset.done $0x0  }
0x46: {  	[sflag:s19] =	ssyncadd.s32 $0xFFFFF000  }
0x47: {  	[spmem:s18] =	stream.linear.scatter [tilespmem:s13], [sflag:$0x3], $0x1000, $0x38;
	[tilespmem:$0x1D800] =	vst v63  }
0x48: {  	_ =	swait.ge [sflag:s19], $0x1000  }
0x49: {  	[sflag:s19] =	ssyncset.done $0x0  }
0x4a: {  	s18 =	rddreg [dreg:$0x1a];
	[sflag:s19] =	ssyncadd.s32 $0xFFFFF000  }
0x4b: {  	[spmem:s18] =	stream.linear.scatter [tilespmem:s13], [sflag:$0x3], $0x1000, $0x38;
	[tilespmem:$0x1D800] =	vst v63  }
0x4c: {  	_ =	swait.ge [sflag:s19], $0x1000  }
0x4d: {  	[sflag:s19] =	ssyncset.done $0x0  }
0x4e: {  	s18 =	rddreg [dreg:$0x1b];
	[sflag:s19] =	ssyncadd.s32 $0xFFFFF000  }
0x4f: {  	[spmem:s18] =	stream.linear.scatter [tilespmem:s13], [sflag:$0x3], $0x1000, $0x38;
	[tilespmem:$0x1D800] =	vst v63  }
0x50: {  	_ =	swait.ge [sflag:s19], $0x1000  }
0x51: {  	[sflag:s19] =	ssyncset.done $0x0  }
0x52: {  	s18 =	rddreg [dreg:$0x1c];
	[sflag:s19] =	ssyncadd.s32 $0xFFFFF000  }
0x53: {  	[spmem:s18] =	stream.linear.scatter [tilespmem:s13], [sflag:$0x3], $0x1000, $0x38;
	[tilespmem:$0x1D800] =	vst v63  }
0x54: {  	_ =	swait.ge [sflag:s19], $0x1000  }
0x55: {  	[sflag:s19] =	ssyncset.done $0x0  }
0x56: {  	s18 =	rddreg [dreg:$0x1d];
	[sflag:s19] =	ssyncadd.s32 $0xFFFFF000  }
0x57: {  	[spmem:s18] =	stream.linear.scatter [tilespmem:s13], [sflag:$0x3], $0x1000, $0x38;
	[tilespmem:$0x1D800] =	vst v63  }
0x58: {  	_ =	swait.ge [sflag:s19], $0x1000  }
0x59: {  	[sflag:s19] =	ssyncset.done $0x0  }
0x5a: {  	s18 =	rddreg [dreg:$0x1e];
	[sflag:s19] =	ssyncadd.s32 $0xFFFFF000  }
0x5b: {  	[spmem:s18] =	stream.linear.scatter [tilespmem:s13], [sflag:$0x3], $0x1000, $0x38;
	[tilespmem:$0x1D800] =	vst v63  }
0x5c: {  	_ =	swait.ge [sflag:s19], $0x1000  }
0x5d: {  	[sflag:s19] =	ssyncset.done $0x0  }
0x5e: {  	s18 =	rddreg [dreg:$0x1f];
	[sflag:s19] =	ssyncadd.s32 $0xFFFFF000  }
0x5f: {  	[spmem:s18] =	stream.linear.scatter [tilespmem:s13], [sflag:$0x3], $0x1000, $0x38;
	[tilespmem:$0x1D800] =	vst v63  }
0x60: {  	_ =	swait.ge [sflag:s19], $0x1000  }
0x61: {  	s18 =	sld [smem:$0x7EF]  }
0x62: {  	[sflag:s19] =	ssyncset.done $0x0  }
0x63: {  	[sflag:s19] =	ssyncadd.s32 $0xFFFFF000  }
0x64: {  	[spmem:s18] =	stream.linear.scatter [tilespmem:s13], [sflag:$0x3], $0x1000, $0x38;
	[tilespmem:$0x1D800] =	vst v63  }
0x65: {  	_ =	swait.ge [sflag:s19], $0x1000  }
0x66: {  	s18 =	sld [smem:$0x7F0]  }
0x67: {  	[sflag:s19] =	ssyncset.done $0x0  }
0x68: {  	[sflag:s19] =	ssyncadd.s32 $0xFFFFF000  }
0x69: {  	[spmem:s18] =	stream.linear.scatter [tilespmem:s13], [sflag:$0x3], $0x1000, $0x38;
	[tilespmem:$0x1D800] =	vst v63  }
0x6a: {  	_ =	swait.ge [sflag:s19], $0x1000  }
0x6b: {  	s18 =	sld [smem:$0x7F1]  }
0x6c: {  	[sflag:s19] =	ssyncset.done $0x0  }
0x6d: {  	[sflag:s19] =	ssyncadd.s32 $0xFFFFF000  }
0x6e: {  	[spmem:s18] =	stream.linear.scatter [tilespmem:s13], [sflag:$0x3], $0x1000, $0x38;
	[tilespmem:$0x1D800] =	vst v63  }
0x6f: {  	_ =	swait.ge [sflag:s19], $0x1000  }
0x70: {  	s18 =	sld [smem:$0x7F2]  }
0x71: {  	[sflag:s19] =	ssyncset.done $0x0  }
0x72: {  	[sflag:s19] =	ssyncadd.s32 $0xFFFFF000  }
0x73: {  	[spmem:s18] =	stream.linear.scatter [tilespmem:s13], [sflag:$0x3], $0x1000, $0x38;
	[tilespmem:$0x1D800] =	vst v63  }
0x74: {  	_ =	swait.ge [sflag:s19], $0x1000  }
0x75: {  	s18 =	sld [smem:$0x7F3]  }
0x76: {  	[sflag:s19] =	ssyncset.done $0x0  }
0x77: {  	[sflag:s19] =	ssyncadd.s32 $0xFFFFF000  }
0x78: {  	[spmem:s18] =	stream.linear.scatter [tilespmem:s13], [sflag:$0x3], $0x1000, $0x38;
	[tilespmem:$0x1D800] =	vst v63  }
0x79: {  	_ =	swait.ge [sflag:s19], $0x1000  }
0x7a: {  	s18 =	sld [smem:$0x7F4]  }
0x7b: {  	[sflag:s19] =	ssyncset.done $0x0  }
0x7c: {  	[sflag:s19] =	ssyncadd.s32 $0xFFFFF000  }
0x7d: {  	[spmem:s18] =	stream.linear.scatter [tilespmem:s13], [sflag:$0x3], $0x1000, $0x38;
	[tilespmem:$0x1D800] =	vst v63  }
0x7e: {  	_ =	swait.ge [sflag:s19], $0x1000  }
0x7f: {  	s18 =	sld [smem:$0x7F5]  }
0x80: {  	[sflag:s19] =	ssyncset.done $0x0  }
0x81: {  	[sflag:s19] =	ssyncadd.s32 $0xFFFFF000  }
0x82: {  	[spmem:s18] =	stream.linear.scatter [tilespmem:s13], [sflag:$0x3], $0x1000, $0x38;
	[tilespmem:$0x1D800] =	vst v63  }
0x83: {  	_ =	swait.ge [sflag:s19], $0x1000  }
0x84: {  	s18 =	sld [smem:$0x7F6]  }
0x85: {  	[sflag:s19] =	ssyncset.done $0x0  }
0x86: {  	[sflag:s19] =	ssyncadd.s32 $0xFFFFF000  }
0x87: {  	[spmem:s18] =	stream.linear.scatter [tilespmem:s13], [sflag:$0x3], $0x1000, $0x38;
	[tilespmem:$0x1D800] =	vst v63  }
0x88: {  	_ =	swait.ge [sflag:s19], $0x1000  }
0x89: {  	s18 =	sld [smem:$0x7F7]  }
0x8a: {  	[sflag:s19] =	ssyncset.done $0x0  }
0x8b: {  	[sflag:s19] =	ssyncadd.s32 $0xFFFFF000  }
0x8c: {  	[spmem:s18] =	stream.linear.scatter [tilespmem:s13], [sflag:$0x3], $0x1000, $0x38;
	[tilespmem:$0x1D800] =	vst v63  }
0x8d: {  	_ =	swait.ge [sflag:s19], $0x1000  }
0x8e: {  	s18 =	sld [smem:$0x7F8]  }
0x8f: {  	[sflag:s19] =	ssyncset.done $0x0  }
0x90: {  	[sflag:s19] =	ssyncadd.s32 $0xFFFFF000  }
0x91: {  	[spmem:s18] =	stream.linear.scatter [tilespmem:s13], [sflag:$0x3], $0x1000, $0x38;
	[tilespmem:$0x1D800] =	vst v63  }
0x92: {  	_ =	swait.ge [sflag:s19], $0x1000  }
0x93: {  	s18 =	sld [smem:$0x7F9]  }
0x94: {  	[sflag:s19] =	ssyncset.done $0x0  }
0x95: {  	[sflag:s19] =	ssyncadd.s32 $0xFFFFF000  }
0x96: {  	[spmem:s18] =	stream.linear.scatter [tilespmem:s13], [sflag:$0x3], $0x1000, $0x38;
	[tilespmem:$0x1D800] =	vst v63  }
0x97: {  	_ =	swait.ge [sflag:s19], $0x1000  }
0x98: {  	[sflag:s19] =	ssyncset.done $0x0  }
0x99: {  	[sflag:s19] =	ssyncadd.s32 $0xFFFFF000  }
0x9a: {  	[spmem:s12] =	stream.linear.scatter [tilespmem:s13], [sflag:$0x3], $0x1000, $0x38;
	[tilespmem:$0x1D800] =	vst v63  }
0x9b: {  	_ =	swait.ge [sflag:s19], $0x1000  }
0x9c: {  	[sflag:s19] =	ssyncset.done $0x0  }
0x9d: {  	[sflag:s19] =	ssyncadd.s32 $0xFFFFF000  }
0x9e: {  	[spmem:s14] =	stream.linear.scatter [tilespmem:s13], [sflag:$0x3], $0x1000, $0x38;
	[tilespmem:$0x1D800] =	vst v63  }
0x9f: {  	_ =	swait.ge [sflag:s19], $0x1000  }
0xa0: {  	[sflag:s19] =	ssyncset.done $0x0  }
0xa1: {  	[sflag:s19] =	ssyncadd.s32 $0xFFFFF000  }
0xa2: {  	s14 =	sadd.s32 $0x0, s17;
	[bflag:$0x0] =	sbarrier.arrive $0xFFFF  }
0xa3: {  	[tilespmem:s1], [sflag:$0x3] =	stream.linear.gather [hbm4b:s14+s1], $0x400, $0x38;
	[tilespmem:$0x1D800] =	vst v63  }
0xa4: {  	_ =	swait.ge [sflag:s19], $0x400  }
0xa5: {  	[sflag:s19] =	ssyncset.done $0x0  }
0xa6: {  	s18 =	sadd.s32 $0x0, s16;
	[sflag:s19] =	ssyncadd.s32 $0xFFFFFC00  }
0xa7: {  	[tilespmem:s23], [sflag:$0x3] =	stream.linear.gather [hbm4b:s18+s1], $0x400, $0x38;
	[tilespmem:$0x1D800] =	vst v63  }
0xa8: {  	_ =	swait.ge [sflag:s19], $0x400  }
0xa9: {  	[sflag:s19] =	ssyncset.done $0x0  }
0xaa: {  	[sflag:s19] =	ssyncadd.s32 $0xFFFFFC00  }
0xab: {  	[tilespmem:s25], [sflag:$0x1] =	stream.indirect.gather [hbm4b:s21+s24], $0x80, s23, s24, $0xb8;
	[tilespmem:$0x1D800] =	vst v63  }
0xac: {  	_ =	swait.ge [sflag:s15], $0x3E80  }
0xad: {  	[sflag:s15] =	ssyncset.done $0x0  }
0xae: {  	[sflag:s15] =	ssyncadd.s32 $0xFFFFC180  }
0xaf: {  	[tilespmem:s28], [sflag:$0x2] =	stream.indirect.gather [hbm4b:s21+s24], $0x80, s26, s24, $0xb8;
	[tilespmem:$0x1D800] =	vst v63  }
0xb0: {  	_ = 	snop  }
0xb1: {  	[spmem:s22] =	stream.indirect.scatter.add.f32 [tilespmem:s25], [sflag:$0x3], $0x80, s1, s24, $0xb8;
	[tilespmem:$0x1D800] =	vst v63  }
0xb2: {  	_ =	swait.ge [sflag:s19], $0x3E80  }
0xb3: {  	[sflag:s19] =	ssyncset.done $0x0  }
0xb4: {  	[sflag:s19] =	ssyncadd.s32 $0xFFFFC180  }
0xb5: {  	_ =	swait.ge [sflag:s29], $0x3E80  }
0xb6: {  	[sflag:s29] =	ssyncset.done $0x0  }
0xb7: {  	[sflag:s29] =	ssyncadd.s32 $0xFFFFC180  }
0xb8: {  	[tilespmem:s25], [sflag:$0x1] =	stream.indirect.gather [hbm4b:s21+s24], $0x80, s30, s24, $0xb8;
	[tilespmem:$0x1D800] =	vst v63  }
0xb9: {  	_ = 	snop  }
0xba: {  	[spmem:s22] =	stream.indirect.scatter.add.f32 [tilespmem:s28], [sflag:$0x3], $0x80, s31, s24, $0xb8;
	[tilespmem:$0x1D800] =	vst v63  }
0xbb: {  	_ =	swait.ge [sflag:s19], $0x3E80  }
0xbc: {  	[sflag:s19] =	ssyncset.done $0x0  }
0xbd: {  	[sflag:s19] =	ssyncadd.s32 $0xFFFFC180  }
0xbe: {  	_ =	swait.ge [sflag:s15], $0x3E80  }
0xbf: {  	[sflag:s15] =	ssyncset.done $0x0  }
0xc0: {  	[sflag:s15] =	ssyncadd.s32 $0xFFFFC180  }
0xc1: {  	[tilespmem:s28], [sflag:$0x2] =	stream.indirect.gather [hbm4b:s21+s24], $0x80, s20, s24, $0xb8;
	[tilespmem:$0x1D800] =	vst v63  }
0xc2: {  	_ = 	snop  }
0xc3: {  	[spmem:s22] =	stream.indirect.scatter.add.f32 [tilespmem:s25], [sflag:$0x3], $0x80, s0, s24, $0xb8;
	[tilespmem:$0x1D800] =	vst v63  }
0xc4: {  	_ =	swait.ge [sflag:s19], $0x3E80  }
0xc5: {  	[sflag:s19] =	ssyncset.done $0x0  }
0xc6: {  	[sflag:s19] =	ssyncadd.s32 $0xFFFFC180  }
0xc7: {  	_ =	swait.ge [sflag:s29], $0x3E80  }
0xc8: {  	[sflag:s29] =	ssyncset.done $0x0  }
0xc9: {  	[sflag:s29] =	ssyncadd.s32 $0xFFFFC180  }
0xca: {  	[tilespmem:s25], [sflag:$0x1] =	stream.indirect.gather [hbm4b:s21+s24], $0x80, s2, s24, $0xb8;
	[tilespmem:$0x1D800] =	vst v63  }
0xcb: {  	_ = 	snop  }
0xcc: {  	[spmem:s22] =	stream.indirect.scatter.add.f32 [tilespmem:s28], [sflag:$0x3], $0x80, s3, s24, $0xb8;
	[tilespmem:$0x1D800] =	vst v63  }
0xcd: {  	_ =	swait.ge [sflag:s19], $0x3E80  }
0xce: {  	[sflag:s19] =	ssyncset.done $0x0  }
0xcf: {  	[sflag:s19] =	ssyncadd.s32 $0xFFFFC180  }
0xd0: {  	_ =	swait.ge [sflag:s15], $0x3E80  }
0xd1: {  	[sflag:s15] =	ssyncset.done $0x0  }
0xd2: {  	[sflag:s15] =	ssyncadd.s32 $0xFFFFC180  }
0xd3: {  	[tilespmem:s28], [sflag:$0x2] =	stream.indirect.gather [hbm4b:s21+s24], $0x80, s4, s24, $0xb8;
	[tilespmem:$0x1D800] =	vst v63  }
0xd4: {  	_ = 	snop  }
0xd5: {  	[spmem:s22] =	stream.indirect.scatter.add.f32 [tilespmem:s25], [sflag:$0x3], $0x80, s5, s24, $0xb8;
	[tilespmem:$0x1D800] =	vst v63  }
0xd6: {  	_ =	swait.ge [sflag:s19], $0x3E80  }
0xd7: {  	[sflag:s19] =	ssyncset.done $0x0  }
0xd8: {  	[sflag:s19] =	ssyncadd.s32 $0xFFFFC180  }
0xd9: {  	_ =	swait.ge [sflag:s29], $0x3E80  }
0xda: {  	[sflag:s29] =	ssyncset.done $0x0  }
0xdb: {  	[sflag:s29] =	ssyncadd.s32 $0xFFFFC180  }
0xdc: {  	[tilespmem:s25], [sflag:$0x1] =	stream.indirect.gather [hbm4b:s21+s24], $0x80, s6, s24, $0xb8;
	[tilespmem:$0x1D800] =	vst v63  }
0xdd: {  	_ = 	snop  }
0xde: {  	[spmem:s22] =	stream.indirect.scatter.add.f32 [tilespmem:s28], [sflag:$0x3], $0x80, s7, s24, $0xb8;
	[tilespmem:$0x1D800] =	vst v63  }
0xdf: {  	_ =	swait.ge [sflag:s19], $0x3E80  }
0xe0: {  	[sflag:s19] =	ssyncset.done $0x0  }
0xe1: {  	[sflag:s19] =	ssyncadd.s32 $0xFFFFC180  }
0xe2: {  	_ =	swait.ge [sflag:s15], $0x3E80  }
0xe3: {  	[sflag:s15] =	ssyncset.done $0x0  }
0xe4: {  	[sflag:s15] =	ssyncadd.s32 $0xFFFFC180  }
0xe5: {  	[tilespmem:s28], [sflag:$0x2] =	stream.indirect.gather [hbm4b:s21+s24], $0x80, s8, s24, $0xb8;
	[tilespmem:$0x1D800] =	vst v63  }
0xe6: {  	_ = 	snop  }
0xe7: {  	[spmem:s22] =	stream.indirect.scatter.add.f32 [tilespmem:s25], [sflag:$0x3], $0x80, s9, s24, $0xb8;
	[tilespmem:$0x1D800] =	vst v63  }
0xe8: {  	_ =	swait.ge [sflag:s19], $0x3E80  }
0xe9: {  	[sflag:s19] =	ssyncset.done $0x0  }
0xea: {  	[sflag:s19] =	ssyncadd.s32 $0xFFFFC180  }
0xeb: {  	_ =	swait.ge [sflag:s29], $0x3E80  }
0xec: {  	[sflag:s29] =	ssyncset.done $0x0  }
0xed: {  	[sflag:s29] =	ssyncadd.s32 $0xFFFFC180  }
0xee: {  	[spmem:s22] =	stream.indirect.scatter.add.f32 [tilespmem:s28], [sflag:$0x3], $0x80, s10, s24, $0xb8;
	[tilespmem:$0x1D800] =	vst v63  }
0xef: {  	_ =	swait.ge [sflag:s19], $0x3E80  }
0xf0: {  	s12 =	simm.s32 $0x80;
	s13 =	simm.s32 $0x100;
	[sflag:s19] =	ssyncset.done $0x0  }
.LBB2_2:
0xf1: {  	s11 =	sadd.s32 s12, s17  }
0xf2: {  	[sflag:s19] =	ssyncadd.s32 $0xFFFFC180;
	s18 =	smov.u32 s13;
	s14 =	sadd.s32 $0x80, s13  }
0xf3: {  	[tilespmem:s1], [sflag:$0x3] =	stream.linear.gather [hbm4b:s11+s1], $0x400, $0x38;
	[tilespmem:$0x1D800] =	vst v63  }
0xf4: {  	p0 =	sne.s32 s13, $0x480;
	_ =	swait.ge [sflag:s19], $0x400  }
0xf5: {  	[sflag:s19] =	ssyncset.done $0x0  }
0xf6: {  	s11 =	sadd.s32 s12, s16;
	s12 =	smov.u32 s18;
	[sflag:s19] =	ssyncadd.s32 $0xFFFFFC00  }
0xf7: {  	[tilespmem:s23], [sflag:$0x3] =	stream.linear.gather [hbm4b:s11+s1], $0x400, $0x38;
	[tilespmem:$0x1D800] =	vst v63  }
0xf8: {  	_ =	swait.ge [sflag:s19], $0x400  }
0xf9: {  	[sflag:s19] =	ssyncset.done $0x0  }
0xfa: {  	[sflag:s19] =	ssyncadd.s32 $0xFFFFFC00  }
0xfb: {  	[tilespmem:s25], [sflag:$0x1] =	stream.indirect.gather [hbm4b:s21+s24], $0x80, s23, s24, $0xb8;
	[tilespmem:$0x1D800] =	vst v63  }
0xfc: {  	_ =	swait.ge [sflag:s15], $0x3E80  }
0xfd: {  	[sflag:s15] =	ssyncset.done $0x0  }
0xfe: {  	[sflag:s15] =	ssyncadd.s32 $0xFFFFC180  }
0xff: {  	[tilespmem:s28], [sflag:$0x2] =	stream.indirect.gather [hbm4b:s21+s24], $0x80, s26, s24, $0xb8;
	[tilespmem:$0x1D800] =	vst v63  }
0x100: {  	_ = 	snop  }
0x101: {  	[spmem:s22] =	stream.indirect.scatter.add.f32 [tilespmem:s25], [sflag:$0x3], $0x80, s1, s24, $0xb8;
	[tilespmem:$0x1D800] =	vst v63  }
0x102: {  	_ =	swait.ge [sflag:s19], $0x3E80  }
0x103: {  	[sflag:s19] =	ssyncset.done $0x0  }
0x104: {  	[sflag:s19] =	ssyncadd.s32 $0xFFFFC180  }
0x105: {  	_ =	swait.ge [sflag:s29], $0x3E80  }
0x106: {  	[sflag:s29] =	ssyncset.done $0x0  }
0x107: {  	[sflag:s29] =	ssyncadd.s32 $0xFFFFC180  }
0x108: {  	[tilespmem:s25], [sflag:$0x1] =	stream.indirect.gather [hbm4b:s21+s24], $0x80, s30, s24, $0xb8;
	[tilespmem:$0x1D800] =	vst v63  }
0x109: {  	_ = 	snop  }
0x10a: {  	[spmem:s22] =	stream.indirect.scatter.add.f32 [tilespmem:s28], [sflag:$0x3], $0x80, s31, s24, $0xb8;
	[tilespmem:$0x1D800] =	vst v63  }
0x10b: {  	_ =	swait.ge [sflag:s19], $0x3E80  }
0x10c: {  	[sflag:s19] =	ssyncset.done $0x0  }
0x10d: {  	[sflag:s19] =	ssyncadd.s32 $0xFFFFC180  }
0x10e: {  	_ =	swait.ge [sflag:s15], $0x3E80  }
0x10f: {  	[sflag:s15] =	ssyncset.done $0x0  }
0x110: {  	[sflag:s15] =	ssyncadd.s32 $0xFFFFC180  }
0x111: {  	[tilespmem:s28], [sflag:$0x2] =	stream.indirect.gather [hbm4b:s21+s24], $0x80, s20, s24, $0xb8;
	[tilespmem:$0x1D800] =	vst v63  }
0x112: {  	_ = 	snop  }
0x113: {  	[spmem:s22] =	stream.indirect.scatter.add.f32 [tilespmem:s25], [sflag:$0x3], $0x80, s0, s24, $0xb8;
	[tilespmem:$0x1D800] =	vst v63  }
0x114: {  	_ =	swait.ge [sflag:s19], $0x3E80  }
0x115: {  	[sflag:s19] =	ssyncset.done $0x0  }
0x116: {  	[sflag:s19] =	ssyncadd.s32 $0xFFFFC180  }
0x117: {  	_ =	swait.ge [sflag:s29], $0x3E80  }
0x118: {  	[sflag:s29] =	ssyncset.done $0x0  }
0x119: {  	[sflag:s29] =	ssyncadd.s32 $0xFFFFC180  }
0x11a: {  	[tilespmem:s25], [sflag:$0x1] =	stream.indirect.gather [hbm4b:s21+s24], $0x80, s2, s24, $0xb8;
	[tilespmem:$0x1D800] =	vst v63  }
0x11b: {  	_ = 	snop  }
0x11c: {  	[spmem:s22] =	stream.indirect.scatter.add.f32 [tilespmem:s28], [sflag:$0x3], $0x80, s3, s24, $0xb8;
	[tilespmem:$0x1D800] =	vst v63  }
0x11d: {  	_ =	swait.ge [sflag:s19], $0x3E80  }
0x11e: {  	[sflag:s19] =	ssyncset.done $0x0  }
0x11f: {  	[sflag:s19] =	ssyncadd.s32 $0xFFFFC180  }
0x120: {  	_ =	swait.ge [sflag:s15], $0x3E80  }
0x121: {  	[sflag:s15] =	ssyncset.done $0x0  }
0x122: {  	[sflag:s15] =	ssyncadd.s32 $0xFFFFC180  }
0x123: {  	[tilespmem:s28], [sflag:$0x2] =	stream.indirect.gather [hbm4b:s21+s24], $0x80, s4, s24, $0xb8;
	[tilespmem:$0x1D800] =	vst v63  }
0x124: {  	_ = 	snop  }
0x125: {  	[spmem:s22] =	stream.indirect.scatter.add.f32 [tilespmem:s25], [sflag:$0x3], $0x80, s5, s24, $0xb8;
	[tilespmem:$0x1D800] =	vst v63  }
0x126: {  	_ =	swait.ge [sflag:s19], $0x3E80  }
0x127: {  	[sflag:s19] =	ssyncset.done $0x0  }
0x128: {  	[sflag:s19] =	ssyncadd.s32 $0xFFFFC180  }
0x129: {  	_ =	swait.ge [sflag:s29], $0x3E80  }
0x12a: {  	[sflag:s29] =	ssyncset.done $0x0  }
0x12b: {  	[sflag:s29] =	ssyncadd.s32 $0xFFFFC180  }
0x12c: {  	[tilespmem:s25], [sflag:$0x1] =	stream.indirect.gather [hbm4b:s21+s24], $0x80, s6, s24, $0xb8;
	[tilespmem:$0x1D800] =	vst v63  }
0x12d: {  	_ = 	snop  }
0x12e: {  	[spmem:s22] =	stream.indirect.scatter.add.f32 [tilespmem:s28], [sflag:$0x3], $0x80, s7, s24, $0xb8;
	[tilespmem:$0x1D800] =	vst v63  }
0x12f: {  	_ =	swait.ge [sflag:s19], $0x3E80  }
0x130: {  	[sflag:s19] =	ssyncset.done $0x0  }
0x131: {  	[sflag:s19] =	ssyncadd.s32 $0xFFFFC180  }
0x132: {  	_ =	swait.ge [sflag:s15], $0x3E80  }
0x133: {  	[sflag:s15] =	ssyncset.done $0x0  }
0x134: {  	[sflag:s15] =	ssyncadd.s32 $0xFFFFC180  }
0x135: {  	[tilespmem:s28], [sflag:$0x2] =	stream.indirect.gather [hbm4b:s21+s24], $0x80, s8, s24, $0xb8;
	[tilespmem:$0x1D800] =	vst v63  }
0x136: {  	_ = 	snop  }
0x137: {  	[spmem:s22] =	stream.indirect.scatter.add.f32 [tilespmem:s25], [sflag:$0x3], $0x80, s9, s24, $0xb8;
	[tilespmem:$0x1D800] =	vst v63  }
0x138: {  	_ =	swait.ge [sflag:s19], $0x3E80  }
0x139: {  	[sflag:s19] =	ssyncset.done $0x0  }
0x13a: {  	[sflag:s19] =	ssyncadd.s32 $0xFFFFC180  }
0x13b: {  	_ =	swait.ge [sflag:s29], $0x3E80  }
.Ltmp0:
0x13c: {  	[sflag:s29] =	ssyncset.done $0x0;
	(pc) =	sbr.rel @p0 .LBB2_2-.Ltmp0, $4  }
0x13d: {  	[sflag:s29] =	ssyncadd.s32 $0xFFFFC180  }
0x13e: {  	[spmem:s22] =	stream.indirect.scatter.add.f32 [tilespmem:s28], [sflag:$0x3], $0x80, s10, s24, $0xb8;
	[tilespmem:$0x1D800] =	vst v63  }
0x13f: {  	_ =	swait.ge [sflag:s19], $0x3E80  }
0x140: {  	s13 =	smov.u32 s14;
	[sflag:s19] =	ssyncset.done $0x0  }
0x141: {  	s11 =	sadd.s32 s12, s17;
	[sflag:s19] =	ssyncadd.s32 $0xFFFFC180  }
0x142: {  	[tilespmem:s1], [sflag:$0x3] =	stream.linear.gather [hbm4b:s11+s1], $0x400, $0x38;
	[tilespmem:$0x1D800] =	vst v63  }
0x143: {  	_ =	swait.ge [sflag:s19], $0x400  }
0x144: {  	[sflag:s19] =	ssyncset.done $0x0  }
0x145: {  	s13 =	sadd.s32 s12, s16;
	[sflag:s19] =	ssyncadd.s32 $0xFFFFFC00  }
0x146: {  	[tilespmem:s23], [sflag:$0x3] =	stream.linear.gather [hbm4b:s13+s1], $0x400, $0x38;
	[tilespmem:$0x1D800] =	vst v63  }
0x147: {  	_ =	swait.ge [sflag:s19], $0x400  }
0x148: {  	[sflag:s19] =	ssyncset.done $0x0  }
0x149: {  	[sflag:s19] =	ssyncadd.s32 $0xFFFFFC00  }
0x14a: {  	[tilespmem:s25], [sflag:$0x1] =	stream.indirect.gather [hbm4b:s21+s24], $0x80, s23, s24, $0xb8;
	[tilespmem:$0x1D800] =	vst v63  }
0x14b: {  	_ =	swait.ge [sflag:s15], $0x3E80  }
0x14c: {  	[sflag:s15] =	ssyncset.done $0x0  }
0x14d: {  	[sflag:s15] =	ssyncadd.s32 $0xFFFFC180  }
0x14e: {  	[tilespmem:s28], [sflag:$0x2] =	stream.indirect.gather [hbm4b:s21+s24], $0x80, s26, s24, $0xb8;
	[tilespmem:$0x1D800] =	vst v63  }
0x14f: {  	_ = 	snop  }
0x150: {  	[spmem:s22] =	stream.indirect.scatter.add.f32 [tilespmem:s25], [sflag:$0x3], $0x80, s1, s24, $0xb8;
	[tilespmem:$0x1D800] =	vst v63  }
0x151: {  	_ =	swait.ge [sflag:s19], $0x3E80  }
0x152: {  	[sflag:s19] =	ssyncset.done $0x0  }
0x153: {  	[sflag:s19] =	ssyncadd.s32 $0xFFFFC180  }
0x154: {  	_ =	swait.ge [sflag:s29], $0x3E80  }
0x155: {  	[sflag:s29] =	ssyncset.done $0x0  }
0x156: {  	[sflag:s29] =	ssyncadd.s32 $0xFFFFC180  }
0x157: {  	[tilespmem:s25], [sflag:$0x1] =	stream.indirect.gather [hbm4b:s21+s24], $0x80, s30, s24, $0xb8;
	[tilespmem:$0x1D800] =	vst v63  }
0x158: {  	_ = 	snop  }
0x159: {  	[spmem:s22] =	stream.indirect.scatter.add.f32 [tilespmem:s28], [sflag:$0x3], $0x80, s31, s24, $0xb8;
	[tilespmem:$0x1D800] =	vst v63  }
0x15a: {  	_ =	swait.ge [sflag:s19], $0x3E80  }
0x15b: {  	[sflag:s19] =	ssyncset.done $0x0  }
0x15c: {  	[sflag:s19] =	ssyncadd.s32 $0xFFFFC180  }
0x15d: {  	_ =	swait.ge [sflag:s15], $0x3E80  }
0x15e: {  	[sflag:s15] =	ssyncset.done $0x0  }
0x15f: {  	[sflag:s15] =	ssyncadd.s32 $0xFFFFC180  }
0x160: {  	[tilespmem:s28], [sflag:$0x2] =	stream.indirect.gather [hbm4b:s21+s24], $0x80, s20, s24, $0xb8;
	[tilespmem:$0x1D800] =	vst v63  }
0x161: {  	_ = 	snop  }
0x162: {  	[spmem:s22] =	stream.indirect.scatter.add.f32 [tilespmem:s25], [sflag:$0x3], $0x80, s0, s24, $0xb8;
	[tilespmem:$0x1D800] =	vst v63  }
0x163: {  	_ =	swait.ge [sflag:s19], $0x3E80  }
0x164: {  	[sflag:s19] =	ssyncset.done $0x0  }
0x165: {  	[sflag:s19] =	ssyncadd.s32 $0xFFFFC180  }
0x166: {  	_ =	swait.ge [sflag:s29], $0x3E80  }
0x167: {  	[sflag:s29] =	ssyncset.done $0x0  }
0x168: {  	[sflag:s29] =	ssyncadd.s32 $0xFFFFC180  }
0x169: {  	[tilespmem:s25], [sflag:$0x1] =	stream.indirect.gather [hbm4b:s21+s24], $0x80, s2, s24, $0xb8;
	[tilespmem:$0x1D800] =	vst v63  }
0x16a: {  	_ = 	snop  }
0x16b: {  	[spmem:s22] =	stream.indirect.scatter.add.f32 [tilespmem:s28], [sflag:$0x3], $0x80, s3, s24, $0xb8;
	[tilespmem:$0x1D800] =	vst v63  }
0x16c: {  	_ =	swait.ge [sflag:s19], $0x3E80  }
0x16d: {  	[sflag:s19] =	ssyncset.done $0x0  }
0x16e: {  	[sflag:s19] =	ssyncadd.s32 $0xFFFFC180  }
0x16f: {  	_ =	swait.ge [sflag:s15], $0x3E80  }
0x170: {  	[sflag:s15] =	ssyncset.done $0x0  }
0x171: {  	[sflag:s15] =	ssyncadd.s32 $0xFFFFC180  }
0x172: {  	[tilespmem:s28], [sflag:$0x2] =	stream.indirect.gather [hbm4b:s21+s24], $0x80, s4, s24, $0xb8;
	[tilespmem:$0x1D800] =	vst v63  }
0x173: {  	_ = 	snop  }
0x174: {  	[spmem:s22] =	stream.indirect.scatter.add.f32 [tilespmem:s25], [sflag:$0x3], $0x80, s5, s24, $0xb8;
	[tilespmem:$0x1D800] =	vst v63  }
0x175: {  	_ =	swait.ge [sflag:s19], $0x3E80  }
0x176: {  	[sflag:s19] =	ssyncset.done $0x0  }
0x177: {  	[sflag:s19] =	ssyncadd.s32 $0xFFFFC180  }
0x178: {  	_ =	swait.ge [sflag:s29], $0x3E80  }
0x179: {  	[sflag:s29] =	ssyncset.done $0x0  }
0x17a: {  	[sflag:s29] =	ssyncadd.s32 $0xFFFFC180  }
0x17b: {  	[tilespmem:s25], [sflag:$0x1] =	stream.indirect.gather [hbm4b:s21+s24], $0x80, s6, s24, $0xb8;
	[tilespmem:$0x1D800] =	vst v63  }
0x17c: {  	_ = 	snop  }
0x17d: {  	[spmem:s22] =	stream.indirect.scatter.add.f32 [tilespmem:s28], [sflag:$0x3], $0x80, s7, s24, $0xb8;
	[tilespmem:$0x1D800] =	vst v63  }
0x17e: {  	_ =	swait.ge [sflag:s19], $0x3E80  }
0x17f: {  	[sflag:s19] =	ssyncset.done $0x0  }
0x180: {  	[sflag:s19] =	ssyncadd.s32 $0xFFFFC180  }
0x181: {  	_ =	swait.ge [sflag:s15], $0x3E80  }
0x182: {  	[sflag:s15] =	ssyncset.done $0x0  }
0x183: {  	[sflag:s15] =	ssyncadd.s32 $0xFFFFC180  }
0x184: {  	[tilespmem:s28], [sflag:$0x2] =	stream.indirect.gather [hbm4b:s21+s24], $0x80, s8, s24, $0xb8;
	[tilespmem:$0x1D800] =	vst v63  }
0x185: {  	_ = 	snop  }
0x186: {  	[spmem:s22] =	stream.indirect.scatter.add.f32 [tilespmem:s25], [sflag:$0x3], $0x80, s9, s24, $0xb8;
	[tilespmem:$0x1D800] =	vst v63  }
0x187: {  	_ =	swait.ge [sflag:s19], $0x3E80  }
0x188: {  	[sflag:s19] =	ssyncset.done $0x0  }
0x189: {  	[sflag:s19] =	ssyncadd.s32 $0xFFFFC180  }
0x18a: {  	_ =	swait.ge [sflag:s29], $0x3E80  }
0x18b: {  	[sflag:s29] =	ssyncset.done $0x0  }
0x18c: {  	[sflag:s29] =	ssyncadd.s32 $0xFFFFC180  }
0x18d: {  	[spmem:s22] =	stream.indirect.scatter.add.f32 [tilespmem:s28], [sflag:$0x3], $0x80, s10, s24, $0xb8;
	[tilespmem:$0x1D800] =	vst v63  }
0x18e: {  	_ =	swait.ge [sflag:s19], $0x3E80  }
0x18f: {  	[sflag:s19] =	ssyncset.done $0x0  }
0x190: {  	[sflag:s19] =	ssyncadd.s32 $0xFFFFC180  }
0x191: {  	[bflag:$0x0] =	sbarrier.arrive $0xFFFF  }
0x192: {  	s13 =	simm.s32 $0x8800;
	s14 =	rddreg [dreg:$0x19]  }
0x193: {  	[tilespmem:s13], [sflag:$0x3] =	stream.linear.gather [spmem:s14], $0x1000, $0x38;
	[tilespmem:$0x1D800] =	vst v63  }
0x194: {  	_ =	swait.ge [sflag:s19], $0x1000  }
0x195: {  	[sflag:s19] =	ssyncset.done $0x0  }
0x196: {  	s18 =	rddreg [dreg:$0x4];
	[sflag:s19] =	ssyncadd.s32 $0xFFFFF000  }
0x197: {  	[hbm4b:s18+s1] =	stream.linear.scatter [tilespmem:s13], [sflag:$0x3], $0x1000, $0x38;
	[tilespmem:$0x1D800] =	vst v63  }
0x198: {  	_ =	swait.ge [sflag:s19], $0x1000  }
0x199: {  	[sflag:s19] =	ssyncset.done $0x0  }
0x19a: {  	s12 =	rddreg [dreg:$0x1a];
	[sflag:s19] =	ssyncadd.s32 $0xFFFFF000  }
0x19b: {  	[tilespmem:s13], [sflag:$0x3] =	stream.linear.gather [spmem:s12], $0x1000, $0x38;
	[tilespmem:$0x1D800] =	vst v63  }
0x19c: {  	_ =	swait.ge [sflag:s19], $0x1000  }
0x19d: {  	[sflag:s19] =	ssyncset.done $0x0  }
0x19e: {  	s14 =	rddreg [dreg:$0x5];
	[sflag:s19] =	ssyncadd.s32 $0xFFFFF000  }
0x19f: {  	[hbm4b:s14+s1] =	stream.linear.scatter [tilespmem:s13], [sflag:$0x3], $0x1000, $0x38;
	[tilespmem:$0x1D800] =	vst v63  }
0x1a0: {  	_ =	swait.ge [sflag:s19], $0x1000  }
0x1a1: {  	[sflag:s19] =	ssyncset.done $0x0  }
0x1a2: {  	s18 =	rddreg [dreg:$0x1b];
	[sflag:s19] =	ssyncadd.s32 $0xFFFFF000  }
0x1a3: {  	[tilespmem:s13], [sflag:$0x3] =	stream.linear.gather [spmem:s18], $0x1000, $0x38;
	[tilespmem:$0x1D800] =	vst v63  }
0x1a4: {  	_ =	swait.ge [sflag:s19], $0x1000  }
0x1a5: {  	[sflag:s19] =	ssyncset.done $0x0  }
0x1a6: {  	s12 =	rddreg [dreg:$0x6];
	[sflag:s19] =	ssyncadd.s32 $0xFFFFF000  }
0x1a7: {  	[hbm4b:s12+s1] =	stream.linear.scatter [tilespmem:s13], [sflag:$0x3], $0x1000, $0x38;
	[tilespmem:$0x1D800] =	vst v63  }
0x1a8: {  	_ =	swait.ge [sflag:s19], $0x1000  }
0x1a9: {  	[sflag:s19] =	ssyncset.done $0x0  }
0x1aa: {  	s14 =	rddreg [dreg:$0x1c];
	[sflag:s19] =	ssyncadd.s32 $0xFFFFF000  }
0x1ab: {  	[tilespmem:s13], [sflag:$0x3] =	stream.linear.gather [spmem:s14], $0x1000, $0x38;
	[tilespmem:$0x1D800] =	vst v63  }
0x1ac: {  	_ =	swait.ge [sflag:s19], $0x1000  }
0x1ad: {  	[sflag:s19] =	ssyncset.done $0x0  }
0x1ae: {  	s18 =	rddreg [dreg:$0x7];
	[sflag:s19] =	ssyncadd.s32 $0xFFFFF000  }
0x1af: {  	[hbm4b:s18+s1] =	stream.linear.scatter [tilespmem:s13], [sflag:$0x3], $0x1000, $0x38;
	[tilespmem:$0x1D800] =	vst v63  }
0x1b0: {  	_ =	swait.ge [sflag:s19], $0x1000  }
0x1b1: {  	[sflag:s19] =	ssyncset.done $0x0  }
0x1b2: {  	s12 =	rddreg [dreg:$0x1d];
	[sflag:s19] =	ssyncadd.s32 $0xFFFFF000  }
0x1b3: {  	[tilespmem:s13], [sflag:$0x3] =	stream.linear.gather [spmem:s12], $0x1000, $0x38;
	[tilespmem:$0x1D800] =	vst v63  }
0x1b4: {  	_ =	swait.ge [sflag:s19], $0x1000  }
0x1b5: {  	[sflag:s19] =	ssyncset.done $0x0  }
0x1b6: {  	s14 =	rddreg [dreg:$0x8];
	[sflag:s19] =	ssyncadd.s32 $0xFFFFF000  }
0x1b7: {  	[hbm4b:s14+s1] =	stream.linear.scatter [tilespmem:s13], [sflag:$0x3], $0x1000, $0x38;
	[tilespmem:$0x1D800] =	vst v63  }
0x1b8: {  	_ =	swait.ge [sflag:s19], $0x1000  }
0x1b9: {  	[sflag:s19] =	ssyncset.done $0x0  }
0x1ba: {  	s18 =	rddreg [dreg:$0x1e];
	[sflag:s19] =	ssyncadd.s32 $0xFFFFF000  }
0x1bb: {  	[tilespmem:s13], [sflag:$0x3] =	stream.linear.gather [spmem:s18], $0x1000, $0x38;
	[tilespmem:$0x1D800] =	vst v63  }
0x1bc: {  	_ =	swait.ge [sflag:s19], $0x1000  }
0x1bd: {  	[sflag:s19] =	ssyncset.done $0x0  }
0x1be: {  	s12 =	rddreg [dreg:$0x9];
	[sflag:s19] =	ssyncadd.s32 $0xFFFFF000  }
0x1bf: {  	[hbm4b:s12+s1] =	stream.linear.scatter [tilespmem:s13], [sflag:$0x3], $0x1000, $0x38;
	[tilespmem:$0x1D800] =	vst v63  }
0x1c0: {  	_ =	swait.ge [sflag:s19], $0x1000  }
0x1c1: {  	[sflag:s19] =	ssyncset.done $0x0  }
0x1c2: {  	s14 =	rddreg [dreg:$0x1f];
	[sflag:s19] =	ssyncadd.s32 $0xFFFFF000  }
0x1c3: {  	[tilespmem:s13], [sflag:$0x3] =	stream.linear.gather [spmem:s14], $0x1000, $0x38;
	[tilespmem:$0x1D800] =	vst v63  }
0x1c4: {  	_ =	swait.ge [sflag:s19], $0x1000  }
0x1c5: {  	[sflag:s19] =	ssyncset.done $0x0  }
0x1c6: {  	s18 =	rddreg [dreg:$0xa];
	[sflag:s19] =	ssyncadd.s32 $0xFFFFF000  }
0x1c7: {  	[hbm4b:s18+s1] =	stream.linear.scatter [tilespmem:s13], [sflag:$0x3], $0x1000, $0x38;
	[tilespmem:$0x1D800] =	vst v63  }
0x1c8: {  	_ =	swait.ge [sflag:s19], $0x1000  }
0x1c9: {  	s12 =	sld [smem:$0x7EF]  }
0x1ca: {  	[sflag:s19] =	ssyncset.done $0x0  }
0x1cb: {  	[sflag:s19] =	ssyncadd.s32 $0xFFFFF000  }
0x1cc: {  	[tilespmem:s13], [sflag:$0x3] =	stream.linear.gather [spmem:s12], $0x1000, $0x38;
	[tilespmem:$0x1D800] =	vst v63  }
0x1cd: {  	_ =	swait.ge [sflag:s19], $0x1000  }
0x1ce: {  	[sflag:s19] =	ssyncset.done $0x0  }
0x1cf: {  	s14 =	rddreg [dreg:$0xb];
	[sflag:s19] =	ssyncadd.s32 $0xFFFFF000  }
0x1d0: {  	[hbm4b:s14+s1] =	stream.linear.scatter [tilespmem:s13], [sflag:$0x3], $0x1000, $0x38;
	[tilespmem:$0x1D800] =	vst v63  }
0x1d1: {  	_ =	swait.ge [sflag:s19], $0x1000  }
0x1d2: {  	s18 =	sld [smem:$0x7F0]  }
0x1d3: {  	[sflag:s19] =	ssyncset.done $0x0  }
0x1d4: {  	[sflag:s19] =	ssyncadd.s32 $0xFFFFF000  }
0x1d5: {  	[tilespmem:s13], [sflag:$0x3] =	stream.linear.gather [spmem:s18], $0x1000, $0x38;
	[tilespmem:$0x1D800] =	vst v63  }
0x1d6: {  	_ =	swait.ge [sflag:s19], $0x1000  }
0x1d7: {  	[sflag:s19] =	ssyncset.done $0x0  }
0x1d8: {  	s12 =	rddreg [dreg:$0xc];
	[sflag:s19] =	ssyncadd.s32 $0xFFFFF000  }
0x1d9: {  	[hbm4b:s12+s1] =	stream.linear.scatter [tilespmem:s13], [sflag:$0x3], $0x1000, $0x38;
	[tilespmem:$0x1D800] =	vst v63  }
0x1da: {  	_ =	swait.ge [sflag:s19], $0x1000  }
0x1db: {  	s14 =	sld [smem:$0x7F1]  }
0x1dc: {  	[sflag:s19] =	ssyncset.done $0x0  }
0x1dd: {  	[sflag:s19] =	ssyncadd.s32 $0xFFFFF000  }
0x1de: {  	[tilespmem:s13], [sflag:$0x3] =	stream.linear.gather [spmem:s14], $0x1000, $0x38;
	[tilespmem:$0x1D800] =	vst v63  }
0x1df: {  	_ =	swait.ge [sflag:s19], $0x1000  }
0x1e0: {  	[sflag:s19] =	ssyncset.done $0x0  }
0x1e1: {  	s18 =	rddreg [dreg:$0xd];
	[sflag:s19] =	ssyncadd.s32 $0xFFFFF000  }
0x1e2: {  	[hbm4b:s18+s1] =	stream.linear.scatter [tilespmem:s13], [sflag:$0x3], $0x1000, $0x38;
	[tilespmem:$0x1D800] =	vst v63  }
0x1e3: {  	_ =	swait.ge [sflag:s19], $0x1000  }
0x1e4: {  	s12 =	sld [smem:$0x7F2]  }
0x1e5: {  	[sflag:s19] =	ssyncset.done $0x0  }
0x1e6: {  	[sflag:s19] =	ssyncadd.s32 $0xFFFFF000  }
0x1e7: {  	[tilespmem:s13], [sflag:$0x3] =	stream.linear.gather [spmem:s12], $0x1000, $0x38;
	[tilespmem:$0x1D800] =	vst v63  }
0x1e8: {  	_ =	swait.ge [sflag:s19], $0x1000  }
0x1e9: {  	[sflag:s19] =	ssyncset.done $0x0  }
0x1ea: {  	s14 =	rddreg [dreg:$0xe];
	[sflag:s19] =	ssyncadd.s32 $0xFFFFF000  }
0x1eb: {  	[hbm4b:s14+s1] =	stream.linear.scatter [tilespmem:s13], [sflag:$0x3], $0x1000, $0x38;
	[tilespmem:$0x1D800] =	vst v63  }
0x1ec: {  	_ =	swait.ge [sflag:s19], $0x1000  }
0x1ed: {  	s18 =	sld [smem:$0x7F3]  }
0x1ee: {  	[sflag:s19] =	ssyncset.done $0x0  }
0x1ef: {  	[sflag:s19] =	ssyncadd.s32 $0xFFFFF000  }
0x1f0: {  	[tilespmem:s13], [sflag:$0x3] =	stream.linear.gather [spmem:s18], $0x1000, $0x38;
	[tilespmem:$0x1D800] =	vst v63  }
0x1f1: {  	_ =	swait.ge [sflag:s19], $0x1000  }
0x1f2: {  	[sflag:s19] =	ssyncset.done $0x0  }
0x1f3: {  	s12 =	rddreg [dreg:$0xf];
	[sflag:s19] =	ssyncadd.s32 $0xFFFFF000  }
0x1f4: {  	[hbm4b:s12+s1] =	stream.linear.scatter [tilespmem:s13], [sflag:$0x3], $0x1000, $0x38;
	[tilespmem:$0x1D800] =	vst v63  }
0x1f5: {  	_ =	swait.ge [sflag:s19], $0x1000  }
0x1f6: {  	s14 =	sld [smem:$0x7F4]  }
0x1f7: {  	[sflag:s19] =	ssyncset.done $0x0  }
0x1f8: {  	[sflag:s19] =	ssyncadd.s32 $0xFFFFF000  }
0x1f9: {  	[tilespmem:s13], [sflag:$0x3] =	stream.linear.gather [spmem:s14], $0x1000, $0x38;
	[tilespmem:$0x1D800] =	vst v63  }
0x1fa: {  	_ =	swait.ge [sflag:s19], $0x1000  }
0x1fb: {  	[sflag:s19] =	ssyncset.done $0x0  }
0x1fc: {  	s18 =	rddreg [dreg:$0x10];
	[sflag:s19] =	ssyncadd.s32 $0xFFFFF000  }
0x1fd: {  	[hbm4b:s18+s1] =	stream.linear.scatter [tilespmem:s13], [sflag:$0x3], $0x1000, $0x38;
	[tilespmem:$0x1D800] =	vst v63  }
0x1fe: {  	_ =	swait.ge [sflag:s19], $0x1000  }
0x1ff: {  	s12 =	sld [smem:$0x7F5]  }
0x200: {  	[sflag:s19] =	ssyncset.done $0x0  }
0x201: {  	[sflag:s19] =	ssyncadd.s32 $0xFFFFF000  }
0x202: {  	[tilespmem:s13], [sflag:$0x3] =	stream.linear.gather [spmem:s12], $0x1000, $0x38;
	[tilespmem:$0x1D800] =	vst v63  }
0x203: {  	_ =	swait.ge [sflag:s19], $0x1000  }
0x204: {  	[sflag:s19] =	ssyncset.done $0x0  }
0x205: {  	s14 =	rddreg [dreg:$0x11];
	[sflag:s19] =	ssyncadd.s32 $0xFFFFF000  }
0x206: {  	[hbm4b:s14+s1] =	stream.linear.scatter [tilespmem:s13], [sflag:$0x3], $0x1000, $0x38;
	[tilespmem:$0x1D800] =	vst v63  }
0x207: {  	_ =	swait.ge [sflag:s19], $0x1000  }
0x208: {  	s18 =	sld [smem:$0x7F6]  }
0x209: {  	[sflag:s19] =	ssyncset.done $0x0  }
0x20a: {  	[sflag:s19] =	ssyncadd.s32 $0xFFFFF000  }
0x20b: {  	[tilespmem:s13], [sflag:$0x3] =	stream.linear.gather [spmem:s18], $0x1000, $0x38;
	[tilespmem:$0x1D800] =	vst v63  }
0x20c: {  	_ =	swait.ge [sflag:s19], $0x1000  }
0x20d: {  	[sflag:s19] =	ssyncset.done $0x0  }
0x20e: {  	s12 =	rddreg [dreg:$0x12];
	[sflag:s19] =	ssyncadd.s32 $0xFFFFF000  }
0x20f: {  	[hbm4b:s12+s1] =	stream.linear.scatter [tilespmem:s13], [sflag:$0x3], $0x1000, $0x38;
	[tilespmem:$0x1D800] =	vst v63  }
0x210: {  	_ =	swait.ge [sflag:s19], $0x1000  }
0x211: {  	s14 =	sld [smem:$0x7F7]  }
0x212: {  	[sflag:s19] =	ssyncset.done $0x0  }
0x213: {  	[sflag:s19] =	ssyncadd.s32 $0xFFFFF000  }
0x214: {  	[tilespmem:s13], [sflag:$0x3] =	stream.linear.gather [spmem:s14], $0x1000, $0x38;
	[tilespmem:$0x1D800] =	vst v63  }
0x215: {  	_ =	swait.ge [sflag:s19], $0x1000  }
0x216: {  	[sflag:s19] =	ssyncset.done $0x0  }
0x217: {  	s18 =	rddreg [dreg:$0x13];
	[sflag:s19] =	ssyncadd.s32 $0xFFFFF000  }
0x218: {  	[hbm4b:s18+s1] =	stream.linear.scatter [tilespmem:s13], [sflag:$0x3], $0x1000, $0x38;
	[tilespmem:$0x1D800] =	vst v63  }
0x219: {  	_ =	swait.ge [sflag:s19], $0x1000  }
0x21a: {  	s12 =	sld [smem:$0x7F8]  }
0x21b: {  	[sflag:s19] =	ssyncset.done $0x0  }
0x21c: {  	[sflag:s19] =	ssyncadd.s32 $0xFFFFF000  }
0x21d: {  	[tilespmem:s13], [sflag:$0x3] =	stream.linear.gather [spmem:s12], $0x1000, $0x38;
	[tilespmem:$0x1D800] =	vst v63  }
0x21e: {  	_ =	swait.ge [sflag:s19], $0x1000  }
0x21f: {  	[sflag:s19] =	ssyncset.done $0x0  }
0x220: {  	s14 =	rddreg [dreg:$0x14];
	[sflag:s19] =	ssyncadd.s32 $0xFFFFF000  }
0x221: {  	[hbm4b:s14+s1] =	stream.linear.scatter [tilespmem:s13], [sflag:$0x3], $0x1000, $0x38;
	[tilespmem:$0x1D800] =	vst v63  }
0x222: {  	_ =	swait.ge [sflag:s19], $0x1000  }
0x223: {  	s18 =	sld [smem:$0x7F9]  }
0x224: {  	[sflag:s19] =	ssyncset.done $0x0  }
0x225: {  	[sflag:s19] =	ssyncadd.s32 $0xFFFFF000  }
0x226: {  	[tilespmem:s13], [sflag:$0x3] =	stream.linear.gather [spmem:s18], $0x1000, $0x38;
	[tilespmem:$0x1D800] =	vst v63  }
0x227: {  	_ =	swait.ge [sflag:s19], $0x1000  }
0x228: {  	[sflag:s19] =	ssyncset.done $0x0  }
0x229: {  	s12 =	rddreg [dreg:$0x15];
	[sflag:s19] =	ssyncadd.s32 $0xFFFFF000  }
0x22a: {  	[hbm4b:s12+s1] =	stream.linear.scatter [tilespmem:s13], [sflag:$0x3], $0x1000, $0x38;
	[tilespmem:$0x1D800] =	vst v63  }
0x22b: {  	_ =	swait.ge [sflag:s19], $0x1000  }
0x22c: {  	s12 =	sld [smem:$0x7FC]  }
0x22d: {  	[sflag:s19] =	ssyncset.done $0x0  }
0x22e: {  	[sflag:s19] =	ssyncadd.s32 $0xFFFFF000  }
0x22f: {  	[tilespmem:s13], [sflag:$0x3] =	stream.linear.gather [spmem:s12], $0x1000, $0x38;
	[tilespmem:$0x1D800] =	vst v63  }
0x230: {  	_ =	swait.ge [sflag:s19], $0x1000  }
0x231: {  	[sflag:s19] =	ssyncset.done $0x0  }
0x232: {  	s14 =	rddreg [dreg:$0x16];
	[sflag:s19] =	ssyncadd.s32 $0xFFFFF000  }
0x233: {  	[hbm4b:s14+s1] =	stream.linear.scatter [tilespmem:s13], [sflag:$0x3], $0x1000, $0x38;
	[tilespmem:$0x1D800] =	vst v63  }
0x234: {  	_ =	swait.ge [sflag:s19], $0x1000  }
0x235: {  	s14 =	sld [smem:$0x7FD]  }
0x236: {  	[sflag:s19] =	ssyncset.done $0x0  }
0x237: {  	[sflag:s19] =	ssyncadd.s32 $0xFFFFF000  }
0x238: {  	[tilespmem:s13], [sflag:$0x3] =	stream.linear.gather [spmem:s14], $0x1000, $0x38;
	[tilespmem:$0x1D800] =	vst v63  }
0x239: {  	_ =	swait.ge [sflag:s19], $0x1000  }
0x23a: {  	[sflag:s19] =	ssyncset.done $0x0  }
0x23b: {  	s18 =	rddreg [dreg:$0x17];
	[sflag:s19] =	ssyncadd.s32 $0xFFFFF000  }
0x23c: {  	[hbm4b:s18+s1] =	stream.linear.scatter [tilespmem:s13], [sflag:$0x3], $0x1000, $0x38;
	[tilespmem:$0x1D800] =	vst v63  }
0x23d: {  	_ =	swait.ge [sflag:s19], $0x1000  }
0x23e: {  	s18 =	sld [smem:$0x7FB]  }
0x23f: {  	s11 =	sld [smem:$0x7FA];
	_ =	sdelay $0x1  }
0x240: {  	s18 =	sadd.s32 $0x1, s18  }
0x241: {  	p0 =	sne.s32 s18, s11  }
.Ltmp1:
0x242: {  	_ = 	snop;
	(pc) =	sbr.rel @p0 .LBB2_1-.Ltmp1, $3  }
0x243: {  	_ =	sdelay $0x1  }
0x244: {  	[sflag:s19] =	ssyncset.done $0x0;
	[smem:$0x7FB] =	sst s18  }
0x245: {  	[sflag:s19] =	ssyncadd.s32 $0xFFFFF000;
	s18 =	rddreg [dreg:$0x19]  }
0x246: {  	_ =	sfence.sel $0x180000  }
0x247: {  	[bflag:$0x0] =	sbarrier.arrive $0xFFFF  }
0x248: {  	_ =	strace $0x9000004A  }
0x249: {  	s0 =	stileid.u32;
	[bflag:$0x2] =	sbarrier.arrive $0xFFFF  }
0x24a: {  	p0 =	sne.s32 s0, $0x0;
	s0 =	rddreg [dreg:$0x3]  }
0x24b: {  	s0 =	sadd.s32 @!p0 $0x100000, s0  }
0x24c: {  	[sflag:s0] =	ssyncadd.tile.s32 @!p0 $0x1;
	_ =	shalt  }
.Lfunc_end2:
_tile_overlayer_lowered:
.L_overlay_start_2:
0x24d: {  	(tag) =	ssettag $0x2  }
0x24e: {  	s0 =	rddreg [dreg:$0x0];
	s2 =	stileid.u32  }
0x24f: {  	s1 =	rddreg [dreg:$0x1];
	p0 =	sne.s32 s2, $0x0  }
0x250: {  	s3 =	rddreg [dreg:$0x2];
	[bflag:$0x3] =	sbarrier.arrive $0xFFFF;
	s2 =	simm.s32 @!p0 $0x1C03  }
0x251: {  	[timem:s3], [sflag:s2] =	dma.local @!p0 [hbm:s0], s1  }
0x252: {  	s0 =	simm.s32 @!p0 $0x3  }
0x253: {  	_ =	swait.ge @!p0 [sflag:s0], s1  }
0x254: {  	s1 =	ssub.s32 @!p0 $0x0, s1;
	[sflag:s0] =	ssyncset.done @!p0 $0x0  }
0x255: {  	[sflag:s0] =	ssyncadd.s32 @!p0 s1  }
0x256: {  	[bflag:$0x3] =	sbarrier.arrive $0xFFFF  }
0x257: {  	_ =	shalt  }

</sc_bundles>
